<compile_context>
chip_gen: v7x
topology: tpu7x:2x2x1
jax: 0.10.2.dev20260603
libtpu: 0.0.44.dev20260713+nightly
codegen_flags: <defaults>
</compile_context>

<pallas_src>
import functools
import jax
import jax.numpy as jnp
from jax import lax
from jax.experimental import pallas as pl
from jax.experimental.pallas import tpu as pltpu
from jax.experimental.pallas import tpu_sc as plsc

N = 10000
E = 320000
HID = 128
HEADS = 8
HD = 16
EIN = 16
HALF = 64

ROWS = 400
GRID = N // ROWS
EROWS = 1600
EGRID = E // EROWS

NS = 16
EPT = E // NS
B = 80
NCHUNK = EPT // B
EG = 16

UR = 5000
UPT = 320
UPT_LAST = UR - UPT * (NS - 1)
RSR = 320
RPT = 32

f32 = jnp.float32

_GDN = lax.GatherDimensionNumbers(offset_dims=(), collapsed_slice_dims=(0,),
                                  start_index_map=(0,))


def _perm(x, idx):
    return lax.gather(x, idx[:, None], _GDN, (1,),
                      mode=lax.GatherScatterMode.PROMISE_IN_BOUNDS)


def _hsum(x, lane):
    for sh in (1, 2, 4, 8):
        x = x + _perm(x, lane ^ sh)
    return x


def _prework_body(x_ref, win_ref, wq_ref, wk_ref, wv_ref,
                  h_ref, q_ref, kv0_ref, kv1_ref):
    h = jnp.dot(x_ref[...], win_ref[...], preferred_element_type=f32)
    h_ref[...] = h
    q_ref[...] = jnp.dot(h, wq_ref[...], preferred_element_type=f32)
    k = jnp.dot(h, wk_ref[...], preferred_element_type=f32)
    v = jnp.dot(h, wv_ref[...], preferred_element_type=f32)
    kv0_ref[...] = jnp.concatenate([k[:, :HALF], v[:, :HALF]], axis=1)
    kv1_ref[...] = jnp.concatenate([k[:, HALF:], v[:, HALF:]], axis=1)


def _prework(x, W_in, WQ, WK, WV):
    w_spec = pl.BlockSpec((HID, HID), lambda i: (0, 0))
    r128 = pl.BlockSpec((ROWS, HID), lambda i: (i, 0))
    return pl.pallas_call(
        _prework_body,
        grid=(GRID,),
        in_specs=[r128, w_spec, w_spec, w_spec, w_spec],
        out_specs=[r128, r128, r128, r128],
        out_shape=[
            jax.ShapeDtypeStruct((N, HID), f32),
            jax.ShapeDtypeStruct((N, HID), f32),
            jax.ShapeDtypeStruct((N, HID), f32),
            jax.ShapeDtypeStruct((N, HID), f32),
        ],
    )(x, W_in, WQ, WK, WV)


def _emb_body(ea_ref, we_ref, e0_ref, e1_ref):
    emb = jnp.dot(ea_ref[...], we_ref[...], preferred_element_type=f32)
    e0_ref[...] = emb[:, :HALF]
    e1_ref[...] = emb[:, HALF:]


def _prework_edges(edge_attr, WE):
    return pl.pallas_call(
        _emb_body,
        grid=(EGRID,),
        in_specs=[pl.BlockSpec((EROWS, EIN), lambda i: (i, 0)),
                  pl.BlockSpec((EIN, HID), lambda i: (0, 0))],
        out_specs=[pl.BlockSpec((EROWS, HALF), lambda i: (i, 0)),
                   pl.BlockSpec((EROWS, HALF), lambda i: (i, 0))],
        out_shape=[jax.ShapeDtypeStruct((E, HALF), f32),
                   jax.ShapeDtypeStruct((E, HALF), f32)],
    )(edge_attr, WE)


def _edge_body(zeros_ref, src_ref, dst_ref, q_ref, emb0, emb1, kv0, kv1,
               u0, u1, rs0, rs1,
               idx_src0, idx_dst0, q_buf0, kv_buf0, emb_buf0,
               idx_src1, idx_dst1, q_buf1, kv_buf1, emb_buf1,
               idx2, idx8, mt_buf, rs2_buf,
               sA0, sB0, sE0, sA1, sB1, sE1, sC,
               u_s, rs_s):
    cid = lax.axis_index("c")
    sid = lax.axis_index("s")
    lane = lax.iota(jnp.int32, 16)
    zero16 = jnp.zeros((16,), f32)

    ubase = sid * UPT
    rbase = sid * RPT

    @pl.when(sid < NS - 1)
    def _():
        pltpu.sync_copy(zeros_ref.at[pl.ds(0, UPT)], u_s.at[pl.ds(ubase, UPT)])

    @pl.when(sid == NS - 1)
    def _():
        pltpu.sync_copy(zeros_ref.at[pl.ds(0, UPT_LAST)],
                        u_s.at[pl.ds(ubase, UPT_LAST)])

    @pl.when(sid < 10)
    def _():
        pltpu.sync_copy(zeros_ref.at[pl.ds(0, RPT)], rs_s.at[pl.ds(rbase, RPT)])

    plsc.subcore_barrier()

    ebase = sid * EPT

    BUFS = ((idx_src0, idx_dst0, q_buf0, kv_buf0, emb_buf0, sA0, sB0, sE0),
            (idx_src1, idx_dst1, q_buf1, kv_buf1, emb_buf1, sA1, sB1, sE1))

    def _edge_pass(emb_t, kv_t, qoff):
        def start_in(s, ci):
            isrc, idst, _, _, embb, sa, _, se = BUFS[s]
            eb = ebase + ci * B
            pltpu.async_copy(src_ref.at[pl.ds(eb, B)], isrc, sa)
            pltpu.async_copy(dst_ref.at[pl.ds(eb, B)], idst, sa)
            pltpu.async_copy(emb_t.at[pl.ds(eb, B)], embb, se)

        def wait_in(s):
            isrc, idst, _, _, _, sa, _, _ = BUFS[s]
            pltpu.make_async_copy(src_ref.at[pl.ds(0, B)], isrc, sa).wait()
            pltpu.make_async_copy(dst_ref.at[pl.ds(0, B)], idst, sa).wait()

        def start_gather(s):
            isrc, idst, qb, kvb, _, _, sb_, _ = BUFS[s]
            pltpu.async_copy(q_ref.at[idst], qb, sb_)
            pltpu.async_copy(kv_t.at[isrc], kvb, sb_)

        def wait_gather(s):
            isrc, idst, qb, kvb, embb, _, sb_, se = BUFS[s]
            pltpu.make_async_copy(q_ref.at[idst], qb, sb_).wait()
            pltpu.make_async_copy(kv_t.at[isrc], kvb, sb_).wait()
            pltpu.make_async_copy(emb_t.at[pl.ds(0, B)], embb, se).wait()

        def compute(s):
            _, idst, qb, kvb, embb, _, _, _ = BUFS[s]

            def rowidx(i, cc):
                d16 = idst[pl.ds(i * 16, 16)]
                idx2[pl.ds(i * 16, 16)] = lax.shift_right_logical(d16, 1)
                idx8[pl.ds(i * 16, 16)] = lax.shift_right_logical(d16, 5)
                return cc

            lax.fori_loop(0, B // 16, rowidx, 0)

            def group(g, cc):
                dst16 = idst[pl.ds(g * EG, EG)]

                def edge(j, c2):
                    e = g * EG + j
                    dvec = _perm(dst16, jnp.full((16,), j, jnp.int32))
                    sf1 = jnp.bitwise_and(dvec, 1).astype(f32)
                    svec = zero16
                    for hh in range(4):
                        qh = qb[e, pl.ds(qoff + hh * 16, 16)]
                        kh = kvb[e, pl.ds(hh * 16, 16)]
                        vh = kvb[e, pl.ds(HALF + hh * 16, 16)]
                        eh = embb[e, pl.ds(hh * 16, 16)]
                        tot = _hsum(qh * (kh + eh), lane)
                        sb = jnp.maximum(tot * 0.25, 0.0)
                        svec = jnp.where(lane == hh, sb, svec)
                        msg = sb * (vh + eh)
                        mt_buf[e, pl.ds(hh * 16, 16)] = msg * (1.0 - sf1)
                        mt_buf[e, pl.ds(HALF + hh * 16, 16)] = msg * sf1
                    tvec = jnp.bitwise_and(dvec, 3)
                    rot = _perm(svec, jnp.bitwise_and(lane - 4 * tvec, 15))
                    segf = jnp.bitwise_and(lax.shift_right_logical(dvec, 2),
                                           7).astype(f32)
                    for ss in range(8):
                        d = segf - float(ss)
                        ind = jnp.maximum(1.0 - d * d, 0.0)
                        rs2_buf[e, pl.ds(ss * 16, 16)] = rot * ind
                    return c2

                lax.fori_loop(0, EG, edge, 0)
                return cc

            lax.fori_loop(0, B // EG, group, 0)

        def wait_scatter():
            pltpu.make_async_copy(mt_buf, u_s.at[idx2], sC).wait()
            pltpu.make_async_copy(rs2_buf, rs_s.at[idx8], sC).wait()

        def start_scatter():
            pltpu.async_copy(mt_buf, u_s.at[idx2], sC, add=True)
            pltpu.async_copy(rs2_buf, rs_s.at[idx8], sC, add=True)

        start_in(0, 0)
        wait_in(0)
        start_gather(0)
        start_in(1, 1)

        def pair(pi, c):
            for b_ in (0, 1):
                i = 2 * pi + b_
                s, o = b_, 1 - b_

                @pl.when(i + 1 < NCHUNK)
                def _():
                    wait_in(o)
                    start_gather(o)

                wait_gather(s)

                @pl.when(i > 0)
                def _():
                    wait_scatter()

                compute(s)
                start_scatter()

                @pl.when(i + 2 < NCHUNK)
                def _():
                    start_in(s, i + 2)
            return c

        lax.fori_loop(0, NCHUNK // 2, pair, 0)
        wait_scatter()

    def _copy_out(u_out, rs_out):
        plsc.subcore_barrier()

        @pl.when(sid < NS - 1)
        def _():
            pltpu.sync_copy(u_s.at[pl.ds(ubase, UPT)],
                            u_out.at[pl.ds(ubase, UPT)])

        @pl.when(sid == NS - 1)
        def _():
            pltpu.sync_copy(u_s.at[pl.ds(ubase, UPT_LAST)],
                            u_out.at[pl.ds(ubase, UPT_LAST)])

        @pl.when(sid < 10)
        def _():
            pltpu.sync_copy(rs_s.at[pl.ds(rbase, RPT)],
                            rs_out.at[pl.ds(rbase, RPT)])

    @pl.when(cid == 0)
    def _():
        _edge_pass(emb0, kv0, 0)
        _copy_out(u0, rs0)

    @pl.when(cid == 1)
    def _():
        _edge_pass(emb1, kv1, HALF)
        _copy_out(u1, rs1)


def _edge_phase(zeros, src, dst, q, emb0, emb1, kv0, kv1):
    fn = pl.kernel(
        _edge_body,
        out_type=[
            jax.ShapeDtypeStruct((UR, HID), f32),
            jax.ShapeDtypeStruct((UR, HID), f32),
            jax.ShapeDtypeStruct((RSR, HID), f32),
            jax.ShapeDtypeStruct((RSR, HID), f32),
        ],
        mesh=plsc.VectorSubcoreMesh(core_axis_name="c", subcore_axis_name="s"),
        scratch_types=(
            [
                pltpu.VMEM((B,), jnp.int32),
                pltpu.VMEM((B,), jnp.int32),
                pltpu.VMEM((B, HID), f32),
                pltpu.VMEM((B, HID), f32),
                pltpu.VMEM((B, HALF), f32),
            ] * 2
            + [
                pltpu.VMEM((B,), jnp.int32),
                pltpu.VMEM((B,), jnp.int32),
                pltpu.VMEM((B, HID), f32),
                pltpu.VMEM((B, HID), f32),
            ]
            + [pltpu.SemaphoreType.DMA] * 7
            + [
                pltpu.VMEM_SHARED((UR, HID), f32),
                pltpu.VMEM_SHARED((RSR, HID), f32),
            ]
        ),
    )
    return fn(zeros, src, dst, q, emb0, emb1, kv0, kv1)


def _epi1_body(u0, u1, rs_ref, h_ref, wo_ref, exp_ref, bo_ref,
               out_ref, cs_ref, cq_ref):
    i = pl.program_id(0)
    u = jnp.concatenate([u0[...], u1[...]], axis=1)
    denom = jnp.dot(rs_ref[...], exp_ref[...], preferred_element_type=f32) + 1e-6
    aggf = u / denom
    out = jnp.dot(aggf, wo_ref[...], preferred_element_type=f32)
    out = out + bo_ref[...] + h_ref[...]
    out_ref[...] = out

    @pl.when(i == 0)
    def _():
        cs_ref[...] = jnp.zeros_like(cs_ref)
        cq_ref[...] = jnp.zeros_like(cq_ref)

    cs_ref[...] += jnp.sum(out, axis=0, keepdims=True)
    cq_ref[...] += jnp.sum(out * out, axis=0, keepdims=True)


def _epilogue1(u0h, u1h, rsfull, h, W_out, EXP, b_out2):
    r128 = pl.BlockSpec((ROWS, HID), lambda i: (i, 0))
    r64 = pl.BlockSpec((ROWS, HALF), lambda i: (i, 0))
    r8 = pl.BlockSpec((ROWS, 8), lambda i: (i, 0))
    w_spec = pl.BlockSpec((HID, HID), lambda i: (0, 0))
    e_spec = pl.BlockSpec((8, HID), lambda i: (0, 0))
    one_spec = pl.BlockSpec((1, HID), lambda i: (0, 0))
    return pl.pallas_call(
        _epi1_body,
        grid=(GRID,),
        in_specs=[r64, r64, r8, r128, w_spec, e_spec, one_spec],
        out_specs=[r128, one_spec, one_spec],
        out_shape=[
            jax.ShapeDtypeStruct((N, HID), f32),
            jax.ShapeDtypeStruct((1, HID), f32),
            jax.ShapeDtypeStruct((1, HID), f32),
        ],
    )(u0h, u1h, rsfull, h, W_out, EXP, b_out2)


def _epi2_body(out_ref, cs_ref, cq_ref, gw_ref, gb_ref, ga_ref, wc_ref, bc_ref,
               lg_ref):
    inv_n = 1.0 / N
    mean = cs_ref[...] * inv_n
    eo2 = cq_ref[...] * inv_n
    a = ga_ref[...]
    var = eo2 - (2.0 * a - a * a) * mean * mean
    inv = lax.rsqrt(var + 1e-5)
    o = out_ref[...]
    sh = o - a * mean
    nrm = gw_ref[...] * sh * inv + gb_ref[...]
    nrm = jnp.maximum(nrm, 0.0)
    lg_ref[...] = jnp.dot(nrm, wc_ref[...], preferred_element_type=f32) + bc_ref[...]


def _epilogue2(out, cs, cq, gw2, gb2, ga2, W_cls_p, b_cls_p):
    r128 = pl.BlockSpec((ROWS, HID), lambda i: (i, 0))
    w_spec = pl.BlockSpec((HID, HID), lambda i: (0, 0))
    one_spec = pl.BlockSpec((1, HID), lambda i: (0, 0))
    return pl.pallas_call(
        _epi2_body,
        grid=(GRID,),
        in_specs=[r128, one_spec, one_spec, one_spec, one_spec, one_spec,
                  w_spec, one_spec],
        out_specs=r128,
        out_shape=jax.ShapeDtypeStruct((N, HID), f32),
    )(out, cs, cq, gw2, gb2, ga2, W_cls_p, b_cls_p)


@jax.jit
def kernel(x, edge_index, edge_attr, W_in, WQ, WK, WV, WE, W_out, b_out,
           gn_weight, gn_bias, gn_alpha, W_cls, b_cls):
    EXP = jnp.kron(jnp.eye(HEADS, dtype=f32), jnp.ones((1, HD), f32))

    h, q, kv0, kv1 = _prework(x, W_in, WQ, WK, WV)
    emb0, emb1 = _prework_edges(edge_attr, WE)
    zeros = jnp.zeros((UPT, HID), f32)
    u0, u1, rs0, rs1 = _edge_phase(zeros, edge_index[0], edge_index[1], q,
                                   emb0, emb1, kv0, kv1)
    u0h = u0.reshape(-1, HALF)[:N]
    u1h = u1.reshape(-1, HALF)[:N]
    rs0u = rs0.reshape(-1, 4)[:N]
    rs1u = rs1.reshape(-1, 4)[:N]
    rsfull = jnp.concatenate([rs0u, rs1u], axis=1)
    out, cs, cq = _epilogue1(u0h, u1h, rsfull, h, W_out, EXP,
                             b_out.reshape(1, HID))
    W_cls_p = jnp.zeros((HID, HID), f32).at[:, :2].set(W_cls)
    b_cls_p = jnp.zeros((1, HID), f32).at[0, :2].set(b_cls)
    logits_p = _epilogue2(out, cs, cq, gn_weight.reshape(1, HID),
                          gn_bias.reshape(1, HID), gn_alpha.reshape(1, HID),
                          W_cls_p, b_cls_p)
    return logits_p[:, :2]

# --- scband reference (transcript-rebuilt; emitter-appended) ---
"""Pipeline reference for scband-crypt-eagle-17875653886366 (READ-ONLY COPY).

The authoritative reference and input builder live on the scoring server;
editing this copy changes nothing except your own understanding.
"""

import jax, jax.numpy as jnp
import numpy as np

N = 10000
E = 320000
NODE_IN = 128
EDGE_IN = 16
HID = 128
HEADS = 8
HD = HID // HEADS
NUM_CLASSES = 2


def setup_inputs(seed: int = 0) -> dict:
    key = jax.random.key(seed)
    ks = jax.random.split(key, 16)
    x = jax.random.normal(ks[0], (N, NODE_IN), dtype=jnp.float32)
    edge_index = jax.random.randint(ks[1], (2, E), 0, N, dtype=jnp.int32)
    edge_attr = jax.random.normal(ks[2], (E, EDGE_IN), dtype=jnp.float32)
    s_in = 1.0 / np.sqrt(NODE_IN)
    s_h = 1.0 / np.sqrt(HID)
    s_e = 1.0 / np.sqrt(EDGE_IN)
    W_in = jax.random.normal(ks[3], (NODE_IN, HID), jnp.float32) * s_in
    WQ = jax.random.normal(ks[4], (HID, HID), jnp.float32) * s_h
    WK = jax.random.normal(ks[5], (HID, HID), jnp.float32) * s_h
    WV = jax.random.normal(ks[6], (HID, HID), jnp.float32) * s_h
    WE = jax.random.normal(ks[7], (EDGE_IN, HID), jnp.float32) * s_e
    W_out = jax.random.normal(ks[8], (HID, HID), jnp.float32) * s_h
    b_out = jnp.zeros((HID,), jnp.float32)
    gn_weight = jnp.ones((HID,), jnp.float32)
    gn_bias = jnp.zeros((HID,), jnp.float32)
    gn_alpha = jnp.ones((HID,), jnp.float32)
    W_cls = jax.random.normal(ks[9], (HID, NUM_CLASSES), jnp.float32) * s_h
    b_cls = jnp.zeros((NUM_CLASSES,), jnp.float32)
    return {
        'x': x, 'edge_index': edge_index, 'edge_attr': edge_attr,
        'W_in': W_in, 'WQ': WQ, 'WK': WK, 'WV': WV, 'WE': WE,
        'W_out': W_out, 'b_out': b_out,
        'gn_weight': gn_weight, 'gn_bias': gn_bias, 'gn_alpha': gn_alpha,
        'W_cls': W_cls, 'b_cls': b_cls,
    }


def reference(x, edge_index, edge_attr, W_in, WQ, WK, WV, WE, W_out, b_out,
              gn_weight, gn_bias, gn_alpha, W_cls, b_cls):
    # input projection to hidden dim
    h = x @ W_in
    residual = h
    # CryptoNormEdgeAttention (eval mode: dropout/drop_path disabled, no prototype)
    q = (h @ WQ).reshape(N, HEADS, HD)
    k = (h @ WK).reshape(N, HEADS, HD)
    v = (h @ WV).reshape(N, HEADS, HD)
    e = (edge_attr @ WE).reshape(E, HEADS, HD)
    src = edge_index[0]
    dst = edge_index[1]
    # message: score_e = relu(<q_i, k_j + e>) / sqrt(dh), row-normalized over dst
    score = jnp.sum(q[dst] * (k[src] + e), axis=-1) / (HD ** 0.5)  # [E, H]
    score = jax.nn.relu(score)
    row_sum = jax.ops.segment_sum(score, dst, num_segments=N)  # [N, H]
    alpha = score / (row_sum[dst] + 1e-6)
    msg = alpha[..., None] * (v[src] + e)  # [E, H, HD]
    agg = jax.ops.segment_sum(msg, dst, num_segments=N).reshape(N, HID)
    out = agg @ W_out + b_out
    out = out + residual
    # GraphNorm (single graph: stats over all nodes per feature)
    mean = out.mean(axis=0, keepdims=True)
    shifted = out - gn_alpha * mean
    var = (shifted ** 2).mean(axis=0, keepdims=True)
    out = gn_weight * shifted / jnp.sqrt(var + 1e-5) + gn_bias
    out = jax.nn.relu(out)
    logits = out @ W_cls + b_cls
    return logits

if __name__ == "__main__":
    import jax
    _d = setup_inputs()
    print(jax.jit(kernel)(*tuple(_d.values())))

</pallas_src>

<mosaic_0001>
#map = affine_map<(d0, d1) -> (0, 0)>
#map1 = affine_map<(d0, d1) -> (0)>
module attributes {stable_mosaic.version = 14 : i64} {
  func.func @_edge_body(%arg0: i32, %arg1: i32, %arg2: memref<320x128xf32, #tpu.memory_space<hbm>>, %arg3: memref<320000xi32, #tpu.memory_space<hbm>>, %arg4: memref<320000xi32, #tpu.memory_space<hbm>>, %arg5: memref<10000x128xf32, #tpu.memory_space<hbm>>, %arg6: memref<320000x64xf32, #tpu.memory_space<hbm>>, %arg7: memref<320000x64xf32, #tpu.memory_space<hbm>>, %arg8: memref<10000x128xf32, #tpu.memory_space<hbm>>, %arg9: memref<10000x128xf32, #tpu.memory_space<hbm>>, %arg10: memref<5000x128xf32, #tpu.memory_space<hbm>>, %arg11: memref<5000x128xf32, #tpu.memory_space<hbm>>, %arg12: memref<320x128xf32, #tpu.memory_space<hbm>>, %arg13: memref<320x128xf32, #tpu.memory_space<hbm>>, %arg14: memref<80xi32, #tpu.memory_space<vmem>>, %arg15: memref<80xi32, #tpu.memory_space<vmem>>, %arg16: memref<80x128xf32, #tpu.memory_space<vmem>>, %arg17: memref<80x128xf32, #tpu.memory_space<vmem>>, %arg18: memref<80x64xf32, #tpu.memory_space<vmem>>, %arg19: memref<80xi32, #tpu.memory_space<vmem>>, %arg20: memref<80xi32, #tpu.memory_space<vmem>>, %arg21: memref<80x128xf32, #tpu.memory_space<vmem>>, %arg22: memref<80x128xf32, #tpu.memory_space<vmem>>, %arg23: memref<80x64xf32, #tpu.memory_space<vmem>>, %arg24: memref<80xi32, #tpu.memory_space<vmem>>, %arg25: memref<80xi32, #tpu.memory_space<vmem>>, %arg26: memref<80x128xf32, #tpu.memory_space<vmem>>, %arg27: memref<80x128xf32, #tpu.memory_space<vmem>>, %arg28: memref<!tpu.dma_semaphore, #tpu.memory_space<semaphore_mem>>, %arg29: memref<!tpu.dma_semaphore, #tpu.memory_space<semaphore_mem>>, %arg30: memref<!tpu.dma_semaphore, #tpu.memory_space<semaphore_mem>>, %arg31: memref<!tpu.dma_semaphore, #tpu.memory_space<semaphore_mem>>, %arg32: memref<!tpu.dma_semaphore, #tpu.memory_space<semaphore_mem>>, %arg33: memref<!tpu.dma_semaphore, #tpu.memory_space<semaphore_mem>>, %arg34: memref<!tpu.dma_semaphore, #tpu.memory_space<semaphore_mem>>, %arg35: memref<5000x128xf32, #tpu.memory_space<vmem_shared>>, %arg36: memref<320x128xf32, #tpu.memory_space<vmem_shared>>) attributes {dimension_semantics = [#tpu.dimension_semantics<core_parallel>, #tpu.dimension_semantics<subcore_parallel>], iteration_bounds = array<i64: 2, 16>, scalar_prefetch = 0 : i64, scratch_operands = 23 : i64, tpu.core_type = #tpu.core_type<sc_vector_subcore>, window_params = [{transform_indices = #map}, {transform_indices = #map1}, {transform_indices = #map1}, {transform_indices = #map}, {transform_indices = #map}, {transform_indices = #map}, {transform_indices = #map}, {transform_indices = #map}, {transform_indices = #map}, {transform_indices = #map}, {transform_indices = #map}, {transform_indices = #map}]} {
    %iota3A = tpu.iota {dimensions = array<i32: 0>} : vector<16xi32>
    %broadcast_in_dim3A = arith.constant 0.000000e+00 : f32
    %broadcast_in_dim3A_0 = vector.broadcast %broadcast_in_dim3A : f32 to vector<16xf32>
    %mul3A = arith.constant 320 : i32
    %mul3A_1 = arith.muli %arg1, %mul3A : i32
    %mul3A_2 = arith.constant 32 : i32
    %mul3A_3 = arith.muli %arg1, %mul3A_2 : i32
    %lt3A = arith.constant 15 : i32
    %lt3A_4 = arith.cmpi slt, %arg1, %lt3A : i32
    %convert_element_type3A = arith.extui %lt3A_4 : i1 to i32
    %cond3A = arith.constant 0 : i32
    %cond3A_5 = arith.cmpi ne, %convert_element_type3A, %cond3A : i32
    scf.if %cond3A_5 {
      "tpu.region"() ({
        %run_scoped3A = tpu.sem_alloc : memref<!tpu.dma_semaphore, #tpu.memory_space<semaphore_mem>>
        %dma_start3A = arith.constant 0 : i32
        %dma_start3A_27 = tpu.memref_slice %arg35[%mul3A_1, %dma_start3A] : memref<5000x128xf32, #tpu.memory_space<vmem_shared>> -> memref<320x128xf32, #tpu.memory_space<vmem_shared>>
        %dma_start3A_28 = arith.constant 0 : i32
        %dma_start3A_29 = arith.constant 0 : i32
        %dma_start3A_30 = tpu.memref_slice %arg2[%dma_start3A_28, %dma_start3A_29] : memref<320x128xf32, #tpu.memory_space<hbm>> -> memref<320x128xf32, #tpu.memory_space<hbm>>
        tpu.enqueue_dma source(%dma_start3A_30 : memref<320x128xf32, #tpu.memory_space<hbm>>) target(%dma_start3A_27 : memref<320x128xf32, #tpu.memory_space<vmem_shared>>) target_semaphore(%run_scoped3A : memref<!tpu.dma_semaphore, #tpu.memory_space<semaphore_mem>>)
        %dma_wait3A = arith.constant 0 : i32
        %dma_wait3A_31 = tpu.memref_slice %arg35[%mul3A_1, %dma_wait3A] : memref<5000x128xf32, #tpu.memory_space<vmem_shared>> -> memref<320x128xf32, #tpu.memory_space<vmem_shared>>
        %dma_wait3A_32 = arith.constant 0 : i32
        %dma_wait3A_33 = arith.constant 0 : i32
        %dma_wait3A_34 = tpu.memref_slice %arg2[%dma_wait3A_32, %dma_wait3A_33] : memref<320x128xf32, #tpu.memory_space<hbm>> -> memref<320x128xf32, #tpu.memory_space<hbm>>
        tpu.wait_dma2 semaphore(%run_scoped3A : memref<!tpu.dma_semaphore, #tpu.memory_space<semaphore_mem>>) src(%dma_wait3A_34 : memref<320x128xf32, #tpu.memory_space<hbm>>) dst(%dma_wait3A_31 : memref<320x128xf32, #tpu.memory_space<vmem_shared>>)
        tpu.yield
      }) : () -> ()
    } else {
    }
    %eq3A = arith.constant 15 : i32
    %eq3A_6 = arith.cmpi eq, %arg1, %eq3A : i32
    %convert_element_type3A_7 = arith.extui %eq3A_6 : i1 to i32
    %cond3A_8 = arith.constant 0 : i32
    %cond3A_9 = arith.cmpi ne, %convert_element_type3A_7, %cond3A_8 : i32
    scf.if %cond3A_9 {
      "tpu.region"() ({
        %run_scoped3A = tpu.sem_alloc : memref<!tpu.dma_semaphore, #tpu.memory_space<semaphore_mem>>
        %dma_start3A = arith.constant 0 : i32
        %dma_start3A_27 = tpu.memref_slice %arg35[%mul3A_1, %dma_start3A] : memref<5000x128xf32, #tpu.memory_space<vmem_shared>> -> memref<200x128xf32, #tpu.memory_space<vmem_shared>>
        %dma_start3A_28 = arith.constant 0 : i32
        %dma_start3A_29 = arith.constant 0 : i32
        %dma_start3A_30 = tpu.memref_slice %arg2[%dma_start3A_28, %dma_start3A_29] : memref<320x128xf32, #tpu.memory_space<hbm>> -> memref<200x128xf32, #tpu.memory_space<hbm>>
        tpu.enqueue_dma source(%dma_start3A_30 : memref<200x128xf32, #tpu.memory_space<hbm>>) target(%dma_start3A_27 : memref<200x128xf32, #tpu.memory_space<vmem_shared>>) target_semaphore(%run_scoped3A : memref<!tpu.dma_semaphore, #tpu.memory_space<semaphore_mem>>)
        %dma_wait3A = arith.constant 0 : i32
        %dma_wait3A_31 = tpu.memref_slice %arg35[%mul3A_1, %dma_wait3A] : memref<5000x128xf32, #tpu.memory_space<vmem_shared>> -> memref<200x128xf32, #tpu.memory_space<vmem_shared>>
        %dma_wait3A_32 = arith.constant 0 : i32
        %dma_wait3A_33 = arith.constant 0 : i32
        %dma_wait3A_34 = tpu.memref_slice %arg2[%dma_wait3A_32, %dma_wait3A_33] : memref<320x128xf32, #tpu.memory_space<hbm>> -> memref<200x128xf32, #tpu.memory_space<hbm>>
        tpu.wait_dma2 semaphore(%run_scoped3A : memref<!tpu.dma_semaphore, #tpu.memory_space<semaphore_mem>>) src(%dma_wait3A_34 : memref<200x128xf32, #tpu.memory_space<hbm>>) dst(%dma_wait3A_31 : memref<200x128xf32, #tpu.memory_space<vmem_shared>>)
        tpu.yield
      }) : () -> ()
    } else {
    }
    %lt3A_10 = arith.constant 10 : i32
    %lt3A_11 = arith.cmpi slt, %arg1, %lt3A_10 : i32
    %convert_element_type3A_12 = arith.extui %lt3A_11 : i1 to i32
    %cond3A_13 = arith.constant 0 : i32
    %cond3A_14 = arith.cmpi ne, %convert_element_type3A_12, %cond3A_13 : i32
    scf.if %cond3A_14 {
      "tpu.region"() ({
        %run_scoped3A = tpu.sem_alloc : memref<!tpu.dma_semaphore, #tpu.memory_space<semaphore_mem>>
        %dma_start3A = arith.constant 0 : i32
        %dma_start3A_27 = tpu.memref_slice %arg36[%mul3A_3, %dma_start3A] : memref<320x128xf32, #tpu.memory_space<vmem_shared>> -> memref<32x128xf32, #tpu.memory_space<vmem_shared>>
        %dma_start3A_28 = arith.constant 0 : i32
        %dma_start3A_29 = arith.constant 0 : i32
        %dma_start3A_30 = tpu.memref_slice %arg2[%dma_start3A_28, %dma_start3A_29] : memref<320x128xf32, #tpu.memory_space<hbm>> -> memref<32x128xf32, #tpu.memory_space<hbm>>
        tpu.enqueue_dma source(%dma_start3A_30 : memref<32x128xf32, #tpu.memory_space<hbm>>) target(%dma_start3A_27 : memref<32x128xf32, #tpu.memory_space<vmem_shared>>) target_semaphore(%run_scoped3A : memref<!tpu.dma_semaphore, #tpu.memory_space<semaphore_mem>>)
        %dma_wait3A = arith.constant 0 : i32
        %dma_wait3A_31 = tpu.memref_slice %arg36[%mul3A_3, %dma_wait3A] : memref<320x128xf32, #tpu.memory_space<vmem_shared>> -> memref<32x128xf32, #tpu.memory_space<vmem_shared>>
        %dma_wait3A_32 = arith.constant 0 : i32
        %dma_wait3A_33 = arith.constant 0 : i32
        %dma_wait3A_34 = tpu.memref_slice %arg2[%dma_wait3A_32, %dma_wait3A_33] : memref<320x128xf32, #tpu.memory_space<hbm>> -> memref<32x128xf32, #tpu.memory_space<hbm>>
        tpu.wait_dma2 semaphore(%run_scoped3A : memref<!tpu.dma_semaphore, #tpu.memory_space<semaphore_mem>>) src(%dma_wait3A_34 : memref<32x128xf32, #tpu.memory_space<hbm>>) dst(%dma_wait3A_31 : memref<32x128xf32, #tpu.memory_space<vmem_shared>>)
        tpu.yield
      }) : () -> ()
    } else {
    }
    %barrier3A = arith.constant 0 : index
    tpu.barrier barrier_id(%barrier3A)
    %mul3A_15 = arith.constant 20000 : i32
    %mul3A_16 = arith.muli %arg1, %mul3A_15 : i32
    %eq3A_17 = arith.constant 0 : i32
    %eq3A_18 = arith.cmpi eq, %arg0, %eq3A_17 : i32
    %convert_element_type3A_19 = arith.extui %eq3A_18 : i1 to i32
    %cond3A_20 = arith.constant 0 : i32
    %cond3A_21 = arith.cmpi ne, %convert_element_type3A_19, %cond3A_20 : i32
    scf.if %cond3A_21 {
      %add3A = arith.constant 0 : i32
      %add3A_27 = arith.addi %mul3A_16, %add3A : i32
      %dma_start3A = tpu.memref_slice %arg3[%add3A_27] : memref<320000xi32, #tpu.memory_space<hbm>> -> memref<80xi32, #tpu.memory_space<hbm>>
      %dma_start3A_28 = tpu.memref_slice %arg3[%add3A_27] : memref<320000xi32, #tpu.memory_space<hbm>> -> memref<80xi32, #tpu.memory_space<hbm>>
      tpu.enqueue_dma source(%dma_start3A_28 : memref<80xi32, #tpu.memory_space<hbm>>) target(%arg14 : memref<80xi32, #tpu.memory_space<vmem>>) target_semaphore(%arg28 : memref<!tpu.dma_semaphore, #tpu.memory_space<semaphore_mem>>)
      %dma_start3A_29 = tpu.memref_slice %arg4[%add3A_27] : memref<320000xi32, #tpu.memory_space<hbm>> -> memref<80xi32, #tpu.memory_space<hbm>>
      %dma_start3A_30 = tpu.memref_slice %arg4[%add3A_27] : memref<320000xi32, #tpu.memory_space<hbm>> -> memref<80xi32, #tpu.memory_space<hbm>>
      tpu.enqueue_dma source(%dma_start3A_30 : memref<80xi32, #tpu.memory_space<hbm>>) target(%arg15 : memref<80xi32, #tpu.memory_space<vmem>>) target_semaphore(%arg28 : memref<!tpu.dma_semaphore, #tpu.memory_space<semaphore_mem>>)
      %dma_start3A_31 = arith.constant 0 : i32
      %dma_start3A_32 = tpu.memref_slice %arg6[%add3A_27, %dma_start3A_31] : memref<320000x64xf32, #tpu.memory_space<hbm>> -> memref<80x64xf32, #tpu.memory_space<hbm>>
      %dma_start3A_33 = arith.constant 0 : i32
      %dma_start3A_34 = tpu.memref_slice %arg6[%add3A_27, %dma_start3A_33] : memref<320000x64xf32, #tpu.memory_space<hbm>> -> memref<80x64xf32, #tpu.memory_space<hbm>>
      tpu.enqueue_dma source(%dma_start3A_34 : memref<80x64xf32, #tpu.memory_space<hbm>>) target(%arg18 : memref<80x64xf32, #tpu.memory_space<vmem>>) target_semaphore(%arg30 : memref<!tpu.dma_semaphore, #tpu.memory_space<semaphore_mem>>)
      %dma_wait3A = arith.constant 0 : i32
      %dma_wait3A_35 = tpu.memref_slice %arg3[%dma_wait3A] : memref<320000xi32, #tpu.memory_space<hbm>> -> memref<80xi32, #tpu.memory_space<hbm>>
      %dma_wait3A_36 = arith.constant 0 : i32
      %dma_wait3A_37 = tpu.memref_slice %arg3[%dma_wait3A_36] : memref<320000xi32, #tpu.memory_space<hbm>> -> memref<80xi32, #tpu.memory_space<hbm>>
      tpu.wait_dma2 semaphore(%arg28 : memref<!tpu.dma_semaphore, #tpu.memory_space<semaphore_mem>>) src(%dma_wait3A_37 : memref<80xi32, #tpu.memory_space<hbm>>) dst(%arg14 : memref<80xi32, #tpu.memory_space<vmem>>)
      %dma_wait3A_38 = arith.constant 0 : i32
      %dma_wait3A_39 = tpu.memref_slice %arg4[%dma_wait3A_38] : memref<320000xi32, #tpu.memory_space<hbm>> -> memref<80xi32, #tpu.memory_space<hbm>>
      %dma_wait3A_40 = arith.constant 0 : i32
      %dma_wait3A_41 = tpu.memref_slice %arg4[%dma_wait3A_40] : memref<320000xi32, #tpu.memory_space<hbm>> -> memref<80xi32, #tpu.memory_space<hbm>>
      tpu.wait_dma2 semaphore(%arg28 : memref<!tpu.dma_semaphore, #tpu.memory_space<semaphore_mem>>) src(%dma_wait3A_41 : memref<80xi32, #tpu.memory_space<hbm>>) dst(%arg15 : memref<80xi32, #tpu.memory_space<vmem>>)
      %dma_start3A_42 = arith.constant 0 : i32
      %dma_start3A_43 = arith.constant 0 : i32
      %dma_start3A_44 = tpu.memref_slice %arg5[%dma_start3A_42, %dma_start3A_43] : memref<10000x128xf32, #tpu.memory_space<hbm>> -> memref<10000x128xf32, #tpu.memory_space<hbm>>
      tpu.enqueue_indirect_dma source(%dma_start3A_44 : memref<10000x128xf32, #tpu.memory_space<hbm>>) target(%arg16 : memref<80x128xf32, #tpu.memory_space<vmem>>) offsets(%arg15 : memref<80xi32, #tpu.memory_space<vmem>>) semaphore(%arg29 : memref<!tpu.dma_semaphore, #tpu.memory_space<semaphore_mem>>)
      %dma_start3A_45 = arith.constant 0 : i32
      %dma_start3A_46 = arith.constant 0 : i32
      %dma_start3A_47 = tpu.memref_slice %arg8[%dma_start3A_45, %dma_start3A_46] : memref<10000x128xf32, #tpu.memory_space<hbm>> -> memref<10000x128xf32, #tpu.memory_space<hbm>>
      tpu.enqueue_indirect_dma source(%dma_start3A_47 : memref<10000x128xf32, #tpu.memory_space<hbm>>) target(%arg17 : memref<80x128xf32, #tpu.memory_space<vmem>>) offsets(%arg14 : memref<80xi32, #tpu.memory_space<vmem>>) semaphore(%arg29 : memref<!tpu.dma_semaphore, #tpu.memory_space<semaphore_mem>>)
      %add3A_48 = arith.constant 80 : i32
      %add3A_49 = arith.addi %mul3A_16, %add3A_48 : i32
      %dma_start3A_50 = tpu.memref_slice %arg3[%add3A_49] : memref<320000xi32, #tpu.memory_space<hbm>> -> memref<80xi32, #tpu.memory_space<hbm>>
      %dma_start3A_51 = tpu.memref_slice %arg3[%add3A_49] : memref<320000xi32, #tpu.memory_space<hbm>> -> memref<80xi32, #tpu.memory_space<hbm>>
      tpu.enqueue_dma source(%dma_start3A_51 : memref<80xi32, #tpu.memory_space<hbm>>) target(%arg19 : memref<80xi32, #tpu.memory_space<vmem>>) target_semaphore(%arg31 : memref<!tpu.dma_semaphore, #tpu.memory_space<semaphore_mem>>)
      %dma_start3A_52 = tpu.memref_slice %arg4[%add3A_49] : memref<320000xi32, #tpu.memory_space<hbm>> -> memref<80xi32, #tpu.memory_space<hbm>>
      %dma_start3A_53 = tpu.memref_slice %arg4[%add3A_49] : memref<320000xi32, #tpu.memory_space<hbm>> -> memref<80xi32, #tpu.memory_space<hbm>>
      tpu.enqueue_dma source(%dma_start3A_53 : memref<80xi32, #tpu.memory_space<hbm>>) target(%arg20 : memref<80xi32, #tpu.memory_space<vmem>>) target_semaphore(%arg31 : memref<!tpu.dma_semaphore, #tpu.memory_space<semaphore_mem>>)
      %dma_start3A_54 = arith.constant 0 : i32
      %dma_start3A_55 = tpu.memref_slice %arg6[%add3A_49, %dma_start3A_54] : memref<320000x64xf32, #tpu.memory_space<hbm>> -> memref<80x64xf32, #tpu.memory_space<hbm>>
      %dma_start3A_56 = arith.constant 0 : i32
      %dma_start3A_57 = tpu.memref_slice %arg6[%add3A_49, %dma_start3A_56] : memref<320000x64xf32, #tpu.memory_space<hbm>> -> memref<80x64xf32, #tpu.memory_space<hbm>>
      tpu.enqueue_dma source(%dma_start3A_57 : memref<80x64xf32, #tpu.memory_space<hbm>>) target(%arg23 : memref<80x64xf32, #tpu.memory_space<vmem>>) target_semaphore(%arg33 : memref<!tpu.dma_semaphore, #tpu.memory_space<semaphore_mem>>)
      %scan3A = arith.constant 0 : i32
      %scan3A_58 = arith.constant 0 : i32
      %scan3A_59 = arith.constant 125 : i32
      %scan3A_60 = arith.addi %scan3A_58, %scan3A_59 : i32
      %scan3A_61 = arith.constant 1 : i32
      scf.for %scan3A_85 = %scan3A_58 to %scan3A_60 step %scan3A_61  : i32 {
        %mul3A_86 = arith.constant 2 : i32
        %mul3A_87 = arith.muli %mul3A_86, %scan3A_85 : i32
        %add3A_88 = arith.constant 0 : i32
        %add3A_89 = arith.addi %mul3A_87, %add3A_88 : i32
        %add3A_90 = arith.constant 1 : i32
        %add3A_91 = arith.addi %add3A_89, %add3A_90 : i32
        %lt3A_92 = arith.constant 250 : i32
        %lt3A_93 = arith.cmpi slt, %add3A_91, %lt3A_92 : i32
        %convert_element_type3A_94 = arith.extui %lt3A_93 : i1 to i32
        %cond3A_95 = arith.constant 0 : i32
        %cond3A_96 = arith.cmpi ne, %convert_element_type3A_94, %cond3A_95 : i32
        scf.if %cond3A_96 {
          %dma_wait3A_191 = arith.constant 0 : i32
          %dma_wait3A_192 = tpu.memref_slice %arg3[%dma_wait3A_191] : memref<320000xi32, #tpu.memory_space<hbm>> -> memref<80xi32, #tpu.memory_space<hbm>>
          %dma_wait3A_193 = arith.constant 0 : i32
          %dma_wait3A_194 = tpu.memref_slice %arg3[%dma_wait3A_193] : memref<320000xi32, #tpu.memory_space<hbm>> -> memref<80xi32, #tpu.memory_space<hbm>>
          tpu.wait_dma2 semaphore(%arg31 : memref<!tpu.dma_semaphore, #tpu.memory_space<semaphore_mem>>) src(%dma_wait3A_194 : memref<80xi32, #tpu.memory_space<hbm>>) dst(%arg19 : memref<80xi32, #tpu.memory_space<vmem>>)
          %dma_wait3A_195 = arith.constant 0 : i32
          %dma_wait3A_196 = tpu.memref_slice %arg4[%dma_wait3A_195] : memref<320000xi32, #tpu.memory_space<hbm>> -> memref<80xi32, #tpu.memory_space<hbm>>
          %dma_wait3A_197 = arith.constant 0 : i32
          %dma_wait3A_198 = tpu.memref_slice %arg4[%dma_wait3A_197] : memref<320000xi32, #tpu.memory_space<hbm>> -> memref<80xi32, #tpu.memory_space<hbm>>
          tpu.wait_dma2 semaphore(%arg31 : memref<!tpu.dma_semaphore, #tpu.memory_space<semaphore_mem>>) src(%dma_wait3A_198 : memref<80xi32, #tpu.memory_space<hbm>>) dst(%arg20 : memref<80xi32, #tpu.memory_space<vmem>>)
          %dma_start3A_199 = arith.constant 0 : i32
          %dma_start3A_200 = arith.constant 0 : i32
          %dma_start3A_201 = tpu.memref_slice %arg5[%dma_start3A_199, %dma_start3A_200] : memref<10000x128xf32, #tpu.memory_space<hbm>> -> memref<10000x128xf32, #tpu.memory_space<hbm>>
          tpu.enqueue_indirect_dma source(%dma_start3A_201 : memref<10000x128xf32, #tpu.memory_space<hbm>>) target(%arg21 : memref<80x128xf32, #tpu.memory_space<vmem>>) offsets(%arg20 : memref<80xi32, #tpu.memory_space<vmem>>) semaphore(%arg32 : memref<!tpu.dma_semaphore, #tpu.memory_space<semaphore_mem>>)
          %dma_start3A_202 = arith.constant 0 : i32
          %dma_start3A_203 = arith.constant 0 : i32
          %dma_start3A_204 = tpu.memref_slice %arg8[%dma_start3A_202, %dma_start3A_203] : memref<10000x128xf32, #tpu.memory_space<hbm>> -> memref<10000x128xf32, #tpu.memory_space<hbm>>
          tpu.enqueue_indirect_dma source(%dma_start3A_204 : memref<10000x128xf32, #tpu.memory_space<hbm>>) target(%arg22 : memref<80x128xf32, #tpu.memory_space<vmem>>) offsets(%arg19 : memref<80xi32, #tpu.memory_space<vmem>>) semaphore(%arg32 : memref<!tpu.dma_semaphore, #tpu.memory_space<semaphore_mem>>)
        } else {
        }
        %dma_wait3A_97 = arith.constant 0 : i32
        %dma_wait3A_98 = arith.constant 0 : i32
        %dma_wait3A_99 = tpu.memref_slice %arg5[%dma_wait3A_97, %dma_wait3A_98] : memref<10000x128xf32, #tpu.memory_space<hbm>> -> memref<10000x128xf32, #tpu.memory_space<hbm>>
        tpu.wait_indirect_dma semaphore(%arg29 : memref<!tpu.dma_semaphore, #tpu.memory_space<semaphore_mem>>) src(%dma_wait3A_99 : memref<10000x128xf32, #tpu.memory_space<hbm>>) dst(%arg16 : memref<80x128xf32, #tpu.memory_space<vmem>>)
        %dma_wait3A_100 = arith.constant 0 : i32
        %dma_wait3A_101 = arith.constant 0 : i32
        %dma_wait3A_102 = tpu.memref_slice %arg8[%dma_wait3A_100, %dma_wait3A_101] : memref<10000x128xf32, #tpu.memory_space<hbm>> -> memref<10000x128xf32, #tpu.memory_space<hbm>>
        tpu.wait_indirect_dma semaphore(%arg29 : memref<!tpu.dma_semaphore, #tpu.memory_space<semaphore_mem>>) src(%dma_wait3A_102 : memref<10000x128xf32, #tpu.memory_space<hbm>>) dst(%arg17 : memref<80x128xf32, #tpu.memory_space<vmem>>)
        %dma_wait3A_103 = arith.constant 0 : i32
        %dma_wait3A_104 = arith.constant 0 : i32
        %dma_wait3A_105 = tpu.memref_slice %arg6[%dma_wait3A_103, %dma_wait3A_104] : memref<320000x64xf32, #tpu.memory_space<hbm>> -> memref<80x64xf32, #tpu.memory_space<hbm>>
        %dma_wait3A_106 = arith.constant 0 : i32
        %dma_wait3A_107 = arith.constant 0 : i32
        %dma_wait3A_108 = tpu.memref_slice %arg6[%dma_wait3A_106, %dma_wait3A_107] : memref<320000x64xf32, #tpu.memory_space<hbm>> -> memref<80x64xf32, #tpu.memory_space<hbm>>
        tpu.wait_dma2 semaphore(%arg30 : memref<!tpu.dma_semaphore, #tpu.memory_space<semaphore_mem>>) src(%dma_wait3A_108 : memref<80x64xf32, #tpu.memory_space<hbm>>) dst(%arg18 : memref<80x64xf32, #tpu.memory_space<vmem>>)
        %gt3A = arith.constant 0 : i32
        %gt3A_109 = arith.cmpi sgt, %add3A_89, %gt3A : i32
        %convert_element_type3A_110 = arith.extui %gt3A_109 : i1 to i32
        %cond3A_111 = arith.constant 0 : i32
        %cond3A_112 = arith.cmpi ne, %convert_element_type3A_110, %cond3A_111 : i32
        scf.if %cond3A_112 {
          %dma_wait3A_191 = arith.constant 0 : i32
          %dma_wait3A_192 = arith.constant 0 : i32
          %dma_wait3A_193 = tpu.memref_slice %arg35[%dma_wait3A_191, %dma_wait3A_192] : memref<5000x128xf32, #tpu.memory_space<vmem_shared>> -> memref<5000x128xf32, #tpu.memory_space<vmem_shared>>
          tpu.wait_indirect_dma semaphore(%arg34 : memref<!tpu.dma_semaphore, #tpu.memory_space<semaphore_mem>>) src(%arg26 : memref<80x128xf32, #tpu.memory_space<vmem>>) dst(%dma_wait3A_193 : memref<5000x128xf32, #tpu.memory_space<vmem_shared>>)
          %dma_wait3A_194 = arith.constant 0 : i32
          %dma_wait3A_195 = arith.constant 0 : i32
          %dma_wait3A_196 = tpu.memref_slice %arg36[%dma_wait3A_194, %dma_wait3A_195] : memref<320x128xf32, #tpu.memory_space<vmem_shared>> -> memref<320x128xf32, #tpu.memory_space<vmem_shared>>
          tpu.wait_indirect_dma semaphore(%arg34 : memref<!tpu.dma_semaphore, #tpu.memory_space<semaphore_mem>>) src(%arg27 : memref<80x128xf32, #tpu.memory_space<vmem>>) dst(%dma_wait3A_196 : memref<320x128xf32, #tpu.memory_space<vmem_shared>>)
        } else {
        }
        %scan3A_113 = arith.constant 0 : i32
        %scan3A_114 = arith.constant 0 : i32
        %scan3A_115 = arith.constant 5 : i32
        %scan3A_116 = arith.addi %scan3A_114, %scan3A_115 : i32
        %scan3A_117 = arith.constant 1 : i32
        scf.for %scan3A_191 = %scan3A_114 to %scan3A_116 step %scan3A_117  : i32 {
          %mul3A_192 = arith.constant 16 : i32
          %mul3A_193 = arith.muli %scan3A_191, %mul3A_192 : i32
          %get3A = arith.index_cast %mul3A_193 : i32 to index
          %get3A_194 = tpu.vector_load %arg15[%get3A] {strides = array<i32>} : memref<80xi32, #tpu.memory_space<vmem>>, vector<16xi32>,
          %get3A_195 = vector.shape_cast %get3A_194 : vector<16xi32> to vector<16xi32>
          %shift_right_logical3A = arith.constant 1 : i32
          %shift_right_logical3A_196 = vector.broadcast %shift_right_logical3A : i32 to vector<16xi32>
          %shift_right_logical3A_197 = arith.shrui %get3A_195, %shift_right_logical3A_196 : vector<16xi32>
          %mul3A_198 = arith.constant 16 : i32
          %mul3A_199 = arith.muli %scan3A_191, %mul3A_198 : i32
          %swap3A = arith.index_cast %mul3A_199 : i32 to index
          %swap3A_200 = tpu.vector_load %arg24[%swap3A] {strides = array<i32>} : memref<80xi32, #tpu.memory_space<vmem>>, vector<16xi32>,
          %swap3A_201 = vector.shape_cast %swap3A_200 : vector<16xi32> to vector<16xi32>
          %swap3A_202 = vector.shape_cast %shift_right_logical3A_197 : vector<16xi32> to vector<16xi32>
          tpu.vector_store %arg24[%swap3A], %swap3A_202 {strides = array<i32>} : memref<80xi32, #tpu.memory_space<vmem>>, vector<16xi32>,
          %shift_right_logical3A_203 = arith.constant 5 : i32
          %shift_right_logical3A_204 = vector.broadcast %shift_right_logical3A_203 : i32 to vector<16xi32>
          %shift_right_logical3A_205 = arith.shrui %get3A_195, %shift_right_logical3A_204 : vector<16xi32>
          %mul3A_206 = arith.constant 16 : i32
          %mul3A_207 = arith.muli %scan3A_191, %mul3A_206 : i32
          %swap3A_208 = arith.index_cast %mul3A_207 : i32 to index
          %swap3A_209 = tpu.vector_load %arg25[%swap3A_208] {strides = array<i32>} : memref<80xi32, #tpu.memory_space<vmem>>, vector<16xi32>,
          %swap3A_210 = vector.shape_cast %swap3A_209 : vector<16xi32> to vector<16xi32>
          %swap3A_211 = vector.shape_cast %shift_right_logical3A_205 : vector<16xi32> to vector<16xi32>
          tpu.vector_store %arg25[%swap3A_208], %swap3A_211 {strides = array<i32>} : memref<80xi32, #tpu.memory_space<vmem>>, vector<16xi32>,
        }
        %scan3A_118 = arith.constant 5 : i32
        %scan3A_119 = arith.constant 0 : i32
        %scan3A_120 = arith.constant 0 : i32
        %scan3A_121 = arith.constant 5 : i32
        %scan3A_122 = arith.addi %scan3A_120, %scan3A_121 : i32
        %scan3A_123 = arith.constant 1 : i32
        scf.for %scan3A_191 = %scan3A_120 to %scan3A_122 step %scan3A_123  : i32 {
          %mul3A_192 = arith.constant 16 : i32
          %mul3A_193 = arith.muli %scan3A_191, %mul3A_192 : i32
          %get3A = arith.index_cast %mul3A_193 : i32 to index
          %get3A_194 = tpu.vector_load %arg15[%get3A] {strides = array<i32>} : memref<80xi32, #tpu.memory_space<vmem>>, vector<16xi32>,
          %get3A_195 = vector.shape_cast %get3A_194 : vector<16xi32> to vector<16xi32>
          %scan3A_196 = arith.constant 0 : i32
          %scan3A_197 = arith.constant 0 : i32
          %scan3A_198 = arith.constant 16 : i32
          %scan3A_199 = arith.addi %scan3A_197, %scan3A_198 : i32
          %scan3A_200 = arith.constant 1 : i32
          scf.for %scan3A_202 = %scan3A_197 to %scan3A_199 step %scan3A_200  : i32 {
            %mul3A_203 = arith.constant 16 : i32
            %mul3A_204 = arith.muli %scan3A_191, %mul3A_203 : i32
            %add3A_205 = arith.addi %mul3A_204, %scan3A_202 : i32
            %broadcast_in_dim3A_206 = vector.broadcast %scan3A_202 : i32 to vector<16xi32>
            %broadcast_in_dim3A_207 = vector.shape_cast %broadcast_in_dim3A_206 : vector<16xi32> to vector<16x1xi32>
            %gather3A = vector.shape_cast %broadcast_in_dim3A_207 : vector<16x1xi32> to vector<16xi32>
            %gather3A_208 = tpu.dynamic_gather %get3A_195[%gather3A] in [0] : vector<16xi32>, vector<16xi32> -> vector<16xi32>
            %and3A = arith.constant 1 : i32
            %and3A_209 = vector.broadcast %and3A : i32 to vector<16xi32>
            %and3A_210 = arith.andi %gather3A_208, %and3A_209 : vector<16xi32>
            %convert_element_type3A_211 = arith.sitofp %and3A_210 : vector<16xi32> to vector<16xf32>
            %get3A_212 = arith.index_cast %add3A_205 : i32 to index
            %get3A_213 = arith.constant 0 : index
            %get3A_214 = tpu.vector_load %arg16[%get3A_212, %get3A_213] {strides = array<i32>} : memref<80x128xf32, #tpu.memory_space<vmem>>, vector<1x16xf32>,
            %get3A_215 = vector.shape_cast %get3A_214 : vector<1x16xf32> to vector<16xf32>
            %get3A_216 = arith.index_cast %add3A_205 : i32 to index
            %get3A_217 = arith.constant 0 : index
            %get3A_218 = tpu.vector_load %arg17[%get3A_216, %get3A_217] {strides = array<i32>} : memref<80x128xf32, #tpu.memory_space<vmem>>, vector<1x16xf32>,
            %get3A_219 = vector.shape_cast %get3A_218 : vector<1x16xf32> to vector<16xf32>
            %get3A_220 = arith.index_cast %add3A_205 : i32 to index
            %get3A_221 = arith.constant 64 : index
            %get3A_222 = tpu.vector_load %arg17[%get3A_220, %get3A_221] {strides = array<i32>} : memref<80x128xf32, #tpu.memory_space<vmem>>, vector<1x16xf32>,
            %get3A_223 = vector.shape_cast %get3A_222 : vector<1x16xf32> to vector<16xf32>
            %get3A_224 = arith.index_cast %add3A_205 : i32 to index
            %get3A_225 = arith.constant 0 : index
            %get3A_226 = tpu.vector_load %arg18[%get3A_224, %get3A_225] {strides = array<i32>} : memref<80x64xf32, #tpu.memory_space<vmem>>, vector<1x16xf32>,
            %get3A_227 = vector.shape_cast %get3A_226 : vector<1x16xf32> to vector<16xf32>
            %add3A_228 = arith.addf %get3A_219, %get3A_227 : vector<16xf32>
            %mul3A_229 = arith.mulf %get3A_215, %add3A_228 : vector<16xf32>
            %xor3A = arith.constant 1 : i32
            %xor3A_230 = vector.broadcast %xor3A : i32 to vector<16xi32>
            %xor3A_231 = arith.xori %iota3A, %xor3A_230 : vector<16xi32>
            %broadcast_in_dim3A_232 = vector.shape_cast %xor3A_231 : vector<16xi32> to vector<16x1xi32>
            %gather3A_233 = vector.shape_cast %broadcast_in_dim3A_232 : vector<16x1xi32> to vector<16xi32>
            %gather3A_234 = tpu.dynamic_gather %mul3A_229[%gather3A_233] in [0] : vector<16xf32>, vector<16xi32> -> vector<16xf32>
            %add3A_235 = arith.addf %mul3A_229, %gather3A_234 : vector<16xf32>
            %xor3A_236 = arith.constant 2 : i32
            %xor3A_237 = vector.broadcast %xor3A_236 : i32 to vector<16xi32>
            %xor3A_238 = arith.xori %iota3A, %xor3A_237 : vector<16xi32>
            %broadcast_in_dim3A_239 = vector.shape_cast %xor3A_238 : vector<16xi32> to vector<16x1xi32>
            %gather3A_240 = vector.shape_cast %broadcast_in_dim3A_239 : vector<16x1xi32> to vector<16xi32>
            %gather3A_241 = tpu.dynamic_gather %add3A_235[%gather3A_240] in [0] : vector<16xf32>, vector<16xi32> -> vector<16xf32>
            %add3A_242 = arith.addf %add3A_235, %gather3A_241 : vector<16xf32>
            %xor3A_243 = arith.constant 4 : i32
            %xor3A_244 = vector.broadcast %xor3A_243 : i32 to vector<16xi32>
            %xor3A_245 = arith.xori %iota3A, %xor3A_244 : vector<16xi32>
            %broadcast_in_dim3A_246 = vector.shape_cast %xor3A_245 : vector<16xi32> to vector<16x1xi32>
            %gather3A_247 = vector.shape_cast %broadcast_in_dim3A_246 : vector<16x1xi32> to vector<16xi32>
            %gather3A_248 = tpu.dynamic_gather %add3A_242[%gather3A_247] in [0] : vector<16xf32>, vector<16xi32> -> vector<16xf32>
            %add3A_249 = arith.addf %add3A_242, %gather3A_248 : vector<16xf32>
            %xor3A_250 = arith.constant 8 : i32
            %xor3A_251 = vector.broadcast %xor3A_250 : i32 to vector<16xi32>
            %xor3A_252 = arith.xori %iota3A, %xor3A_251 : vector<16xi32>
            %broadcast_in_dim3A_253 = vector.shape_cast %xor3A_252 : vector<16xi32> to vector<16x1xi32>
            %gather3A_254 = vector.shape_cast %broadcast_in_dim3A_253 : vector<16x1xi32> to vector<16xi32>
            %gather3A_255 = tpu.dynamic_gather %add3A_249[%gather3A_254] in [0] : vector<16xf32>, vector<16xi32> -> vector<16xf32>
            %add3A_256 = arith.addf %add3A_249, %gather3A_255 : vector<16xf32>
            %mul3A_257 = arith.constant 2.500000e-01 : f32
            %mul3A_258 = vector.broadcast %mul3A_257 : f32 to vector<16xf32>
            %mul3A_259 = arith.mulf %add3A_256, %mul3A_258 : vector<16xf32>
            %max3A = arith.constant 0.000000e+00 : f32
            %max3A_260 = vector.broadcast %max3A : f32 to vector<16xf32>
            %max3A_261 = arith.maximumf %mul3A_259, %max3A_260 : vector<16xf32>
            %eq3A_262 = arith.constant 0 : i32
            %eq3A_263 = vector.broadcast %eq3A_262 : i32 to vector<16xi32>
            %eq3A_264 = arith.cmpi eq, %iota3A, %eq3A_263 : vector<16xi32>
            %select_n3A = arith.select %eq3A_264, %max3A_261, %broadcast_in_dim3A_0 : vector<16xi1>, vector<16xf32>
            %add3A_265 = arith.addf %get3A_223, %get3A_227 : vector<16xf32>
            %mul3A_266 = arith.mulf %max3A_261, %add3A_265 : vector<16xf32>
            %sub3A = arith.constant 1.000000e+00 : f32
            %sub3A_267 = vector.broadcast %sub3A : f32 to vector<16xf32>
            %sub3A_268 = arith.subf %sub3A_267, %convert_element_type3A_211 : vector<16xf32>
            %mul3A_269 = arith.mulf %mul3A_266, %sub3A_268 : vector<16xf32>
            %swap3A = arith.index_cast %add3A_205 : i32 to index
            %swap3A_270 = arith.constant 0 : index
            %swap3A_271 = tpu.vector_load %arg26[%swap3A, %swap3A_270] {strides = array<i32>} : memref<80x128xf32, #tpu.memory_space<vmem>>, vector<1x16xf32>,
            %swap3A_272 = vector.shape_cast %swap3A_271 : vector<1x16xf32> to vector<16xf32>
            %swap3A_273 = vector.shape_cast %mul3A_269 : vector<16xf32> to vector<1x16xf32>
            tpu.vector_store %arg26[%swap3A, %swap3A_270], %swap3A_273 {strides = array<i32>} : memref<80x128xf32, #tpu.memory_space<vmem>>, vector<1x16xf32>,
            %mul3A_274 = arith.mulf %mul3A_266, %convert_element_type3A_211 : vector<16xf32>
            %swap3A_275 = arith.index_cast %add3A_205 : i32 to index
            %swap3A_276 = arith.constant 64 : index
            %swap3A_277 = tpu.vector_load %arg26[%swap3A_275, %swap3A_276] {strides = array<i32>} : memref<80x128xf32, #tpu.memory_space<vmem>>, vector<1x16xf32>,
            %swap3A_278 = vector.shape_cast %swap3A_277 : vector<1x16xf32> to vector<16xf32>
            %swap3A_279 = vector.shape_cast %mul3A_274 : vector<16xf32> to vector<1x16xf32>
            tpu.vector_store %arg26[%swap3A_275, %swap3A_276], %swap3A_279 {strides = array<i32>} : memref<80x128xf32, #tpu.memory_space<vmem>>, vector<1x16xf32>,
            %get3A_280 = arith.index_cast %add3A_205 : i32 to index
            %get3A_281 = arith.constant 16 : index
            %get3A_282 = tpu.vector_load %arg16[%get3A_280, %get3A_281] {strides = array<i32>} : memref<80x128xf32, #tpu.memory_space<vmem>>, vector<1x16xf32>,
            %get3A_283 = vector.shape_cast %get3A_282 : vector<1x16xf32> to vector<16xf32>
            %get3A_284 = arith.index_cast %add3A_205 : i32 to index
            %get3A_285 = arith.constant 16 : index
            %get3A_286 = tpu.vector_load %arg17[%get3A_284, %get3A_285] {strides = array<i32>} : memref<80x128xf32, #tpu.memory_space<vmem>>, vector<1x16xf32>,
            %get3A_287 = vector.shape_cast %get3A_286 : vector<1x16xf32> to vector<16xf32>
            %get3A_288 = arith.index_cast %add3A_205 : i32 to index
            %get3A_289 = arith.constant 80 : index
            %get3A_290 = tpu.vector_load %arg17[%get3A_288, %get3A_289] {strides = array<i32>} : memref<80x128xf32, #tpu.memory_space<vmem>>, vector<1x16xf32>,
            %get3A_291 = vector.shape_cast %get3A_290 : vector<1x16xf32> to vector<16xf32>
            %get3A_292 = arith.index_cast %add3A_205 : i32 to index
            %get3A_293 = arith.constant 16 : index
            %get3A_294 = tpu.vector_load %arg18[%get3A_292, %get3A_293] {strides = array<i32>} : memref<80x64xf32, #tpu.memory_space<vmem>>, vector<1x16xf32>,
            %get3A_295 = vector.shape_cast %get3A_294 : vector<1x16xf32> to vector<16xf32>
            %add3A_296 = arith.addf %get3A_287, %get3A_295 : vector<16xf32>
            %mul3A_297 = arith.mulf %get3A_283, %add3A_296 : vector<16xf32>
            %xor3A_298 = arith.constant 1 : i32
            %xor3A_299 = vector.broadcast %xor3A_298 : i32 to vector<16xi32>
            %xor3A_300 = arith.xori %iota3A, %xor3A_299 : vector<16xi32>
            %broadcast_in_dim3A_301 = vector.shape_cast %xor3A_300 : vector<16xi32> to vector<16x1xi32>
            %gather3A_302 = vector.shape_cast %broadcast_in_dim3A_301 : vector<16x1xi32> to vector<16xi32>
            %gather3A_303 = tpu.dynamic_gather %mul3A_297[%gather3A_302] in [0] : vector<16xf32>, vector<16xi32> -> vector<16xf32>
            %add3A_304 = arith.addf %mul3A_297, %gather3A_303 : vector<16xf32>
            %xor3A_305 = arith.constant 2 : i32
            %xor3A_306 = vector.broadcast %xor3A_305 : i32 to vector<16xi32>
            %xor3A_307 = arith.xori %iota3A, %xor3A_306 : vector<16xi32>
            %broadcast_in_dim3A_308 = vector.shape_cast %xor3A_307 : vector<16xi32> to vector<16x1xi32>
            %gather3A_309 = vector.shape_cast %broadcast_in_dim3A_308 : vector<16x1xi32> to vector<16xi32>
            %gather3A_310 = tpu.dynamic_gather %add3A_304[%gather3A_309] in [0] : vector<16xf32>, vector<16xi32> -> vector<16xf32>
            %add3A_311 = arith.addf %add3A_304, %gather3A_310 : vector<16xf32>
            %xor3A_312 = arith.constant 4 : i32
            %xor3A_313 = vector.broadcast %xor3A_312 : i32 to vector<16xi32>
            %xor3A_314 = arith.xori %iota3A, %xor3A_313 : vector<16xi32>
            %broadcast_in_dim3A_315 = vector.shape_cast %xor3A_314 : vector<16xi32> to vector<16x1xi32>
            %gather3A_316 = vector.shape_cast %broadcast_in_dim3A_315 : vector<16x1xi32> to vector<16xi32>
            %gather3A_317 = tpu.dynamic_gather %add3A_311[%gather3A_316] in [0] : vector<16xf32>, vector<16xi32> -> vector<16xf32>
            %add3A_318 = arith.addf %add3A_311, %gather3A_317 : vector<16xf32>
            %xor3A_319 = arith.constant 8 : i32
            %xor3A_320 = vector.broadcast %xor3A_319 : i32 to vector<16xi32>
            %xor3A_321 = arith.xori %iota3A, %xor3A_320 : vector<16xi32>
            %broadcast_in_dim3A_322 = vector.shape_cast %xor3A_321 : vector<16xi32> to vector<16x1xi32>
            %gather3A_323 = vector.shape_cast %broadcast_in_dim3A_322 : vector<16x1xi32> to vector<16xi32>
            %gather3A_324 = tpu.dynamic_gather %add3A_318[%gather3A_323] in [0] : vector<16xf32>, vector<16xi32> -> vector<16xf32>
            %add3A_325 = arith.addf %add3A_318, %gather3A_324 : vector<16xf32>
            %mul3A_326 = arith.constant 2.500000e-01 : f32
            %mul3A_327 = vector.broadcast %mul3A_326 : f32 to vector<16xf32>
            %mul3A_328 = arith.mulf %add3A_325, %mul3A_327 : vector<16xf32>
            %max3A_329 = arith.constant 0.000000e+00 : f32
            %max3A_330 = vector.broadcast %max3A_329 : f32 to vector<16xf32>
            %max3A_331 = arith.maximumf %mul3A_328, %max3A_330 : vector<16xf32>
            %eq3A_332 = arith.constant 1 : i32
            %eq3A_333 = vector.broadcast %eq3A_332 : i32 to vector<16xi32>
            %eq3A_334 = arith.cmpi eq, %iota3A, %eq3A_333 : vector<16xi32>
            %select_n3A_335 = arith.select %eq3A_334, %max3A_331, %select_n3A : vector<16xi1>, vector<16xf32>
            %add3A_336 = arith.addf %get3A_291, %get3A_295 : vector<16xf32>
            %mul3A_337 = arith.mulf %max3A_331, %add3A_336 : vector<16xf32>
            %sub3A_338 = arith.constant 1.000000e+00 : f32
            %sub3A_339 = vector.broadcast %sub3A_338 : f32 to vector<16xf32>
            %sub3A_340 = arith.subf %sub3A_339, %convert_element_type3A_211 : vector<16xf32>
            %mul3A_341 = arith.mulf %mul3A_337, %sub3A_340 : vector<16xf32>
            %swap3A_342 = arith.index_cast %add3A_205 : i32 to index
            %swap3A_343 = arith.constant 16 : index
            %swap3A_344 = tpu.vector_load %arg26[%swap3A_342, %swap3A_343] {strides = array<i32>} : memref<80x128xf32, #tpu.memory_space<vmem>>, vector<1x16xf32>,
            %swap3A_345 = vector.shape_cast %swap3A_344 : vector<1x16xf32> to vector<16xf32>
            %swap3A_346 = vector.shape_cast %mul3A_341 : vector<16xf32> to vector<1x16xf32>
            tpu.vector_store %arg26[%swap3A_342, %swap3A_343], %swap3A_346 {strides = array<i32>} : memref<80x128xf32, #tpu.memory_space<vmem>>, vector<1x16xf32>,
            %mul3A_347 = arith.mulf %mul3A_337, %convert_element_type3A_211 : vector<16xf32>
            %swap3A_348 = arith.index_cast %add3A_205 : i32 to index
            %swap3A_349 = arith.constant 80 : index
            %swap3A_350 = tpu.vector_load %arg26[%swap3A_348, %swap3A_349] {strides = array<i32>} : memref<80x128xf32, #tpu.memory_space<vmem>>, vector<1x16xf32>,
            %swap3A_351 = vector.shape_cast %swap3A_350 : vector<1x16xf32> to vector<16xf32>
            %swap3A_352 = vector.shape_cast %mul3A_347 : vector<16xf32> to vector<1x16xf32>
            tpu.vector_store %arg26[%swap3A_348, %swap3A_349], %swap3A_352 {strides = array<i32>} : memref<80x128xf32, #tpu.memory_space<vmem>>, vector<1x16xf32>,
            %get3A_353 = arith.index_cast %add3A_205 : i32 to index
            %get3A_354 = arith.constant 32 : index
            %get3A_355 = tpu.vector_load %arg16[%get3A_353, %get3A_354] {strides = array<i32>} : memref<80x128xf32, #tpu.memory_space<vmem>>, vector<1x16xf32>,
            %get3A_356 = vector.shape_cast %get3A_355 : vector<1x16xf32> to vector<16xf32>
            %get3A_357 = arith.index_cast %add3A_205 : i32 to index
            %get3A_358 = arith.constant 32 : index
            %get3A_359 = tpu.vector_load %arg17[%get3A_357, %get3A_358] {strides = array<i32>} : memref<80x128xf32, #tpu.memory_space<vmem>>, vector<1x16xf32>,
            %get3A_360 = vector.shape_cast %get3A_359 : vector<1x16xf32> to vector<16xf32>
            %get3A_361 = arith.index_cast %add3A_205 : i32 to index
            %get3A_362 = arith.constant 96 : index
            %get3A_363 = tpu.vector_load %arg17[%get3A_361, %get3A_362] {strides = array<i32>} : memref<80x128xf32, #tpu.memory_space<vmem>>, vector<1x16xf32>,
            %get3A_364 = vector.shape_cast %get3A_363 : vector<1x16xf32> to vector<16xf32>
            %get3A_365 = arith.index_cast %add3A_205 : i32 to index
            %get3A_366 = arith.constant 32 : index
            %get3A_367 = tpu.vector_load %arg18[%get3A_365, %get3A_366] {strides = array<i32>} : memref<80x64xf32, #tpu.memory_space<vmem>>, vector<1x16xf32>,
            %get3A_368 = vector.shape_cast %get3A_367 : vector<1x16xf32> to vector<16xf32>
            %add3A_369 = arith.addf %get3A_360, %get3A_368 : vector<16xf32>
            %mul3A_370 = arith.mulf %get3A_356, %add3A_369 : vector<16xf32>
            %xor3A_371 = arith.constant 1 : i32
            %xor3A_372 = vector.broadcast %xor3A_371 : i32 to vector<16xi32>
            %xor3A_373 = arith.xori %iota3A, %xor3A_372 : vector<16xi32>
            %broadcast_in_dim3A_374 = vector.shape_cast %xor3A_373 : vector<16xi32> to vector<16x1xi32>
            %gather3A_375 = vector.shape_cast %broadcast_in_dim3A_374 : vector<16x1xi32> to vector<16xi32>
            %gather3A_376 = tpu.dynamic_gather %mul3A_370[%gather3A_375] in [0] : vector<16xf32>, vector<16xi32> -> vector<16xf32>
            %add3A_377 = arith.addf %mul3A_370, %gather3A_376 : vector<16xf32>
            %xor3A_378 = arith.constant 2 : i32
            %xor3A_379 = vector.broadcast %xor3A_378 : i32 to vector<16xi32>
            %xor3A_380 = arith.xori %iota3A, %xor3A_379 : vector<16xi32>
            %broadcast_in_dim3A_381 = vector.shape_cast %xor3A_380 : vector<16xi32> to vector<16x1xi32>
            %gather3A_382 = vector.shape_cast %broadcast_in_dim3A_381 : vector<16x1xi32> to vector<16xi32>
            %gather3A_383 = tpu.dynamic_gather %add3A_377[%gather3A_382] in [0] : vector<16xf32>, vector<16xi32> -> vector<16xf32>
            %add3A_384 = arith.addf %add3A_377, %gather3A_383 : vector<16xf32>
            %xor3A_385 = arith.constant 4 : i32
            %xor3A_386 = vector.broadcast %xor3A_385 : i32 to vector<16xi32>
            %xor3A_387 = arith.xori %iota3A, %xor3A_386 : vector<16xi32>
            %broadcast_in_dim3A_388 = vector.shape_cast %xor3A_387 : vector<16xi32> to vector<16x1xi32>
            %gather3A_389 = vector.shape_cast %broadcast_in_dim3A_388 : vector<16x1xi32> to vector<16xi32>
            %gather3A_390 = tpu.dynamic_gather %add3A_384[%gather3A_389] in [0] : vector<16xf32>, vector<16xi32> -> vector<16xf32>
            %add3A_391 = arith.addf %add3A_384, %gather3A_390 : vector<16xf32>
            %xor3A_392 = arith.constant 8 : i32
            %xor3A_393 = vector.broadcast %xor3A_392 : i32 to vector<16xi32>
            %xor3A_394 = arith.xori %iota3A, %xor3A_393 : vector<16xi32>
            %broadcast_in_dim3A_395 = vector.shape_cast %xor3A_394 : vector<16xi32> to vector<16x1xi32>
            %gather3A_396 = vector.shape_cast %broadcast_in_dim3A_395 : vector<16x1xi32> to vector<16xi32>
            %gather3A_397 = tpu.dynamic_gather %add3A_391[%gather3A_396] in [0] : vector<16xf32>, vector<16xi32> -> vector<16xf32>
            %add3A_398 = arith.addf %add3A_391, %gather3A_397 : vector<16xf32>
            %mul3A_399 = arith.constant 2.500000e-01 : f32
            %mul3A_400 = vector.broadcast %mul3A_399 : f32 to vector<16xf32>
            %mul3A_401 = arith.mulf %add3A_398, %mul3A_400 : vector<16xf32>
            %max3A_402 = arith.constant 0.000000e+00 : f32
            %max3A_403 = vector.broadcast %max3A_402 : f32 to vector<16xf32>
            %max3A_404 = arith.maximumf %mul3A_401, %max3A_403 : vector<16xf32>
            %eq3A_405 = arith.constant 2 : i32
            %eq3A_406 = vector.broadcast %eq3A_405 : i32 to vector<16xi32>
            %eq3A_407 = arith.cmpi eq, %iota3A, %eq3A_406 : vector<16xi32>
            %select_n3A_408 = arith.select %eq3A_407, %max3A_404, %select_n3A_335 : vector<16xi1>, vector<16xf32>
            %add3A_409 = arith.addf %get3A_364, %get3A_368 : vector<16xf32>
            %mul3A_410 = arith.mulf %max3A_404, %add3A_409 : vector<16xf32>
            %sub3A_411 = arith.constant 1.000000e+00 : f32
            %sub3A_412 = vector.broadcast %sub3A_411 : f32 to vector<16xf32>
            %sub3A_413 = arith.subf %sub3A_412, %convert_element_type3A_211 : vector<16xf32>
            %mul3A_414 = arith.mulf %mul3A_410, %sub3A_413 : vector<16xf32>
            %swap3A_415 = arith.index_cast %add3A_205 : i32 to index
            %swap3A_416 = arith.constant 32 : index
            %swap3A_417 = tpu.vector_load %arg26[%swap3A_415, %swap3A_416] {strides = array<i32>} : memref<80x128xf32, #tpu.memory_space<vmem>>, vector<1x16xf32>,
            %swap3A_418 = vector.shape_cast %swap3A_417 : vector<1x16xf32> to vector<16xf32>
            %swap3A_419 = vector.shape_cast %mul3A_414 : vector<16xf32> to vector<1x16xf32>
            tpu.vector_store %arg26[%swap3A_415, %swap3A_416], %swap3A_419 {strides = array<i32>} : memref<80x128xf32, #tpu.memory_space<vmem>>, vector<1x16xf32>,
            %mul3A_420 = arith.mulf %mul3A_410, %convert_element_type3A_211 : vector<16xf32>
            %swap3A_421 = arith.index_cast %add3A_205 : i32 to index
            %swap3A_422 = arith.constant 96 : index
            %swap3A_423 = tpu.vector_load %arg26[%swap3A_421, %swap3A_422] {strides = array<i32>} : memref<80x128xf32, #tpu.memory_space<vmem>>, vector<1x16xf32>,
            %swap3A_424 = vector.shape_cast %swap3A_423 : vector<1x16xf32> to vector<16xf32>
            %swap3A_425 = vector.shape_cast %mul3A_420 : vector<16xf32> to vector<1x16xf32>
            tpu.vector_store %arg26[%swap3A_421, %swap3A_422], %swap3A_425 {strides = array<i32>} : memref<80x128xf32, #tpu.memory_space<vmem>>, vector<1x16xf32>,
            %get3A_426 = arith.index_cast %add3A_205 : i32 to index
            %get3A_427 = arith.constant 48 : index
            %get3A_428 = tpu.vector_load %arg16[%get3A_426, %get3A_427] {strides = array<i32>} : memref<80x128xf32, #tpu.memory_space<vmem>>, vector<1x16xf32>,
            %get3A_429 = vector.shape_cast %get3A_428 : vector<1x16xf32> to vector<16xf32>
            %get3A_430 = arith.index_cast %add3A_205 : i32 to index
            %get3A_431 = arith.constant 48 : index
            %get3A_432 = tpu.vector_load %arg17[%get3A_430, %get3A_431] {strides = array<i32>} : memref<80x128xf32, #tpu.memory_space<vmem>>, vector<1x16xf32>,
            %get3A_433 = vector.shape_cast %get3A_432 : vector<1x16xf32> to vector<16xf32>
            %get3A_434 = arith.index_cast %add3A_205 : i32 to index
            %get3A_435 = arith.constant 112 : index
            %get3A_436 = tpu.vector_load %arg17[%get3A_434, %get3A_435] {strides = array<i32>} : memref<80x128xf32, #tpu.memory_space<vmem>>, vector<1x16xf32>,
            %get3A_437 = vector.shape_cast %get3A_436 : vector<1x16xf32> to vector<16xf32>
            %get3A_438 = arith.index_cast %add3A_205 : i32 to index
            %get3A_439 = arith.constant 48 : index
            %get3A_440 = tpu.vector_load %arg18[%get3A_438, %get3A_439] {strides = array<i32>} : memref<80x64xf32, #tpu.memory_space<vmem>>, vector<1x16xf32>,
            %get3A_441 = vector.shape_cast %get3A_440 : vector<1x16xf32> to vector<16xf32>
            %add3A_442 = arith.addf %get3A_433, %get3A_441 : vector<16xf32>
            %mul3A_443 = arith.mulf %get3A_429, %add3A_442 : vector<16xf32>
            %xor3A_444 = arith.constant 1 : i32
            %xor3A_445 = vector.broadcast %xor3A_444 : i32 to vector<16xi32>
            %xor3A_446 = arith.xori %iota3A, %xor3A_445 : vector<16xi32>
            %broadcast_in_dim3A_447 = vector.shape_cast %xor3A_446 : vector<16xi32> to vector<16x1xi32>
            %gather3A_448 = vector.shape_cast %broadcast_in_dim3A_447 : vector<16x1xi32> to vector<16xi32>
            %gather3A_449 = tpu.dynamic_gather %mul3A_443[%gather3A_448] in [0] : vector<16xf32>, vector<16xi32> -> vector<16xf32>
            %add3A_450 = arith.addf %mul3A_443, %gather3A_449 : vector<16xf32>
            %xor3A_451 = arith.constant 2 : i32
            %xor3A_452 = vector.broadcast %xor3A_451 : i32 to vector<16xi32>
            %xor3A_453 = arith.xori %iota3A, %xor3A_452 : vector<16xi32>
            %broadcast_in_dim3A_454 = vector.shape_cast %xor3A_453 : vector<16xi32> to vector<16x1xi32>
            %gather3A_455 = vector.shape_cast %broadcast_in_dim3A_454 : vector<16x1xi32> to vector<16xi32>
            %gather3A_456 = tpu.dynamic_gather %add3A_450[%gather3A_455] in [0] : vector<16xf32>, vector<16xi32> -> vector<16xf32>
            %add3A_457 = arith.addf %add3A_450, %gather3A_456 : vector<16xf32>
            %xor3A_458 = arith.constant 4 : i32
            %xor3A_459 = vector.broadcast %xor3A_458 : i32 to vector<16xi32>
            %xor3A_460 = arith.xori %iota3A, %xor3A_459 : vector<16xi32>
            %broadcast_in_dim3A_461 = vector.shape_cast %xor3A_460 : vector<16xi32> to vector<16x1xi32>
            %gather3A_462 = vector.shape_cast %broadcast_in_dim3A_461 : vector<16x1xi32> to vector<16xi32>
            %gather3A_463 = tpu.dynamic_gather %add3A_457[%gather3A_462] in [0] : vector<16xf32>, vector<16xi32> -> vector<16xf32>
            %add3A_464 = arith.addf %add3A_457, %gather3A_463 : vector<16xf32>
            %xor3A_465 = arith.constant 8 : i32
            %xor3A_466 = vector.broadcast %xor3A_465 : i32 to vector<16xi32>
            %xor3A_467 = arith.xori %iota3A, %xor3A_466 : vector<16xi32>
            %broadcast_in_dim3A_468 = vector.shape_cast %xor3A_467 : vector<16xi32> to vector<16x1xi32>
            %gather3A_469 = vector.shape_cast %broadcast_in_dim3A_468 : vector<16x1xi32> to vector<16xi32>
            %gather3A_470 = tpu.dynamic_gather %add3A_464[%gather3A_469] in [0] : vector<16xf32>, vector<16xi32> -> vector<16xf32>
            %add3A_471 = arith.addf %add3A_464, %gather3A_470 : vector<16xf32>
            %mul3A_472 = arith.constant 2.500000e-01 : f32
            %mul3A_473 = vector.broadcast %mul3A_472 : f32 to vector<16xf32>
            %mul3A_474 = arith.mulf %add3A_471, %mul3A_473 : vector<16xf32>
            %max3A_475 = arith.constant 0.000000e+00 : f32
            %max3A_476 = vector.broadcast %max3A_475 : f32 to vector<16xf32>
            %max3A_477 = arith.maximumf %mul3A_474, %max3A_476 : vector<16xf32>
            %eq3A_478 = arith.constant 3 : i32
            %eq3A_479 = vector.broadcast %eq3A_478 : i32 to vector<16xi32>
            %eq3A_480 = arith.cmpi eq, %iota3A, %eq3A_479 : vector<16xi32>
            %select_n3A_481 = arith.select %eq3A_480, %max3A_477, %select_n3A_408 : vector<16xi1>, vector<16xf32>
            %add3A_482 = arith.addf %get3A_437, %get3A_441 : vector<16xf32>
            %mul3A_483 = arith.mulf %max3A_477, %add3A_482 : vector<16xf32>
            %sub3A_484 = arith.constant 1.000000e+00 : f32
            %sub3A_485 = vector.broadcast %sub3A_484 : f32 to vector<16xf32>
            %sub3A_486 = arith.subf %sub3A_485, %convert_element_type3A_211 : vector<16xf32>
            %mul3A_487 = arith.mulf %mul3A_483, %sub3A_486 : vector<16xf32>
            %swap3A_488 = arith.index_cast %add3A_205 : i32 to index
            %swap3A_489 = arith.constant 48 : index
            %swap3A_490 = tpu.vector_load %arg26[%swap3A_488, %swap3A_489] {strides = array<i32>} : memref<80x128xf32, #tpu.memory_space<vmem>>, vector<1x16xf32>,
            %swap3A_491 = vector.shape_cast %swap3A_490 : vector<1x16xf32> to vector<16xf32>
            %swap3A_492 = vector.shape_cast %mul3A_487 : vector<16xf32> to vector<1x16xf32>
            tpu.vector_store %arg26[%swap3A_488, %swap3A_489], %swap3A_492 {strides = array<i32>} : memref<80x128xf32, #tpu.memory_space<vmem>>, vector<1x16xf32>,
            %mul3A_493 = arith.mulf %mul3A_483, %convert_element_type3A_211 : vector<16xf32>
            %swap3A_494 = arith.index_cast %add3A_205 : i32 to index
            %swap3A_495 = arith.constant 112 : index
            %swap3A_496 = tpu.vector_load %arg26[%swap3A_494, %swap3A_495] {strides = array<i32>} : memref<80x128xf32, #tpu.memory_space<vmem>>, vector<1x16xf32>,
            %swap3A_497 = vector.shape_cast %swap3A_496 : vector<1x16xf32> to vector<16xf32>
            %swap3A_498 = vector.shape_cast %mul3A_493 : vector<16xf32> to vector<1x16xf32>
            tpu.vector_store %arg26[%swap3A_494, %swap3A_495], %swap3A_498 {strides = array<i32>} : memref<80x128xf32, #tpu.memory_space<vmem>>, vector<1x16xf32>,
            %and3A_499 = arith.constant 3 : i32
            %and3A_500 = vector.broadcast %and3A_499 : i32 to vector<16xi32>
            %and3A_501 = arith.andi %gather3A_208, %and3A_500 : vector<16xi32>
            %mul3A_502 = arith.constant 4 : i32
            %mul3A_503 = vector.broadcast %mul3A_502 : i32 to vector<16xi32>
            %mul3A_504 = arith.muli %mul3A_503, %and3A_501 : vector<16xi32>
            %sub3A_505 = arith.subi %iota3A, %mul3A_504 : vector<16xi32>
            %and3A_506 = arith.constant 15 : i32
            %and3A_507 = vector.broadcast %and3A_506 : i32 to vector<16xi32>
            %and3A_508 = arith.andi %sub3A_505, %and3A_507 : vector<16xi32>
            %broadcast_in_dim3A_509 = vector.shape_cast %and3A_508 : vector<16xi32> to vector<16x1xi32>
            %gather3A_510 = vector.shape_cast %broadcast_in_dim3A_509 : vector<16x1xi32> to vector<16xi32>
            %gather3A_511 = tpu.dynamic_gather %select_n3A_481[%gather3A_510] in [0] : vector<16xf32>, vector<16xi32> -> vector<16xf32>
            %shift_right_logical3A = arith.constant 2 : i32
            %shift_right_logical3A_512 = vector.broadcast %shift_right_logical3A : i32 to vector<16xi32>
            %shift_right_logical3A_513 = arith.shrui %gather3A_208, %shift_right_logical3A_512 : vector<16xi32>
            %and3A_514 = arith.constant 7 : i32
            %and3A_515 = vector.broadcast %and3A_514 : i32 to vector<16xi32>
            %and3A_516 = arith.andi %shift_right_logical3A_513, %and3A_515 : vector<16xi32>
            %convert_element_type3A_517 = arith.sitofp %and3A_516 : vector<16xi32> to vector<16xf32>
            %sub3A_518 = arith.constant 0.000000e+00 : f32
            %sub3A_519 = vector.broadcast %sub3A_518 : f32 to vector<16xf32>
            %sub3A_520 = arith.subf %convert_element_type3A_517, %sub3A_519 : vector<16xf32>
            %mul3A_521 = arith.mulf %sub3A_520, %sub3A_520 : vector<16xf32>
            %sub3A_522 = arith.constant 1.000000e+00 : f32
            %sub3A_523 = vector.broadcast %sub3A_522 : f32 to vector<16xf32>
            %sub3A_524 = arith.subf %sub3A_523, %mul3A_521 : vector<16xf32>
            %max3A_525 = arith.constant 0.000000e+00 : f32
            %max3A_526 = vector.broadcast %max3A_525 : f32 to vector<16xf32>
            %max3A_527 = arith.maximumf %sub3A_524, %max3A_526 : vector<16xf32>
            %mul3A_528 = arith.mulf %gather3A_511, %max3A_527 : vector<16xf32>
            %swap3A_529 = arith.index_cast %add3A_205 : i32 to index
            %swap3A_530 = arith.constant 0 : index
            %swap3A_531 = tpu.vector_load %arg27[%swap3A_529, %swap3A_530] {strides = array<i32>} : memref<80x128xf32, #tpu.memory_space<vmem>>, vector<1x16xf32>,
            %swap3A_532 = vector.shape_cast %swap3A_531 : vector<1x16xf32> to vector<16xf32>
            %swap3A_533 = vector.shape_cast %mul3A_528 : vector<16xf32> to vector<1x16xf32>
            tpu.vector_store %arg27[%swap3A_529, %swap3A_530], %swap3A_533 {strides = array<i32>} : memref<80x128xf32, #tpu.memory_space<vmem>>, vector<1x16xf32>,
            %sub3A_534 = arith.constant 1.000000e+00 : f32
            %sub3A_535 = vector.broadcast %sub3A_534 : f32 to vector<16xf32>
            %sub3A_536 = arith.subf %convert_element_type3A_517, %sub3A_535 : vector<16xf32>
            %mul3A_537 = arith.mulf %sub3A_536, %sub3A_536 : vector<16xf32>
            %sub3A_538 = arith.constant 1.000000e+00 : f32
            %sub3A_539 = vector.broadcast %sub3A_538 : f32 to vector<16xf32>
            %sub3A_540 = arith.subf %sub3A_539, %mul3A_537 : vector<16xf32>
            %max3A_541 = arith.constant 0.000000e+00 : f32
            %max3A_542 = vector.broadcast %max3A_541 : f32 to vector<16xf32>
            %max3A_543 = arith.maximumf %sub3A_540, %max3A_542 : vector<16xf32>
            %mul3A_544 = arith.mulf %gather3A_511, %max3A_543 : vector<16xf32>
            %swap3A_545 = arith.index_cast %add3A_205 : i32 to index
            %swap3A_546 = arith.constant 16 : index
            %swap3A_547 = tpu.vector_load %arg27[%swap3A_545, %swap3A_546] {strides = array<i32>} : memref<80x128xf32, #tpu.memory_space<vmem>>, vector<1x16xf32>,
            %swap3A_548 = vector.shape_cast %swap3A_547 : vector<1x16xf32> to vector<16xf32>
            %swap3A_549 = vector.shape_cast %mul3A_544 : vector<16xf32> to vector<1x16xf32>
            tpu.vector_store %arg27[%swap3A_545, %swap3A_546], %swap3A_549 {strides = array<i32>} : memref<80x128xf32, #tpu.memory_space<vmem>>, vector<1x16xf32>,
            %sub3A_550 = arith.constant 2.000000e+00 : f32
            %sub3A_551 = vector.broadcast %sub3A_550 : f32 to vector<16xf32>
            %sub3A_552 = arith.subf %convert_element_type3A_517, %sub3A_551 : vector<16xf32>
            %mul3A_553 = arith.mulf %sub3A_552, %sub3A_552 : vector<16xf32>
            %sub3A_554 = arith.constant 1.000000e+00 : f32
            %sub3A_555 = vector.broadcast %sub3A_554 : f32 to vector<16xf32>
            %sub3A_556 = arith.subf %sub3A_555, %mul3A_553 : vector<16xf32>
            %max3A_557 = arith.constant 0.000000e+00 : f32
            %max3A_558 = vector.broadcast %max3A_557 : f32 to vector<16xf32>
            %max3A_559 = arith.maximumf %sub3A_556, %max3A_558 : vector<16xf32>
            %mul3A_560 = arith.mulf %gather3A_511, %max3A_559 : vector<16xf32>
            %swap3A_561 = arith.index_cast %add3A_205 : i32 to index
            %swap3A_562 = arith.constant 32 : index
            %swap3A_563 = tpu.vector_load %arg27[%swap3A_561, %swap3A_562] {strides = array<i32>} : memref<80x128xf32, #tpu.memory_space<vmem>>, vector<1x16xf32>,
            %swap3A_564 = vector.shape_cast %swap3A_563 : vector<1x16xf32> to vector<16xf32>
            %swap3A_565 = vector.shape_cast %mul3A_560 : vector<16xf32> to vector<1x16xf32>
            tpu.vector_store %arg27[%swap3A_561, %swap3A_562], %swap3A_565 {strides = array<i32>} : memref<80x128xf32, #tpu.memory_space<vmem>>, vector<1x16xf32>,
            %sub3A_566 = arith.constant 3.000000e+00 : f32
            %sub3A_567 = vector.broadcast %sub3A_566 : f32 to vector<16xf32>
            %sub3A_568 = arith.subf %convert_element_type3A_517, %sub3A_567 : vector<16xf32>
            %mul3A_569 = arith.mulf %sub3A_568, %sub3A_568 : vector<16xf32>
            %sub3A_570 = arith.constant 1.000000e+00 : f32
            %sub3A_571 = vector.broadcast %sub3A_570 : f32 to vector<16xf32>
            %sub3A_572 = arith.subf %sub3A_571, %mul3A_569 : vector<16xf32>
            %max3A_573 = arith.constant 0.000000e+00 : f32
            %max3A_574 = vector.broadcast %max3A_573 : f32 to vector<16xf32>
            %max3A_575 = arith.maximumf %sub3A_572, %max3A_574 : vector<16xf32>
            %mul3A_576 = arith.mulf %gather3A_511, %max3A_575 : vector<16xf32>
            %swap3A_577 = arith.index_cast %add3A_205 : i32 to index
            %swap3A_578 = arith.constant 48 : index
            %swap3A_579 = tpu.vector_load %arg27[%swap3A_577, %swap3A_578] {strides = array<i32>} : memref<80x128xf32, #tpu.memory_space<vmem>>, vector<1x16xf32>,
            %swap3A_580 = vector.shape_cast %swap3A_579 : vector<1x16xf32> to vector<16xf32>
            %swap3A_581 = vector.shape_cast %mul3A_576 : vector<16xf32> to vector<1x16xf32>
            tpu.vector_store %arg27[%swap3A_577, %swap3A_578], %swap3A_581 {strides = array<i32>} : memref<80x128xf32, #tpu.memory_space<vmem>>, vector<1x16xf32>,
            %sub3A_582 = arith.constant 4.000000e+00 : f32
            %sub3A_583 = vector.broadcast %sub3A_582 : f32 to vector<16xf32>
            %sub3A_584 = arith.subf %convert_element_type3A_517, %sub3A_583 : vector<16xf32>
            %mul3A_585 = arith.mulf %sub3A_584, %sub3A_584 : vector<16xf32>
            %sub3A_586 = arith.constant 1.000000e+00 : f32
            %sub3A_587 = vector.broadcast %sub3A_586 : f32 to vector<16xf32>
            %sub3A_588 = arith.subf %sub3A_587, %mul3A_585 : vector<16xf32>
            %max3A_589 = arith.constant 0.000000e+00 : f32
            %max3A_590 = vector.broadcast %max3A_589 : f32 to vector<16xf32>
            %max3A_591 = arith.maximumf %sub3A_588, %max3A_590 : vector<16xf32>
            %mul3A_592 = arith.mulf %gather3A_511, %max3A_591 : vector<16xf32>
            %swap3A_593 = arith.index_cast %add3A_205 : i32 to index
            %swap3A_594 = arith.constant 64 : index
            %swap3A_595 = tpu.vector_load %arg27[%swap3A_593, %swap3A_594] {strides = array<i32>} : memref<80x128xf32, #tpu.memory_space<vmem>>, vector<1x16xf32>,
            %swap3A_596 = vector.shape_cast %swap3A_595 : vector<1x16xf32> to vector<16xf32>
            %swap3A_597 = vector.shape_cast %mul3A_592 : vector<16xf32> to vector<1x16xf32>
            tpu.vector_store %arg27[%swap3A_593, %swap3A_594], %swap3A_597 {strides = array<i32>} : memref<80x128xf32, #tpu.memory_space<vmem>>, vector<1x16xf32>,
            %sub3A_598 = arith.constant 5.000000e+00 : f32
            %sub3A_599 = vector.broadcast %sub3A_598 : f32 to vector<16xf32>
            %sub3A_600 = arith.subf %convert_element_type3A_517, %sub3A_599 : vector<16xf32>
            %mul3A_601 = arith.mulf %sub3A_600, %sub3A_600 : vector<16xf32>
            %sub3A_602 = arith.constant 1.000000e+00 : f32
            %sub3A_603 = vector.broadcast %sub3A_602 : f32 to vector<16xf32>
            %sub3A_604 = arith.subf %sub3A_603, %mul3A_601 : vector<16xf32>
            %max3A_605 = arith.constant 0.000000e+00 : f32
            %max3A_606 = vector.broadcast %max3A_605 : f32 to vector<16xf32>
            %max3A_607 = arith.maximumf %sub3A_604, %max3A_606 : vector<16xf32>
            %mul3A_608 = arith.mulf %gather3A_511, %max3A_607 : vector<16xf32>
            %swap3A_609 = arith.index_cast %add3A_205 : i32 to index
            %swap3A_610 = arith.constant 80 : index
            %swap3A_611 = tpu.vector_load %arg27[%swap3A_609, %swap3A_610] {strides = array<i32>} : memref<80x128xf32, #tpu.memory_space<vmem>>, vector<1x16xf32>,
            %swap3A_612 = vector.shape_cast %swap3A_611 : vector<1x16xf32> to vector<16xf32>
            %swap3A_613 = vector.shape_cast %mul3A_608 : vector<16xf32> to vector<1x16xf32>
            tpu.vector_store %arg27[%swap3A_609, %swap3A_610], %swap3A_613 {strides = array<i32>} : memref<80x128xf32, #tpu.memory_space<vmem>>, vector<1x16xf32>,
            %sub3A_614 = arith.constant 6.000000e+00 : f32
            %sub3A_615 = vector.broadcast %sub3A_614 : f32 to vector<16xf32>
            %sub3A_616 = arith.subf %convert_element_type3A_517, %sub3A_615 : vector<16xf32>
            %mul3A_617 = arith.mulf %sub3A_616, %sub3A_616 : vector<16xf32>
            %sub3A_618 = arith.constant 1.000000e+00 : f32
            %sub3A_619 = vector.broadcast %sub3A_618 : f32 to vector<16xf32>
            %sub3A_620 = arith.subf %sub3A_619, %mul3A_617 : vector<16xf32>
            %max3A_621 = arith.constant 0.000000e+00 : f32
            %max3A_622 = vector.broadcast %max3A_621 : f32 to vector<16xf32>
            %max3A_623 = arith.maximumf %sub3A_620, %max3A_622 : vector<16xf32>
            %mul3A_624 = arith.mulf %gather3A_511, %max3A_623 : vector<16xf32>
            %swap3A_625 = arith.index_cast %add3A_205 : i32 to index
            %swap3A_626 = arith.constant 96 : index
            %swap3A_627 = tpu.vector_load %arg27[%swap3A_625, %swap3A_626] {strides = array<i32>} : memref<80x128xf32, #tpu.memory_space<vmem>>, vector<1x16xf32>,
            %swap3A_628 = vector.shape_cast %swap3A_627 : vector<1x16xf32> to vector<16xf32>
            %swap3A_629 = vector.shape_cast %mul3A_624 : vector<16xf32> to vector<1x16xf32>
            tpu.vector_store %arg27[%swap3A_625, %swap3A_626], %swap3A_629 {strides = array<i32>} : memref<80x128xf32, #tpu.memory_space<vmem>>, vector<1x16xf32>,
            %sub3A_630 = arith.constant 7.000000e+00 : f32
            %sub3A_631 = vector.broadcast %sub3A_630 : f32 to vector<16xf32>
            %sub3A_632 = arith.subf %convert_element_type3A_517, %sub3A_631 : vector<16xf32>
            %mul3A_633 = arith.mulf %sub3A_632, %sub3A_632 : vector<16xf32>
            %sub3A_634 = arith.constant 1.000000e+00 : f32
            %sub3A_635 = vector.broadcast %sub3A_634 : f32 to vector<16xf32>
            %sub3A_636 = arith.subf %sub3A_635, %mul3A_633 : vector<16xf32>
            %max3A_637 = arith.constant 0.000000e+00 : f32
            %max3A_638 = vector.broadcast %max3A_637 : f32 to vector<16xf32>
            %max3A_639 = arith.maximumf %sub3A_636, %max3A_638 : vector<16xf32>
            %mul3A_640 = arith.mulf %gather3A_511, %max3A_639 : vector<16xf32>
            %swap3A_641 = arith.index_cast %add3A_205 : i32 to index
            %swap3A_642 = arith.constant 112 : index
            %swap3A_643 = tpu.vector_load %arg27[%swap3A_641, %swap3A_642] {strides = array<i32>} : memref<80x128xf32, #tpu.memory_space<vmem>>, vector<1x16xf32>,
            %swap3A_644 = vector.shape_cast %swap3A_643 : vector<1x16xf32> to vector<16xf32>
            %swap3A_645 = vector.shape_cast %mul3A_640 : vector<16xf32> to vector<1x16xf32>
            tpu.vector_store %arg27[%swap3A_641, %swap3A_642], %swap3A_645 {strides = array<i32>} : memref<80x128xf32, #tpu.memory_space<vmem>>, vector<1x16xf32>,
          }
          %scan3A_201 = arith.constant 16 : i32
        }
        %scan3A_124 = arith.constant 5 : i32
        %dma_start3A_125 = arith.constant 0 : i32
        %dma_start3A_126 = arith.constant 0 : i32
        %dma_start3A_127 = tpu.memref_slice %arg35[%dma_start3A_125, %dma_start3A_126] : memref<5000x128xf32, #tpu.memory_space<vmem_shared>> -> memref<5000x128xf32, #tpu.memory_space<vmem_shared>>
        tpu.enqueue_indirect_dma source(%arg26 : memref<80x128xf32, #tpu.memory_space<vmem>>) target(%dma_start3A_127 : memref<5000x128xf32, #tpu.memory_space<vmem_shared>>) offsets(%arg24 : memref<80xi32, #tpu.memory_space<vmem>>) semaphore(%arg34 : memref<!tpu.dma_semaphore, #tpu.memory_space<semaphore_mem>>) {add = true}
        %dma_start3A_128 = arith.constant 0 : i32
        %dma_start3A_129 = arith.constant 0 : i32
        %dma_start3A_130 = tpu.memref_slice %arg36[%dma_start3A_128, %dma_start3A_129] : memref<320x128xf32, #tpu.memory_space<vmem_shared>> -> memref<320x128xf32, #tpu.memory_space<vmem_shared>>
        tpu.enqueue_indirect_dma source(%arg27 : memref<80x128xf32, #tpu.memory_space<vmem>>) target(%dma_start3A_130 : memref<320x128xf32, #tpu.memory_space<vmem_shared>>) offsets(%arg25 : memref<80xi32, #tpu.memory_space<vmem>>) semaphore(%arg34 : memref<!tpu.dma_semaphore, #tpu.memory_space<semaphore_mem>>) {add = true}
        %add3A_131 = arith.constant 2 : i32
        %add3A_132 = arith.addi %add3A_89, %add3A_131 : i32
        %lt3A_133 = arith.constant 250 : i32
        %lt3A_134 = arith.cmpi slt, %add3A_132, %lt3A_133 : i32
        %convert_element_type3A_135 = arith.extui %lt3A_134 : i1 to i32
        %cond3A_136 = arith.constant 0 : i32
        %cond3A_137 = arith.cmpi ne, %convert_element_type3A_135, %cond3A_136 : i32
        scf.if %cond3A_137 {
          %add3A_191 = arith.constant 2 : i32
          %add3A_192 = arith.addi %add3A_89, %add3A_191 : i32
          %mul3A_193 = arith.constant 80 : i32
          %mul3A_194 = arith.muli %add3A_192, %mul3A_193 : i32
          %add3A_195 = arith.addi %mul3A_16, %mul3A_194 : i32
          %dma_start3A_196 = tpu.memref_slice %arg3[%add3A_195] : memref<320000xi32, #tpu.memory_space<hbm>> -> memref<80xi32, #tpu.memory_space<hbm>>
          %dma_start3A_197 = tpu.memref_slice %arg3[%add3A_195] : memref<320000xi32, #tpu.memory_space<hbm>> -> memref<80xi32, #tpu.memory_space<hbm>>
          tpu.enqueue_dma source(%dma_start3A_197 : memref<80xi32, #tpu.memory_space<hbm>>) target(%arg14 : memref<80xi32, #tpu.memory_space<vmem>>) target_semaphore(%arg28 : memref<!tpu.dma_semaphore, #tpu.memory_space<semaphore_mem>>)
          %dma_start3A_198 = tpu.memref_slice %arg4[%add3A_195] : memref<320000xi32, #tpu.memory_space<hbm>> -> memref<80xi32, #tpu.memory_space<hbm>>
          %dma_start3A_199 = tpu.memref_slice %arg4[%add3A_195] : memref<320000xi32, #tpu.memory_space<hbm>> -> memref<80xi32, #tpu.memory_space<hbm>>
          tpu.enqueue_dma source(%dma_start3A_199 : memref<80xi32, #tpu.memory_space<hbm>>) target(%arg15 : memref<80xi32, #tpu.memory_space<vmem>>) target_semaphore(%arg28 : memref<!tpu.dma_semaphore, #tpu.memory_space<semaphore_mem>>)
          %dma_start3A_200 = arith.constant 0 : i32
          %dma_start3A_201 = tpu.memref_slice %arg6[%add3A_195, %dma_start3A_200] : memref<320000x64xf32, #tpu.memory_space<hbm>> -> memref<80x64xf32, #tpu.memory_space<hbm>>
          %dma_start3A_202 = arith.constant 0 : i32
          %dma_start3A_203 = tpu.memref_slice %arg6[%add3A_195, %dma_start3A_202] : memref<320000x64xf32, #tpu.memory_space<hbm>> -> memref<80x64xf32, #tpu.memory_space<hbm>>
          tpu.enqueue_dma source(%dma_start3A_203 : memref<80x64xf32, #tpu.memory_space<hbm>>) target(%arg18 : memref<80x64xf32, #tpu.memory_space<vmem>>) target_semaphore(%arg30 : memref<!tpu.dma_semaphore, #tpu.memory_space<semaphore_mem>>)
        } else {
        }
        %mul3A_138 = arith.constant 2 : i32
        %mul3A_139 = arith.muli %mul3A_138, %scan3A_85 : i32
        %add3A_140 = arith.constant 1 : i32
        %add3A_141 = arith.addi %mul3A_139, %add3A_140 : i32
        %add3A_142 = arith.constant 1 : i32
        %add3A_143 = arith.addi %add3A_141, %add3A_142 : i32
        %lt3A_144 = arith.constant 250 : i32
        %lt3A_145 = arith.cmpi slt, %add3A_143, %lt3A_144 : i32
        %convert_element_type3A_146 = arith.extui %lt3A_145 : i1 to i32
        %cond3A_147 = arith.constant 0 : i32
        %cond3A_148 = arith.cmpi ne, %convert_element_type3A_146, %cond3A_147 : i32
        scf.if %cond3A_148 {
          %dma_wait3A_191 = arith.constant 0 : i32
          %dma_wait3A_192 = tpu.memref_slice %arg3[%dma_wait3A_191] : memref<320000xi32, #tpu.memory_space<hbm>> -> memref<80xi32, #tpu.memory_space<hbm>>
          %dma_wait3A_193 = arith.constant 0 : i32
          %dma_wait3A_194 = tpu.memref_slice %arg3[%dma_wait3A_193] : memref<320000xi32, #tpu.memory_space<hbm>> -> memref<80xi32, #tpu.memory_space<hbm>>
          tpu.wait_dma2 semaphore(%arg28 : memref<!tpu.dma_semaphore, #tpu.memory_space<semaphore_mem>>) src(%dma_wait3A_194 : memref<80xi32, #tpu.memory_space<hbm>>) dst(%arg14 : memref<80xi32, #tpu.memory_space<vmem>>)
          %dma_wait3A_195 = arith.constant 0 : i32
          %dma_wait3A_196 = tpu.memref_slice %arg4[%dma_wait3A_195] : memref<320000xi32, #tpu.memory_space<hbm>> -> memref<80xi32, #tpu.memory_space<hbm>>
          %dma_wait3A_197 = arith.constant 0 : i32
          %dma_wait3A_198 = tpu.memref_slice %arg4[%dma_wait3A_197] : memref<320000xi32, #tpu.memory_space<hbm>> -> memref<80xi32, #tpu.memory_space<hbm>>
          tpu.wait_dma2 semaphore(%arg28 : memref<!tpu.dma_semaphore, #tpu.memory_space<semaphore_mem>>) src(%dma_wait3A_198 : memref<80xi32, #tpu.memory_space<hbm>>) dst(%arg15 : memref<80xi32, #tpu.memory_space<vmem>>)
          %dma_start3A_199 = arith.constant 0 : i32
          %dma_start3A_200 = arith.constant 0 : i32
          %dma_start3A_201 = tpu.memref_slice %arg5[%dma_start3A_199, %dma_start3A_200] : memref<10000x128xf32, #tpu.memory_space<hbm>> -> memref<10000x128xf32, #tpu.memory_space<hbm>>
          tpu.enqueue_indirect_dma source(%dma_start3A_201 : memref<10000x128xf32, #tpu.memory_space<hbm>>) target(%arg16 : memref<80x128xf32, #tpu.memory_space<vmem>>) offsets(%arg15 : memref<80xi32, #tpu.memory_space<vmem>>) semaphore(%arg29 : memref<!tpu.dma_semaphore, #tpu.memory_space<semaphore_mem>>)
          %dma_start3A_202 = arith.constant 0 : i32
          %dma_start3A_203 = arith.constant 0 : i32
          %dma_start3A_204 = tpu.memref_slice %arg8[%dma_start3A_202, %dma_start3A_203] : memref<10000x128xf32, #tpu.memory_space<hbm>> -> memref<10000x128xf32, #tpu.memory_space<hbm>>
          tpu.enqueue_indirect_dma source(%dma_start3A_204 : memref<10000x128xf32, #tpu.memory_space<hbm>>) target(%arg17 : memref<80x128xf32, #tpu.memory_space<vmem>>) offsets(%arg14 : memref<80xi32, #tpu.memory_space<vmem>>) semaphore(%arg29 : memref<!tpu.dma_semaphore, #tpu.memory_space<semaphore_mem>>)
        } else {
        }
        %dma_wait3A_149 = arith.constant 0 : i32
        %dma_wait3A_150 = arith.constant 0 : i32
        %dma_wait3A_151 = tpu.memref_slice %arg5[%dma_wait3A_149, %dma_wait3A_150] : memref<10000x128xf32, #tpu.memory_space<hbm>> -> memref<10000x128xf32, #tpu.memory_space<hbm>>
        tpu.wait_indirect_dma semaphore(%arg32 : memref<!tpu.dma_semaphore, #tpu.memory_space<semaphore_mem>>) src(%dma_wait3A_151 : memref<10000x128xf32, #tpu.memory_space<hbm>>) dst(%arg21 : memref<80x128xf32, #tpu.memory_space<vmem>>)
        %dma_wait3A_152 = arith.constant 0 : i32
        %dma_wait3A_153 = arith.constant 0 : i32
        %dma_wait3A_154 = tpu.memref_slice %arg8[%dma_wait3A_152, %dma_wait3A_153] : memref<10000x128xf32, #tpu.memory_space<hbm>> -> memref<10000x128xf32, #tpu.memory_space<hbm>>
        tpu.wait_indirect_dma semaphore(%arg32 : memref<!tpu.dma_semaphore, #tpu.memory_space<semaphore_mem>>) src(%dma_wait3A_154 : memref<10000x128xf32, #tpu.memory_space<hbm>>) dst(%arg22 : memref<80x128xf32, #tpu.memory_space<vmem>>)
        %dma_wait3A_155 = arith.constant 0 : i32
        %dma_wait3A_156 = arith.constant 0 : i32
        %dma_wait3A_157 = tpu.memref_slice %arg6[%dma_wait3A_155, %dma_wait3A_156] : memref<320000x64xf32, #tpu.memory_space<hbm>> -> memref<80x64xf32, #tpu.memory_space<hbm>>
        %dma_wait3A_158 = arith.constant 0 : i32
        %dma_wait3A_159 = arith.constant 0 : i32
        %dma_wait3A_160 = tpu.memref_slice %arg6[%dma_wait3A_158, %dma_wait3A_159] : memref<320000x64xf32, #tpu.memory_space<hbm>> -> memref<80x64xf32, #tpu.memory_space<hbm>>
        tpu.wait_dma2 semaphore(%arg33 : memref<!tpu.dma_semaphore, #tpu.memory_space<semaphore_mem>>) src(%dma_wait3A_160 : memref<80x64xf32, #tpu.memory_space<hbm>>) dst(%arg23 : memref<80x64xf32, #tpu.memory_space<vmem>>)
        %gt3A_161 = arith.constant 0 : i32
        %gt3A_162 = arith.cmpi sgt, %add3A_141, %gt3A_161 : i32
        %convert_element_type3A_163 = arith.extui %gt3A_162 : i1 to i32
        %cond3A_164 = arith.constant 0 : i32
        %cond3A_165 = arith.cmpi ne, %convert_element_type3A_163, %cond3A_164 : i32
        scf.if %cond3A_165 {
          %dma_wait3A_191 = arith.constant 0 : i32
          %dma_wait3A_192 = arith.constant 0 : i32
          %dma_wait3A_193 = tpu.memref_slice %arg35[%dma_wait3A_191, %dma_wait3A_192] : memref<5000x128xf32, #tpu.memory_space<vmem_shared>> -> memref<5000x128xf32, #tpu.memory_space<vmem_shared>>
          tpu.wait_indirect_dma semaphore(%arg34 : memref<!tpu.dma_semaphore, #tpu.memory_space<semaphore_mem>>) src(%arg26 : memref<80x128xf32, #tpu.memory_space<vmem>>) dst(%dma_wait3A_193 : memref<5000x128xf32, #tpu.memory_space<vmem_shared>>)
          %dma_wait3A_194 = arith.constant 0 : i32
          %dma_wait3A_195 = arith.constant 0 : i32
          %dma_wait3A_196 = tpu.memref_slice %arg36[%dma_wait3A_194, %dma_wait3A_195] : memref<320x128xf32, #tpu.memory_space<vmem_shared>> -> memref<320x128xf32, #tpu.memory_space<vmem_shared>>
          tpu.wait_indirect_dma semaphore(%arg34 : memref<!tpu.dma_semaphore, #tpu.memory_space<semaphore_mem>>) src(%arg27 : memref<80x128xf32, #tpu.memory_space<vmem>>) dst(%dma_wait3A_196 : memref<320x128xf32, #tpu.memory_space<vmem_shared>>)
        } else {
        }
        %scan3A_166 = arith.constant 0 : i32
        %scan3A_167 = arith.constant 0 : i32
        %scan3A_168 = arith.constant 5 : i32
        %scan3A_169 = arith.addi %scan3A_167, %scan3A_168 : i32
        %scan3A_170 = arith.constant 1 : i32
        scf.for %scan3A_191 = %scan3A_167 to %scan3A_169 step %scan3A_170  : i32 {
          %mul3A_192 = arith.constant 16 : i32
          %mul3A_193 = arith.muli %scan3A_191, %mul3A_192 : i32
          %get3A = arith.index_cast %mul3A_193 : i32 to index
          %get3A_194 = tpu.vector_load %arg20[%get3A] {strides = array<i32>} : memref<80xi32, #tpu.memory_space<vmem>>, vector<16xi32>,
          %get3A_195 = vector.shape_cast %get3A_194 : vector<16xi32> to vector<16xi32>
          %shift_right_logical3A = arith.constant 1 : i32
          %shift_right_logical3A_196 = vector.broadcast %shift_right_logical3A : i32 to vector<16xi32>
          %shift_right_logical3A_197 = arith.shrui %get3A_195, %shift_right_logical3A_196 : vector<16xi32>
          %mul3A_198 = arith.constant 16 : i32
          %mul3A_199 = arith.muli %scan3A_191, %mul3A_198 : i32
          %swap3A = arith.index_cast %mul3A_199 : i32 to index
          %swap3A_200 = tpu.vector_load %arg24[%swap3A] {strides = array<i32>} : memref<80xi32, #tpu.memory_space<vmem>>, vector<16xi32>,
          %swap3A_201 = vector.shape_cast %swap3A_200 : vector<16xi32> to vector<16xi32>
          %swap3A_202 = vector.shape_cast %shift_right_logical3A_197 : vector<16xi32> to vector<16xi32>
          tpu.vector_store %arg24[%swap3A], %swap3A_202 {strides = array<i32>} : memref<80xi32, #tpu.memory_space<vmem>>, vector<16xi32>,
          %shift_right_logical3A_203 = arith.constant 5 : i32
          %shift_right_logical3A_204 = vector.broadcast %shift_right_logical3A_203 : i32 to vector<16xi32>
          %shift_right_logical3A_205 = arith.shrui %get3A_195, %shift_right_logical3A_204 : vector<16xi32>
          %mul3A_206 = arith.constant 16 : i32
          %mul3A_207 = arith.muli %scan3A_191, %mul3A_206 : i32
          %swap3A_208 = arith.index_cast %mul3A_207 : i32 to index
          %swap3A_209 = tpu.vector_load %arg25[%swap3A_208] {strides = array<i32>} : memref<80xi32, #tpu.memory_space<vmem>>, vector<16xi32>,
          %swap3A_210 = vector.shape_cast %swap3A_209 : vector<16xi32> to vector<16xi32>
          %swap3A_211 = vector.shape_cast %shift_right_logical3A_205 : vector<16xi32> to vector<16xi32>
          tpu.vector_store %arg25[%swap3A_208], %swap3A_211 {strides = array<i32>} : memref<80xi32, #tpu.memory_space<vmem>>, vector<16xi32>,
        }
        %scan3A_171 = arith.constant 5 : i32
        %scan3A_172 = arith.constant 0 : i32
        %scan3A_173 = arith.constant 0 : i32
        %scan3A_174 = arith.constant 5 : i32
        %scan3A_175 = arith.addi %scan3A_173, %scan3A_174 : i32
        %scan3A_176 = arith.constant 1 : i32
        scf.for %scan3A_191 = %scan3A_173 to %scan3A_175 step %scan3A_176  : i32 {
          %mul3A_192 = arith.constant 16 : i32
          %mul3A_193 = arith.muli %scan3A_191, %mul3A_192 : i32
          %get3A = arith.index_cast %mul3A_193 : i32 to index
          %get3A_194 = tpu.vector_load %arg20[%get3A] {strides = array<i32>} : memref<80xi32, #tpu.memory_space<vmem>>, vector<16xi32>,
          %get3A_195 = vector.shape_cast %get3A_194 : vector<16xi32> to vector<16xi32>
          %scan3A_196 = arith.constant 0 : i32
          %scan3A_197 = arith.constant 0 : i32
          %scan3A_198 = arith.constant 16 : i32
          %scan3A_199 = arith.addi %scan3A_197, %scan3A_198 : i32
          %scan3A_200 = arith.constant 1 : i32
          scf.for %scan3A_202 = %scan3A_197 to %scan3A_199 step %scan3A_200  : i32 {
            %mul3A_203 = arith.constant 16 : i32
            %mul3A_204 = arith.muli %scan3A_191, %mul3A_203 : i32
            %add3A_205 = arith.addi %mul3A_204, %scan3A_202 : i32
            %broadcast_in_dim3A_206 = vector.broadcast %scan3A_202 : i32 to vector<16xi32>
            %broadcast_in_dim3A_207 = vector.shape_cast %broadcast_in_dim3A_206 : vector<16xi32> to vector<16x1xi32>
            %gather3A = vector.shape_cast %broadcast_in_dim3A_207 : vector<16x1xi32> to vector<16xi32>
            %gather3A_208 = tpu.dynamic_gather %get3A_195[%gather3A] in [0] : vector<16xi32>, vector<16xi32> -> vector<16xi32>
            %and3A = arith.constant 1 : i32
            %and3A_209 = vector.broadcast %and3A : i32 to vector<16xi32>
            %and3A_210 = arith.andi %gather3A_208, %and3A_209 : vector<16xi32>
            %convert_element_type3A_211 = arith.sitofp %and3A_210 : vector<16xi32> to vector<16xf32>
            %get3A_212 = arith.index_cast %add3A_205 : i32 to index
            %get3A_213 = arith.constant 0 : index
            %get3A_214 = tpu.vector_load %arg21[%get3A_212, %get3A_213] {strides = array<i32>} : memref<80x128xf32, #tpu.memory_space<vmem>>, vector<1x16xf32>,
            %get3A_215 = vector.shape_cast %get3A_214 : vector<1x16xf32> to vector<16xf32>
            %get3A_216 = arith.index_cast %add3A_205 : i32 to index
            %get3A_217 = arith.constant 0 : index
            %get3A_218 = tpu.vector_load %arg22[%get3A_216, %get3A_217] {strides = array<i32>} : memref<80x128xf32, #tpu.memory_space<vmem>>, vector<1x16xf32>,
            %get3A_219 = vector.shape_cast %get3A_218 : vector<1x16xf32> to vector<16xf32>
            %get3A_220 = arith.index_cast %add3A_205 : i32 to index
            %get3A_221 = arith.constant 64 : index
            %get3A_222 = tpu.vector_load %arg22[%get3A_220, %get3A_221] {strides = array<i32>} : memref<80x128xf32, #tpu.memory_space<vmem>>, vector<1x16xf32>,
            %get3A_223 = vector.shape_cast %get3A_222 : vector<1x16xf32> to vector<16xf32>
            %get3A_224 = arith.index_cast %add3A_205 : i32 to index
            %get3A_225 = arith.constant 0 : index
            %get3A_226 = tpu.vector_load %arg23[%get3A_224, %get3A_225] {strides = array<i32>} : memref<80x64xf32, #tpu.memory_space<vmem>>, vector<1x16xf32>,
            %get3A_227 = vector.shape_cast %get3A_226 : vector<1x16xf32> to vector<16xf32>
            %add3A_228 = arith.addf %get3A_219, %get3A_227 : vector<16xf32>
            %mul3A_229 = arith.mulf %get3A_215, %add3A_228 : vector<16xf32>
            %xor3A = arith.constant 1 : i32
            %xor3A_230 = vector.broadcast %xor3A : i32 to vector<16xi32>
            %xor3A_231 = arith.xori %iota3A, %xor3A_230 : vector<16xi32>
            %broadcast_in_dim3A_232 = vector.shape_cast %xor3A_231 : vector<16xi32> to vector<16x1xi32>
            %gather3A_233 = vector.shape_cast %broadcast_in_dim3A_232 : vector<16x1xi32> to vector<16xi32>
            %gather3A_234 = tpu.dynamic_gather %mul3A_229[%gather3A_233] in [0] : vector<16xf32>, vector<16xi32> -> vector<16xf32>
            %add3A_235 = arith.addf %mul3A_229, %gather3A_234 : vector<16xf32>
            %xor3A_236 = arith.constant 2 : i32
            %xor3A_237 = vector.broadcast %xor3A_236 : i32 to vector<16xi32>
            %xor3A_238 = arith.xori %iota3A, %xor3A_237 : vector<16xi32>
            %broadcast_in_dim3A_239 = vector.shape_cast %xor3A_238 : vector<16xi32> to vector<16x1xi32>
            %gather3A_240 = vector.shape_cast %broadcast_in_dim3A_239 : vector<16x1xi32> to vector<16xi32>
            %gather3A_241 = tpu.dynamic_gather %add3A_235[%gather3A_240] in [0] : vector<16xf32>, vector<16xi32> -> vector<16xf32>
            %add3A_242 = arith.addf %add3A_235, %gather3A_241 : vector<16xf32>
            %xor3A_243 = arith.constant 4 : i32
            %xor3A_244 = vector.broadcast %xor3A_243 : i32 to vector<16xi32>
            %xor3A_245 = arith.xori %iota3A, %xor3A_244 : vector<16xi32>
            %broadcast_in_dim3A_246 = vector.shape_cast %xor3A_245 : vector<16xi32> to vector<16x1xi32>
            %gather3A_247 = vector.shape_cast %broadcast_in_dim3A_246 : vector<16x1xi32> to vector<16xi32>
            %gather3A_248 = tpu.dynamic_gather %add3A_242[%gather3A_247] in [0] : vector<16xf32>, vector<16xi32> -> vector<16xf32>
            %add3A_249 = arith.addf %add3A_242, %gather3A_248 : vector<16xf32>
            %xor3A_250 = arith.constant 8 : i32
            %xor3A_251 = vector.broadcast %xor3A_250 : i32 to vector<16xi32>
            %xor3A_252 = arith.xori %iota3A, %xor3A_251 : vector<16xi32>
            %broadcast_in_dim3A_253 = vector.shape_cast %xor3A_252 : vector<16xi32> to vector<16x1xi32>
            %gather3A_254 = vector.shape_cast %broadcast_in_dim3A_253 : vector<16x1xi32> to vector<16xi32>
            %gather3A_255 = tpu.dynamic_gather %add3A_249[%gather3A_254] in [0] : vector<16xf32>, vector<16xi32> -> vector<16xf32>
            %add3A_256 = arith.addf %add3A_249, %gather3A_255 : vector<16xf32>
            %mul3A_257 = arith.constant 2.500000e-01 : f32
            %mul3A_258 = vector.broadcast %mul3A_257 : f32 to vector<16xf32>
            %mul3A_259 = arith.mulf %add3A_256, %mul3A_258 : vector<16xf32>
            %max3A = arith.constant 0.000000e+00 : f32
            %max3A_260 = vector.broadcast %max3A : f32 to vector<16xf32>
            %max3A_261 = arith.maximumf %mul3A_259, %max3A_260 : vector<16xf32>
            %eq3A_262 = arith.constant 0 : i32
            %eq3A_263 = vector.broadcast %eq3A_262 : i32 to vector<16xi32>
            %eq3A_264 = arith.cmpi eq, %iota3A, %eq3A_263 : vector<16xi32>
            %select_n3A = arith.select %eq3A_264, %max3A_261, %broadcast_in_dim3A_0 : vector<16xi1>, vector<16xf32>
            %add3A_265 = arith.addf %get3A_223, %get3A_227 : vector<16xf32>
            %mul3A_266 = arith.mulf %max3A_261, %add3A_265 : vector<16xf32>
            %sub3A = arith.constant 1.000000e+00 : f32
            %sub3A_267 = vector.broadcast %sub3A : f32 to vector<16xf32>
            %sub3A_268 = arith.subf %sub3A_267, %convert_element_type3A_211 : vector<16xf32>
            %mul3A_269 = arith.mulf %mul3A_266, %sub3A_268 : vector<16xf32>
            %swap3A = arith.index_cast %add3A_205 : i32 to index
            %swap3A_270 = arith.constant 0 : index
            %swap3A_271 = tpu.vector_load %arg26[%swap3A, %swap3A_270] {strides = array<i32>} : memref<80x128xf32, #tpu.memory_space<vmem>>, vector<1x16xf32>,
            %swap3A_272 = vector.shape_cast %swap3A_271 : vector<1x16xf32> to vector<16xf32>
            %swap3A_273 = vector.shape_cast %mul3A_269 : vector<16xf32> to vector<1x16xf32>
            tpu.vector_store %arg26[%swap3A, %swap3A_270], %swap3A_273 {strides = array<i32>} : memref<80x128xf32, #tpu.memory_space<vmem>>, vector<1x16xf32>,
            %mul3A_274 = arith.mulf %mul3A_266, %convert_element_type3A_211 : vector<16xf32>
            %swap3A_275 = arith.index_cast %add3A_205 : i32 to index
            %swap3A_276 = arith.constant 64 : index
            %swap3A_277 = tpu.vector_load %arg26[%swap3A_275, %swap3A_276] {strides = array<i32>} : memref<80x128xf32, #tpu.memory_space<vmem>>, vector<1x16xf32>,
            %swap3A_278 = vector.shape_cast %swap3A_277 : vector<1x16xf32> to vector<16xf32>
            %swap3A_279 = vector.shape_cast %mul3A_274 : vector<16xf32> to vector<1x16xf32>
            tpu.vector_store %arg26[%swap3A_275, %swap3A_276], %swap3A_279 {strides = array<i32>} : memref<80x128xf32, #tpu.memory_space<vmem>>, vector<1x16xf32>,
            %get3A_280 = arith.index_cast %add3A_205 : i32 to index
            %get3A_281 = arith.constant 16 : index
            %get3A_282 = tpu.vector_load %arg21[%get3A_280, %get3A_281] {strides = array<i32>} : memref<80x128xf32, #tpu.memory_space<vmem>>, vector<1x16xf32>,
            %get3A_283 = vector.shape_cast %get3A_282 : vector<1x16xf32> to vector<16xf32>
            %get3A_284 = arith.index_cast %add3A_205 : i32 to index
            %get3A_285 = arith.constant 16 : index
            %get3A_286 = tpu.vector_load %arg22[%get3A_284, %get3A_285] {strides = array<i32>} : memref<80x128xf32, #tpu.memory_space<vmem>>, vector<1x16xf32>,
            %get3A_287 = vector.shape_cast %get3A_286 : vector<1x16xf32> to vector<16xf32>
            %get3A_288 = arith.index_cast %add3A_205 : i32 to index
            %get3A_289 = arith.constant 80 : index
            %get3A_290 = tpu.vector_load %arg22[%get3A_288, %get3A_289] {strides = array<i32>} : memref<80x128xf32, #tpu.memory_space<vmem>>, vector<1x16xf32>,
            %get3A_291 = vector.shape_cast %get3A_290 : vector<1x16xf32> to vector<16xf32>
            %get3A_292 = arith.index_cast %add3A_205 : i32 to index
            %get3A_293 = arith.constant 16 : index
            %get3A_294 = tpu.vector_load %arg23[%get3A_292, %get3A_293] {strides = array<i32>} : memref<80x64xf32, #tpu.memory_space<vmem>>, vector<1x16xf32>,
            %get3A_295 = vector.shape_cast %get3A_294 : vector<1x16xf32> to vector<16xf32>
            %add3A_296 = arith.addf %get3A_287, %get3A_295 : vector<16xf32>
            %mul3A_297 = arith.mulf %get3A_283, %add3A_296 : vector<16xf32>
            %xor3A_298 = arith.constant 1 : i32
            %xor3A_299 = vector.broadcast %xor3A_298 : i32 to vector<16xi32>
            %xor3A_300 = arith.xori %iota3A, %xor3A_299 : vector<16xi32>
            %broadcast_in_dim3A_301 = vector.shape_cast %xor3A_300 : vector<16xi32> to vector<16x1xi32>
            %gather3A_302 = vector.shape_cast %broadcast_in_dim3A_301 : vector<16x1xi32> to vector<16xi32>
            %gather3A_303 = tpu.dynamic_gather %mul3A_297[%gather3A_302] in [0] : vector<16xf32>, vector<16xi32> -> vector<16xf32>
            %add3A_304 = arith.addf %mul3A_297, %gather3A_303 : vector<16xf32>
            %xor3A_305 = arith.constant 2 : i32
            %xor3A_306 = vector.broadcast %xor3A_305 : i32 to vector<16xi32>
            %xor3A_307 = arith.xori %iota3A, %xor3A_306 : vector<16xi32>
            %broadcast_in_dim3A_308 = vector.shape_cast %xor3A_307 : vector<16xi32> to vector<16x1xi32>
            %gather3A_309 = vector.shape_cast %broadcast_in_dim3A_308 : vector<16x1xi32> to vector<16xi32>
            %gather3A_310 = tpu.dynamic_gather %add3A_304[%gather3A_309] in [0] : vector<16xf32>, vector<16xi32> -> vector<16xf32>
            %add3A_311 = arith.addf %add3A_304, %gather3A_310 : vector<16xf32>
            %xor3A_312 = arith.constant 4 : i32
            %xor3A_313 = vector.broadcast %xor3A_312 : i32 to vector<16xi32>
            %xor3A_314 = arith.xori %iota3A, %xor3A_313 : vector<16xi32>
            %broadcast_in_dim3A_315 = vector.shape_cast %xor3A_314 : vector<16xi32> to vector<16x1xi32>
            %gather3A_316 = vector.shape_cast %broadcast_in_dim3A_315 : vector<16x1xi32> to vector<16xi32>
            %gather3A_317 = tpu.dynamic_gather %add3A_311[%gather3A_316] in [0] : vector<16xf32>, vector<16xi32> -> vector<16xf32>
            %add3A_318 = arith.addf %add3A_311, %gather3A_317 : vector<16xf32>
            %xor3A_319 = arith.constant 8 : i32
            %xor3A_320 = vector.broadcast %xor3A_319 : i32 to vector<16xi32>
            %xor3A_321 = arith.xori %iota3A, %xor3A_320 : vector<16xi32>
            %broadcast_in_dim3A_322 = vector.shape_cast %xor3A_321 : vector<16xi32> to vector<16x1xi32>
            %gather3A_323 = vector.shape_cast %broadcast_in_dim3A_322 : vector<16x1xi32> to vector<16xi32>
            %gather3A_324 = tpu.dynamic_gather %add3A_318[%gather3A_323] in [0] : vector<16xf32>, vector<16xi32> -> vector<16xf32>
            %add3A_325 = arith.addf %add3A_318, %gather3A_324 : vector<16xf32>
            %mul3A_326 = arith.constant 2.500000e-01 : f32
            %mul3A_327 = vector.broadcast %mul3A_326 : f32 to vector<16xf32>
            %mul3A_328 = arith.mulf %add3A_325, %mul3A_327 : vector<16xf32>
            %max3A_329 = arith.constant 0.000000e+00 : f32
            %max3A_330 = vector.broadcast %max3A_329 : f32 to vector<16xf32>
            %max3A_331 = arith.maximumf %mul3A_328, %max3A_330 : vector<16xf32>
            %eq3A_332 = arith.constant 1 : i32
            %eq3A_333 = vector.broadcast %eq3A_332 : i32 to vector<16xi32>
            %eq3A_334 = arith.cmpi eq, %iota3A, %eq3A_333 : vector<16xi32>
            %select_n3A_335 = arith.select %eq3A_334, %max3A_331, %select_n3A : vector<16xi1>, vector<16xf32>
            %add3A_336 = arith.addf %get3A_291, %get3A_295 : vector<16xf32>
            %mul3A_337 = arith.mulf %max3A_331, %add3A_336 : vector<16xf32>
            %sub3A_338 = arith.constant 1.000000e+00 : f32
            %sub3A_339 = vector.broadcast %sub3A_338 : f32 to vector<16xf32>
            %sub3A_340 = arith.subf %sub3A_339, %convert_element_type3A_211 : vector<16xf32>
            %mul3A_341 = arith.mulf %mul3A_337, %sub3A_340 : vector<16xf32>
            %swap3A_342 = arith.index_cast %add3A_205 : i32 to index
            %swap3A_343 = arith.constant 16 : index
            %swap3A_344 = tpu.vector_load %arg26[%swap3A_342, %swap3A_343] {strides = array<i32>} : memref<80x128xf32, #tpu.memory_space<vmem>>, vector<1x16xf32>,
            %swap3A_345 = vector.shape_cast %swap3A_344 : vector<1x16xf32> to vector<16xf32>
            %swap3A_346 = vector.shape_cast %mul3A_341 : vector<16xf32> to vector<1x16xf32>
            tpu.vector_store %arg26[%swap3A_342, %swap3A_343], %swap3A_346 {strides = array<i32>} : memref<80x128xf32, #tpu.memory_space<vmem>>, vector<1x16xf32>,
            %mul3A_347 = arith.mulf %mul3A_337, %convert_element_type3A_211 : vector<16xf32>
            %swap3A_348 = arith.index_cast %add3A_205 : i32 to index
            %swap3A_349 = arith.constant 80 : index
            %swap3A_350 = tpu.vector_load %arg26[%swap3A_348, %swap3A_349] {strides = array<i32>} : memref<80x128xf32, #tpu.memory_space<vmem>>, vector<1x16xf32>,
            %swap3A_351 = vector.shape_cast %swap3A_350 : vector<1x16xf32> to vector<16xf32>
            %swap3A_352 = vector.shape_cast %mul3A_347 : vector<16xf32> to vector<1x16xf32>
            tpu.vector_store %arg26[%swap3A_348, %swap3A_349], %swap3A_352 {strides = array<i32>} : memref<80x128xf32, #tpu.memory_space<vmem>>, vector<1x16xf32>,
            %get3A_353 = arith.index_cast %add3A_205 : i32 to index
            %get3A_354 = arith.constant 32 : index
            %get3A_355 = tpu.vector_load %arg21[%get3A_353, %get3A_354] {strides = array<i32>} : memref<80x128xf32, #tpu.memory_space<vmem>>, vector<1x16xf32>,
            %get3A_356 = vector.shape_cast %get3A_355 : vector<1x16xf32> to vector<16xf32>
            %get3A_357 = arith.index_cast %add3A_205 : i32 to index
            %get3A_358 = arith.constant 32 : index
            %get3A_359 = tpu.vector_load %arg22[%get3A_357, %get3A_358] {strides = array<i32>} : memref<80x128xf32, #tpu.memory_space<vmem>>, vector<1x16xf32>,
            %get3A_360 = vector.shape_cast %get3A_359 : vector<1x16xf32> to vector<16xf32>
            %get3A_361 = arith.index_cast %add3A_205 : i32 to index
            %get3A_362 = arith.constant 96 : index
            %get3A_363 = tpu.vector_load %arg22[%get3A_361, %get3A_362] {strides = array<i32>} : memref<80x128xf32, #tpu.memory_space<vmem>>, vector<1x16xf32>,
            %get3A_364 = vector.shape_cast %get3A_363 : vector<1x16xf32> to vector<16xf32>
            %get3A_365 = arith.index_cast %add3A_205 : i32 to index
            %get3A_366 = arith.constant 32 : index
            %get3A_367 = tpu.vector_load %arg23[%get3A_365, %get3A_366] {strides = array<i32>} : memref<80x64xf32, #tpu.memory_space<vmem>>, vector<1x16xf32>,
            %get3A_368 = vector.shape_cast %get3A_367 : vector<1x16xf32> to vector<16xf32>
            %add3A_369 = arith.addf %get3A_360, %get3A_368 : vector<16xf32>
            %mul3A_370 = arith.mulf %get3A_356, %add3A_369 : vector<16xf32>
            %xor3A_371 = arith.constant 1 : i32
            %xor3A_372 = vector.broadcast %xor3A_371 : i32 to vector<16xi32>
            %xor3A_373 = arith.xori %iota3A, %xor3A_372 : vector<16xi32>
            %broadcast_in_dim3A_374 = vector.shape_cast %xor3A_373 : vector<16xi32> to vector<16x1xi32>
            %gather3A_375 = vector.shape_cast %broadcast_in_dim3A_374 : vector<16x1xi32> to vector<16xi32>
            %gather3A_376 = tpu.dynamic_gather %mul3A_370[%gather3A_375] in [0] : vector<16xf32>, vector<16xi32> -> vector<16xf32>
            %add3A_377 = arith.addf %mul3A_370, %gather3A_376 : vector<16xf32>
            %xor3A_378 = arith.constant 2 : i32
            %xor3A_379 = vector.broadcast %xor3A_378 : i32 to vector<16xi32>
            %xor3A_380 = arith.xori %iota3A, %xor3A_379 : vector<16xi32>
            %broadcast_in_dim3A_381 = vector.shape_cast %xor3A_380 : vector<16xi32> to vector<16x1xi32>
            %gather3A_382 = vector.shape_cast %broadcast_in_dim3A_381 : vector<16x1xi32> to vector<16xi32>
            %gather3A_383 = tpu.dynamic_gather %add3A_377[%gather3A_382] in [0] : vector<16xf32>, vector<16xi32> -> vector<16xf32>
            %add3A_384 = arith.addf %add3A_377, %gather3A_383 : vector<16xf32>
            %xor3A_385 = arith.constant 4 : i32
            %xor3A_386 = vector.broadcast %xor3A_385 : i32 to vector<16xi32>
            %xor3A_387 = arith.xori %iota3A, %xor3A_386 : vector<16xi32>
            %broadcast_in_dim3A_388 = vector.shape_cast %xor3A_387 : vector<16xi32> to vector<16x1xi32>
            %gather3A_389 = vector.shape_cast %broadcast_in_dim3A_388 : vector<16x1xi32> to vector<16xi32>
            %gather3A_390 = tpu.dynamic_gather %add3A_384[%gather3A_389] in [0] : vector<16xf32>, vector<16xi32> -> vector<16xf32>
            %add3A_391 = arith.addf %add3A_384, %gather3A_390 : vector<16xf32>
            %xor3A_392 = arith.constant 8 : i32
            %xor3A_393 = vector.broadcast %xor3A_392 : i32 to vector<16xi32>
            %xor3A_394 = arith.xori %iota3A, %xor3A_393 : vector<16xi32>
            %broadcast_in_dim3A_395 = vector.shape_cast %xor3A_394 : vector<16xi32> to vector<16x1xi32>
            %gather3A_396 = vector.shape_cast %broadcast_in_dim3A_395 : vector<16x1xi32> to vector<16xi32>
            %gather3A_397 = tpu.dynamic_gather %add3A_391[%gather3A_396] in [0] : vector<16xf32>, vector<16xi32> -> vector<16xf32>
            %add3A_398 = arith.addf %add3A_391, %gather3A_397 : vector<16xf32>
            %mul3A_399 = arith.constant 2.500000e-01 : f32
            %mul3A_400 = vector.broadcast %mul3A_399 : f32 to vector<16xf32>
            %mul3A_401 = arith.mulf %add3A_398, %mul3A_400 : vector<16xf32>
            %max3A_402 = arith.constant 0.000000e+00 : f32
            %max3A_403 = vector.broadcast %max3A_402 : f32 to vector<16xf32>
            %max3A_404 = arith.maximumf %mul3A_401, %max3A_403 : vector<16xf32>
            %eq3A_405 = arith.constant 2 : i32
            %eq3A_406 = vector.broadcast %eq3A_405 : i32 to vector<16xi32>
            %eq3A_407 = arith.cmpi eq, %iota3A, %eq3A_406 : vector<16xi32>
            %select_n3A_408 = arith.select %eq3A_407, %max3A_404, %select_n3A_335 : vector<16xi1>, vector<16xf32>
            %add3A_409 = arith.addf %get3A_364, %get3A_368 : vector<16xf32>
            %mul3A_410 = arith.mulf %max3A_404, %add3A_409 : vector<16xf32>
            %sub3A_411 = arith.constant 1.000000e+00 : f32
            %sub3A_412 = vector.broadcast %sub3A_411 : f32 to vector<16xf32>
            %sub3A_413 = arith.subf %sub3A_412, %convert_element_type3A_211 : vector<16xf32>
            %mul3A_414 = arith.mulf %mul3A_410, %sub3A_413 : vector<16xf32>
            %swap3A_415 = arith.index_cast %add3A_205 : i32 to index
            %swap3A_416 = arith.constant 32 : index
            %swap3A_417 = tpu.vector_load %arg26[%swap3A_415, %swap3A_416] {strides = array<i32>} : memref<80x128xf32, #tpu.memory_space<vmem>>, vector<1x16xf32>,
            %swap3A_418 = vector.shape_cast %swap3A_417 : vector<1x16xf32> to vector<16xf32>
            %swap3A_419 = vector.shape_cast %mul3A_414 : vector<16xf32> to vector<1x16xf32>
            tpu.vector_store %arg26[%swap3A_415, %swap3A_416], %swap3A_419 {strides = array<i32>} : memref<80x128xf32, #tpu.memory_space<vmem>>, vector<1x16xf32>,
            %mul3A_420 = arith.mulf %mul3A_410, %convert_element_type3A_211 : vector<16xf32>
            %swap3A_421 = arith.index_cast %add3A_205 : i32 to index
            %swap3A_422 = arith.constant 96 : index
            %swap3A_423 = tpu.vector_load %arg26[%swap3A_421, %swap3A_422] {strides = array<i32>} : memref<80x128xf32, #tpu.memory_space<vmem>>, vector<1x16xf32>,
            %swap3A_424 = vector.shape_cast %swap3A_423 : vector<1x16xf32> to vector<16xf32>
            %swap3A_425 = vector.shape_cast %mul3A_420 : vector<16xf32> to vector<1x16xf32>
            tpu.vector_store %arg26[%swap3A_421, %swap3A_422], %swap3A_425 {strides = array<i32>} : memref<80x128xf32, #tpu.memory_space<vmem>>, vector<1x16xf32>,
            %get3A_426 = arith.index_cast %add3A_205 : i32 to index
            %get3A_427 = arith.constant 48 : index
            %get3A_428 = tpu.vector_load %arg21[%get3A_426, %get3A_427] {strides = array<i32>} : memref<80x128xf32, #tpu.memory_space<vmem>>, vector<1x16xf32>,
            %get3A_429 = vector.shape_cast %get3A_428 : vector<1x16xf32> to vector<16xf32>
            %get3A_430 = arith.index_cast %add3A_205 : i32 to index
            %get3A_431 = arith.constant 48 : index
            %get3A_432 = tpu.vector_load %arg22[%get3A_430, %get3A_431] {strides = array<i32>} : memref<80x128xf32, #tpu.memory_space<vmem>>, vector<1x16xf32>,
            %get3A_433 = vector.shape_cast %get3A_432 : vector<1x16xf32> to vector<16xf32>
            %get3A_434 = arith.index_cast %add3A_205 : i32 to index
            %get3A_435 = arith.constant 112 : index
            %get3A_436 = tpu.vector_load %arg22[%get3A_434, %get3A_435] {strides = array<i32>} : memref<80x128xf32, #tpu.memory_space<vmem>>, vector<1x16xf32>,
            %get3A_437 = vector.shape_cast %get3A_436 : vector<1x16xf32> to vector<16xf32>
            %get3A_438 = arith.index_cast %add3A_205 : i32 to index
            %get3A_439 = arith.constant 48 : index
            %get3A_440 = tpu.vector_load %arg23[%get3A_438, %get3A_439] {strides = array<i32>} : memref<80x64xf32, #tpu.memory_space<vmem>>, vector<1x16xf32>,
            %get3A_441 = vector.shape_cast %get3A_440 : vector<1x16xf32> to vector<16xf32>
            %add3A_442 = arith.addf %get3A_433, %get3A_441 : vector<16xf32>
            %mul3A_443 = arith.mulf %get3A_429, %add3A_442 : vector<16xf32>
            %xor3A_444 = arith.constant 1 : i32
            %xor3A_445 = vector.broadcast %xor3A_444 : i32 to vector<16xi32>
            %xor3A_446 = arith.xori %iota3A, %xor3A_445 : vector<16xi32>
            %broadcast_in_dim3A_447 = vector.shape_cast %xor3A_446 : vector<16xi32> to vector<16x1xi32>
            %gather3A_448 = vector.shape_cast %broadcast_in_dim3A_447 : vector<16x1xi32> to vector<16xi32>
            %gather3A_449 = tpu.dynamic_gather %mul3A_443[%gather3A_448] in [0] : vector<16xf32>, vector<16xi32> -> vector<16xf32>
            %add3A_450 = arith.addf %mul3A_443, %gather3A_449 : vector<16xf32>
            %xor3A_451 = arith.constant 2 : i32
            %xor3A_452 = vector.broadcast %xor3A_451 : i32 to vector<16xi32>
            %xor3A_453 = arith.xori %iota3A, %xor3A_452 : vector<16xi32>
            %broadcast_in_dim3A_454 = vector.shape_cast %xor3A_453 : vector<16xi32> to vector<16x1xi32>
            %gather3A_455 = vector.shape_cast %broadcast_in_dim3A_454 : vector<16x1xi32> to vector<16xi32>
            %gather3A_456 = tpu.dynamic_gather %add3A_450[%gather3A_455] in [0] : vector<16xf32>, vector<16xi32> -> vector<16xf32>
            %add3A_457 = arith.addf %add3A_450, %gather3A_456 : vector<16xf32>
            %xor3A_458 = arith.constant 4 : i32
            %xor3A_459 = vector.broadcast %xor3A_458 : i32 to vector<16xi32>
            %xor3A_460 = arith.xori %iota3A, %xor3A_459 : vector<16xi32>
            %broadcast_in_dim3A_461 = vector.shape_cast %xor3A_460 : vector<16xi32> to vector<16x1xi32>
            %gather3A_462 = vector.shape_cast %broadcast_in_dim3A_461 : vector<16x1xi32> to vector<16xi32>
            %gather3A_463 = tpu.dynamic_gather %add3A_457[%gather3A_462] in [0] : vector<16xf32>, vector<16xi32> -> vector<16xf32>
            %add3A_464 = arith.addf %add3A_457, %gather3A_463 : vector<16xf32>
            %xor3A_465 = arith.constant 8 : i32
            %xor3A_466 = vector.broadcast %xor3A_465 : i32 to vector<16xi32>
            %xor3A_467 = arith.xori %iota3A, %xor3A_466 : vector<16xi32>
            %broadcast_in_dim3A_468 = vector.shape_cast %xor3A_467 : vector<16xi32> to vector<16x1xi32>
            %gather3A_469 = vector.shape_cast %broadcast_in_dim3A_468 : vector<16x1xi32> to vector<16xi32>
            %gather3A_470 = tpu.dynamic_gather %add3A_464[%gather3A_469] in [0] : vector<16xf32>, vector<16xi32> -> vector<16xf32>
            %add3A_471 = arith.addf %add3A_464, %gather3A_470 : vector<16xf32>
            %mul3A_472 = arith.constant 2.500000e-01 : f32
            %mul3A_473 = vector.broadcast %mul3A_472 : f32 to vector<16xf32>
            %mul3A_474 = arith.mulf %add3A_471, %mul3A_473 : vector<16xf32>
            %max3A_475 = arith.constant 0.000000e+00 : f32
            %max3A_476 = vector.broadcast %max3A_475 : f32 to vector<16xf32>
            %max3A_477 = arith.maximumf %mul3A_474, %max3A_476 : vector<16xf32>
            %eq3A_478 = arith.constant 3 : i32
            %eq3A_479 = vector.broadcast %eq3A_478 : i32 to vector<16xi32>
            %eq3A_480 = arith.cmpi eq, %iota3A, %eq3A_479 : vector<16xi32>
            %select_n3A_481 = arith.select %eq3A_480, %max3A_477, %select_n3A_408 : vector<16xi1>, vector<16xf32>
            %add3A_482 = arith.addf %get3A_437, %get3A_441 : vector<16xf32>
            %mul3A_483 = arith.mulf %max3A_477, %add3A_482 : vector<16xf32>
            %sub3A_484 = arith.constant 1.000000e+00 : f32
            %sub3A_485 = vector.broadcast %sub3A_484 : f32 to vector<16xf32>
            %sub3A_486 = arith.subf %sub3A_485, %convert_element_type3A_211 : vector<16xf32>
            %mul3A_487 = arith.mulf %mul3A_483, %sub3A_486 : vector<16xf32>
            %swap3A_488 = arith.index_cast %add3A_205 : i32 to index
            %swap3A_489 = arith.constant 48 : index
            %swap3A_490 = tpu.vector_load %arg26[%swap3A_488, %swap3A_489] {strides = array<i32>} : memref<80x128xf32, #tpu.memory_space<vmem>>, vector<1x16xf32>,
            %swap3A_491 = vector.shape_cast %swap3A_490 : vector<1x16xf32> to vector<16xf32>
            %swap3A_492 = vector.shape_cast %mul3A_487 : vector<16xf32> to vector<1x16xf32>
            tpu.vector_store %arg26[%swap3A_488, %swap3A_489], %swap3A_492 {strides = array<i32>} : memref<80x128xf32, #tpu.memory_space<vmem>>, vector<1x16xf32>,
            %mul3A_493 = arith.mulf %mul3A_483, %convert_element_type3A_211 : vector<16xf32>
            %swap3A_494 = arith.index_cast %add3A_205 : i32 to index
            %swap3A_495 = arith.constant 112 : index
            %swap3A_496 = tpu.vector_load %arg26[%swap3A_494, %swap3A_495] {strides = array<i32>} : memref<80x128xf32, #tpu.memory_space<vmem>>, vector<1x16xf32>,
            %swap3A_497 = vector.shape_cast %swap3A_496 : vector<1x16xf32> to vector<16xf32>
            %swap3A_498 = vector.shape_cast %mul3A_493 : vector<16xf32> to vector<1x16xf32>
            tpu.vector_store %arg26[%swap3A_494, %swap3A_495], %swap3A_498 {strides = array<i32>} : memref<80x128xf32, #tpu.memory_space<vmem>>, vector<1x16xf32>,
            %and3A_499 = arith.constant 3 : i32
            %and3A_500 = vector.broadcast %and3A_499 : i32 to vector<16xi32>
            %and3A_501 = arith.andi %gather3A_208, %and3A_500 : vector<16xi32>
            %mul3A_502 = arith.constant 4 : i32
            %mul3A_503 = vector.broadcast %mul3A_502 : i32 to vector<16xi32>
            %mul3A_504 = arith.muli %mul3A_503, %and3A_501 : vector<16xi32>
            %sub3A_505 = arith.subi %iota3A, %mul3A_504 : vector<16xi32>
            %and3A_506 = arith.constant 15 : i32
            %and3A_507 = vector.broadcast %and3A_506 : i32 to vector<16xi32>
            %and3A_508 = arith.andi %sub3A_505, %and3A_507 : vector<16xi32>
            %broadcast_in_dim3A_509 = vector.shape_cast %and3A_508 : vector<16xi32> to vector<16x1xi32>
            %gather3A_510 = vector.shape_cast %broadcast_in_dim3A_509 : vector<16x1xi32> to vector<16xi32>
            %gather3A_511 = tpu.dynamic_gather %select_n3A_481[%gather3A_510] in [0] : vector<16xf32>, vector<16xi32> -> vector<16xf32>
            %shift_right_logical3A = arith.constant 2 : i32
            %shift_right_logical3A_512 = vector.broadcast %shift_right_logical3A : i32 to vector<16xi32>
            %shift_right_logical3A_513 = arith.shrui %gather3A_208, %shift_right_logical3A_512 : vector<16xi32>
            %and3A_514 = arith.constant 7 : i32
            %and3A_515 = vector.broadcast %and3A_514 : i32 to vector<16xi32>
            %and3A_516 = arith.andi %shift_right_logical3A_513, %and3A_515 : vector<16xi32>
            %convert_element_type3A_517 = arith.sitofp %and3A_516 : vector<16xi32> to vector<16xf32>
            %sub3A_518 = arith.constant 0.000000e+00 : f32
            %sub3A_519 = vector.broadcast %sub3A_518 : f32 to vector<16xf32>
            %sub3A_520 = arith.subf %convert_element_type3A_517, %sub3A_519 : vector<16xf32>
            %mul3A_521 = arith.mulf %sub3A_520, %sub3A_520 : vector<16xf32>
            %sub3A_522 = arith.constant 1.000000e+00 : f32
            %sub3A_523 = vector.broadcast %sub3A_522 : f32 to vector<16xf32>
            %sub3A_524 = arith.subf %sub3A_523, %mul3A_521 : vector<16xf32>
            %max3A_525 = arith.constant 0.000000e+00 : f32
            %max3A_526 = vector.broadcast %max3A_525 : f32 to vector<16xf32>
            %max3A_527 = arith.maximumf %sub3A_524, %max3A_526 : vector<16xf32>
            %mul3A_528 = arith.mulf %gather3A_511, %max3A_527 : vector<16xf32>
            %swap3A_529 = arith.index_cast %add3A_205 : i32 to index
            %swap3A_530 = arith.constant 0 : index
            %swap3A_531 = tpu.vector_load %arg27[%swap3A_529, %swap3A_530] {strides = array<i32>} : memref<80x128xf32, #tpu.memory_space<vmem>>, vector<1x16xf32>,
            %swap3A_532 = vector.shape_cast %swap3A_531 : vector<1x16xf32> to vector<16xf32>
            %swap3A_533 = vector.shape_cast %mul3A_528 : vector<16xf32> to vector<1x16xf32>
            tpu.vector_store %arg27[%swap3A_529, %swap3A_530], %swap3A_533 {strides = array<i32>} : memref<80x128xf32, #tpu.memory_space<vmem>>, vector<1x16xf32>,
            %sub3A_534 = arith.constant 1.000000e+00 : f32
            %sub3A_535 = vector.broadcast %sub3A_534 : f32 to vector<16xf32>
            %sub3A_536 = arith.subf %convert_element_type3A_517, %sub3A_535 : vector<16xf32>
            %mul3A_537 = arith.mulf %sub3A_536, %sub3A_536 : vector<16xf32>
            %sub3A_538 = arith.constant 1.000000e+00 : f32
            %sub3A_539 = vector.broadcast %sub3A_538 : f32 to vector<16xf32>
            %sub3A_540 = arith.subf %sub3A_539, %mul3A_537 : vector<16xf32>
            %max3A_541 = arith.constant 0.000000e+00 : f32
            %max3A_542 = vector.broadcast %max3A_541 : f32 to vector<16xf32>
            %max3A_543 = arith.maximumf %sub3A_540, %max3A_542 : vector<16xf32>
            %mul3A_544 = arith.mulf %gather3A_511, %max3A_543 : vector<16xf32>
            %swap3A_545 = arith.index_cast %add3A_205 : i32 to index
            %swap3A_546 = arith.constant 16 : index
            %swap3A_547 = tpu.vector_load %arg27[%swap3A_545, %swap3A_546] {strides = array<i32>} : memref<80x128xf32, #tpu.memory_space<vmem>>, vector<1x16xf32>,
            %swap3A_548 = vector.shape_cast %swap3A_547 : vector<1x16xf32> to vector<16xf32>
            %swap3A_549 = vector.shape_cast %mul3A_544 : vector<16xf32> to vector<1x16xf32>
            tpu.vector_store %arg27[%swap3A_545, %swap3A_546], %swap3A_549 {strides = array<i32>} : memref<80x128xf32, #tpu.memory_space<vmem>>, vector<1x16xf32>,
            %sub3A_550 = arith.constant 2.000000e+00 : f32
            %sub3A_551 = vector.broadcast %sub3A_550 : f32 to vector<16xf32>
            %sub3A_552 = arith.subf %convert_element_type3A_517, %sub3A_551 : vector<16xf32>
            %mul3A_553 = arith.mulf %sub3A_552, %sub3A_552 : vector<16xf32>
            %sub3A_554 = arith.constant 1.000000e+00 : f32
            %sub3A_555 = vector.broadcast %sub3A_554 : f32 to vector<16xf32>
            %sub3A_556 = arith.subf %sub3A_555, %mul3A_553 : vector<16xf32>
            %max3A_557 = arith.constant 0.000000e+00 : f32
            %max3A_558 = vector.broadcast %max3A_557 : f32 to vector<16xf32>
            %max3A_559 = arith.maximumf %sub3A_556, %max3A_558 : vector<16xf32>
            %mul3A_560 = arith.mulf %gather3A_511, %max3A_559 : vector<16xf32>
            %swap3A_561 = arith.index_cast %add3A_205 : i32 to index
            %swap3A_562 = arith.constant 32 : index
            %swap3A_563 = tpu.vector_load %arg27[%swap3A_561, %swap3A_562] {strides = array<i32>} : memref<80x128xf32, #tpu.memory_space<vmem>>, vector<1x16xf32>,
            %swap3A_564 = vector.shape_cast %swap3A_563 : vector<1x16xf32> to vector<16xf32>
            %swap3A_565 = vector.shape_cast %mul3A_560 : vector<16xf32> to vector<1x16xf32>
            tpu.vector_store %arg27[%swap3A_561, %swap3A_562], %swap3A_565 {strides = array<i32>} : memref<80x128xf32, #tpu.memory_space<vmem>>, vector<1x16xf32>,
            %sub3A_566 = arith.constant 3.000000e+00 : f32
            %sub3A_567 = vector.broadcast %sub3A_566 : f32 to vector<16xf32>
            %sub3A_568 = arith.subf %convert_element_type3A_517, %sub3A_567 : vector<16xf32>
            %mul3A_569 = arith.mulf %sub3A_568, %sub3A_568 : vector<16xf32>
            %sub3A_570 = arith.constant 1.000000e+00 : f32
            %sub3A_571 = vector.broadcast %sub3A_570 : f32 to vector<16xf32>
            %sub3A_572 = arith.subf %sub3A_571, %mul3A_569 : vector<16xf32>
            %max3A_573 = arith.constant 0.000000e+00 : f32
            %max3A_574 = vector.broadcast %max3A_573 : f32 to vector<16xf32>
            %max3A_575 = arith.maximumf %sub3A_572, %max3A_574 : vector<16xf32>
            %mul3A_576 = arith.mulf %gather3A_511, %max3A_575 : vector<16xf32>
            %swap3A_577 = arith.index_cast %add3A_205 : i32 to index
            %swap3A_578 = arith.constant 48 : index
            %swap3A_579 = tpu.vector_load %arg27[%swap3A_577, %swap3A_578] {strides = array<i32>} : memref<80x128xf32, #tpu.memory_space<vmem>>, vector<1x16xf32>,
            %swap3A_580 = vector.shape_cast %swap3A_579 : vector<1x16xf32> to vector<16xf32>
            %swap3A_581 = vector.shape_cast %mul3A_576 : vector<16xf32> to vector<1x16xf32>
            tpu.vector_store %arg27[%swap3A_577, %swap3A_578], %swap3A_581 {strides = array<i32>} : memref<80x128xf32, #tpu.memory_space<vmem>>, vector<1x16xf32>,
            %sub3A_582 = arith.constant 4.000000e+00 : f32
            %sub3A_583 = vector.broadcast %sub3A_582 : f32 to vector<16xf32>
            %sub3A_584 = arith.subf %convert_element_type3A_517, %sub3A_583 : vector<16xf32>
            %mul3A_585 = arith.mulf %sub3A_584, %sub3A_584 : vector<16xf32>
            %sub3A_586 = arith.constant 1.000000e+00 : f32
            %sub3A_587 = vector.broadcast %sub3A_586 : f32 to vector<16xf32>
            %sub3A_588 = arith.subf %sub3A_587, %mul3A_585 : vector<16xf32>
            %max3A_589 = arith.constant 0.000000e+00 : f32
            %max3A_590 = vector.broadcast %max3A_589 : f32 to vector<16xf32>
            %max3A_591 = arith.maximumf %sub3A_588, %max3A_590 : vector<16xf32>
            %mul3A_592 = arith.mulf %gather3A_511, %max3A_591 : vector<16xf32>
            %swap3A_593 = arith.index_cast %add3A_205 : i32 to index
            %swap3A_594 = arith.constant 64 : index
            %swap3A_595 = tpu.vector_load %arg27[%swap3A_593, %swap3A_594] {strides = array<i32>} : memref<80x128xf32, #tpu.memory_space<vmem>>, vector<1x16xf32>,
            %swap3A_596 = vector.shape_cast %swap3A_595 : vector<1x16xf32> to vector<16xf32>
            %swap3A_597 = vector.shape_cast %mul3A_592 : vector<16xf32> to vector<1x16xf32>
            tpu.vector_store %arg27[%swap3A_593, %swap3A_594], %swap3A_597 {strides = array<i32>} : memref<80x128xf32, #tpu.memory_space<vmem>>, vector<1x16xf32>,
            %sub3A_598 = arith.constant 5.000000e+00 : f32
            %sub3A_599 = vector.broadcast %sub3A_598 : f32 to vector<16xf32>
            %sub3A_600 = arith.subf %convert_element_type3A_517, %sub3A_599 : vector<16xf32>
            %mul3A_601 = arith.mulf %sub3A_600, %sub3A_600 : vector<16xf32>
            %sub3A_602 = arith.constant 1.000000e+00 : f32
            %sub3A_603 = vector.broadcast %sub3A_602 : f32 to vector<16xf32>
            %sub3A_604 = arith.subf %sub3A_603, %mul3A_601 : vector<16xf32>
            %max3A_605 = arith.constant 0.000000e+00 : f32
            %max3A_606 = vector.broadcast %max3A_605 : f32 to vector<16xf32>
            %max3A_607 = arith.maximumf %sub3A_604, %max3A_606 : vector<16xf32>
            %mul3A_608 = arith.mulf %gather3A_511, %max3A_607 : vector<16xf32>
            %swap3A_609 = arith.index_cast %add3A_205 : i32 to index
            %swap3A_610 = arith.constant 80 : index
            %swap3A_611 = tpu.vector_load %arg27[%swap3A_609, %swap3A_610] {strides = array<i32>} : memref<80x128xf32, #tpu.memory_space<vmem>>, vector<1x16xf32>,
            %swap3A_612 = vector.shape_cast %swap3A_611 : vector<1x16xf32> to vector<16xf32>
            %swap3A_613 = vector.shape_cast %mul3A_608 : vector<16xf32> to vector<1x16xf32>
            tpu.vector_store %arg27[%swap3A_609, %swap3A_610], %swap3A_613 {strides = array<i32>} : memref<80x128xf32, #tpu.memory_space<vmem>>, vector<1x16xf32>,
            %sub3A_614 = arith.constant 6.000000e+00 : f32
            %sub3A_615 = vector.broadcast %sub3A_614 : f32 to vector<16xf32>
            %sub3A_616 = arith.subf %convert_element_type3A_517, %sub3A_615 : vector<16xf32>
            %mul3A_617 = arith.mulf %sub3A_616, %sub3A_616 : vector<16xf32>
            %sub3A_618 = arith.constant 1.000000e+00 : f32
            %sub3A_619 = vector.broadcast %sub3A_618 : f32 to vector<16xf32>
            %sub3A_620 = arith.subf %sub3A_619, %mul3A_617 : vector<16xf32>
            %max3A_621 = arith.constant 0.000000e+00 : f32
            %max3A_622 = vector.broadcast %max3A_621 : f32 to vector<16xf32>
            %max3A_623 = arith.maximumf %sub3A_620, %max3A_622 : vector<16xf32>
            %mul3A_624 = arith.mulf %gather3A_511, %max3A_623 : vector<16xf32>
            %swap3A_625 = arith.index_cast %add3A_205 : i32 to index
            %swap3A_626 = arith.constant 96 : index
            %swap3A_627 = tpu.vector_load %arg27[%swap3A_625, %swap3A_626] {strides = array<i32>} : memref<80x128xf32, #tpu.memory_space<vmem>>, vector<1x16xf32>,
            %swap3A_628 = vector.shape_cast %swap3A_627 : vector<1x16xf32> to vector<16xf32>
            %swap3A_629 = vector.shape_cast %mul3A_624 : vector<16xf32> to vector<1x16xf32>
            tpu.vector_store %arg27[%swap3A_625, %swap3A_626], %swap3A_629 {strides = array<i32>} : memref<80x128xf32, #tpu.memory_space<vmem>>, vector<1x16xf32>,
            %sub3A_630 = arith.constant 7.000000e+00 : f32
            %sub3A_631 = vector.broadcast %sub3A_630 : f32 to vector<16xf32>
            %sub3A_632 = arith.subf %convert_element_type3A_517, %sub3A_631 : vector<16xf32>
            %mul3A_633 = arith.mulf %sub3A_632, %sub3A_632 : vector<16xf32>
            %sub3A_634 = arith.constant 1.000000e+00 : f32
            %sub3A_635 = vector.broadcast %sub3A_634 : f32 to vector<16xf32>
            %sub3A_636 = arith.subf %sub3A_635, %mul3A_633 : vector<16xf32>
            %max3A_637 = arith.constant 0.000000e+00 : f32
            %max3A_638 = vector.broadcast %max3A_637 : f32 to vector<16xf32>
            %max3A_639 = arith.maximumf %sub3A_636, %max3A_638 : vector<16xf32>
            %mul3A_640 = arith.mulf %gather3A_511, %max3A_639 : vector<16xf32>
            %swap3A_641 = arith.index_cast %add3A_205 : i32 to index
            %swap3A_642 = arith.constant 112 : index
            %swap3A_643 = tpu.vector_load %arg27[%swap3A_641, %swap3A_642] {strides = array<i32>} : memref<80x128xf32, #tpu.memory_space<vmem>>, vector<1x16xf32>,
            %swap3A_644 = vector.shape_cast %swap3A_643 : vector<1x16xf32> to vector<16xf32>
            %swap3A_645 = vector.shape_cast %mul3A_640 : vector<16xf32> to vector<1x16xf32>
            tpu.vector_store %arg27[%swap3A_641, %swap3A_642], %swap3A_645 {strides = array<i32>} : memref<80x128xf32, #tpu.memory_space<vmem>>, vector<1x16xf32>,
          }
          %scan3A_201 = arith.constant 16 : i32
        }
        %scan3A_177 = arith.constant 5 : i32
        %dma_start3A_178 = arith.constant 0 : i32
        %dma_start3A_179 = arith.constant 0 : i32
        %dma_start3A_180 = tpu.memref_slice %arg35[%dma_start3A_178, %dma_start3A_179] : memref<5000x128xf32, #tpu.memory_space<vmem_shared>> -> memref<5000x128xf32, #tpu.memory_space<vmem_shared>>
        tpu.enqueue_indirect_dma source(%arg26 : memref<80x128xf32, #tpu.memory_space<vmem>>) target(%dma_start3A_180 : memref<5000x128xf32, #tpu.memory_space<vmem_shared>>) offsets(%arg24 : memref<80xi32, #tpu.memory_space<vmem>>) semaphore(%arg34 : memref<!tpu.dma_semaphore, #tpu.memory_space<semaphore_mem>>) {add = true}
        %dma_start3A_181 = arith.constant 0 : i32
        %dma_start3A_182 = arith.constant 0 : i32
        %dma_start3A_183 = tpu.memref_slice %arg36[%dma_start3A_181, %dma_start3A_182] : memref<320x128xf32, #tpu.memory_space<vmem_shared>> -> memref<320x128xf32, #tpu.memory_space<vmem_shared>>
        tpu.enqueue_indirect_dma source(%arg27 : memref<80x128xf32, #tpu.memory_space<vmem>>) target(%dma_start3A_183 : memref<320x128xf32, #tpu.memory_space<vmem_shared>>) offsets(%arg25 : memref<80xi32, #tpu.memory_space<vmem>>) semaphore(%arg34 : memref<!tpu.dma_semaphore, #tpu.memory_space<semaphore_mem>>) {add = true}
        %add3A_184 = arith.constant 2 : i32
        %add3A_185 = arith.addi %add3A_141, %add3A_184 : i32
        %lt3A_186 = arith.constant 250 : i32
        %lt3A_187 = arith.cmpi slt, %add3A_185, %lt3A_186 : i32
        %convert_element_type3A_188 = arith.extui %lt3A_187 : i1 to i32
        %cond3A_189 = arith.constant 0 : i32
        %cond3A_190 = arith.cmpi ne, %convert_element_type3A_188, %cond3A_189 : i32
        scf.if %cond3A_190 {
          %add3A_191 = arith.constant 2 : i32
          %add3A_192 = arith.addi %add3A_141, %add3A_191 : i32
          %mul3A_193 = arith.constant 80 : i32
          %mul3A_194 = arith.muli %add3A_192, %mul3A_193 : i32
          %add3A_195 = arith.addi %mul3A_16, %mul3A_194 : i32
          %dma_start3A_196 = tpu.memref_slice %arg3[%add3A_195] : memref<320000xi32, #tpu.memory_space<hbm>> -> memref<80xi32, #tpu.memory_space<hbm>>
          %dma_start3A_197 = tpu.memref_slice %arg3[%add3A_195] : memref<320000xi32, #tpu.memory_space<hbm>> -> memref<80xi32, #tpu.memory_space<hbm>>
          tpu.enqueue_dma source(%dma_start3A_197 : memref<80xi32, #tpu.memory_space<hbm>>) target(%arg19 : memref<80xi32, #tpu.memory_space<vmem>>) target_semaphore(%arg31 : memref<!tpu.dma_semaphore, #tpu.memory_space<semaphore_mem>>)
          %dma_start3A_198 = tpu.memref_slice %arg4[%add3A_195] : memref<320000xi32, #tpu.memory_space<hbm>> -> memref<80xi32, #tpu.memory_space<hbm>>
          %dma_start3A_199 = tpu.memref_slice %arg4[%add3A_195] : memref<320000xi32, #tpu.memory_space<hbm>> -> memref<80xi32, #tpu.memory_space<hbm>>
          tpu.enqueue_dma source(%dma_start3A_199 : memref<80xi32, #tpu.memory_space<hbm>>) target(%arg20 : memref<80xi32, #tpu.memory_space<vmem>>) target_semaphore(%arg31 : memref<!tpu.dma_semaphore, #tpu.memory_space<semaphore_mem>>)
          %dma_start3A_200 = arith.constant 0 : i32
          %dma_start3A_201 = tpu.memref_slice %arg6[%add3A_195, %dma_start3A_200] : memref<320000x64xf32, #tpu.memory_space<hbm>> -> memref<80x64xf32, #tpu.memory_space<hbm>>
          %dma_start3A_202 = arith.constant 0 : i32
          %dma_start3A_203 = tpu.memref_slice %arg6[%add3A_195, %dma_start3A_202] : memref<320000x64xf32, #tpu.memory_space<hbm>> -> memref<80x64xf32, #tpu.memory_space<hbm>>
          tpu.enqueue_dma source(%dma_start3A_203 : memref<80x64xf32, #tpu.memory_space<hbm>>) target(%arg23 : memref<80x64xf32, #tpu.memory_space<vmem>>) target_semaphore(%arg33 : memref<!tpu.dma_semaphore, #tpu.memory_space<semaphore_mem>>)
        } else {
        }
      }
      %scan3A_62 = arith.constant 125 : i32
      %dma_wait3A_63 = arith.constant 0 : i32
      %dma_wait3A_64 = arith.constant 0 : i32
      %dma_wait3A_65 = tpu.memref_slice %arg35[%dma_wait3A_63, %dma_wait3A_64] : memref<5000x128xf32, #tpu.memory_space<vmem_shared>> -> memref<5000x128xf32, #tpu.memory_space<vmem_shared>>
      tpu.wait_indirect_dma semaphore(%arg34 : memref<!tpu.dma_semaphore, #tpu.memory_space<semaphore_mem>>) src(%arg26 : memref<80x128xf32, #tpu.memory_space<vmem>>) dst(%dma_wait3A_65 : memref<5000x128xf32, #tpu.memory_space<vmem_shared>>)
      %dma_wait3A_66 = arith.constant 0 : i32
      %dma_wait3A_67 = arith.constant 0 : i32
      %dma_wait3A_68 = tpu.memref_slice %arg36[%dma_wait3A_66, %dma_wait3A_67] : memref<320x128xf32, #tpu.memory_space<vmem_shared>> -> memref<320x128xf32, #tpu.memory_space<vmem_shared>>
      tpu.wait_indirect_dma semaphore(%arg34 : memref<!tpu.dma_semaphore, #tpu.memory_space<semaphore_mem>>) src(%arg27 : memref<80x128xf32, #tpu.memory_space<vmem>>) dst(%dma_wait3A_68 : memref<320x128xf32, #tpu.memory_space<vmem_shared>>)
      %barrier3A_69 = arith.constant 0 : index
      tpu.barrier barrier_id(%barrier3A_69)
      %lt3A_70 = arith.constant 15 : i32
      %lt3A_71 = arith.cmpi slt, %arg1, %lt3A_70 : i32
      %convert_element_type3A_72 = arith.extui %lt3A_71 : i1 to i32
      %cond3A_73 = arith.constant 0 : i32
      %cond3A_74 = arith.cmpi ne, %convert_element_type3A_72, %cond3A_73 : i32
      scf.if %cond3A_74 {
        "tpu.region"() ({
          %run_scoped3A = tpu.sem_alloc : memref<!tpu.dma_semaphore, #tpu.memory_space<semaphore_mem>>
          %dma_start3A_85 = arith.constant 0 : i32
          %dma_start3A_86 = tpu.memref_slice %arg10[%mul3A_1, %dma_start3A_85] : memref<5000x128xf32, #tpu.memory_space<hbm>> -> memref<320x128xf32, #tpu.memory_space<hbm>>
          %dma_start3A_87 = arith.constant 0 : i32
          %dma_start3A_88 = tpu.memref_slice %arg35[%mul3A_1, %dma_start3A_87] : memref<5000x128xf32, #tpu.memory_space<vmem_shared>> -> memref<320x128xf32, #tpu.memory_space<vmem_shared>>
          tpu.enqueue_dma source(%dma_start3A_88 : memref<320x128xf32, #tpu.memory_space<vmem_shared>>) target(%dma_start3A_86 : memref<320x128xf32, #tpu.memory_space<hbm>>) target_semaphore(%run_scoped3A : memref<!tpu.dma_semaphore, #tpu.memory_space<semaphore_mem>>)
          %dma_wait3A_89 = arith.constant 0 : i32
          %dma_wait3A_90 = tpu.memref_slice %arg10[%mul3A_1, %dma_wait3A_89] : memref<5000x128xf32, #tpu.memory_space<hbm>> -> memref<320x128xf32, #tpu.memory_space<hbm>>
          %dma_wait3A_91 = arith.constant 0 : i32
          %dma_wait3A_92 = tpu.memref_slice %arg35[%mul3A_1, %dma_wait3A_91] : memref<5000x128xf32, #tpu.memory_space<vmem_shared>> -> memref<320x128xf32, #tpu.memory_space<vmem_shared>>
          tpu.wait_dma2 semaphore(%run_scoped3A : memref<!tpu.dma_semaphore, #tpu.memory_space<semaphore_mem>>) src(%dma_wait3A_92 : memref<320x128xf32, #tpu.memory_space<vmem_shared>>) dst(%dma_wait3A_90 : memref<320x128xf32, #tpu.memory_space<hbm>>)
          tpu.yield
        }) : () -> ()
      } else {
      }
      %eq3A_75 = arith.constant 15 : i32
      %eq3A_76 = arith.cmpi eq, %arg1, %eq3A_75 : i32
      %convert_element_type3A_77 = arith.extui %eq3A_76 : i1 to i32
      %cond3A_78 = arith.constant 0 : i32
      %cond3A_79 = arith.cmpi ne, %convert_element_type3A_77, %cond3A_78 : i32
      scf.if %cond3A_79 {
        "tpu.region"() ({
          %run_scoped3A = tpu.sem_alloc : memref<!tpu.dma_semaphore, #tpu.memory_space<semaphore_mem>>
          %dma_start3A_85 = arith.constant 0 : i32
          %dma_start3A_86 = tpu.memref_slice %arg10[%mul3A_1, %dma_start3A_85] : memref<5000x128xf32, #tpu.memory_space<hbm>> -> memref<200x128xf32, #tpu.memory_space<hbm>>
          %dma_start3A_87 = arith.constant 0 : i32
          %dma_start3A_88 = tpu.memref_slice %arg35[%mul3A_1, %dma_start3A_87] : memref<5000x128xf32, #tpu.memory_space<vmem_shared>> -> memref<200x128xf32, #tpu.memory_space<vmem_shared>>
          tpu.enqueue_dma source(%dma_start3A_88 : memref<200x128xf32, #tpu.memory_space<vmem_shared>>) target(%dma_start3A_86 : memref<200x128xf32, #tpu.memory_space<hbm>>) target_semaphore(%run_scoped3A : memref<!tpu.dma_semaphore, #tpu.memory_space<semaphore_mem>>)
          %dma_wait3A_89 = arith.constant 0 : i32
          %dma_wait3A_90 = tpu.memref_slice %arg10[%mul3A_1, %dma_wait3A_89] : memref<5000x128xf32, #tpu.memory_space<hbm>> -> memref<200x128xf32, #tpu.memory_space<hbm>>
          %dma_wait3A_91 = arith.constant 0 : i32
          %dma_wait3A_92 = tpu.memref_slice %arg35[%mul3A_1, %dma_wait3A_91] : memref<5000x128xf32, #tpu.memory_space<vmem_shared>> -> memref<200x128xf32, #tpu.memory_space<vmem_shared>>
          tpu.wait_dma2 semaphore(%run_scoped3A : memref<!tpu.dma_semaphore, #tpu.memory_space<semaphore_mem>>) src(%dma_wait3A_92 : memref<200x128xf32, #tpu.memory_space<vmem_shared>>) dst(%dma_wait3A_90 : memref<200x128xf32, #tpu.memory_space<hbm>>)
          tpu.yield
        }) : () -> ()
      } else {
      }
      %lt3A_80 = arith.constant 10 : i32
      %lt3A_81 = arith.cmpi slt, %arg1, %lt3A_80 : i32
      %convert_element_type3A_82 = arith.extui %lt3A_81 : i1 to i32
      %cond3A_83 = arith.constant 0 : i32
      %cond3A_84 = arith.cmpi ne, %convert_element_type3A_82, %cond3A_83 : i32
      scf.if %cond3A_84 {
        "tpu.region"() ({
          %run_scoped3A = tpu.sem_alloc : memref<!tpu.dma_semaphore, #tpu.memory_space<semaphore_mem>>
          %dma_start3A_85 = arith.constant 0 : i32
          %dma_start3A_86 = tpu.memref_slice %arg12[%mul3A_3, %dma_start3A_85] : memref<320x128xf32, #tpu.memory_space<hbm>> -> memref<32x128xf32, #tpu.memory_space<hbm>>
          %dma_start3A_87 = arith.constant 0 : i32
          %dma_start3A_88 = tpu.memref_slice %arg36[%mul3A_3, %dma_start3A_87] : memref<320x128xf32, #tpu.memory_space<vmem_shared>> -> memref<32x128xf32, #tpu.memory_space<vmem_shared>>
          tpu.enqueue_dma source(%dma_start3A_88 : memref<32x128xf32, #tpu.memory_space<vmem_shared>>) target(%dma_start3A_86 : memref<32x128xf32, #tpu.memory_space<hbm>>) target_semaphore(%run_scoped3A : memref<!tpu.dma_semaphore, #tpu.memory_space<semaphore_mem>>)
          %dma_wait3A_89 = arith.constant 0 : i32
          %dma_wait3A_90 = tpu.memref_slice %arg12[%mul3A_3, %dma_wait3A_89] : memref<320x128xf32, #tpu.memory_space<hbm>> -> memref<32x128xf32, #tpu.memory_space<hbm>>
          %dma_wait3A_91 = arith.constant 0 : i32
          %dma_wait3A_92 = tpu.memref_slice %arg36[%mul3A_3, %dma_wait3A_91] : memref<320x128xf32, #tpu.memory_space<vmem_shared>> -> memref<32x128xf32, #tpu.memory_space<vmem_shared>>
          tpu.wait_dma2 semaphore(%run_scoped3A : memref<!tpu.dma_semaphore, #tpu.memory_space<semaphore_mem>>) src(%dma_wait3A_92 : memref<32x128xf32, #tpu.memory_space<vmem_shared>>) dst(%dma_wait3A_90 : memref<32x128xf32, #tpu.memory_space<hbm>>)
          tpu.yield
        }) : () -> ()
      } else {
      }
    } else {
    }
    %eq3A_22 = arith.constant 1 : i32
    %eq3A_23 = arith.cmpi eq, %arg0, %eq3A_22 : i32
    %convert_element_type3A_24 = arith.extui %eq3A_23 : i1 to i32
    %cond3A_25 = arith.constant 0 : i32
    %cond3A_26 = arith.cmpi ne, %convert_element_type3A_24, %cond3A_25 : i32
    scf.if %cond3A_26 {
      %add3A = arith.constant 0 : i32
      %add3A_27 = arith.addi %mul3A_16, %add3A : i32
      %dma_start3A = tpu.memref_slice %arg3[%add3A_27] : memref<320000xi32, #tpu.memory_space<hbm>> -> memref<80xi32, #tpu.memory_space<hbm>>
      %dma_start3A_28 = tpu.memref_slice %arg3[%add3A_27] : memref<320000xi32, #tpu.memory_space<hbm>> -> memref<80xi32, #tpu.memory_space<hbm>>
      tpu.enqueue_dma source(%dma_start3A_28 : memref<80xi32, #tpu.memory_space<hbm>>) target(%arg14 : memref<80xi32, #tpu.memory_space<vmem>>) target_semaphore(%arg28 : memref<!tpu.dma_semaphore, #tpu.memory_space<semaphore_mem>>)
      %dma_start3A_29 = tpu.memref_slice %arg4[%add3A_27] : memref<320000xi32, #tpu.memory_space<hbm>> -> memref<80xi32, #tpu.memory_space<hbm>>
      %dma_start3A_30 = tpu.memref_slice %arg4[%add3A_27] : memref<320000xi32, #tpu.memory_space<hbm>> -> memref<80xi32, #tpu.memory_space<hbm>>
      tpu.enqueue_dma source(%dma_start3A_30 : memref<80xi32, #tpu.memory_space<hbm>>) target(%arg15 : memref<80xi32, #tpu.memory_space<vmem>>) target_semaphore(%arg28 : memref<!tpu.dma_semaphore, #tpu.memory_space<semaphore_mem>>)
      %dma_start3A_31 = arith.constant 0 : i32
      %dma_start3A_32 = tpu.memref_slice %arg7[%add3A_27, %dma_start3A_31] : memref<320000x64xf32, #tpu.memory_space<hbm>> -> memref<80x64xf32, #tpu.memory_space<hbm>>
      %dma_start3A_33 = arith.constant 0 : i32
      %dma_start3A_34 = tpu.memref_slice %arg7[%add3A_27, %dma_start3A_33] : memref<320000x64xf32, #tpu.memory_space<hbm>> -> memref<80x64xf32, #tpu.memory_space<hbm>>
      tpu.enqueue_dma source(%dma_start3A_34 : memref<80x64xf32, #tpu.memory_space<hbm>>) target(%arg18 : memref<80x64xf32, #tpu.memory_space<vmem>>) target_semaphore(%arg30 : memref<!tpu.dma_semaphore, #tpu.memory_space<semaphore_mem>>)
      %dma_wait3A = arith.constant 0 : i32
      %dma_wait3A_35 = tpu.memref_slice %arg3[%dma_wait3A] : memref<320000xi32, #tpu.memory_space<hbm>> -> memref<80xi32, #tpu.memory_space<hbm>>
      %dma_wait3A_36 = arith.constant 0 : i32
      %dma_wait3A_37 = tpu.memref_slice %arg3[%dma_wait3A_36] : memref<320000xi32, #tpu.memory_space<hbm>> -> memref<80xi32, #tpu.memory_space<hbm>>
      tpu.wait_dma2 semaphore(%arg28 : memref<!tpu.dma_semaphore, #tpu.memory_space<semaphore_mem>>) src(%dma_wait3A_37 : memref<80xi32, #tpu.memory_space<hbm>>) dst(%arg14 : memref<80xi32, #tpu.memory_space<vmem>>)
      %dma_wait3A_38 = arith.constant 0 : i32
      %dma_wait3A_39 = tpu.memref_slice %arg4[%dma_wait3A_38] : memref<320000xi32, #tpu.memory_space<hbm>> -> memref<80xi32, #tpu.memory_space<hbm>>
      %dma_wait3A_40 = arith.constant 0 : i32
      %dma_wait3A_41 = tpu.memref_slice %arg4[%dma_wait3A_40] : memref<320000xi32, #tpu.memory_space<hbm>> -> memref<80xi32, #tpu.memory_space<hbm>>
      tpu.wait_dma2 semaphore(%arg28 : memref<!tpu.dma_semaphore, #tpu.memory_space<semaphore_mem>>) src(%dma_wait3A_41 : memref<80xi32, #tpu.memory_space<hbm>>) dst(%arg15 : memref<80xi32, #tpu.memory_space<vmem>>)
      %dma_start3A_42 = arith.constant 0 : i32
      %dma_start3A_43 = arith.constant 0 : i32
      %dma_start3A_44 = tpu.memref_slice %arg5[%dma_start3A_42, %dma_start3A_43] : memref<10000x128xf32, #tpu.memory_space<hbm>> -> memref<10000x128xf32, #tpu.memory_space<hbm>>
      tpu.enqueue_indirect_dma source(%dma_start3A_44 : memref<10000x128xf32, #tpu.memory_space<hbm>>) target(%arg16 : memref<80x128xf32, #tpu.memory_space<vmem>>) offsets(%arg15 : memref<80xi32, #tpu.memory_space<vmem>>) semaphore(%arg29 : memref<!tpu.dma_semaphore, #tpu.memory_space<semaphore_mem>>)
      %dma_start3A_45 = arith.constant 0 : i32
      %dma_start3A_46 = arith.constant 0 : i32
      %dma_start3A_47 = tpu.memref_slice %arg9[%dma_start3A_45, %dma_start3A_46] : memref<10000x128xf32, #tpu.memory_space<hbm>> -> memref<10000x128xf32, #tpu.memory_space<hbm>>
      tpu.enqueue_indirect_dma source(%dma_start3A_47 : memref<10000x128xf32, #tpu.memory_space<hbm>>) target(%arg17 : memref<80x128xf32, #tpu.memory_space<vmem>>) offsets(%arg14 : memref<80xi32, #tpu.memory_space<vmem>>) semaphore(%arg29 : memref<!tpu.dma_semaphore, #tpu.memory_space<semaphore_mem>>)
      %add3A_48 = arith.constant 80 : i32
      %add3A_49 = arith.addi %mul3A_16, %add3A_48 : i32
      %dma_start3A_50 = tpu.memref_slice %arg3[%add3A_49] : memref<320000xi32, #tpu.memory_space<hbm>> -> memref<80xi32, #tpu.memory_space<hbm>>
      %dma_start3A_51 = tpu.memref_slice %arg3[%add3A_49] : memref<320000xi32, #tpu.memory_space<hbm>> -> memref<80xi32, #tpu.memory_space<hbm>>
      tpu.enqueue_dma source(%dma_start3A_51 : memref<80xi32, #tpu.memory_space<hbm>>) target(%arg19 : memref<80xi32, #tpu.memory_space<vmem>>) target_semaphore(%arg31 : memref<!tpu.dma_semaphore, #tpu.memory_space<semaphore_mem>>)
      %dma_start3A_52 = tpu.memref_slice %arg4[%add3A_49] : memref<320000xi32, #tpu.memory_space<hbm>> -> memref<80xi32, #tpu.memory_space<hbm>>
      %dma_start3A_53 = tpu.memref_slice %arg4[%add3A_49] : memref<320000xi32, #tpu.memory_space<hbm>> -> memref<80xi32, #tpu.memory_space<hbm>>
      tpu.enqueue_dma source(%dma_start3A_53 : memref<80xi32, #tpu.memory_space<hbm>>) target(%arg20 : memref<80xi32, #tpu.memory_space<vmem>>) target_semaphore(%arg31 : memref<!tpu.dma_semaphore, #tpu.memory_space<semaphore_mem>>)
      %dma_start3A_54 = arith.constant 0 : i32
      %dma_start3A_55 = tpu.memref_slice %arg7[%add3A_49, %dma_start3A_54] : memref<320000x64xf32, #tpu.memory_space<hbm>> -> memref<80x64xf32, #tpu.memory_space<hbm>>
      %dma_start3A_56 = arith.constant 0 : i32
      %dma_start3A_57 = tpu.memref_slice %arg7[%add3A_49, %dma_start3A_56] : memref<320000x64xf32, #tpu.memory_space<hbm>> -> memref<80x64xf32, #tpu.memory_space<hbm>>
      tpu.enqueue_dma source(%dma_start3A_57 : memref<80x64xf32, #tpu.memory_space<hbm>>) target(%arg23 : memref<80x64xf32, #tpu.memory_space<vmem>>) target_semaphore(%arg33 : memref<!tpu.dma_semaphore, #tpu.memory_space<semaphore_mem>>)
      %scan3A = arith.constant 0 : i32
      %scan3A_58 = arith.constant 0 : i32
      %scan3A_59 = arith.constant 125 : i32
      %scan3A_60 = arith.addi %scan3A_58, %scan3A_59 : i32
      %scan3A_61 = arith.constant 1 : i32
      scf.for %scan3A_85 = %scan3A_58 to %scan3A_60 step %scan3A_61  : i32 {
        %mul3A_86 = arith.constant 2 : i32
        %mul3A_87 = arith.muli %mul3A_86, %scan3A_85 : i32
        %add3A_88 = arith.constant 0 : i32
        %add3A_89 = arith.addi %mul3A_87, %add3A_88 : i32
        %add3A_90 = arith.constant 1 : i32
        %add3A_91 = arith.addi %add3A_89, %add3A_90 : i32
        %lt3A_92 = arith.constant 250 : i32
        %lt3A_93 = arith.cmpi slt, %add3A_91, %lt3A_92 : i32
        %convert_element_type3A_94 = arith.extui %lt3A_93 : i1 to i32
        %cond3A_95 = arith.constant 0 : i32
        %cond3A_96 = arith.cmpi ne, %convert_element_type3A_94, %cond3A_95 : i32
        scf.if %cond3A_96 {
          %dma_wait3A_191 = arith.constant 0 : i32
          %dma_wait3A_192 = tpu.memref_slice %arg3[%dma_wait3A_191] : memref<320000xi32, #tpu.memory_space<hbm>> -> memref<80xi32, #tpu.memory_space<hbm>>
          %dma_wait3A_193 = arith.constant 0 : i32
          %dma_wait3A_194 = tpu.memref_slice %arg3[%dma_wait3A_193] : memref<320000xi32, #tpu.memory_space<hbm>> -> memref<80xi32, #tpu.memory_space<hbm>>
          tpu.wait_dma2 semaphore(%arg31 : memref<!tpu.dma_semaphore, #tpu.memory_space<semaphore_mem>>) src(%dma_wait3A_194 : memref<80xi32, #tpu.memory_space<hbm>>) dst(%arg19 : memref<80xi32, #tpu.memory_space<vmem>>)
          %dma_wait3A_195 = arith.constant 0 : i32
          %dma_wait3A_196 = tpu.memref_slice %arg4[%dma_wait3A_195] : memref<320000xi32, #tpu.memory_space<hbm>> -> memref<80xi32, #tpu.memory_space<hbm>>
          %dma_wait3A_197 = arith.constant 0 : i32
          %dma_wait3A_198 = tpu.memref_slice %arg4[%dma_wait3A_197] : memref<320000xi32, #tpu.memory_space<hbm>> -> memref<80xi32, #tpu.memory_space<hbm>>
          tpu.wait_dma2 semaphore(%arg31 : memref<!tpu.dma_semaphore, #tpu.memory_space<semaphore_mem>>) src(%dma_wait3A_198 : memref<80xi32, #tpu.memory_space<hbm>>) dst(%arg20 : memref<80xi32, #tpu.memory_space<vmem>>)
          %dma_start3A_199 = arith.constant 0 : i32
          %dma_start3A_200 = arith.constant 0 : i32
          %dma_start3A_201 = tpu.memref_slice %arg5[%dma_start3A_199, %dma_start3A_200] : memref<10000x128xf32, #tpu.memory_space<hbm>> -> memref<10000x128xf32, #tpu.memory_space<hbm>>
          tpu.enqueue_indirect_dma source(%dma_start3A_201 : memref<10000x128xf32, #tpu.memory_space<hbm>>) target(%arg21 : memref<80x128xf32, #tpu.memory_space<vmem>>) offsets(%arg20 : memref<80xi32, #tpu.memory_space<vmem>>) semaphore(%arg32 : memref<!tpu.dma_semaphore, #tpu.memory_space<semaphore_mem>>)
          %dma_start3A_202 = arith.constant 0 : i32
          %dma_start3A_203 = arith.constant 0 : i32
          %dma_start3A_204 = tpu.memref_slice %arg9[%dma_start3A_202, %dma_start3A_203] : memref<10000x128xf32, #tpu.memory_space<hbm>> -> memref<10000x128xf32, #tpu.memory_space<hbm>>
          tpu.enqueue_indirect_dma source(%dma_start3A_204 : memref<10000x128xf32, #tpu.memory_space<hbm>>) target(%arg22 : memref<80x128xf32, #tpu.memory_space<vmem>>) offsets(%arg19 : memref<80xi32, #tpu.memory_space<vmem>>) semaphore(%arg32 : memref<!tpu.dma_semaphore, #tpu.memory_space<semaphore_mem>>)
        } else {
        }
        %dma_wait3A_97 = arith.constant 0 : i32
        %dma_wait3A_98 = arith.constant 0 : i32
        %dma_wait3A_99 = tpu.memref_slice %arg5[%dma_wait3A_97, %dma_wait3A_98] : memref<10000x128xf32, #tpu.memory_space<hbm>> -> memref<10000x128xf32, #tpu.memory_space<hbm>>
        tpu.wait_indirect_dma semaphore(%arg29 : memref<!tpu.dma_semaphore, #tpu.memory_space<semaphore_mem>>) src(%dma_wait3A_99 : memref<10000x128xf32, #tpu.memory_space<hbm>>) dst(%arg16 : memref<80x128xf32, #tpu.memory_space<vmem>>)
        %dma_wait3A_100 = arith.constant 0 : i32
        %dma_wait3A_101 = arith.constant 0 : i32
        %dma_wait3A_102 = tpu.memref_slice %arg9[%dma_wait3A_100, %dma_wait3A_101] : memref<10000x128xf32, #tpu.memory_space<hbm>> -> memref<10000x128xf32, #tpu.memory_space<hbm>>
        tpu.wait_indirect_dma semaphore(%arg29 : memref<!tpu.dma_semaphore, #tpu.memory_space<semaphore_mem>>) src(%dma_wait3A_102 : memref<10000x128xf32, #tpu.memory_space<hbm>>) dst(%arg17 : memref<80x128xf32, #tpu.memory_space<vmem>>)
        %dma_wait3A_103 = arith.constant 0 : i32
        %dma_wait3A_104 = arith.constant 0 : i32
        %dma_wait3A_105 = tpu.memref_slice %arg7[%dma_wait3A_103, %dma_wait3A_104] : memref<320000x64xf32, #tpu.memory_space<hbm>> -> memref<80x64xf32, #tpu.memory_space<hbm>>
        %dma_wait3A_106 = arith.constant 0 : i32
        %dma_wait3A_107 = arith.constant 0 : i32
        %dma_wait3A_108 = tpu.memref_slice %arg7[%dma_wait3A_106, %dma_wait3A_107] : memref<320000x64xf32, #tpu.memory_space<hbm>> -> memref<80x64xf32, #tpu.memory_space<hbm>>
        tpu.wait_dma2 semaphore(%arg30 : memref<!tpu.dma_semaphore, #tpu.memory_space<semaphore_mem>>) src(%dma_wait3A_108 : memref<80x64xf32, #tpu.memory_space<hbm>>) dst(%arg18 : memref<80x64xf32, #tpu.memory_space<vmem>>)
        %gt3A = arith.constant 0 : i32
        %gt3A_109 = arith.cmpi sgt, %add3A_89, %gt3A : i32
        %convert_element_type3A_110 = arith.extui %gt3A_109 : i1 to i32
        %cond3A_111 = arith.constant 0 : i32
        %cond3A_112 = arith.cmpi ne, %convert_element_type3A_110, %cond3A_111 : i32
        scf.if %cond3A_112 {
          %dma_wait3A_191 = arith.constant 0 : i32
          %dma_wait3A_192 = arith.constant 0 : i32
          %dma_wait3A_193 = tpu.memref_slice %arg35[%dma_wait3A_191, %dma_wait3A_192] : memref<5000x128xf32, #tpu.memory_space<vmem_shared>> -> memref<5000x128xf32, #tpu.memory_space<vmem_shared>>
          tpu.wait_indirect_dma semaphore(%arg34 : memref<!tpu.dma_semaphore, #tpu.memory_space<semaphore_mem>>) src(%arg26 : memref<80x128xf32, #tpu.memory_space<vmem>>) dst(%dma_wait3A_193 : memref<5000x128xf32, #tpu.memory_space<vmem_shared>>)
          %dma_wait3A_194 = arith.constant 0 : i32
          %dma_wait3A_195 = arith.constant 0 : i32
          %dma_wait3A_196 = tpu.memref_slice %arg36[%dma_wait3A_194, %dma_wait3A_195] : memref<320x128xf32, #tpu.memory_space<vmem_shared>> -> memref<320x128xf32, #tpu.memory_space<vmem_shared>>
          tpu.wait_indirect_dma semaphore(%arg34 : memref<!tpu.dma_semaphore, #tpu.memory_space<semaphore_mem>>) src(%arg27 : memref<80x128xf32, #tpu.memory_space<vmem>>) dst(%dma_wait3A_196 : memref<320x128xf32, #tpu.memory_space<vmem_shared>>)
        } else {
        }
        %scan3A_113 = arith.constant 0 : i32
        %scan3A_114 = arith.constant 0 : i32
        %scan3A_115 = arith.constant 5 : i32
        %scan3A_116 = arith.addi %scan3A_114, %scan3A_115 : i32
        %scan3A_117 = arith.constant 1 : i32
        scf.for %scan3A_191 = %scan3A_114 to %scan3A_116 step %scan3A_117  : i32 {
          %mul3A_192 = arith.constant 16 : i32
          %mul3A_193 = arith.muli %scan3A_191, %mul3A_192 : i32
          %get3A = arith.index_cast %mul3A_193 : i32 to index
          %get3A_194 = tpu.vector_load %arg15[%get3A] {strides = array<i32>} : memref<80xi32, #tpu.memory_space<vmem>>, vector<16xi32>,
          %get3A_195 = vector.shape_cast %get3A_194 : vector<16xi32> to vector<16xi32>
          %shift_right_logical3A = arith.constant 1 : i32
          %shift_right_logical3A_196 = vector.broadcast %shift_right_logical3A : i32 to vector<16xi32>
          %shift_right_logical3A_197 = arith.shrui %get3A_195, %shift_right_logical3A_196 : vector<16xi32>
          %mul3A_198 = arith.constant 16 : i32
          %mul3A_199 = arith.muli %scan3A_191, %mul3A_198 : i32
          %swap3A = arith.index_cast %mul3A_199 : i32 to index
          %swap3A_200 = tpu.vector_load %arg24[%swap3A] {strides = array<i32>} : memref<80xi32, #tpu.memory_space<vmem>>, vector<16xi32>,
          %swap3A_201 = vector.shape_cast %swap3A_200 : vector<16xi32> to vector<16xi32>
          %swap3A_202 = vector.shape_cast %shift_right_logical3A_197 : vector<16xi32> to vector<16xi32>
          tpu.vector_store %arg24[%swap3A], %swap3A_202 {strides = array<i32>} : memref<80xi32, #tpu.memory_space<vmem>>, vector<16xi32>,
          %shift_right_logical3A_203 = arith.constant 5 : i32
          %shift_right_logical3A_204 = vector.broadcast %shift_right_logical3A_203 : i32 to vector<16xi32>
          %shift_right_logical3A_205 = arith.shrui %get3A_195, %shift_right_logical3A_204 : vector<16xi32>
          %mul3A_206 = arith.constant 16 : i32
          %mul3A_207 = arith.muli %scan3A_191, %mul3A_206 : i32
          %swap3A_208 = arith.index_cast %mul3A_207 : i32 to index
          %swap3A_209 = tpu.vector_load %arg25[%swap3A_208] {strides = array<i32>} : memref<80xi32, #tpu.memory_space<vmem>>, vector<16xi32>,
          %swap3A_210 = vector.shape_cast %swap3A_209 : vector<16xi32> to vector<16xi32>
          %swap3A_211 = vector.shape_cast %shift_right_logical3A_205 : vector<16xi32> to vector<16xi32>
          tpu.vector_store %arg25[%swap3A_208], %swap3A_211 {strides = array<i32>} : memref<80xi32, #tpu.memory_space<vmem>>, vector<16xi32>,
        }
        %scan3A_118 = arith.constant 5 : i32
        %scan3A_119 = arith.constant 0 : i32
        %scan3A_120 = arith.constant 0 : i32
        %scan3A_121 = arith.constant 5 : i32
        %scan3A_122 = arith.addi %scan3A_120, %scan3A_121 : i32
        %scan3A_123 = arith.constant 1 : i32
        scf.for %scan3A_191 = %scan3A_120 to %scan3A_122 step %scan3A_123  : i32 {
          %mul3A_192 = arith.constant 16 : i32
          %mul3A_193 = arith.muli %scan3A_191, %mul3A_192 : i32
          %get3A = arith.index_cast %mul3A_193 : i32 to index
          %get3A_194 = tpu.vector_load %arg15[%get3A] {strides = array<i32>} : memref<80xi32, #tpu.memory_space<vmem>>, vector<16xi32>,
          %get3A_195 = vector.shape_cast %get3A_194 : vector<16xi32> to vector<16xi32>
          %scan3A_196 = arith.constant 0 : i32
          %scan3A_197 = arith.constant 0 : i32
          %scan3A_198 = arith.constant 16 : i32
          %scan3A_199 = arith.addi %scan3A_197, %scan3A_198 : i32
          %scan3A_200 = arith.constant 1 : i32
          scf.for %scan3A_202 = %scan3A_197 to %scan3A_199 step %scan3A_200  : i32 {
            %mul3A_203 = arith.constant 16 : i32
            %mul3A_204 = arith.muli %scan3A_191, %mul3A_203 : i32
            %add3A_205 = arith.addi %mul3A_204, %scan3A_202 : i32
            %broadcast_in_dim3A_206 = vector.broadcast %scan3A_202 : i32 to vector<16xi32>
            %broadcast_in_dim3A_207 = vector.shape_cast %broadcast_in_dim3A_206 : vector<16xi32> to vector<16x1xi32>
            %gather3A = vector.shape_cast %broadcast_in_dim3A_207 : vector<16x1xi32> to vector<16xi32>
            %gather3A_208 = tpu.dynamic_gather %get3A_195[%gather3A] in [0] : vector<16xi32>, vector<16xi32> -> vector<16xi32>
            %and3A = arith.constant 1 : i32
            %and3A_209 = vector.broadcast %and3A : i32 to vector<16xi32>
            %and3A_210 = arith.andi %gather3A_208, %and3A_209 : vector<16xi32>
            %convert_element_type3A_211 = arith.sitofp %and3A_210 : vector<16xi32> to vector<16xf32>
            %get3A_212 = arith.index_cast %add3A_205 : i32 to index
            %get3A_213 = arith.constant 64 : index
            %get3A_214 = tpu.vector_load %arg16[%get3A_212, %get3A_213] {strides = array<i32>} : memref<80x128xf32, #tpu.memory_space<vmem>>, vector<1x16xf32>,
            %get3A_215 = vector.shape_cast %get3A_214 : vector<1x16xf32> to vector<16xf32>
            %get3A_216 = arith.index_cast %add3A_205 : i32 to index
            %get3A_217 = arith.constant 0 : index
            %get3A_218 = tpu.vector_load %arg17[%get3A_216, %get3A_217] {strides = array<i32>} : memref<80x128xf32, #tpu.memory_space<vmem>>, vector<1x16xf32>,
            %get3A_219 = vector.shape_cast %get3A_218 : vector<1x16xf32> to vector<16xf32>
            %get3A_220 = arith.index_cast %add3A_205 : i32 to index
            %get3A_221 = arith.constant 64 : index
            %get3A_222 = tpu.vector_load %arg17[%get3A_220, %get3A_221] {strides = array<i32>} : memref<80x128xf32, #tpu.memory_space<vmem>>, vector<1x16xf32>,
            %get3A_223 = vector.shape_cast %get3A_222 : vector<1x16xf32> to vector<16xf32>
            %get3A_224 = arith.index_cast %add3A_205 : i32 to index
            %get3A_225 = arith.constant 0 : index
            %get3A_226 = tpu.vector_load %arg18[%get3A_224, %get3A_225] {strides = array<i32>} : memref<80x64xf32, #tpu.memory_space<vmem>>, vector<1x16xf32>,
            %get3A_227 = vector.shape_cast %get3A_226 : vector<1x16xf32> to vector<16xf32>
            %add3A_228 = arith.addf %get3A_219, %get3A_227 : vector<16xf32>
            %mul3A_229 = arith.mulf %get3A_215, %add3A_228 : vector<16xf32>
            %xor3A = arith.constant 1 : i32
            %xor3A_230 = vector.broadcast %xor3A : i32 to vector<16xi32>
            %xor3A_231 = arith.xori %iota3A, %xor3A_230 : vector<16xi32>
            %broadcast_in_dim3A_232 = vector.shape_cast %xor3A_231 : vector<16xi32> to vector<16x1xi32>
            %gather3A_233 = vector.shape_cast %broadcast_in_dim3A_232 : vector<16x1xi32> to vector<16xi32>
            %gather3A_234 = tpu.dynamic_gather %mul3A_229[%gather3A_233] in [0] : vector<16xf32>, vector<16xi32> -> vector<16xf32>
            %add3A_235 = arith.addf %mul3A_229, %gather3A_234 : vector<16xf32>
            %xor3A_236 = arith.constant 2 : i32
            %xor3A_237 = vector.broadcast %xor3A_236 : i32 to vector<16xi32>
            %xor3A_238 = arith.xori %iota3A, %xor3A_237 : vector<16xi32>
            %broadcast_in_dim3A_239 = vector.shape_cast %xor3A_238 : vector<16xi32> to vector<16x1xi32>
            %gather3A_240 = vector.shape_cast %broadcast_in_dim3A_239 : vector<16x1xi32> to vector<16xi32>
            %gather3A_241 = tpu.dynamic_gather %add3A_235[%gather3A_240] in [0] : vector<16xf32>, vector<16xi32> -> vector<16xf32>
            %add3A_242 = arith.addf %add3A_235, %gather3A_241 : vector<16xf32>
            %xor3A_243 = arith.constant 4 : i32
            %xor3A_244 = vector.broadcast %xor3A_243 : i32 to vector<16xi32>
            %xor3A_245 = arith.xori %iota3A, %xor3A_244 : vector<16xi32>
            %broadcast_in_dim3A_246 = vector.shape_cast %xor3A_245 : vector<16xi32> to vector<16x1xi32>
            %gather3A_247 = vector.shape_cast %broadcast_in_dim3A_246 : vector<16x1xi32> to vector<16xi32>
            %gather3A_248 = tpu.dynamic_gather %add3A_242[%gather3A_247] in [0] : vector<16xf32>, vector<16xi32> -> vector<16xf32>
            %add3A_249 = arith.addf %add3A_242, %gather3A_248 : vector<16xf32>
            %xor3A_250 = arith.constant 8 : i32
            %xor3A_251 = vector.broadcast %xor3A_250 : i32 to vector<16xi32>
            %xor3A_252 = arith.xori %iota3A, %xor3A_251 : vector<16xi32>
            %broadcast_in_dim3A_253 = vector.shape_cast %xor3A_252 : vector<16xi32> to vector<16x1xi32>
            %gather3A_254 = vector.shape_cast %broadcast_in_dim3A_253 : vector<16x1xi32> to vector<16xi32>
            %gather3A_255 = tpu.dynamic_gather %add3A_249[%gather3A_254] in [0] : vector<16xf32>, vector<16xi32> -> vector<16xf32>
            %add3A_256 = arith.addf %add3A_249, %gather3A_255 : vector<16xf32>
            %mul3A_257 = arith.constant 2.500000e-01 : f32
            %mul3A_258 = vector.broadcast %mul3A_257 : f32 to vector<16xf32>
            %mul3A_259 = arith.mulf %add3A_256, %mul3A_258 : vector<16xf32>
            %max3A = arith.constant 0.000000e+00 : f32
            %max3A_260 = vector.broadcast %max3A : f32 to vector<16xf32>
            %max3A_261 = arith.maximumf %mul3A_259, %max3A_260 : vector<16xf32>
            %eq3A_262 = arith.constant 0 : i32
            %eq3A_263 = vector.broadcast %eq3A_262 : i32 to vector<16xi32>
            %eq3A_264 = arith.cmpi eq, %iota3A, %eq3A_263 : vector<16xi32>
            %select_n3A = arith.select %eq3A_264, %max3A_261, %broadcast_in_dim3A_0 : vector<16xi1>, vector<16xf32>
            %add3A_265 = arith.addf %get3A_223, %get3A_227 : vector<16xf32>
            %mul3A_266 = arith.mulf %max3A_261, %add3A_265 : vector<16xf32>
            %sub3A = arith.constant 1.000000e+00 : f32
            %sub3A_267 = vector.broadcast %sub3A : f32 to vector<16xf32>
            %sub3A_268 = arith.subf %sub3A_267, %convert_element_type3A_211 : vector<16xf32>
            %mul3A_269 = arith.mulf %mul3A_266, %sub3A_268 : vector<16xf32>
            %swap3A = arith.index_cast %add3A_205 : i32 to index
            %swap3A_270 = arith.constant 0 : index
            %swap3A_271 = tpu.vector_load %arg26[%swap3A, %swap3A_270] {strides = array<i32>} : memref<80x128xf32, #tpu.memory_space<vmem>>, vector<1x16xf32>,
            %swap3A_272 = vector.shape_cast %swap3A_271 : vector<1x16xf32> to vector<16xf32>
            %swap3A_273 = vector.shape_cast %mul3A_269 : vector<16xf32> to vector<1x16xf32>
            tpu.vector_store %arg26[%swap3A, %swap3A_270], %swap3A_273 {strides = array<i32>} : memref<80x128xf32, #tpu.memory_space<vmem>>, vector<1x16xf32>,
            %mul3A_274 = arith.mulf %mul3A_266, %convert_element_type3A_211 : vector<16xf32>
            %swap3A_275 = arith.index_cast %add3A_205 : i32 to index
            %swap3A_276 = arith.constant 64 : index
            %swap3A_277 = tpu.vector_load %arg26[%swap3A_275, %swap3A_276] {strides = array<i32>} : memref<80x128xf32, #tpu.memory_space<vmem>>, vector<1x16xf32>,
            %swap3A_278 = vector.shape_cast %swap3A_277 : vector<1x16xf32> to vector<16xf32>
            %swap3A_279 = vector.shape_cast %mul3A_274 : vector<16xf32> to vector<1x16xf32>
            tpu.vector_store %arg26[%swap3A_275, %swap3A_276], %swap3A_279 {strides = array<i32>} : memref<80x128xf32, #tpu.memory_space<vmem>>, vector<1x16xf32>,
            %get3A_280 = arith.index_cast %add3A_205 : i32 to index
            %get3A_281 = arith.constant 80 : index
            %get3A_282 = tpu.vector_load %arg16[%get3A_280, %get3A_281] {strides = array<i32>} : memref<80x128xf32, #tpu.memory_space<vmem>>, vector<1x16xf32>,
            %get3A_283 = vector.shape_cast %get3A_282 : vector<1x16xf32> to vector<16xf32>
            %get3A_284 = arith.index_cast %add3A_205 : i32 to index
            %get3A_285 = arith.constant 16 : index
            %get3A_286 = tpu.vector_load %arg17[%get3A_284, %get3A_285] {strides = array<i32>} : memref<80x128xf32, #tpu.memory_space<vmem>>, vector<1x16xf32>,
            %get3A_287 = vector.shape_cast %get3A_286 : vector<1x16xf32> to vector<16xf32>
            %get3A_288 = arith.index_cast %add3A_205 : i32 to index
            %get3A_289 = arith.constant 80 : index
            %get3A_290 = tpu.vector_load %arg17[%get3A_288, %get3A_289] {strides = array<i32>} : memref<80x128xf32, #tpu.memory_space<vmem>>, vector<1x16xf32>,
            %get3A_291 = vector.shape_cast %get3A_290 : vector<1x16xf32> to vector<16xf32>
            %get3A_292 = arith.index_cast %add3A_205 : i32 to index
            %get3A_293 = arith.constant 16 : index
            %get3A_294 = tpu.vector_load %arg18[%get3A_292, %get3A_293] {strides = array<i32>} : memref<80x64xf32, #tpu.memory_space<vmem>>, vector<1x16xf32>,
            %get3A_295 = vector.shape_cast %get3A_294 : vector<1x16xf32> to vector<16xf32>
            %add3A_296 = arith.addf %get3A_287, %get3A_295 : vector<16xf32>
            %mul3A_297 = arith.mulf %get3A_283, %add3A_296 : vector<16xf32>
            %xor3A_298 = arith.constant 1 : i32
            %xor3A_299 = vector.broadcast %xor3A_298 : i32 to vector<16xi32>
            %xor3A_300 = arith.xori %iota3A, %xor3A_299 : vector<16xi32>
            %broadcast_in_dim3A_301 = vector.shape_cast %xor3A_300 : vector<16xi32> to vector<16x1xi32>
            %gather3A_302 = vector.shape_cast %broadcast_in_dim3A_301 : vector<16x1xi32> to vector<16xi32>
            %gather3A_303 = tpu.dynamic_gather %mul3A_297[%gather3A_302] in [0] : vector<16xf32>, vector<16xi32> -> vector<16xf32>
            %add3A_304 = arith.addf %mul3A_297, %gather3A_303 : vector<16xf32>
            %xor3A_305 = arith.constant 2 : i32
            %xor3A_306 = vector.broadcast %xor3A_305 : i32 to vector<16xi32>
            %xor3A_307 = arith.xori %iota3A, %xor3A_306 : vector<16xi32>
            %broadcast_in_dim3A_308 = vector.shape_cast %xor3A_307 : vector<16xi32> to vector<16x1xi32>
            %gather3A_309 = vector.shape_cast %broadcast_in_dim3A_308 : vector<16x1xi32> to vector<16xi32>
            %gather3A_310 = tpu.dynamic_gather %add3A_304[%gather3A_309] in [0] : vector<16xf32>, vector<16xi32> -> vector<16xf32>
            %add3A_311 = arith.addf %add3A_304, %gather3A_310 : vector<16xf32>
            %xor3A_312 = arith.constant 4 : i32
            %xor3A_313 = vector.broadcast %xor3A_312 : i32 to vector<16xi32>
            %xor3A_314 = arith.xori %iota3A, %xor3A_313 : vector<16xi32>
            %broadcast_in_dim3A_315 = vector.shape_cast %xor3A_314 : vector<16xi32> to vector<16x1xi32>
            %gather3A_316 = vector.shape_cast %broadcast_in_dim3A_315 : vector<16x1xi32> to vector<16xi32>
            %gather3A_317 = tpu.dynamic_gather %add3A_311[%gather3A_316] in [0] : vector<16xf32>, vector<16xi32> -> vector<16xf32>
            %add3A_318 = arith.addf %add3A_311, %gather3A_317 : vector<16xf32>
            %xor3A_319 = arith.constant 8 : i32
            %xor3A_320 = vector.broadcast %xor3A_319 : i32 to vector<16xi32>
            %xor3A_321 = arith.xori %iota3A, %xor3A_320 : vector<16xi32>
            %broadcast_in_dim3A_322 = vector.shape_cast %xor3A_321 : vector<16xi32> to vector<16x1xi32>
            %gather3A_323 = vector.shape_cast %broadcast_in_dim3A_322 : vector<16x1xi32> to vector<16xi32>
            %gather3A_324 = tpu.dynamic_gather %add3A_318[%gather3A_323] in [0] : vector<16xf32>, vector<16xi32> -> vector<16xf32>
            %add3A_325 = arith.addf %add3A_318, %gather3A_324 : vector<16xf32>
            %mul3A_326 = arith.constant 2.500000e-01 : f32
            %mul3A_327 = vector.broadcast %mul3A_326 : f32 to vector<16xf32>
            %mul3A_328 = arith.mulf %add3A_325, %mul3A_327 : vector<16xf32>
            %max3A_329 = arith.constant 0.000000e+00 : f32
            %max3A_330 = vector.broadcast %max3A_329 : f32 to vector<16xf32>
            %max3A_331 = arith.maximumf %mul3A_328, %max3A_330 : vector<16xf32>
            %eq3A_332 = arith.constant 1 : i32
            %eq3A_333 = vector.broadcast %eq3A_332 : i32 to vector<16xi32>
            %eq3A_334 = arith.cmpi eq, %iota3A, %eq3A_333 : vector<16xi32>
            %select_n3A_335 = arith.select %eq3A_334, %max3A_331, %select_n3A : vector<16xi1>, vector<16xf32>
            %add3A_336 = arith.addf %get3A_291, %get3A_295 : vector<16xf32>
            %mul3A_337 = arith.mulf %max3A_331, %add3A_336 : vector<16xf32>
            %sub3A_338 = arith.constant 1.000000e+00 : f32
            %sub3A_339 = vector.broadcast %sub3A_338 : f32 to vector<16xf32>
            %sub3A_340 = arith.subf %sub3A_339, %convert_element_type3A_211 : vector<16xf32>
            %mul3A_341 = arith.mulf %mul3A_337, %sub3A_340 : vector<16xf32>
            %swap3A_342 = arith.index_cast %add3A_205 : i32 to index
            %swap3A_343 = arith.constant 16 : index
            %swap3A_344 = tpu.vector_load %arg26[%swap3A_342, %swap3A_343] {strides = array<i32>} : memref<80x128xf32, #tpu.memory_space<vmem>>, vector<1x16xf32>,
            %swap3A_345 = vector.shape_cast %swap3A_344 : vector<1x16xf32> to vector<16xf32>
            %swap3A_346 = vector.shape_cast %mul3A_341 : vector<16xf32> to vector<1x16xf32>
            tpu.vector_store %arg26[%swap3A_342, %swap3A_343], %swap3A_346 {strides = array<i32>} : memref<80x128xf32, #tpu.memory_space<vmem>>, vector<1x16xf32>,
            %mul3A_347 = arith.mulf %mul3A_337, %convert_element_type3A_211 : vector<16xf32>
            %swap3A_348 = arith.index_cast %add3A_205 : i32 to index
            %swap3A_349 = arith.constant 80 : index
            %swap3A_350 = tpu.vector_load %arg26[%swap3A_348, %swap3A_349] {strides = array<i32>} : memref<80x128xf32, #tpu.memory_space<vmem>>, vector<1x16xf32>,
            %swap3A_351 = vector.shape_cast %swap3A_350 : vector<1x16xf32> to vector<16xf32>
            %swap3A_352 = vector.shape_cast %mul3A_347 : vector<16xf32> to vector<1x16xf32>
            tpu.vector_store %arg26[%swap3A_348, %swap3A_349], %swap3A_352 {strides = array<i32>} : memref<80x128xf32, #tpu.memory_space<vmem>>, vector<1x16xf32>,
            %get3A_353 = arith.index_cast %add3A_205 : i32 to index
            %get3A_354 = arith.constant 96 : index
            %get3A_355 = tpu.vector_load %arg16[%get3A_353, %get3A_354] {strides = array<i32>} : memref<80x128xf32, #tpu.memory_space<vmem>>, vector<1x16xf32>,
            %get3A_356 = vector.shape_cast %get3A_355 : vector<1x16xf32> to vector<16xf32>
            %get3A_357 = arith.index_cast %add3A_205 : i32 to index
            %get3A_358 = arith.constant 32 : index
            %get3A_359 = tpu.vector_load %arg17[%get3A_357, %get3A_358] {strides = array<i32>} : memref<80x128xf32, #tpu.memory_space<vmem>>, vector<1x16xf32>,
            %get3A_360 = vector.shape_cast %get3A_359 : vector<1x16xf32> to vector<16xf32>
            %get3A_361 = arith.index_cast %add3A_205 : i32 to index
            %get3A_362 = arith.constant 96 : index
            %get3A_363 = tpu.vector_load %arg17[%get3A_361, %get3A_362] {strides = array<i32>} : memref<80x128xf32, #tpu.memory_space<vmem>>, vector<1x16xf32>,
            %get3A_364 = vector.shape_cast %get3A_363 : vector<1x16xf32> to vector<16xf32>
            %get3A_365 = arith.index_cast %add3A_205 : i32 to index
            %get3A_366 = arith.constant 32 : index
            %get3A_367 = tpu.vector_load %arg18[%get3A_365, %get3A_366] {strides = array<i32>} : memref<80x64xf32, #tpu.memory_space<vmem>>, vector<1x16xf32>,
            %get3A_368 = vector.shape_cast %get3A_367 : vector<1x16xf32> to vector<16xf32>
            %add3A_369 = arith.addf %get3A_360, %get3A_368 : vector<16xf32>
            %mul3A_370 = arith.mulf %get3A_356, %add3A_369 : vector<16xf32>
            %xor3A_371 = arith.constant 1 : i32
            %xor3A_372 = vector.broadcast %xor3A_371 : i32 to vector<16xi32>
            %xor3A_373 = arith.xori %iota3A, %xor3A_372 : vector<16xi32>
            %broadcast_in_dim3A_374 = vector.shape_cast %xor3A_373 : vector<16xi32> to vector<16x1xi32>
            %gather3A_375 = vector.shape_cast %broadcast_in_dim3A_374 : vector<16x1xi32> to vector<16xi32>
            %gather3A_376 = tpu.dynamic_gather %mul3A_370[%gather3A_375] in [0] : vector<16xf32>, vector<16xi32> -> vector<16xf32>
            %add3A_377 = arith.addf %mul3A_370, %gather3A_376 : vector<16xf32>
            %xor3A_378 = arith.constant 2 : i32
            %xor3A_379 = vector.broadcast %xor3A_378 : i32 to vector<16xi32>
            %xor3A_380 = arith.xori %iota3A, %xor3A_379 : vector<16xi32>
            %broadcast_in_dim3A_381 = vector.shape_cast %xor3A_380 : vector<16xi32> to vector<16x1xi32>
            %gather3A_382 = vector.shape_cast %broadcast_in_dim3A_381 : vector<16x1xi32> to vector<16xi32>
            %gather3A_383 = tpu.dynamic_gather %add3A_377[%gather3A_382] in [0] : vector<16xf32>, vector<16xi32> -> vector<16xf32>
            %add3A_384 = arith.addf %add3A_377, %gather3A_383 : vector<16xf32>
            %xor3A_385 = arith.constant 4 : i32
            %xor3A_386 = vector.broadcast %xor3A_385 : i32 to vector<16xi32>
            %xor3A_387 = arith.xori %iota3A, %xor3A_386 : vector<16xi32>
            %broadcast_in_dim3A_388 = vector.shape_cast %xor3A_387 : vector<16xi32> to vector<16x1xi32>
            %gather3A_389 = vector.shape_cast %broadcast_in_dim3A_388 : vector<16x1xi32> to vector<16xi32>
            %gather3A_390 = tpu.dynamic_gather %add3A_384[%gather3A_389] in [0] : vector<16xf32>, vector<16xi32> -> vector<16xf32>
            %add3A_391 = arith.addf %add3A_384, %gather3A_390 : vector<16xf32>
            %xor3A_392 = arith.constant 8 : i32
            %xor3A_393 = vector.broadcast %xor3A_392 : i32 to vector<16xi32>
            %xor3A_394 = arith.xori %iota3A, %xor3A_393 : vector<16xi32>
            %broadcast_in_dim3A_395 = vector.shape_cast %xor3A_394 : vector<16xi32> to vector<16x1xi32>
            %gather3A_396 = vector.shape_cast %broadcast_in_dim3A_395 : vector<16x1xi32> to vector<16xi32>
            %gather3A_397 = tpu.dynamic_gather %add3A_391[%gather3A_396] in [0] : vector<16xf32>, vector<16xi32> -> vector<16xf32>
            %add3A_398 = arith.addf %add3A_391, %gather3A_397 : vector<16xf32>
            %mul3A_399 = arith.constant 2.500000e-01 : f32
            %mul3A_400 = vector.broadcast %mul3A_399 : f32 to vector<16xf32>
            %mul3A_401 = arith.mulf %add3A_398, %mul3A_400 : vector<16xf32>
            %max3A_402 = arith.constant 0.000000e+00 : f32
            %max3A_403 = vector.broadcast %max3A_402 : f32 to vector<16xf32>
            %max3A_404 = arith.maximumf %mul3A_401, %max3A_403 : vector<16xf32>
            %eq3A_405 = arith.constant 2 : i32
            %eq3A_406 = vector.broadcast %eq3A_405 : i32 to vector<16xi32>
            %eq3A_407 = arith.cmpi eq, %iota3A, %eq3A_406 : vector<16xi32>
            %select_n3A_408 = arith.select %eq3A_407, %max3A_404, %select_n3A_335 : vector<16xi1>, vector<16xf32>
            %add3A_409 = arith.addf %get3A_364, %get3A_368 : vector<16xf32>
            %mul3A_410 = arith.mulf %max3A_404, %add3A_409 : vector<16xf32>
            %sub3A_411 = arith.constant 1.000000e+00 : f32
            %sub3A_412 = vector.broadcast %sub3A_411 : f32 to vector<16xf32>
            %sub3A_413 = arith.subf %sub3A_412, %convert_element_type3A_211 : vector<16xf32>
            %mul3A_414 = arith.mulf %mul3A_410, %sub3A_413 : vector<16xf32>
            %swap3A_415 = arith.index_cast %add3A_205 : i32 to index
            %swap3A_416 = arith.constant 32 : index
            %swap3A_417 = tpu.vector_load %arg26[%swap3A_415, %swap3A_416] {strides = array<i32>} : memref<80x128xf32, #tpu.memory_space<vmem>>, vector<1x16xf32>,
            %swap3A_418 = vector.shape_cast %swap3A_417 : vector<1x16xf32> to vector<16xf32>
            %swap3A_419 = vector.shape_cast %mul3A_414 : vector<16xf32> to vector<1x16xf32>
            tpu.vector_store %arg26[%swap3A_415, %swap3A_416], %swap3A_419 {strides = array<i32>} : memref<80x128xf32, #tpu.memory_space<vmem>>, vector<1x16xf32>,
            %mul3A_420 = arith.mulf %mul3A_410, %convert_element_type3A_211 : vector<16xf32>
            %swap3A_421 = arith.index_cast %add3A_205 : i32 to index
            %swap3A_422 = arith.constant 96 : index
            %swap3A_423 = tpu.vector_load %arg26[%swap3A_421, %swap3A_422] {strides = array<i32>} : memref<80x128xf32, #tpu.memory_space<vmem>>, vector<1x16xf32>,
            %swap3A_424 = vector.shape_cast %swap3A_423 : vector<1x16xf32> to vector<16xf32>
            %swap3A_425 = vector.shape_cast %mul3A_420 : vector<16xf32> to vector<1x16xf32>
            tpu.vector_store %arg26[%swap3A_421, %swap3A_422], %swap3A_425 {strides = array<i32>} : memref<80x128xf32, #tpu.memory_space<vmem>>, vector<1x16xf32>,
            %get3A_426 = arith.index_cast %add3A_205 : i32 to index
            %get3A_427 = arith.constant 112 : index
            %get3A_428 = tpu.vector_load %arg16[%get3A_426, %get3A_427] {strides = array<i32>} : memref<80x128xf32, #tpu.memory_space<vmem>>, vector<1x16xf32>,
            %get3A_429 = vector.shape_cast %get3A_428 : vector<1x16xf32> to vector<16xf32>
            %get3A_430 = arith.index_cast %add3A_205 : i32 to index
            %get3A_431 = arith.constant 48 : index
            %get3A_432 = tpu.vector_load %arg17[%get3A_430, %get3A_431] {strides = array<i32>} : memref<80x128xf32, #tpu.memory_space<vmem>>, vector<1x16xf32>,
            %get3A_433 = vector.shape_cast %get3A_432 : vector<1x16xf32> to vector<16xf32>
            %get3A_434 = arith.index_cast %add3A_205 : i32 to index
            %get3A_435 = arith.constant 112 : index
            %get3A_436 = tpu.vector_load %arg17[%get3A_434, %get3A_435] {strides = array<i32>} : memref<80x128xf32, #tpu.memory_space<vmem>>, vector<1x16xf32>,
            %get3A_437 = vector.shape_cast %get3A_436 : vector<1x16xf32> to vector<16xf32>
            %get3A_438 = arith.index_cast %add3A_205 : i32 to index
            %get3A_439 = arith.constant 48 : index
            %get3A_440 = tpu.vector_load %arg18[%get3A_438, %get3A_439] {strides = array<i32>} : memref<80x64xf32, #tpu.memory_space<vmem>>, vector<1x16xf32>,
            %get3A_441 = vector.shape_cast %get3A_440 : vector<1x16xf32> to vector<16xf32>
            %add3A_442 = arith.addf %get3A_433, %get3A_441 : vector<16xf32>
            %mul3A_443 = arith.mulf %get3A_429, %add3A_442 : vector<16xf32>
            %xor3A_444 = arith.constant 1 : i32
            %xor3A_445 = vector.broadcast %xor3A_444 : i32 to vector<16xi32>
            %xor3A_446 = arith.xori %iota3A, %xor3A_445 : vector<16xi32>
            %broadcast_in_dim3A_447 = vector.shape_cast %xor3A_446 : vector<16xi32> to vector<16x1xi32>
            %gather3A_448 = vector.shape_cast %broadcast_in_dim3A_447 : vector<16x1xi32> to vector<16xi32>
            %gather3A_449 = tpu.dynamic_gather %mul3A_443[%gather3A_448] in [0] : vector<16xf32>, vector<16xi32> -> vector<16xf32>
            %add3A_450 = arith.addf %mul3A_443, %gather3A_449 : vector<16xf32>
            %xor3A_451 = arith.constant 2 : i32
            %xor3A_452 = vector.broadcast %xor3A_451 : i32 to vector<16xi32>
            %xor3A_453 = arith.xori %iota3A, %xor3A_452 : vector<16xi32>
            %broadcast_in_dim3A_454 = vector.shape_cast %xor3A_453 : vector<16xi32> to vector<16x1xi32>
            %gather3A_455 = vector.shape_cast %broadcast_in_dim3A_454 : vector<16x1xi32> to vector<16xi32>
            %gather3A_456 = tpu.dynamic_gather %add3A_450[%gather3A_455] in [0] : vector<16xf32>, vector<16xi32> -> vector<16xf32>
            %add3A_457 = arith.addf %add3A_450, %gather3A_456 : vector<16xf32>
            %xor3A_458 = arith.constant 4 : i32
            %xor3A_459 = vector.broadcast %xor3A_458 : i32 to vector<16xi32>
            %xor3A_460 = arith.xori %iota3A, %xor3A_459 : vector<16xi32>
            %broadcast_in_dim3A_461 = vector.shape_cast %xor3A_460 : vector<16xi32> to vector<16x1xi32>
            %gather3A_462 = vector.shape_cast %broadcast_in_dim3A_461 : vector<16x1xi32> to vector<16xi32>
            %gather3A_463 = tpu.dynamic_gather %add3A_457[%gather3A_462] in [0] : vector<16xf32>, vector<16xi32> -> vector<16xf32>
            %add3A_464 = arith.addf %add3A_457, %gather3A_463 : vector<16xf32>
            %xor3A_465 = arith.constant 8 : i32
            %xor3A_466 = vector.broadcast %xor3A_465 : i32 to vector<16xi32>
            %xor3A_467 = arith.xori %iota3A, %xor3A_466 : vector<16xi32>
            %broadcast_in_dim3A_468 = vector.shape_cast %xor3A_467 : vector<16xi32> to vector<16x1xi32>
            %gather3A_469 = vector.shape_cast %broadcast_in_dim3A_468 : vector<16x1xi32> to vector<16xi32>
            %gather3A_470 = tpu.dynamic_gather %add3A_464[%gather3A_469] in [0] : vector<16xf32>, vector<16xi32> -> vector<16xf32>
            %add3A_471 = arith.addf %add3A_464, %gather3A_470 : vector<16xf32>
            %mul3A_472 = arith.constant 2.500000e-01 : f32
            %mul3A_473 = vector.broadcast %mul3A_472 : f32 to vector<16xf32>
            %mul3A_474 = arith.mulf %add3A_471, %mul3A_473 : vector<16xf32>
            %max3A_475 = arith.constant 0.000000e+00 : f32
            %max3A_476 = vector.broadcast %max3A_475 : f32 to vector<16xf32>
            %max3A_477 = arith.maximumf %mul3A_474, %max3A_476 : vector<16xf32>
            %eq3A_478 = arith.constant 3 : i32
            %eq3A_479 = vector.broadcast %eq3A_478 : i32 to vector<16xi32>
            %eq3A_480 = arith.cmpi eq, %iota3A, %eq3A_479 : vector<16xi32>
            %select_n3A_481 = arith.select %eq3A_480, %max3A_477, %select_n3A_408 : vector<16xi1>, vector<16xf32>
            %add3A_482 = arith.addf %get3A_437, %get3A_441 : vector<16xf32>
            %mul3A_483 = arith.mulf %max3A_477, %add3A_482 : vector<16xf32>
            %sub3A_484 = arith.constant 1.000000e+00 : f32
            %sub3A_485 = vector.broadcast %sub3A_484 : f32 to vector<16xf32>
            %sub3A_486 = arith.subf %sub3A_485, %convert_element_type3A_211 : vector<16xf32>
            %mul3A_487 = arith.mulf %mul3A_483, %sub3A_486 : vector<16xf32>
            %swap3A_488 = arith.index_cast %add3A_205 : i32 to index
            %swap3A_489 = arith.constant 48 : index
            %swap3A_490 = tpu.vector_load %arg26[%swap3A_488, %swap3A_489] {strides = array<i32>} : memref<80x128xf32, #tpu.memory_space<vmem>>, vector<1x16xf32>,
            %swap3A_491 = vector.shape_cast %swap3A_490 : vector<1x16xf32> to vector<16xf32>
            %swap3A_492 = vector.shape_cast %mul3A_487 : vector<16xf32> to vector<1x16xf32>
            tpu.vector_store %arg26[%swap3A_488, %swap3A_489], %swap3A_492 {strides = array<i32>} : memref<80x128xf32, #tpu.memory_space<vmem>>, vector<1x16xf32>,
            %mul3A_493 = arith.mulf %mul3A_483, %convert_element_type3A_211 : vector<16xf32>
            %swap3A_494 = arith.index_cast %add3A_205 : i32 to index
            %swap3A_495 = arith.constant 112 : index
            %swap3A_496 = tpu.vector_load %arg26[%swap3A_494, %swap3A_495] {strides = array<i32>} : memref<80x128xf32, #tpu.memory_space<vmem>>, vector<1x16xf32>,
            %swap3A_497 = vector.shape_cast %swap3A_496 : vector<1x16xf32> to vector<16xf32>
            %swap3A_498 = vector.shape_cast %mul3A_493 : vector<16xf32> to vector<1x16xf32>
            tpu.vector_store %arg26[%swap3A_494, %swap3A_495], %swap3A_498 {strides = array<i32>} : memref<80x128xf32, #tpu.memory_space<vmem>>, vector<1x16xf32>,
            %and3A_499 = arith.constant 3 : i32
            %and3A_500 = vector.broadcast %and3A_499 : i32 to vector<16xi32>
            %and3A_501 = arith.andi %gather3A_208, %and3A_500 : vector<16xi32>
            %mul3A_502 = arith.constant 4 : i32
            %mul3A_503 = vector.broadcast %mul3A_502 : i32 to vector<16xi32>
            %mul3A_504 = arith.muli %mul3A_503, %and3A_501 : vector<16xi32>
            %sub3A_505 = arith.subi %iota3A, %mul3A_504 : vector<16xi32>
            %and3A_506 = arith.constant 15 : i32
            %and3A_507 = vector.broadcast %and3A_506 : i32 to vector<16xi32>
            %and3A_508 = arith.andi %sub3A_505, %and3A_507 : vector<16xi32>
            %broadcast_in_dim3A_509 = vector.shape_cast %and3A_508 : vector<16xi32> to vector<16x1xi32>
            %gather3A_510 = vector.shape_cast %broadcast_in_dim3A_509 : vector<16x1xi32> to vector<16xi32>
            %gather3A_511 = tpu.dynamic_gather %select_n3A_481[%gather3A_510] in [0] : vector<16xf32>, vector<16xi32> -> vector<16xf32>
            %shift_right_logical3A = arith.constant 2 : i32
            %shift_right_logical3A_512 = vector.broadcast %shift_right_logical3A : i32 to vector<16xi32>
            %shift_right_logical3A_513 = arith.shrui %gather3A_208, %shift_right_logical3A_512 : vector<16xi32>
            %and3A_514 = arith.constant 7 : i32
            %and3A_515 = vector.broadcast %and3A_514 : i32 to vector<16xi32>
            %and3A_516 = arith.andi %shift_right_logical3A_513, %and3A_515 : vector<16xi32>
            %convert_element_type3A_517 = arith.sitofp %and3A_516 : vector<16xi32> to vector<16xf32>
            %sub3A_518 = arith.constant 0.000000e+00 : f32
            %sub3A_519 = vector.broadcast %sub3A_518 : f32 to vector<16xf32>
            %sub3A_520 = arith.subf %convert_element_type3A_517, %sub3A_519 : vector<16xf32>
            %mul3A_521 = arith.mulf %sub3A_520, %sub3A_520 : vector<16xf32>
            %sub3A_522 = arith.constant 1.000000e+00 : f32
            %sub3A_523 = vector.broadcast %sub3A_522 : f32 to vector<16xf32>
            %sub3A_524 = arith.subf %sub3A_523, %mul3A_521 : vector<16xf32>
            %max3A_525 = arith.constant 0.000000e+00 : f32
            %max3A_526 = vector.broadcast %max3A_525 : f32 to vector<16xf32>
            %max3A_527 = arith.maximumf %sub3A_524, %max3A_526 : vector<16xf32>
            %mul3A_528 = arith.mulf %gather3A_511, %max3A_527 : vector<16xf32>
            %swap3A_529 = arith.index_cast %add3A_205 : i32 to index
            %swap3A_530 = arith.constant 0 : index
            %swap3A_531 = tpu.vector_load %arg27[%swap3A_529, %swap3A_530] {strides = array<i32>} : memref<80x128xf32, #tpu.memory_space<vmem>>, vector<1x16xf32>,
            %swap3A_532 = vector.shape_cast %swap3A_531 : vector<1x16xf32> to vector<16xf32>
            %swap3A_533 = vector.shape_cast %mul3A_528 : vector<16xf32> to vector<1x16xf32>
            tpu.vector_store %arg27[%swap3A_529, %swap3A_530], %swap3A_533 {strides = array<i32>} : memref<80x128xf32, #tpu.memory_space<vmem>>, vector<1x16xf32>,
            %sub3A_534 = arith.constant 1.000000e+00 : f32
            %sub3A_535 = vector.broadcast %sub3A_534 : f32 to vector<16xf32>
            %sub3A_536 = arith.subf %convert_element_type3A_517, %sub3A_535 : vector<16xf32>
            %mul3A_537 = arith.mulf %sub3A_536, %sub3A_536 : vector<16xf32>
            %sub3A_538 = arith.constant 1.000000e+00 : f32
            %sub3A_539 = vector.broadcast %sub3A_538 : f32 to vector<16xf32>
            %sub3A_540 = arith.subf %sub3A_539, %mul3A_537 : vector<16xf32>
            %max3A_541 = arith.constant 0.000000e+00 : f32
            %max3A_542 = vector.broadcast %max3A_541 : f32 to vector<16xf32>
            %max3A_543 = arith.maximumf %sub3A_540, %max3A_542 : vector<16xf32>
            %mul3A_544 = arith.mulf %gather3A_511, %max3A_543 : vector<16xf32>
            %swap3A_545 = arith.index_cast %add3A_205 : i32 to index
            %swap3A_546 = arith.constant 16 : index
            %swap3A_547 = tpu.vector_load %arg27[%swap3A_545, %swap3A_546] {strides = array<i32>} : memref<80x128xf32, #tpu.memory_space<vmem>>, vector<1x16xf32>,
            %swap3A_548 = vector.shape_cast %swap3A_547 : vector<1x16xf32> to vector<16xf32>
            %swap3A_549 = vector.shape_cast %mul3A_544 : vector<16xf32> to vector<1x16xf32>
            tpu.vector_store %arg27[%swap3A_545, %swap3A_546], %swap3A_549 {strides = array<i32>} : memref<80x128xf32, #tpu.memory_space<vmem>>, vector<1x16xf32>,
            %sub3A_550 = arith.constant 2.000000e+00 : f32
            %sub3A_551 = vector.broadcast %sub3A_550 : f32 to vector<16xf32>
            %sub3A_552 = arith.subf %convert_element_type3A_517, %sub3A_551 : vector<16xf32>
            %mul3A_553 = arith.mulf %sub3A_552, %sub3A_552 : vector<16xf32>
            %sub3A_554 = arith.constant 1.000000e+00 : f32
            %sub3A_555 = vector.broadcast %sub3A_554 : f32 to vector<16xf32>
            %sub3A_556 = arith.subf %sub3A_555, %mul3A_553 : vector<16xf32>
            %max3A_557 = arith.constant 0.000000e+00 : f32
            %max3A_558 = vector.broadcast %max3A_557 : f32 to vector<16xf32>
            %max3A_559 = arith.maximumf %sub3A_556, %max3A_558 : vector<16xf32>
            %mul3A_560 = arith.mulf %gather3A_511, %max3A_559 : vector<16xf32>
            %swap3A_561 = arith.index_cast %add3A_205 : i32 to index
            %swap3A_562 = arith.constant 32 : index
            %swap3A_563 = tpu.vector_load %arg27[%swap3A_561, %swap3A_562] {strides = array<i32>} : memref<80x128xf32, #tpu.memory_space<vmem>>, vector<1x16xf32>,
            %swap3A_564 = vector.shape_cast %swap3A_563 : vector<1x16xf32> to vector<16xf32>
            %swap3A_565 = vector.shape_cast %mul3A_560 : vector<16xf32> to vector<1x16xf32>
            tpu.vector_store %arg27[%swap3A_561, %swap3A_562], %swap3A_565 {strides = array<i32>} : memref<80x128xf32, #tpu.memory_space<vmem>>, vector<1x16xf32>,
            %sub3A_566 = arith.constant 3.000000e+00 : f32
            %sub3A_567 = vector.broadcast %sub3A_566 : f32 to vector<16xf32>
            %sub3A_568 = arith.subf %convert_element_type3A_517, %sub3A_567 : vector<16xf32>
            %mul3A_569 = arith.mulf %sub3A_568, %sub3A_568 : vector<16xf32>
            %sub3A_570 = arith.constant 1.000000e+00 : f32
            %sub3A_571 = vector.broadcast %sub3A_570 : f32 to vector<16xf32>
            %sub3A_572 = arith.subf %sub3A_571, %mul3A_569 : vector<16xf32>
            %max3A_573 = arith.constant 0.000000e+00 : f32
            %max3A_574 = vector.broadcast %max3A_573 : f32 to vector<16xf32>
            %max3A_575 = arith.maximumf %sub3A_572, %max3A_574 : vector<16xf32>
            %mul3A_576 = arith.mulf %gather3A_511, %max3A_575 : vector<16xf32>
            %swap3A_577 = arith.index_cast %add3A_205 : i32 to index
            %swap3A_578 = arith.constant 48 : index
            %swap3A_579 = tpu.vector_load %arg27[%swap3A_577, %swap3A_578] {strides = array<i32>} : memref<80x128xf32, #tpu.memory_space<vmem>>, vector<1x16xf32>,
            %swap3A_580 = vector.shape_cast %swap3A_579 : vector<1x16xf32> to vector<16xf32>
            %swap3A_581 = vector.shape_cast %mul3A_576 : vector<16xf32> to vector<1x16xf32>
            tpu.vector_store %arg27[%swap3A_577, %swap3A_578], %swap3A_581 {strides = array<i32>} : memref<80x128xf32, #tpu.memory_space<vmem>>, vector<1x16xf32>,
            %sub3A_582 = arith.constant 4.000000e+00 : f32
            %sub3A_583 = vector.broadcast %sub3A_582 : f32 to vector<16xf32>
            %sub3A_584 = arith.subf %convert_element_type3A_517, %sub3A_583 : vector<16xf32>
            %mul3A_585 = arith.mulf %sub3A_584, %sub3A_584 : vector<16xf32>
            %sub3A_586 = arith.constant 1.000000e+00 : f32
            %sub3A_587 = vector.broadcast %sub3A_586 : f32 to vector<16xf32>
            %sub3A_588 = arith.subf %sub3A_587, %mul3A_585 : vector<16xf32>
            %max3A_589 = arith.constant 0.000000e+00 : f32
            %max3A_590 = vector.broadcast %max3A_589 : f32 to vector<16xf32>
            %max3A_591 = arith.maximumf %sub3A_588, %max3A_590 : vector<16xf32>
            %mul3A_592 = arith.mulf %gather3A_511, %max3A_591 : vector<16xf32>
            %swap3A_593 = arith.index_cast %add3A_205 : i32 to index
            %swap3A_594 = arith.constant 64 : index
            %swap3A_595 = tpu.vector_load %arg27[%swap3A_593, %swap3A_594] {strides = array<i32>} : memref<80x128xf32, #tpu.memory_space<vmem>>, vector<1x16xf32>,
            %swap3A_596 = vector.shape_cast %swap3A_595 : vector<1x16xf32> to vector<16xf32>
            %swap3A_597 = vector.shape_cast %mul3A_592 : vector<16xf32> to vector<1x16xf32>
            tpu.vector_store %arg27[%swap3A_593, %swap3A_594], %swap3A_597 {strides = array<i32>} : memref<80x128xf32, #tpu.memory_space<vmem>>, vector<1x16xf32>,
            %sub3A_598 = arith.constant 5.000000e+00 : f32
            %sub3A_599 = vector.broadcast %sub3A_598 : f32 to vector<16xf32>
            %sub3A_600 = arith.subf %convert_element_type3A_517, %sub3A_599 : vector<16xf32>
            %mul3A_601 = arith.mulf %sub3A_600, %sub3A_600 : vector<16xf32>
            %sub3A_602 = arith.constant 1.000000e+00 : f32
            %sub3A_603 = vector.broadcast %sub3A_602 : f32 to vector<16xf32>
            %sub3A_604 = arith.subf %sub3A_603, %mul3A_601 : vector<16xf32>
            %max3A_605 = arith.constant 0.000000e+00 : f32
            %max3A_606 = vector.broadcast %max3A_605 : f32 to vector<16xf32>
            %max3A_607 = arith.maximumf %sub3A_604, %max3A_606 : vector<16xf32>
            %mul3A_608 = arith.mulf %gather3A_511, %max3A_607 : vector<16xf32>
            %swap3A_609 = arith.index_cast %add3A_205 : i32 to index
            %swap3A_610 = arith.constant 80 : index
            %swap3A_611 = tpu.vector_load %arg27[%swap3A_609, %swap3A_610] {strides = array<i32>} : memref<80x128xf32, #tpu.memory_space<vmem>>, vector<1x16xf32>,
            %swap3A_612 = vector.shape_cast %swap3A_611 : vector<1x16xf32> to vector<16xf32>
            %swap3A_613 = vector.shape_cast %mul3A_608 : vector<16xf32> to vector<1x16xf32>
            tpu.vector_store %arg27[%swap3A_609, %swap3A_610], %swap3A_613 {strides = array<i32>} : memref<80x128xf32, #tpu.memory_space<vmem>>, vector<1x16xf32>,
            %sub3A_614 = arith.constant 6.000000e+00 : f32
            %sub3A_615 = vector.broadcast %sub3A_614 : f32 to vector<16xf32>
            %sub3A_616 = arith.subf %convert_element_type3A_517, %sub3A_615 : vector<16xf32>
            %mul3A_617 = arith.mulf %sub3A_616, %sub3A_616 : vector<16xf32>
            %sub3A_618 = arith.constant 1.000000e+00 : f32
            %sub3A_619 = vector.broadcast %sub3A_618 : f32 to vector<16xf32>
            %sub3A_620 = arith.subf %sub3A_619, %mul3A_617 : vector<16xf32>
            %max3A_621 = arith.constant 0.000000e+00 : f32
            %max3A_622 = vector.broadcast %max3A_621 : f32 to vector<16xf32>
            %max3A_623 = arith.maximumf %sub3A_620, %max3A_622 : vector<16xf32>
            %mul3A_624 = arith.mulf %gather3A_511, %max3A_623 : vector<16xf32>
            %swap3A_625 = arith.index_cast %add3A_205 : i32 to index
            %swap3A_626 = arith.constant 96 : index
            %swap3A_627 = tpu.vector_load %arg27[%swap3A_625, %swap3A_626] {strides = array<i32>} : memref<80x128xf32, #tpu.memory_space<vmem>>, vector<1x16xf32>,
            %swap3A_628 = vector.shape_cast %swap3A_627 : vector<1x16xf32> to vector<16xf32>
            %swap3A_629 = vector.shape_cast %mul3A_624 : vector<16xf32> to vector<1x16xf32>
            tpu.vector_store %arg27[%swap3A_625, %swap3A_626], %swap3A_629 {strides = array<i32>} : memref<80x128xf32, #tpu.memory_space<vmem>>, vector<1x16xf32>,
            %sub3A_630 = arith.constant 7.000000e+00 : f32
            %sub3A_631 = vector.broadcast %sub3A_630 : f32 to vector<16xf32>
            %sub3A_632 = arith.subf %convert_element_type3A_517, %sub3A_631 : vector<16xf32>
            %mul3A_633 = arith.mulf %sub3A_632, %sub3A_632 : vector<16xf32>
            %sub3A_634 = arith.constant 1.000000e+00 : f32
            %sub3A_635 = vector.broadcast %sub3A_634 : f32 to vector<16xf32>
            %sub3A_636 = arith.subf %sub3A_635, %mul3A_633 : vector<16xf32>
            %max3A_637 = arith.constant 0.000000e+00 : f32
            %max3A_638 = vector.broadcast %max3A_637 : f32 to vector<16xf32>
            %max3A_639 = arith.maximumf %sub3A_636, %max3A_638 : vector<16xf32>
            %mul3A_640 = arith.mulf %gather3A_511, %max3A_639 : vector<16xf32>
            %swap3A_641 = arith.index_cast %add3A_205 : i32 to index
            %swap3A_642 = arith.constant 112 : index
            %swap3A_643 = tpu.vector_load %arg27[%swap3A_641, %swap3A_642] {strides = array<i32>} : memref<80x128xf32, #tpu.memory_space<vmem>>, vector<1x16xf32>,
            %swap3A_644 = vector.shape_cast %swap3A_643 : vector<1x16xf32> to vector<16xf32>
            %swap3A_645 = vector.shape_cast %mul3A_640 : vector<16xf32> to vector<1x16xf32>
            tpu.vector_store %arg27[%swap3A_641, %swap3A_642], %swap3A_645 {strides = array<i32>} : memref<80x128xf32, #tpu.memory_space<vmem>>, vector<1x16xf32>,
          }
          %scan3A_201 = arith.constant 16 : i32
        }
        %scan3A_124 = arith.constant 5 : i32
        %dma_start3A_125 = arith.constant 0 : i32
        %dma_start3A_126 = arith.constant 0 : i32
        %dma_start3A_127 = tpu.memref_slice %arg35[%dma_start3A_125, %dma_start3A_126] : memref<5000x128xf32, #tpu.memory_space<vmem_shared>> -> memref<5000x128xf32, #tpu.memory_space<vmem_shared>>
        tpu.enqueue_indirect_dma source(%arg26 : memref<80x128xf32, #tpu.memory_space<vmem>>) target(%dma_start3A_127 : memref<5000x128xf32, #tpu.memory_space<vmem_shared>>) offsets(%arg24 : memref<80xi32, #tpu.memory_space<vmem>>) semaphore(%arg34 : memref<!tpu.dma_semaphore, #tpu.memory_space<semaphore_mem>>) {add = true}
        %dma_start3A_128 = arith.constant 0 : i32
        %dma_start3A_129 = arith.constant 0 : i32
        %dma_start3A_130 = tpu.memref_slice %arg36[%dma_start3A_128, %dma_start3A_129] : memref<320x128xf32, #tpu.memory_space<vmem_shared>> -> memref<320x128xf32, #tpu.memory_space<vmem_shared>>
        tpu.enqueue_indirect_dma source(%arg27 : memref<80x128xf32, #tpu.memory_space<vmem>>) target(%dma_start3A_130 : memref<320x128xf32, #tpu.memory_space<vmem_shared>>) offsets(%arg25 : memref<80xi32, #tpu.memory_space<vmem>>) semaphore(%arg34 : memref<!tpu.dma_semaphore, #tpu.memory_space<semaphore_mem>>) {add = true}
        %add3A_131 = arith.constant 2 : i32
        %add3A_132 = arith.addi %add3A_89, %add3A_131 : i32
        %lt3A_133 = arith.constant 250 : i32
        %lt3A_134 = arith.cmpi slt, %add3A_132, %lt3A_133 : i32
        %convert_element_type3A_135 = arith.extui %lt3A_134 : i1 to i32
        %cond3A_136 = arith.constant 0 : i32
        %cond3A_137 = arith.cmpi ne, %convert_element_type3A_135, %cond3A_136 : i32
        scf.if %cond3A_137 {
          %add3A_191 = arith.constant 2 : i32
          %add3A_192 = arith.addi %add3A_89, %add3A_191 : i32
          %mul3A_193 = arith.constant 80 : i32
          %mul3A_194 = arith.muli %add3A_192, %mul3A_193 : i32
          %add3A_195 = arith.addi %mul3A_16, %mul3A_194 : i32
          %dma_start3A_196 = tpu.memref_slice %arg3[%add3A_195] : memref<320000xi32, #tpu.memory_space<hbm>> -> memref<80xi32, #tpu.memory_space<hbm>>
          %dma_start3A_197 = tpu.memref_slice %arg3[%add3A_195] : memref<320000xi32, #tpu.memory_space<hbm>> -> memref<80xi32, #tpu.memory_space<hbm>>
          tpu.enqueue_dma source(%dma_start3A_197 : memref<80xi32, #tpu.memory_space<hbm>>) target(%arg14 : memref<80xi32, #tpu.memory_space<vmem>>) target_semaphore(%arg28 : memref<!tpu.dma_semaphore, #tpu.memory_space<semaphore_mem>>)
          %dma_start3A_198 = tpu.memref_slice %arg4[%add3A_195] : memref<320000xi32, #tpu.memory_space<hbm>> -> memref<80xi32, #tpu.memory_space<hbm>>
          %dma_start3A_199 = tpu.memref_slice %arg4[%add3A_195] : memref<320000xi32, #tpu.memory_space<hbm>> -> memref<80xi32, #tpu.memory_space<hbm>>
          tpu.enqueue_dma source(%dma_start3A_199 : memref<80xi32, #tpu.memory_space<hbm>>) target(%arg15 : memref<80xi32, #tpu.memory_space<vmem>>) target_semaphore(%arg28 : memref<!tpu.dma_semaphore, #tpu.memory_space<semaphore_mem>>)
          %dma_start3A_200 = arith.constant 0 : i32
          %dma_start3A_201 = tpu.memref_slice %arg7[%add3A_195, %dma_start3A_200] : memref<320000x64xf32, #tpu.memory_space<hbm>> -> memref<80x64xf32, #tpu.memory_space<hbm>>
          %dma_start3A_202 = arith.constant 0 : i32
          %dma_start3A_203 = tpu.memref_slice %arg7[%add3A_195, %dma_start3A_202] : memref<320000x64xf32, #tpu.memory_space<hbm>> -> memref<80x64xf32, #tpu.memory_space<hbm>>
          tpu.enqueue_dma source(%dma_start3A_203 : memref<80x64xf32, #tpu.memory_space<hbm>>) target(%arg18 : memref<80x64xf32, #tpu.memory_space<vmem>>) target_semaphore(%arg30 : memref<!tpu.dma_semaphore, #tpu.memory_space<semaphore_mem>>)
        } else {
        }
        %mul3A_138 = arith.constant 2 : i32
        %mul3A_139 = arith.muli %mul3A_138, %scan3A_85 : i32
        %add3A_140 = arith.constant 1 : i32
        %add3A_141 = arith.addi %mul3A_139, %add3A_140 : i32
        %add3A_142 = arith.constant 1 : i32
        %add3A_143 = arith.addi %add3A_141, %add3A_142 : i32
        %lt3A_144 = arith.constant 250 : i32
        %lt3A_145 = arith.cmpi slt, %add3A_143, %lt3A_144 : i32
        %convert_element_type3A_146 = arith.extui %lt3A_145 : i1 to i32
        %cond3A_147 = arith.constant 0 : i32
        %cond3A_148 = arith.cmpi ne, %convert_element_type3A_146, %cond3A_147 : i32
        scf.if %cond3A_148 {
          %dma_wait3A_191 = arith.constant 0 : i32
          %dma_wait3A_192 = tpu.memref_slice %arg3[%dma_wait3A_191] : memref<320000xi32, #tpu.memory_space<hbm>> -> memref<80xi32, #tpu.memory_space<hbm>>
          %dma_wait3A_193 = arith.constant 0 : i32
          %dma_wait3A_194 = tpu.memref_slice %arg3[%dma_wait3A_193] : memref<320000xi32, #tpu.memory_space<hbm>> -> memref<80xi32, #tpu.memory_space<hbm>>
          tpu.wait_dma2 semaphore(%arg28 : memref<!tpu.dma_semaphore, #tpu.memory_space<semaphore_mem>>) src(%dma_wait3A_194 : memref<80xi32, #tpu.memory_space<hbm>>) dst(%arg14 : memref<80xi32, #tpu.memory_space<vmem>>)
          %dma_wait3A_195 = arith.constant 0 : i32
          %dma_wait3A_196 = tpu.memref_slice %arg4[%dma_wait3A_195] : memref<320000xi32, #tpu.memory_space<hbm>> -> memref<80xi32, #tpu.memory_space<hbm>>
          %dma_wait3A_197 = arith.constant 0 : i32
          %dma_wait3A_198 = tpu.memref_slice %arg4[%dma_wait3A_197] : memref<320000xi32, #tpu.memory_space<hbm>> -> memref<80xi32, #tpu.memory_space<hbm>>
          tpu.wait_dma2 semaphore(%arg28 : memref<!tpu.dma_semaphore, #tpu.memory_space<semaphore_mem>>) src(%dma_wait3A_198 : memref<80xi32, #tpu.memory_space<hbm>>) dst(%arg15 : memref<80xi32, #tpu.memory_space<vmem>>)
          %dma_start3A_199 = arith.constant 0 : i32
          %dma_start3A_200 = arith.constant 0 : i32
          %dma_start3A_201 = tpu.memref_slice %arg5[%dma_start3A_199, %dma_start3A_200] : memref<10000x128xf32, #tpu.memory_space<hbm>> -> memref<10000x128xf32, #tpu.memory_space<hbm>>
          tpu.enqueue_indirect_dma source(%dma_start3A_201 : memref<10000x128xf32, #tpu.memory_space<hbm>>) target(%arg16 : memref<80x128xf32, #tpu.memory_space<vmem>>) offsets(%arg15 : memref<80xi32, #tpu.memory_space<vmem>>) semaphore(%arg29 : memref<!tpu.dma_semaphore, #tpu.memory_space<semaphore_mem>>)
          %dma_start3A_202 = arith.constant 0 : i32
          %dma_start3A_203 = arith.constant 0 : i32
          %dma_start3A_204 = tpu.memref_slice %arg9[%dma_start3A_202, %dma_start3A_203] : memref<10000x128xf32, #tpu.memory_space<hbm>> -> memref<10000x128xf32, #tpu.memory_space<hbm>>
          tpu.enqueue_indirect_dma source(%dma_start3A_204 : memref<10000x128xf32, #tpu.memory_space<hbm>>) target(%arg17 : memref<80x128xf32, #tpu.memory_space<vmem>>) offsets(%arg14 : memref<80xi32, #tpu.memory_space<vmem>>) semaphore(%arg29 : memref<!tpu.dma_semaphore, #tpu.memory_space<semaphore_mem>>)
        } else {
        }
        %dma_wait3A_149 = arith.constant 0 : i32
        %dma_wait3A_150 = arith.constant 0 : i32
        %dma_wait3A_151 = tpu.memref_slice %arg5[%dma_wait3A_149, %dma_wait3A_150] : memref<10000x128xf32, #tpu.memory_space<hbm>> -> memref<10000x128xf32, #tpu.memory_space<hbm>>
        tpu.wait_indirect_dma semaphore(%arg32 : memref<!tpu.dma_semaphore, #tpu.memory_space<semaphore_mem>>) src(%dma_wait3A_151 : memref<10000x128xf32, #tpu.memory_space<hbm>>) dst(%arg21 : memref<80x128xf32, #tpu.memory_space<vmem>>)
        %dma_wait3A_152 = arith.constant 0 : i32
        %dma_wait3A_153 = arith.constant 0 : i32
        %dma_wait3A_154 = tpu.memref_slice %arg9[%dma_wait3A_152, %dma_wait3A_153] : memref<10000x128xf32, #tpu.memory_space<hbm>> -> memref<10000x128xf32, #tpu.memory_space<hbm>>
        tpu.wait_indirect_dma semaphore(%arg32 : memref<!tpu.dma_semaphore, #tpu.memory_space<semaphore_mem>>) src(%dma_wait3A_154 : memref<10000x128xf32, #tpu.memory_space<hbm>>) dst(%arg22 : memref<80x128xf32, #tpu.memory_space<vmem>>)
        %dma_wait3A_155 = arith.constant 0 : i32
        %dma_wait3A_156 = arith.constant 0 : i32
        %dma_wait3A_157 = tpu.memref_slice %arg7[%dma_wait3A_155, %dma_wait3A_156] : memref<320000x64xf32, #tpu.memory_space<hbm>> -> memref<80x64xf32, #tpu.memory_space<hbm>>
        %dma_wait3A_158 = arith.constant 0 : i32
        %dma_wait3A_159 = arith.constant 0 : i32
        %dma_wait3A_160 = tpu.memref_slice %arg7[%dma_wait3A_158, %dma_wait3A_159] : memref<320000x64xf32, #tpu.memory_space<hbm>> -> memref<80x64xf32, #tpu.memory_space<hbm>>
        tpu.wait_dma2 semaphore(%arg33 : memref<!tpu.dma_semaphore, #tpu.memory_space<semaphore_mem>>) src(%dma_wait3A_160 : memref<80x64xf32, #tpu.memory_space<hbm>>) dst(%arg23 : memref<80x64xf32, #tpu.memory_space<vmem>>)
        %gt3A_161 = arith.constant 0 : i32
        %gt3A_162 = arith.cmpi sgt, %add3A_141, %gt3A_161 : i32
        %convert_element_type3A_163 = arith.extui %gt3A_162 : i1 to i32
        %cond3A_164 = arith.constant 0 : i32
        %cond3A_165 = arith.cmpi ne, %convert_element_type3A_163, %cond3A_164 : i32
        scf.if %cond3A_165 {
          %dma_wait3A_191 = arith.constant 0 : i32
          %dma_wait3A_192 = arith.constant 0 : i32
          %dma_wait3A_193 = tpu.memref_slice %arg35[%dma_wait3A_191, %dma_wait3A_192] : memref<5000x128xf32, #tpu.memory_space<vmem_shared>> -> memref<5000x128xf32, #tpu.memory_space<vmem_shared>>
          tpu.wait_indirect_dma semaphore(%arg34 : memref<!tpu.dma_semaphore, #tpu.memory_space<semaphore_mem>>) src(%arg26 : memref<80x128xf32, #tpu.memory_space<vmem>>) dst(%dma_wait3A_193 : memref<5000x128xf32, #tpu.memory_space<vmem_shared>>)
          %dma_wait3A_194 = arith.constant 0 : i32
          %dma_wait3A_195 = arith.constant 0 : i32
          %dma_wait3A_196 = tpu.memref_slice %arg36[%dma_wait3A_194, %dma_wait3A_195] : memref<320x128xf32, #tpu.memory_space<vmem_shared>> -> memref<320x128xf32, #tpu.memory_space<vmem_shared>>
          tpu.wait_indirect_dma semaphore(%arg34 : memref<!tpu.dma_semaphore, #tpu.memory_space<semaphore_mem>>) src(%arg27 : memref<80x128xf32, #tpu.memory_space<vmem>>) dst(%dma_wait3A_196 : memref<320x128xf32, #tpu.memory_space<vmem_shared>>)
        } else {
        }
        %scan3A_166 = arith.constant 0 : i32
        %scan3A_167 = arith.constant 0 : i32
        %scan3A_168 = arith.constant 5 : i32
        %scan3A_169 = arith.addi %scan3A_167, %scan3A_168 : i32
        %scan3A_170 = arith.constant 1 : i32
        scf.for %scan3A_191 = %scan3A_167 to %scan3A_169 step %scan3A_170  : i32 {
          %mul3A_192 = arith.constant 16 : i32
          %mul3A_193 = arith.muli %scan3A_191, %mul3A_192 : i32
          %get3A = arith.index_cast %mul3A_193 : i32 to index
          %get3A_194 = tpu.vector_load %arg20[%get3A] {strides = array<i32>} : memref<80xi32, #tpu.memory_space<vmem>>, vector<16xi32>,
          %get3A_195 = vector.shape_cast %get3A_194 : vector<16xi32> to vector<16xi32>
          %shift_right_logical3A = arith.constant 1 : i32
          %shift_right_logical3A_196 = vector.broadcast %shift_right_logical3A : i32 to vector<16xi32>
          %shift_right_logical3A_197 = arith.shrui %get3A_195, %shift_right_logical3A_196 : vector<16xi32>
          %mul3A_198 = arith.constant 16 : i32
          %mul3A_199 = arith.muli %scan3A_191, %mul3A_198 : i32
          %swap3A = arith.index_cast %mul3A_199 : i32 to index
          %swap3A_200 = tpu.vector_load %arg24[%swap3A] {strides = array<i32>} : memref<80xi32, #tpu.memory_space<vmem>>, vector<16xi32>,
          %swap3A_201 = vector.shape_cast %swap3A_200 : vector<16xi32> to vector<16xi32>
          %swap3A_202 = vector.shape_cast %shift_right_logical3A_197 : vector<16xi32> to vector<16xi32>
          tpu.vector_store %arg24[%swap3A], %swap3A_202 {strides = array<i32>} : memref<80xi32, #tpu.memory_space<vmem>>, vector<16xi32>,
          %shift_right_logical3A_203 = arith.constant 5 : i32
          %shift_right_logical3A_204 = vector.broadcast %shift_right_logical3A_203 : i32 to vector<16xi32>
          %shift_right_logical3A_205 = arith.shrui %get3A_195, %shift_right_logical3A_204 : vector<16xi32>
          %mul3A_206 = arith.constant 16 : i32
          %mul3A_207 = arith.muli %scan3A_191, %mul3A_206 : i32
          %swap3A_208 = arith.index_cast %mul3A_207 : i32 to index
          %swap3A_209 = tpu.vector_load %arg25[%swap3A_208] {strides = array<i32>} : memref<80xi32, #tpu.memory_space<vmem>>, vector<16xi32>,
          %swap3A_210 = vector.shape_cast %swap3A_209 : vector<16xi32> to vector<16xi32>
          %swap3A_211 = vector.shape_cast %shift_right_logical3A_205 : vector<16xi32> to vector<16xi32>
          tpu.vector_store %arg25[%swap3A_208], %swap3A_211 {strides = array<i32>} : memref<80xi32, #tpu.memory_space<vmem>>, vector<16xi32>,
        }
        %scan3A_171 = arith.constant 5 : i32
        %scan3A_172 = arith.constant 0 : i32
        %scan3A_173 = arith.constant 0 : i32
        %scan3A_174 = arith.constant 5 : i32
        %scan3A_175 = arith.addi %scan3A_173, %scan3A_174 : i32
        %scan3A_176 = arith.constant 1 : i32
        scf.for %scan3A_191 = %scan3A_173 to %scan3A_175 step %scan3A_176  : i32 {
          %mul3A_192 = arith.constant 16 : i32
          %mul3A_193 = arith.muli %scan3A_191, %mul3A_192 : i32
          %get3A = arith.index_cast %mul3A_193 : i32 to index
          %get3A_194 = tpu.vector_load %arg20[%get3A] {strides = array<i32>} : memref<80xi32, #tpu.memory_space<vmem>>, vector<16xi32>,
          %get3A_195 = vector.shape_cast %get3A_194 : vector<16xi32> to vector<16xi32>
          %scan3A_196 = arith.constant 0 : i32
          %scan3A_197 = arith.constant 0 : i32
          %scan3A_198 = arith.constant 16 : i32
          %scan3A_199 = arith.addi %scan3A_197, %scan3A_198 : i32
          %scan3A_200 = arith.constant 1 : i32
          scf.for %scan3A_202 = %scan3A_197 to %scan3A_199 step %scan3A_200  : i32 {
            %mul3A_203 = arith.constant 16 : i32
            %mul3A_204 = arith.muli %scan3A_191, %mul3A_203 : i32
            %add3A_205 = arith.addi %mul3A_204, %scan3A_202 : i32
            %broadcast_in_dim3A_206 = vector.broadcast %scan3A_202 : i32 to vector<16xi32>
            %broadcast_in_dim3A_207 = vector.shape_cast %broadcast_in_dim3A_206 : vector<16xi32> to vector<16x1xi32>
            %gather3A = vector.shape_cast %broadcast_in_dim3A_207 : vector<16x1xi32> to vector<16xi32>
            %gather3A_208 = tpu.dynamic_gather %get3A_195[%gather3A] in [0] : vector<16xi32>, vector<16xi32> -> vector<16xi32>
            %and3A = arith.constant 1 : i32
            %and3A_209 = vector.broadcast %and3A : i32 to vector<16xi32>
            %and3A_210 = arith.andi %gather3A_208, %and3A_209 : vector<16xi32>
            %convert_element_type3A_211 = arith.sitofp %and3A_210 : vector<16xi32> to vector<16xf32>
            %get3A_212 = arith.index_cast %add3A_205 : i32 to index
            %get3A_213 = arith.constant 64 : index
            %get3A_214 = tpu.vector_load %arg21[%get3A_212, %get3A_213] {strides = array<i32>} : memref<80x128xf32, #tpu.memory_space<vmem>>, vector<1x16xf32>,
            %get3A_215 = vector.shape_cast %get3A_214 : vector<1x16xf32> to vector<16xf32>
            %get3A_216 = arith.index_cast %add3A_205 : i32 to index
            %get3A_217 = arith.constant 0 : index
            %get3A_218 = tpu.vector_load %arg22[%get3A_216, %get3A_217] {strides = array<i32>} : memref<80x128xf32, #tpu.memory_space<vmem>>, vector<1x16xf32>,
            %get3A_219 = vector.shape_cast %get3A_218 : vector<1x16xf32> to vector<16xf32>
            %get3A_220 = arith.index_cast %add3A_205 : i32 to index
            %get3A_221 = arith.constant 64 : index
            %get3A_222 = tpu.vector_load %arg22[%get3A_220, %get3A_221] {strides = array<i32>} : memref<80x128xf32, #tpu.memory_space<vmem>>, vector<1x16xf32>,
            %get3A_223 = vector.shape_cast %get3A_222 : vector<1x16xf32> to vector<16xf32>
            %get3A_224 = arith.index_cast %add3A_205 : i32 to index
            %get3A_225 = arith.constant 0 : index
            %get3A_226 = tpu.vector_load %arg23[%get3A_224, %get3A_225] {strides = array<i32>} : memref<80x64xf32, #tpu.memory_space<vmem>>, vector<1x16xf32>,
            %get3A_227 = vector.shape_cast %get3A_226 : vector<1x16xf32> to vector<16xf32>
            %add3A_228 = arith.addf %get3A_219, %get3A_227 : vector<16xf32>
            %mul3A_229 = arith.mulf %get3A_215, %add3A_228 : vector<16xf32>
            %xor3A = arith.constant 1 : i32
            %xor3A_230 = vector.broadcast %xor3A : i32 to vector<16xi32>
            %xor3A_231 = arith.xori %iota3A, %xor3A_230 : vector<16xi32>
            %broadcast_in_dim3A_232 = vector.shape_cast %xor3A_231 : vector<16xi32> to vector<16x1xi32>
            %gather3A_233 = vector.shape_cast %broadcast_in_dim3A_232 : vector<16x1xi32> to vector<16xi32>
            %gather3A_234 = tpu.dynamic_gather %mul3A_229[%gather3A_233] in [0] : vector<16xf32>, vector<16xi32> -> vector<16xf32>
            %add3A_235 = arith.addf %mul3A_229, %gather3A_234 : vector<16xf32>
            %xor3A_236 = arith.constant 2 : i32
            %xor3A_237 = vector.broadcast %xor3A_236 : i32 to vector<16xi32>
            %xor3A_238 = arith.xori %iota3A, %xor3A_237 : vector<16xi32>
            %broadcast_in_dim3A_239 = vector.shape_cast %xor3A_238 : vector<16xi32> to vector<16x1xi32>
            %gather3A_240 = vector.shape_cast %broadcast_in_dim3A_239 : vector<16x1xi32> to vector<16xi32>
            %gather3A_241 = tpu.dynamic_gather %add3A_235[%gather3A_240] in [0] : vector<16xf32>, vector<16xi32> -> vector<16xf32>
            %add3A_242 = arith.addf %add3A_235, %gather3A_241 : vector<16xf32>
            %xor3A_243 = arith.constant 4 : i32
            %xor3A_244 = vector.broadcast %xor3A_243 : i32 to vector<16xi32>
            %xor3A_245 = arith.xori %iota3A, %xor3A_244 : vector<16xi32>
            %broadcast_in_dim3A_246 = vector.shape_cast %xor3A_245 : vector<16xi32> to vector<16x1xi32>
            %gather3A_247 = vector.shape_cast %broadcast_in_dim3A_246 : vector<16x1xi32> to vector<16xi32>
            %gather3A_248 = tpu.dynamic_gather %add3A_242[%gather3A_247] in [0] : vector<16xf32>, vector<16xi32> -> vector<16xf32>
            %add3A_249 = arith.addf %add3A_242, %gather3A_248 : vector<16xf32>
            %xor3A_250 = arith.constant 8 : i32
            %xor3A_251 = vector.broadcast %xor3A_250 : i32 to vector<16xi32>
            %xor3A_252 = arith.xori %iota3A, %xor3A_251 : vector<16xi32>
            %broadcast_in_dim3A_253 = vector.shape_cast %xor3A_252 : vector<16xi32> to vector<16x1xi32>
            %gather3A_254 = vector.shape_cast %broadcast_in_dim3A_253 : vector<16x1xi32> to vector<16xi32>
            %gather3A_255 = tpu.dynamic_gather %add3A_249[%gather3A_254] in [0] : vector<16xf32>, vector<16xi32> -> vector<16xf32>
            %add3A_256 = arith.addf %add3A_249, %gather3A_255 : vector<16xf32>
            %mul3A_257 = arith.constant 2.500000e-01 : f32
            %mul3A_258 = vector.broadcast %mul3A_257 : f32 to vector<16xf32>
            %mul3A_259 = arith.mulf %add3A_256, %mul3A_258 : vector<16xf32>
            %max3A = arith.constant 0.000000e+00 : f32
            %max3A_260 = vector.broadcast %max3A : f32 to vector<16xf32>
            %max3A_261 = arith.maximumf %mul3A_259, %max3A_260 : vector<16xf32>
            %eq3A_262 = arith.constant 0 : i32
            %eq3A_263 = vector.broadcast %eq3A_262 : i32 to vector<16xi32>
            %eq3A_264 = arith.cmpi eq, %iota3A, %eq3A_263 : vector<16xi32>
            %select_n3A = arith.select %eq3A_264, %max3A_261, %broadcast_in_dim3A_0 : vector<16xi1>, vector<16xf32>
            %add3A_265 = arith.addf %get3A_223, %get3A_227 : vector<16xf32>
            %mul3A_266 = arith.mulf %max3A_261, %add3A_265 : vector<16xf32>
            %sub3A = arith.constant 1.000000e+00 : f32
            %sub3A_267 = vector.broadcast %sub3A : f32 to vector<16xf32>
            %sub3A_268 = arith.subf %sub3A_267, %convert_element_type3A_211 : vector<16xf32>
            %mul3A_269 = arith.mulf %mul3A_266, %sub3A_268 : vector<16xf32>
            %swap3A = arith.index_cast %add3A_205 : i32 to index
            %swap3A_270 = arith.constant 0 : index
            %swap3A_271 = tpu.vector_load %arg26[%swap3A, %swap3A_270] {strides = array<i32>} : memref<80x128xf32, #tpu.memory_space<vmem>>, vector<1x16xf32>,
            %swap3A_272 = vector.shape_cast %swap3A_271 : vector<1x16xf32> to vector<16xf32>
            %swap3A_273 = vector.shape_cast %mul3A_269 : vector<16xf32> to vector<1x16xf32>
            tpu.vector_store %arg26[%swap3A, %swap3A_270], %swap3A_273 {strides = array<i32>} : memref<80x128xf32, #tpu.memory_space<vmem>>, vector<1x16xf32>,
            %mul3A_274 = arith.mulf %mul3A_266, %convert_element_type3A_211 : vector<16xf32>
            %swap3A_275 = arith.index_cast %add3A_205 : i32 to index
            %swap3A_276 = arith.constant 64 : index
            %swap3A_277 = tpu.vector_load %arg26[%swap3A_275, %swap3A_276] {strides = array<i32>} : memref<80x128xf32, #tpu.memory_space<vmem>>, vector<1x16xf32>,
            %swap3A_278 = vector.shape_cast %swap3A_277 : vector<1x16xf32> to vector<16xf32>
            %swap3A_279 = vector.shape_cast %mul3A_274 : vector<16xf32> to vector<1x16xf32>
            tpu.vector_store %arg26[%swap3A_275, %swap3A_276], %swap3A_279 {strides = array<i32>} : memref<80x128xf32, #tpu.memory_space<vmem>>, vector<1x16xf32>,
            %get3A_280 = arith.index_cast %add3A_205 : i32 to index
            %get3A_281 = arith.constant 80 : index
            %get3A_282 = tpu.vector_load %arg21[%get3A_280, %get3A_281] {strides = array<i32>} : memref<80x128xf32, #tpu.memory_space<vmem>>, vector<1x16xf32>,
            %get3A_283 = vector.shape_cast %get3A_282 : vector<1x16xf32> to vector<16xf32>
            %get3A_284 = arith.index_cast %add3A_205 : i32 to index
            %get3A_285 = arith.constant 16 : index
            %get3A_286 = tpu.vector_load %arg22[%get3A_284, %get3A_285] {strides = array<i32>} : memref<80x128xf32, #tpu.memory_space<vmem>>, vector<1x16xf32>,
            %get3A_287 = vector.shape_cast %get3A_286 : vector<1x16xf32> to vector<16xf32>
            %get3A_288 = arith.index_cast %add3A_205 : i32 to index
            %get3A_289 = arith.constant 80 : index
            %get3A_290 = tpu.vector_load %arg22[%get3A_288, %get3A_289] {strides = array<i32>} : memref<80x128xf32, #tpu.memory_space<vmem>>, vector<1x16xf32>,
            %get3A_291 = vector.shape_cast %get3A_290 : vector<1x16xf32> to vector<16xf32>
            %get3A_292 = arith.index_cast %add3A_205 : i32 to index
            %get3A_293 = arith.constant 16 : index
            %get3A_294 = tpu.vector_load %arg23[%get3A_292, %get3A_293] {strides = array<i32>} : memref<80x64xf32, #tpu.memory_space<vmem>>, vector<1x16xf32>,
            %get3A_295 = vector.shape_cast %get3A_294 : vector<1x16xf32> to vector<16xf32>
            %add3A_296 = arith.addf %get3A_287, %get3A_295 : vector<16xf32>
            %mul3A_297 = arith.mulf %get3A_283, %add3A_296 : vector<16xf32>
            %xor3A_298 = arith.constant 1 : i32
            %xor3A_299 = vector.broadcast %xor3A_298 : i32 to vector<16xi32>
            %xor3A_300 = arith.xori %iota3A, %xor3A_299 : vector<16xi32>
            %broadcast_in_dim3A_301 = vector.shape_cast %xor3A_300 : vector<16xi32> to vector<16x1xi32>
            %gather3A_302 = vector.shape_cast %broadcast_in_dim3A_301 : vector<16x1xi32> to vector<16xi32>
            %gather3A_303 = tpu.dynamic_gather %mul3A_297[%gather3A_302] in [0] : vector<16xf32>, vector<16xi32> -> vector<16xf32>
            %add3A_304 = arith.addf %mul3A_297, %gather3A_303 : vector<16xf32>
            %xor3A_305 = arith.constant 2 : i32
            %xor3A_306 = vector.broadcast %xor3A_305 : i32 to vector<16xi32>
            %xor3A_307 = arith.xori %iota3A, %xor3A_306 : vector<16xi32>
            %broadcast_in_dim3A_308 = vector.shape_cast %xor3A_307 : vector<16xi32> to vector<16x1xi32>
            %gather3A_309 = vector.shape_cast %broadcast_in_dim3A_308 : vector<16x1xi32> to vector<16xi32>
            %gather3A_310 = tpu.dynamic_gather %add3A_304[%gather3A_309] in [0] : vector<16xf32>, vector<16xi32> -> vector<16xf32>
            %add3A_311 = arith.addf %add3A_304, %gather3A_310 : vector<16xf32>
            %xor3A_312 = arith.constant 4 : i32
            %xor3A_313 = vector.broadcast %xor3A_312 : i32 to vector<16xi32>
            %xor3A_314 = arith.xori %iota3A, %xor3A_313 : vector<16xi32>
            %broadcast_in_dim3A_315 = vector.shape_cast %xor3A_314 : vector<16xi32> to vector<16x1xi32>
            %gather3A_316 = vector.shape_cast %broadcast_in_dim3A_315 : vector<16x1xi32> to vector<16xi32>
            %gather3A_317 = tpu.dynamic_gather %add3A_311[%gather3A_316] in [0] : vector<16xf32>, vector<16xi32> -> vector<16xf32>
            %add3A_318 = arith.addf %add3A_311, %gather3A_317 : vector<16xf32>
            %xor3A_319 = arith.constant 8 : i32
            %xor3A_320 = vector.broadcast %xor3A_319 : i32 to vector<16xi32>
            %xor3A_321 = arith.xori %iota3A, %xor3A_320 : vector<16xi32>
            %broadcast_in_dim3A_322 = vector.shape_cast %xor3A_321 : vector<16xi32> to vector<16x1xi32>
            %gather3A_323 = vector.shape_cast %broadcast_in_dim3A_322 : vector<16x1xi32> to vector<16xi32>
            %gather3A_324 = tpu.dynamic_gather %add3A_318[%gather3A_323] in [0] : vector<16xf32>, vector<16xi32> -> vector<16xf32>
            %add3A_325 = arith.addf %add3A_318, %gather3A_324 : vector<16xf32>
            %mul3A_326 = arith.constant 2.500000e-01 : f32
            %mul3A_327 = vector.broadcast %mul3A_326 : f32 to vector<16xf32>
            %mul3A_328 = arith.mulf %add3A_325, %mul3A_327 : vector<16xf32>
            %max3A_329 = arith.constant 0.000000e+00 : f32
            %max3A_330 = vector.broadcast %max3A_329 : f32 to vector<16xf32>
            %max3A_331 = arith.maximumf %mul3A_328, %max3A_330 : vector<16xf32>
            %eq3A_332 = arith.constant 1 : i32
            %eq3A_333 = vector.broadcast %eq3A_332 : i32 to vector<16xi32>
            %eq3A_334 = arith.cmpi eq, %iota3A, %eq3A_333 : vector<16xi32>
            %select_n3A_335 = arith.select %eq3A_334, %max3A_331, %select_n3A : vector<16xi1>, vector<16xf32>
            %add3A_336 = arith.addf %get3A_291, %get3A_295 : vector<16xf32>
            %mul3A_337 = arith.mulf %max3A_331, %add3A_336 : vector<16xf32>
            %sub3A_338 = arith.constant 1.000000e+00 : f32
            %sub3A_339 = vector.broadcast %sub3A_338 : f32 to vector<16xf32>
            %sub3A_340 = arith.subf %sub3A_339, %convert_element_type3A_211 : vector<16xf32>
            %mul3A_341 = arith.mulf %mul3A_337, %sub3A_340 : vector<16xf32>
            %swap3A_342 = arith.index_cast %add3A_205 : i32 to index
            %swap3A_343 = arith.constant 16 : index
            %swap3A_344 = tpu.vector_load %arg26[%swap3A_342, %swap3A_343] {strides = array<i32>} : memref<80x128xf32, #tpu.memory_space<vmem>>, vector<1x16xf32>,
            %swap3A_345 = vector.shape_cast %swap3A_344 : vector<1x16xf32> to vector<16xf32>
            %swap3A_346 = vector.shape_cast %mul3A_341 : vector<16xf32> to vector<1x16xf32>
            tpu.vector_store %arg26[%swap3A_342, %swap3A_343], %swap3A_346 {strides = array<i32>} : memref<80x128xf32, #tpu.memory_space<vmem>>, vector<1x16xf32>,
            %mul3A_347 = arith.mulf %mul3A_337, %convert_element_type3A_211 : vector<16xf32>
            %swap3A_348 = arith.index_cast %add3A_205 : i32 to index
            %swap3A_349 = arith.constant 80 : index
            %swap3A_350 = tpu.vector_load %arg26[%swap3A_348, %swap3A_349] {strides = array<i32>} : memref<80x128xf32, #tpu.memory_space<vmem>>, vector<1x16xf32>,
            %swap3A_351 = vector.shape_cast %swap3A_350 : vector<1x16xf32> to vector<16xf32>
            %swap3A_352 = vector.shape_cast %mul3A_347 : vector<16xf32> to vector<1x16xf32>
            tpu.vector_store %arg26[%swap3A_348, %swap3A_349], %swap3A_352 {strides = array<i32>} : memref<80x128xf32, #tpu.memory_space<vmem>>, vector<1x16xf32>,
            %get3A_353 = arith.index_cast %add3A_205 : i32 to index
            %get3A_354 = arith.constant 96 : index
            %get3A_355 = tpu.vector_load %arg21[%get3A_353, %get3A_354] {strides = array<i32>} : memref<80x128xf32, #tpu.memory_space<vmem>>, vector<1x16xf32>,
            %get3A_356 = vector.shape_cast %get3A_355 : vector<1x16xf32> to vector<16xf32>
            %get3A_357 = arith.index_cast %add3A_205 : i32 to index
            %get3A_358 = arith.constant 32 : index
            %get3A_359 = tpu.vector_load %arg22[%get3A_357, %get3A_358] {strides = array<i32>} : memref<80x128xf32, #tpu.memory_space<vmem>>, vector<1x16xf32>,
            %get3A_360 = vector.shape_cast %get3A_359 : vector<1x16xf32> to vector<16xf32>
            %get3A_361 = arith.index_cast %add3A_205 : i32 to index
            %get3A_362 = arith.constant 96 : index
            %get3A_363 = tpu.vector_load %arg22[%get3A_361, %get3A_362] {strides = array<i32>} : memref<80x128xf32, #tpu.memory_space<vmem>>, vector<1x16xf32>,
            %get3A_364 = vector.shape_cast %get3A_363 : vector<1x16xf32> to vector<16xf32>
            %get3A_365 = arith.index_cast %add3A_205 : i32 to index
            %get3A_366 = arith.constant 32 : index
            %get3A_367 = tpu.vector_load %arg23[%get3A_365, %get3A_366] {strides = array<i32>} : memref<80x64xf32, #tpu.memory_space<vmem>>, vector<1x16xf32>,
            %get3A_368 = vector.shape_cast %get3A_367 : vector<1x16xf32> to vector<16xf32>
            %add3A_369 = arith.addf %get3A_360, %get3A_368 : vector<16xf32>
            %mul3A_370 = arith.mulf %get3A_356, %add3A_369 : vector<16xf32>
            %xor3A_371 = arith.constant 1 : i32
            %xor3A_372 = vector.broadcast %xor3A_371 : i32 to vector<16xi32>
            %xor3A_373 = arith.xori %iota3A, %xor3A_372 : vector<16xi32>
            %broadcast_in_dim3A_374 = vector.shape_cast %xor3A_373 : vector<16xi32> to vector<16x1xi32>
            %gather3A_375 = vector.shape_cast %broadcast_in_dim3A_374 : vector<16x1xi32> to vector<16xi32>
            %gather3A_376 = tpu.dynamic_gather %mul3A_370[%gather3A_375] in [0] : vector<16xf32>, vector<16xi32> -> vector<16xf32>
            %add3A_377 = arith.addf %mul3A_370, %gather3A_376 : vector<16xf32>
            %xor3A_378 = arith.constant 2 : i32
            %xor3A_379 = vector.broadcast %xor3A_378 : i32 to vector<16xi32>
            %xor3A_380 = arith.xori %iota3A, %xor3A_379 : vector<16xi32>
            %broadcast_in_dim3A_381 = vector.shape_cast %xor3A_380 : vector<16xi32> to vector<16x1xi32>
            %gather3A_382 = vector.shape_cast %broadcast_in_dim3A_381 : vector<16x1xi32> to vector<16xi32>
            %gather3A_383 = tpu.dynamic_gather %add3A_377[%gather3A_382] in [0] : vector<16xf32>, vector<16xi32> -> vector<16xf32>
            %add3A_384 = arith.addf %add3A_377, %gather3A_383 : vector<16xf32>
            %xor3A_385 = arith.constant 4 : i32
            %xor3A_386 = vector.broadcast %xor3A_385 : i32 to vector<16xi32>
            %xor3A_387 = arith.xori %iota3A, %xor3A_386 : vector<16xi32>
            %broadcast_in_dim3A_388 = vector.shape_cast %xor3A_387 : vector<16xi32> to vector<16x1xi32>
            %gather3A_389 = vector.shape_cast %broadcast_in_dim3A_388 : vector<16x1xi32> to vector<16xi32>
            %gather3A_390 = tpu.dynamic_gather %add3A_384[%gather3A_389] in [0] : vector<16xf32>, vector<16xi32> -> vector<16xf32>
            %add3A_391 = arith.addf %add3A_384, %gather3A_390 : vector<16xf32>
            %xor3A_392 = arith.constant 8 : i32
            %xor3A_393 = vector.broadcast %xor3A_392 : i32 to vector<16xi32>
            %xor3A_394 = arith.xori %iota3A, %xor3A_393 : vector<16xi32>
            %broadcast_in_dim3A_395 = vector.shape_cast %xor3A_394 : vector<16xi32> to vector<16x1xi32>
            %gather3A_396 = vector.shape_cast %broadcast_in_dim3A_395 : vector<16x1xi32> to vector<16xi32>
            %gather3A_397 = tpu.dynamic_gather %add3A_391[%gather3A_396] in [0] : vector<16xf32>, vector<16xi32> -> vector<16xf32>
            %add3A_398 = arith.addf %add3A_391, %gather3A_397 : vector<16xf32>
            %mul3A_399 = arith.constant 2.500000e-01 : f32
            %mul3A_400 = vector.broadcast %mul3A_399 : f32 to vector<16xf32>
            %mul3A_401 = arith.mulf %add3A_398, %mul3A_400 : vector<16xf32>
            %max3A_402 = arith.constant 0.000000e+00 : f32
            %max3A_403 = vector.broadcast %max3A_402 : f32 to vector<16xf32>
            %max3A_404 = arith.maximumf %mul3A_401, %max3A_403 : vector<16xf32>
            %eq3A_405 = arith.constant 2 : i32
            %eq3A_406 = vector.broadcast %eq3A_405 : i32 to vector<16xi32>
            %eq3A_407 = arith.cmpi eq, %iota3A, %eq3A_406 : vector<16xi32>
            %select_n3A_408 = arith.select %eq3A_407, %max3A_404, %select_n3A_335 : vector<16xi1>, vector<16xf32>
            %add3A_409 = arith.addf %get3A_364, %get3A_368 : vector<16xf32>
            %mul3A_410 = arith.mulf %max3A_404, %add3A_409 : vector<16xf32>
            %sub3A_411 = arith.constant 1.000000e+00 : f32
            %sub3A_412 = vector.broadcast %sub3A_411 : f32 to vector<16xf32>
            %sub3A_413 = arith.subf %sub3A_412, %convert_element_type3A_211 : vector<16xf32>
            %mul3A_414 = arith.mulf %mul3A_410, %sub3A_413 : vector<16xf32>
            %swap3A_415 = arith.index_cast %add3A_205 : i32 to index
            %swap3A_416 = arith.constant 32 : index
            %swap3A_417 = tpu.vector_load %arg26[%swap3A_415, %swap3A_416] {strides = array<i32>} : memref<80x128xf32, #tpu.memory_space<vmem>>, vector<1x16xf32>,
            %swap3A_418 = vector.shape_cast %swap3A_417 : vector<1x16xf32> to vector<16xf32>
            %swap3A_419 = vector.shape_cast %mul3A_414 : vector<16xf32> to vector<1x16xf32>
            tpu.vector_store %arg26[%swap3A_415, %swap3A_416], %swap3A_419 {strides = array<i32>} : memref<80x128xf32, #tpu.memory_space<vmem>>, vector<1x16xf32>,
            %mul3A_420 = arith.mulf %mul3A_410, %convert_element_type3A_211 : vector<16xf32>
            %swap3A_421 = arith.index_cast %add3A_205 : i32 to index
            %swap3A_422 = arith.constant 96 : index
            %swap3A_423 = tpu.vector_load %arg26[%swap3A_421, %swap3A_422] {strides = array<i32>} : memref<80x128xf32, #tpu.memory_space<vmem>>, vector<1x16xf32>,
            %swap3A_424 = vector.shape_cast %swap3A_423 : vector<1x16xf32> to vector<16xf32>
            %swap3A_425 = vector.shape_cast %mul3A_420 : vector<16xf32> to vector<1x16xf32>
            tpu.vector_store %arg26[%swap3A_421, %swap3A_422], %swap3A_425 {strides = array<i32>} : memref<80x128xf32, #tpu.memory_space<vmem>>, vector<1x16xf32>,
            %get3A_426 = arith.index_cast %add3A_205 : i32 to index
            %get3A_427 = arith.constant 112 : index
            %get3A_428 = tpu.vector_load %arg21[%get3A_426, %get3A_427] {strides = array<i32>} : memref<80x128xf32, #tpu.memory_space<vmem>>, vector<1x16xf32>,
            %get3A_429 = vector.shape_cast %get3A_428 : vector<1x16xf32> to vector<16xf32>
            %get3A_430 = arith.index_cast %add3A_205 : i32 to index
            %get3A_431 = arith.constant 48 : index
            %get3A_432 = tpu.vector_load %arg22[%get3A_430, %get3A_431] {strides = array<i32>} : memref<80x128xf32, #tpu.memory_space<vmem>>, vector<1x16xf32>,
            %get3A_433 = vector.shape_cast %get3A_432 : vector<1x16xf32> to vector<16xf32>
            %get3A_434 = arith.index_cast %add3A_205 : i32 to index
            %get3A_435 = arith.constant 112 : index
            %get3A_436 = tpu.vector_load %arg22[%get3A_434, %get3A_435] {strides = array<i32>} : memref<80x128xf32, #tpu.memory_space<vmem>>, vector<1x16xf32>,
            %get3A_437 = vector.shape_cast %get3A_436 : vector<1x16xf32> to vector<16xf32>
            %get3A_438 = arith.index_cast %add3A_205 : i32 to index
            %get3A_439 = arith.constant 48 : index
            %get3A_440 = tpu.vector_load %arg23[%get3A_438, %get3A_439] {strides = array<i32>} : memref<80x64xf32, #tpu.memory_space<vmem>>, vector<1x16xf32>,
            %get3A_441 = vector.shape_cast %get3A_440 : vector<1x16xf32> to vector<16xf32>
            %add3A_442 = arith.addf %get3A_433, %get3A_441 : vector<16xf32>
            %mul3A_443 = arith.mulf %get3A_429, %add3A_442 : vector<16xf32>
            %xor3A_444 = arith.constant 1 : i32
            %xor3A_445 = vector.broadcast %xor3A_444 : i32 to vector<16xi32>
            %xor3A_446 = arith.xori %iota3A, %xor3A_445 : vector<16xi32>
            %broadcast_in_dim3A_447 = vector.shape_cast %xor3A_446 : vector<16xi32> to vector<16x1xi32>
            %gather3A_448 = vector.shape_cast %broadcast_in_dim3A_447 : vector<16x1xi32> to vector<16xi32>
            %gather3A_449 = tpu.dynamic_gather %mul3A_443[%gather3A_448] in [0] : vector<16xf32>, vector<16xi32> -> vector<16xf32>
            %add3A_450 = arith.addf %mul3A_443, %gather3A_449 : vector<16xf32>
            %xor3A_451 = arith.constant 2 : i32
            %xor3A_452 = vector.broadcast %xor3A_451 : i32 to vector<16xi32>
            %xor3A_453 = arith.xori %iota3A, %xor3A_452 : vector<16xi32>
            %broadcast_in_dim3A_454 = vector.shape_cast %xor3A_453 : vector<16xi32> to vector<16x1xi32>
            %gather3A_455 = vector.shape_cast %broadcast_in_dim3A_454 : vector<16x1xi32> to vector<16xi32>
            %gather3A_456 = tpu.dynamic_gather %add3A_450[%gather3A_455] in [0] : vector<16xf32>, vector<16xi32> -> vector<16xf32>
            %add3A_457 = arith.addf %add3A_450, %gather3A_456 : vector<16xf32>
            %xor3A_458 = arith.constant 4 : i32
            %xor3A_459 = vector.broadcast %xor3A_458 : i32 to vector<16xi32>
            %xor3A_460 = arith.xori %iota3A, %xor3A_459 : vector<16xi32>
            %broadcast_in_dim3A_461 = vector.shape_cast %xor3A_460 : vector<16xi32> to vector<16x1xi32>
            %gather3A_462 = vector.shape_cast %broadcast_in_dim3A_461 : vector<16x1xi32> to vector<16xi32>
            %gather3A_463 = tpu.dynamic_gather %add3A_457[%gather3A_462] in [0] : vector<16xf32>, vector<16xi32> -> vector<16xf32>
            %add3A_464 = arith.addf %add3A_457, %gather3A_463 : vector<16xf32>
            %xor3A_465 = arith.constant 8 : i32
            %xor3A_466 = vector.broadcast %xor3A_465 : i32 to vector<16xi32>
            %xor3A_467 = arith.xori %iota3A, %xor3A_466 : vector<16xi32>
            %broadcast_in_dim3A_468 = vector.shape_cast %xor3A_467 : vector<16xi32> to vector<16x1xi32>
            %gather3A_469 = vector.shape_cast %broadcast_in_dim3A_468 : vector<16x1xi32> to vector<16xi32>
            %gather3A_470 = tpu.dynamic_gather %add3A_464[%gather3A_469] in [0] : vector<16xf32>, vector<16xi32> -> vector<16xf32>
            %add3A_471 = arith.addf %add3A_464, %gather3A_470 : vector<16xf32>
            %mul3A_472 = arith.constant 2.500000e-01 : f32
            %mul3A_473 = vector.broadcast %mul3A_472 : f32 to vector<16xf32>
            %mul3A_474 = arith.mulf %add3A_471, %mul3A_473 : vector<16xf32>
            %max3A_475 = arith.constant 0.000000e+00 : f32
            %max3A_476 = vector.broadcast %max3A_475 : f32 to vector<16xf32>
            %max3A_477 = arith.maximumf %mul3A_474, %max3A_476 : vector<16xf32>
            %eq3A_478 = arith.constant 3 : i32
            %eq3A_479 = vector.broadcast %eq3A_478 : i32 to vector<16xi32>
            %eq3A_480 = arith.cmpi eq, %iota3A, %eq3A_479 : vector<16xi32>
            %select_n3A_481 = arith.select %eq3A_480, %max3A_477, %select_n3A_408 : vector<16xi1>, vector<16xf32>
            %add3A_482 = arith.addf %get3A_437, %get3A_441 : vector<16xf32>
            %mul3A_483 = arith.mulf %max3A_477, %add3A_482 : vector<16xf32>
            %sub3A_484 = arith.constant 1.000000e+00 : f32
            %sub3A_485 = vector.broadcast %sub3A_484 : f32 to vector<16xf32>
            %sub3A_486 = arith.subf %sub3A_485, %convert_element_type3A_211 : vector<16xf32>
            %mul3A_487 = arith.mulf %mul3A_483, %sub3A_486 : vector<16xf32>
            %swap3A_488 = arith.index_cast %add3A_205 : i32 to index
            %swap3A_489 = arith.constant 48 : index
            %swap3A_490 = tpu.vector_load %arg26[%swap3A_488, %swap3A_489] {strides = array<i32>} : memref<80x128xf32, #tpu.memory_space<vmem>>, vector<1x16xf32>,
            %swap3A_491 = vector.shape_cast %swap3A_490 : vector<1x16xf32> to vector<16xf32>
            %swap3A_492 = vector.shape_cast %mul3A_487 : vector<16xf32> to vector<1x16xf32>
            tpu.vector_store %arg26[%swap3A_488, %swap3A_489], %swap3A_492 {strides = array<i32>} : memref<80x128xf32, #tpu.memory_space<vmem>>, vector<1x16xf32>,
            %mul3A_493 = arith.mulf %mul3A_483, %convert_element_type3A_211 : vector<16xf32>
            %swap3A_494 = arith.index_cast %add3A_205 : i32 to index
            %swap3A_495 = arith.constant 112 : index
            %swap3A_496 = tpu.vector_load %arg26[%swap3A_494, %swap3A_495] {strides = array<i32>} : memref<80x128xf32, #tpu.memory_space<vmem>>, vector<1x16xf32>,
            %swap3A_497 = vector.shape_cast %swap3A_496 : vector<1x16xf32> to vector<16xf32>
            %swap3A_498 = vector.shape_cast %mul3A_493 : vector<16xf32> to vector<1x16xf32>
            tpu.vector_store %arg26[%swap3A_494, %swap3A_495], %swap3A_498 {strides = array<i32>} : memref<80x128xf32, #tpu.memory_space<vmem>>, vector<1x16xf32>,
            %and3A_499 = arith.constant 3 : i32
            %and3A_500 = vector.broadcast %and3A_499 : i32 to vector<16xi32>
            %and3A_501 = arith.andi %gather3A_208, %and3A_500 : vector<16xi32>
            %mul3A_502 = arith.constant 4 : i32
            %mul3A_503 = vector.broadcast %mul3A_502 : i32 to vector<16xi32>
            %mul3A_504 = arith.muli %mul3A_503, %and3A_501 : vector<16xi32>
            %sub3A_505 = arith.subi %iota3A, %mul3A_504 : vector<16xi32>
            %and3A_506 = arith.constant 15 : i32
            %and3A_507 = vector.broadcast %and3A_506 : i32 to vector<16xi32>
            %and3A_508 = arith.andi %sub3A_505, %and3A_507 : vector<16xi32>
            %broadcast_in_dim3A_509 = vector.shape_cast %and3A_508 : vector<16xi32> to vector<16x1xi32>
            %gather3A_510 = vector.shape_cast %broadcast_in_dim3A_509 : vector<16x1xi32> to vector<16xi32>
            %gather3A_511 = tpu.dynamic_gather %select_n3A_481[%gather3A_510] in [0] : vector<16xf32>, vector<16xi32> -> vector<16xf32>
            %shift_right_logical3A = arith.constant 2 : i32
            %shift_right_logical3A_512 = vector.broadcast %shift_right_logical3A : i32 to vector<16xi32>
            %shift_right_logical3A_513 = arith.shrui %gather3A_208, %shift_right_logical3A_512 : vector<16xi32>
            %and3A_514 = arith.constant 7 : i32
            %and3A_515 = vector.broadcast %and3A_514 : i32 to vector<16xi32>
            %and3A_516 = arith.andi %shift_right_logical3A_513, %and3A_515 : vector<16xi32>
            %convert_element_type3A_517 = arith.sitofp %and3A_516 : vector<16xi32> to vector<16xf32>
            %sub3A_518 = arith.constant 0.000000e+00 : f32
            %sub3A_519 = vector.broadcast %sub3A_518 : f32 to vector<16xf32>
            %sub3A_520 = arith.subf %convert_element_type3A_517, %sub3A_519 : vector<16xf32>
            %mul3A_521 = arith.mulf %sub3A_520, %sub3A_520 : vector<16xf32>
            %sub3A_522 = arith.constant 1.000000e+00 : f32
            %sub3A_523 = vector.broadcast %sub3A_522 : f32 to vector<16xf32>
            %sub3A_524 = arith.subf %sub3A_523, %mul3A_521 : vector<16xf32>
            %max3A_525 = arith.constant 0.000000e+00 : f32
            %max3A_526 = vector.broadcast %max3A_525 : f32 to vector<16xf32>
            %max3A_527 = arith.maximumf %sub3A_524, %max3A_526 : vector<16xf32>
            %mul3A_528 = arith.mulf %gather3A_511, %max3A_527 : vector<16xf32>
            %swap3A_529 = arith.index_cast %add3A_205 : i32 to index
            %swap3A_530 = arith.constant 0 : index
            %swap3A_531 = tpu.vector_load %arg27[%swap3A_529, %swap3A_530] {strides = array<i32>} : memref<80x128xf32, #tpu.memory_space<vmem>>, vector<1x16xf32>,
            %swap3A_532 = vector.shape_cast %swap3A_531 : vector<1x16xf32> to vector<16xf32>
            %swap3A_533 = vector.shape_cast %mul3A_528 : vector<16xf32> to vector<1x16xf32>
            tpu.vector_store %arg27[%swap3A_529, %swap3A_530], %swap3A_533 {strides = array<i32>} : memref<80x128xf32, #tpu.memory_space<vmem>>, vector<1x16xf32>,
            %sub3A_534 = arith.constant 1.000000e+00 : f32
            %sub3A_535 = vector.broadcast %sub3A_534 : f32 to vector<16xf32>
            %sub3A_536 = arith.subf %convert_element_type3A_517, %sub3A_535 : vector<16xf32>
            %mul3A_537 = arith.mulf %sub3A_536, %sub3A_536 : vector<16xf32>
            %sub3A_538 = arith.constant 1.000000e+00 : f32
            %sub3A_539 = vector.broadcast %sub3A_538 : f32 to vector<16xf32>
            %sub3A_540 = arith.subf %sub3A_539, %mul3A_537 : vector<16xf32>
            %max3A_541 = arith.constant 0.000000e+00 : f32
            %max3A_542 = vector.broadcast %max3A_541 : f32 to vector<16xf32>
            %max3A_543 = arith.maximumf %sub3A_540, %max3A_542 : vector<16xf32>
            %mul3A_544 = arith.mulf %gather3A_511, %max3A_543 : vector<16xf32>
            %swap3A_545 = arith.index_cast %add3A_205 : i32 to index
            %swap3A_546 = arith.constant 16 : index
            %swap3A_547 = tpu.vector_load %arg27[%swap3A_545, %swap3A_546] {strides = array<i32>} : memref<80x128xf32, #tpu.memory_space<vmem>>, vector<1x16xf32>,
            %swap3A_548 = vector.shape_cast %swap3A_547 : vector<1x16xf32> to vector<16xf32>
            %swap3A_549 = vector.shape_cast %mul3A_544 : vector<16xf32> to vector<1x16xf32>
            tpu.vector_store %arg27[%swap3A_545, %swap3A_546], %swap3A_549 {strides = array<i32>} : memref<80x128xf32, #tpu.memory_space<vmem>>, vector<1x16xf32>,
            %sub3A_550 = arith.constant 2.000000e+00 : f32
            %sub3A_551 = vector.broadcast %sub3A_550 : f32 to vector<16xf32>
            %sub3A_552 = arith.subf %convert_element_type3A_517, %sub3A_551 : vector<16xf32>
            %mul3A_553 = arith.mulf %sub3A_552, %sub3A_552 : vector<16xf32>
            %sub3A_554 = arith.constant 1.000000e+00 : f32
            %sub3A_555 = vector.broadcast %sub3A_554 : f32 to vector<16xf32>
            %sub3A_556 = arith.subf %sub3A_555, %mul3A_553 : vector<16xf32>
            %max3A_557 = arith.constant 0.000000e+00 : f32
            %max3A_558 = vector.broadcast %max3A_557 : f32 to vector<16xf32>
            %max3A_559 = arith.maximumf %sub3A_556, %max3A_558 : vector<16xf32>
            %mul3A_560 = arith.mulf %gather3A_511, %max3A_559 : vector<16xf32>
            %swap3A_561 = arith.index_cast %add3A_205 : i32 to index
            %swap3A_562 = arith.constant 32 : index
            %swap3A_563 = tpu.vector_load %arg27[%swap3A_561, %swap3A_562] {strides = array<i32>} : memref<80x128xf32, #tpu.memory_space<vmem>>, vector<1x16xf32>,
            %swap3A_564 = vector.shape_cast %swap3A_563 : vector<1x16xf32> to vector<16xf32>
            %swap3A_565 = vector.shape_cast %mul3A_560 : vector<16xf32> to vector<1x16xf32>
            tpu.vector_store %arg27[%swap3A_561, %swap3A_562], %swap3A_565 {strides = array<i32>} : memref<80x128xf32, #tpu.memory_space<vmem>>, vector<1x16xf32>,
            %sub3A_566 = arith.constant 3.000000e+00 : f32
            %sub3A_567 = vector.broadcast %sub3A_566 : f32 to vector<16xf32>
            %sub3A_568 = arith.subf %convert_element_type3A_517, %sub3A_567 : vector<16xf32>
            %mul3A_569 = arith.mulf %sub3A_568, %sub3A_568 : vector<16xf32>
            %sub3A_570 = arith.constant 1.000000e+00 : f32
            %sub3A_571 = vector.broadcast %sub3A_570 : f32 to vector<16xf32>
            %sub3A_572 = arith.subf %sub3A_571, %mul3A_569 : vector<16xf32>
            %max3A_573 = arith.constant 0.000000e+00 : f32
            %max3A_574 = vector.broadcast %max3A_573 : f32 to vector<16xf32>
            %max3A_575 = arith.maximumf %sub3A_572, %max3A_574 : vector<16xf32>
            %mul3A_576 = arith.mulf %gather3A_511, %max3A_575 : vector<16xf32>
            %swap3A_577 = arith.index_cast %add3A_205 : i32 to index
            %swap3A_578 = arith.constant 48 : index
            %swap3A_579 = tpu.vector_load %arg27[%swap3A_577, %swap3A_578] {strides = array<i32>} : memref<80x128xf32, #tpu.memory_space<vmem>>, vector<1x16xf32>,
            %swap3A_580 = vector.shape_cast %swap3A_579 : vector<1x16xf32> to vector<16xf32>
            %swap3A_581 = vector.shape_cast %mul3A_576 : vector<16xf32> to vector<1x16xf32>
            tpu.vector_store %arg27[%swap3A_577, %swap3A_578], %swap3A_581 {strides = array<i32>} : memref<80x128xf32, #tpu.memory_space<vmem>>, vector<1x16xf32>,
            %sub3A_582 = arith.constant 4.000000e+00 : f32
            %sub3A_583 = vector.broadcast %sub3A_582 : f32 to vector<16xf32>
            %sub3A_584 = arith.subf %convert_element_type3A_517, %sub3A_583 : vector<16xf32>
            %mul3A_585 = arith.mulf %sub3A_584, %sub3A_584 : vector<16xf32>
            %sub3A_586 = arith.constant 1.000000e+00 : f32
            %sub3A_587 = vector.broadcast %sub3A_586 : f32 to vector<16xf32>
            %sub3A_588 = arith.subf %sub3A_587, %mul3A_585 : vector<16xf32>
            %max3A_589 = arith.constant 0.000000e+00 : f32
            %max3A_590 = vector.broadcast %max3A_589 : f32 to vector<16xf32>
            %max3A_591 = arith.maximumf %sub3A_588, %max3A_590 : vector<16xf32>
            %mul3A_592 = arith.mulf %gather3A_511, %max3A_591 : vector<16xf32>
            %swap3A_593 = arith.index_cast %add3A_205 : i32 to index
            %swap3A_594 = arith.constant 64 : index
            %swap3A_595 = tpu.vector_load %arg27[%swap3A_593, %swap3A_594] {strides = array<i32>} : memref<80x128xf32, #tpu.memory_space<vmem>>, vector<1x16xf32>,
            %swap3A_596 = vector.shape_cast %swap3A_595 : vector<1x16xf32> to vector<16xf32>
            %swap3A_597 = vector.shape_cast %mul3A_592 : vector<16xf32> to vector<1x16xf32>
            tpu.vector_store %arg27[%swap3A_593, %swap3A_594], %swap3A_597 {strides = array<i32>} : memref<80x128xf32, #tpu.memory_space<vmem>>, vector<1x16xf32>,
            %sub3A_598 = arith.constant 5.000000e+00 : f32
            %sub3A_599 = vector.broadcast %sub3A_598 : f32 to vector<16xf32>
            %sub3A_600 = arith.subf %convert_element_type3A_517, %sub3A_599 : vector<16xf32>
            %mul3A_601 = arith.mulf %sub3A_600, %sub3A_600 : vector<16xf32>
            %sub3A_602 = arith.constant 1.000000e+00 : f32
            %sub3A_603 = vector.broadcast %sub3A_602 : f32 to vector<16xf32>
            %sub3A_604 = arith.subf %sub3A_603, %mul3A_601 : vector<16xf32>
            %max3A_605 = arith.constant 0.000000e+00 : f32
            %max3A_606 = vector.broadcast %max3A_605 : f32 to vector<16xf32>
            %max3A_607 = arith.maximumf %sub3A_604, %max3A_606 : vector<16xf32>
            %mul3A_608 = arith.mulf %gather3A_511, %max3A_607 : vector<16xf32>
            %swap3A_609 = arith.index_cast %add3A_205 : i32 to index
            %swap3A_610 = arith.constant 80 : index
            %swap3A_611 = tpu.vector_load %arg27[%swap3A_609, %swap3A_610] {strides = array<i32>} : memref<80x128xf32, #tpu.memory_space<vmem>>, vector<1x16xf32>,
            %swap3A_612 = vector.shape_cast %swap3A_611 : vector<1x16xf32> to vector<16xf32>
            %swap3A_613 = vector.shape_cast %mul3A_608 : vector<16xf32> to vector<1x16xf32>
            tpu.vector_store %arg27[%swap3A_609, %swap3A_610], %swap3A_613 {strides = array<i32>} : memref<80x128xf32, #tpu.memory_space<vmem>>, vector<1x16xf32>,
            %sub3A_614 = arith.constant 6.000000e+00 : f32
            %sub3A_615 = vector.broadcast %sub3A_614 : f32 to vector<16xf32>
            %sub3A_616 = arith.subf %convert_element_type3A_517, %sub3A_615 : vector<16xf32>
            %mul3A_617 = arith.mulf %sub3A_616, %sub3A_616 : vector<16xf32>
            %sub3A_618 = arith.constant 1.000000e+00 : f32
            %sub3A_619 = vector.broadcast %sub3A_618 : f32 to vector<16xf32>
            %sub3A_620 = arith.subf %sub3A_619, %mul3A_617 : vector<16xf32>
            %max3A_621 = arith.constant 0.000000e+00 : f32
            %max3A_622 = vector.broadcast %max3A_621 : f32 to vector<16xf32>
            %max3A_623 = arith.maximumf %sub3A_620, %max3A_622 : vector<16xf32>
            %mul3A_624 = arith.mulf %gather3A_511, %max3A_623 : vector<16xf32>
            %swap3A_625 = arith.index_cast %add3A_205 : i32 to index
            %swap3A_626 = arith.constant 96 : index
            %swap3A_627 = tpu.vector_load %arg27[%swap3A_625, %swap3A_626] {strides = array<i32>} : memref<80x128xf32, #tpu.memory_space<vmem>>, vector<1x16xf32>,
            %swap3A_628 = vector.shape_cast %swap3A_627 : vector<1x16xf32> to vector<16xf32>
            %swap3A_629 = vector.shape_cast %mul3A_624 : vector<16xf32> to vector<1x16xf32>
            tpu.vector_store %arg27[%swap3A_625, %swap3A_626], %swap3A_629 {strides = array<i32>} : memref<80x128xf32, #tpu.memory_space<vmem>>, vector<1x16xf32>,
            %sub3A_630 = arith.constant 7.000000e+00 : f32
            %sub3A_631 = vector.broadcast %sub3A_630 : f32 to vector<16xf32>
            %sub3A_632 = arith.subf %convert_element_type3A_517, %sub3A_631 : vector<16xf32>
            %mul3A_633 = arith.mulf %sub3A_632, %sub3A_632 : vector<16xf32>
            %sub3A_634 = arith.constant 1.000000e+00 : f32
            %sub3A_635 = vector.broadcast %sub3A_634 : f32 to vector<16xf32>
            %sub3A_636 = arith.subf %sub3A_635, %mul3A_633 : vector<16xf32>
            %max3A_637 = arith.constant 0.000000e+00 : f32
            %max3A_638 = vector.broadcast %max3A_637 : f32 to vector<16xf32>
            %max3A_639 = arith.maximumf %sub3A_636, %max3A_638 : vector<16xf32>
            %mul3A_640 = arith.mulf %gather3A_511, %max3A_639 : vector<16xf32>
            %swap3A_641 = arith.index_cast %add3A_205 : i32 to index
            %swap3A_642 = arith.constant 112 : index
            %swap3A_643 = tpu.vector_load %arg27[%swap3A_641, %swap3A_642] {strides = array<i32>} : memref<80x128xf32, #tpu.memory_space<vmem>>, vector<1x16xf32>,
            %swap3A_644 = vector.shape_cast %swap3A_643 : vector<1x16xf32> to vector<16xf32>
            %swap3A_645 = vector.shape_cast %mul3A_640 : vector<16xf32> to vector<1x16xf32>
            tpu.vector_store %arg27[%swap3A_641, %swap3A_642], %swap3A_645 {strides = array<i32>} : memref<80x128xf32, #tpu.memory_space<vmem>>, vector<1x16xf32>,
          }
          %scan3A_201 = arith.constant 16 : i32
        }
        %scan3A_177 = arith.constant 5 : i32
        %dma_start3A_178 = arith.constant 0 : i32
        %dma_start3A_179 = arith.constant 0 : i32
        %dma_start3A_180 = tpu.memref_slice %arg35[%dma_start3A_178, %dma_start3A_179] : memref<5000x128xf32, #tpu.memory_space<vmem_shared>> -> memref<5000x128xf32, #tpu.memory_space<vmem_shared>>
        tpu.enqueue_indirect_dma source(%arg26 : memref<80x128xf32, #tpu.memory_space<vmem>>) target(%dma_start3A_180 : memref<5000x128xf32, #tpu.memory_space<vmem_shared>>) offsets(%arg24 : memref<80xi32, #tpu.memory_space<vmem>>) semaphore(%arg34 : memref<!tpu.dma_semaphore, #tpu.memory_space<semaphore_mem>>) {add = true}
        %dma_start3A_181 = arith.constant 0 : i32
        %dma_start3A_182 = arith.constant 0 : i32
        %dma_start3A_183 = tpu.memref_slice %arg36[%dma_start3A_181, %dma_start3A_182] : memref<320x128xf32, #tpu.memory_space<vmem_shared>> -> memref<320x128xf32, #tpu.memory_space<vmem_shared>>
        tpu.enqueue_indirect_dma source(%arg27 : memref<80x128xf32, #tpu.memory_space<vmem>>) target(%dma_start3A_183 : memref<320x128xf32, #tpu.memory_space<vmem_shared>>) offsets(%arg25 : memref<80xi32, #tpu.memory_space<vmem>>) semaphore(%arg34 : memref<!tpu.dma_semaphore, #tpu.memory_space<semaphore_mem>>) {add = true}
        %add3A_184 = arith.constant 2 : i32
        %add3A_185 = arith.addi %add3A_141, %add3A_184 : i32
        %lt3A_186 = arith.constant 250 : i32
        %lt3A_187 = arith.cmpi slt, %add3A_185, %lt3A_186 : i32
        %convert_element_type3A_188 = arith.extui %lt3A_187 : i1 to i32
        %cond3A_189 = arith.constant 0 : i32
        %cond3A_190 = arith.cmpi ne, %convert_element_type3A_188, %cond3A_189 : i32
        scf.if %cond3A_190 {
          %add3A_191 = arith.constant 2 : i32
          %add3A_192 = arith.addi %add3A_141, %add3A_191 : i32
          %mul3A_193 = arith.constant 80 : i32
          %mul3A_194 = arith.muli %add3A_192, %mul3A_193 : i32
          %add3A_195 = arith.addi %mul3A_16, %mul3A_194 : i32
          %dma_start3A_196 = tpu.memref_slice %arg3[%add3A_195] : memref<320000xi32, #tpu.memory_space<hbm>> -> memref<80xi32, #tpu.memory_space<hbm>>
          %dma_start3A_197 = tpu.memref_slice %arg3[%add3A_195] : memref<320000xi32, #tpu.memory_space<hbm>> -> memref<80xi32, #tpu.memory_space<hbm>>
          tpu.enqueue_dma source(%dma_start3A_197 : memref<80xi32, #tpu.memory_space<hbm>>) target(%arg19 : memref<80xi32, #tpu.memory_space<vmem>>) target_semaphore(%arg31 : memref<!tpu.dma_semaphore, #tpu.memory_space<semaphore_mem>>)
          %dma_start3A_198 = tpu.memref_slice %arg4[%add3A_195] : memref<320000xi32, #tpu.memory_space<hbm>> -> memref<80xi32, #tpu.memory_space<hbm>>
          %dma_start3A_199 = tpu.memref_slice %arg4[%add3A_195] : memref<320000xi32, #tpu.memory_space<hbm>> -> memref<80xi32, #tpu.memory_space<hbm>>
          tpu.enqueue_dma source(%dma_start3A_199 : memref<80xi32, #tpu.memory_space<hbm>>) target(%arg20 : memref<80xi32, #tpu.memory_space<vmem>>) target_semaphore(%arg31 : memref<!tpu.dma_semaphore, #tpu.memory_space<semaphore_mem>>)
          %dma_start3A_200 = arith.constant 0 : i32
          %dma_start3A_201 = tpu.memref_slice %arg7[%add3A_195, %dma_start3A_200] : memref<320000x64xf32, #tpu.memory_space<hbm>> -> memref<80x64xf32, #tpu.memory_space<hbm>>
          %dma_start3A_202 = arith.constant 0 : i32
          %dma_start3A_203 = tpu.memref_slice %arg7[%add3A_195, %dma_start3A_202] : memref<320000x64xf32, #tpu.memory_space<hbm>> -> memref<80x64xf32, #tpu.memory_space<hbm>>
          tpu.enqueue_dma source(%dma_start3A_203 : memref<80x64xf32, #tpu.memory_space<hbm>>) target(%arg23 : memref<80x64xf32, #tpu.memory_space<vmem>>) target_semaphore(%arg33 : memref<!tpu.dma_semaphore, #tpu.memory_space<semaphore_mem>>)
        } else {
        }
      }
      %scan3A_62 = arith.constant 125 : i32
      %dma_wait3A_63 = arith.constant 0 : i32
      %dma_wait3A_64 = arith.constant 0 : i32
      %dma_wait3A_65 = tpu.memref_slice %arg35[%dma_wait3A_63, %dma_wait3A_64] : memref<5000x128xf32, #tpu.memory_space<vmem_shared>> -> memref<5000x128xf32, #tpu.memory_space<vmem_shared>>
      tpu.wait_indirect_dma semaphore(%arg34 : memref<!tpu.dma_semaphore, #tpu.memory_space<semaphore_mem>>) src(%arg26 : memref<80x128xf32, #tpu.memory_space<vmem>>) dst(%dma_wait3A_65 : memref<5000x128xf32, #tpu.memory_space<vmem_shared>>)
      %dma_wait3A_66 = arith.constant 0 : i32
      %dma_wait3A_67 = arith.constant 0 : i32
      %dma_wait3A_68 = tpu.memref_slice %arg36[%dma_wait3A_66, %dma_wait3A_67] : memref<320x128xf32, #tpu.memory_space<vmem_shared>> -> memref<320x128xf32, #tpu.memory_space<vmem_shared>>
      tpu.wait_indirect_dma semaphore(%arg34 : memref<!tpu.dma_semaphore, #tpu.memory_space<semaphore_mem>>) src(%arg27 : memref<80x128xf32, #tpu.memory_space<vmem>>) dst(%dma_wait3A_68 : memref<320x128xf32, #tpu.memory_space<vmem_shared>>)
      %barrier3A_69 = arith.constant 0 : index
      tpu.barrier barrier_id(%barrier3A_69)
      %lt3A_70 = arith.constant 15 : i32
      %lt3A_71 = arith.cmpi slt, %arg1, %lt3A_70 : i32
      %convert_element_type3A_72 = arith.extui %lt3A_71 : i1 to i32
      %cond3A_73 = arith.constant 0 : i32
      %cond3A_74 = arith.cmpi ne, %convert_element_type3A_72, %cond3A_73 : i32
      scf.if %cond3A_74 {
        "tpu.region"() ({
          %run_scoped3A = tpu.sem_alloc : memref<!tpu.dma_semaphore, #tpu.memory_space<semaphore_mem>>
          %dma_start3A_85 = arith.constant 0 : i32
          %dma_start3A_86 = tpu.memref_slice %arg11[%mul3A_1, %dma_start3A_85] : memref<5000x128xf32, #tpu.memory_space<hbm>> -> memref<320x128xf32, #tpu.memory_space<hbm>>
          %dma_start3A_87 = arith.constant 0 : i32
          %dma_start3A_88 = tpu.memref_slice %arg35[%mul3A_1, %dma_start3A_87] : memref<5000x128xf32, #tpu.memory_space<vmem_shared>> -> memref<320x128xf32, #tpu.memory_space<vmem_shared>>
          tpu.enqueue_dma source(%dma_start3A_88 : memref<320x128xf32, #tpu.memory_space<vmem_shared>>) target(%dma_start3A_86 : memref<320x128xf32, #tpu.memory_space<hbm>>) target_semaphore(%run_scoped3A : memref<!tpu.dma_semaphore, #tpu.memory_space<semaphore_mem>>)
          %dma_wait3A_89 = arith.constant 0 : i32
          %dma_wait3A_90 = tpu.memref_slice %arg11[%mul3A_1, %dma_wait3A_89] : memref<5000x128xf32, #tpu.memory_space<hbm>> -> memref<320x128xf32, #tpu.memory_space<hbm>>
          %dma_wait3A_91 = arith.constant 0 : i32
          %dma_wait3A_92 = tpu.memref_slice %arg35[%mul3A_1, %dma_wait3A_91] : memref<5000x128xf32, #tpu.memory_space<vmem_shared>> -> memref<320x128xf32, #tpu.memory_space<vmem_shared>>
          tpu.wait_dma2 semaphore(%run_scoped3A : memref<!tpu.dma_semaphore, #tpu.memory_space<semaphore_mem>>) src(%dma_wait3A_92 : memref<320x128xf32, #tpu.memory_space<vmem_shared>>) dst(%dma_wait3A_90 : memref<320x128xf32, #tpu.memory_space<hbm>>)
          tpu.yield
        }) : () -> ()
      } else {
      }
      %eq3A_75 = arith.constant 15 : i32
      %eq3A_76 = arith.cmpi eq, %arg1, %eq3A_75 : i32
      %convert_element_type3A_77 = arith.extui %eq3A_76 : i1 to i32
      %cond3A_78 = arith.constant 0 : i32
      %cond3A_79 = arith.cmpi ne, %convert_element_type3A_77, %cond3A_78 : i32
      scf.if %cond3A_79 {
        "tpu.region"() ({
          %run_scoped3A = tpu.sem_alloc : memref<!tpu.dma_semaphore, #tpu.memory_space<semaphore_mem>>
          %dma_start3A_85 = arith.constant 0 : i32
          %dma_start3A_86 = tpu.memref_slice %arg11[%mul3A_1, %dma_start3A_85] : memref<5000x128xf32, #tpu.memory_space<hbm>> -> memref<200x128xf32, #tpu.memory_space<hbm>>
          %dma_start3A_87 = arith.constant 0 : i32
          %dma_start3A_88 = tpu.memref_slice %arg35[%mul3A_1, %dma_start3A_87] : memref<5000x128xf32, #tpu.memory_space<vmem_shared>> -> memref<200x128xf32, #tpu.memory_space<vmem_shared>>
          tpu.enqueue_dma source(%dma_start3A_88 : memref<200x128xf32, #tpu.memory_space<vmem_shared>>) target(%dma_start3A_86 : memref<200x128xf32, #tpu.memory_space<hbm>>) target_semaphore(%run_scoped3A : memref<!tpu.dma_semaphore, #tpu.memory_space<semaphore_mem>>)
          %dma_wait3A_89 = arith.constant 0 : i32
          %dma_wait3A_90 = tpu.memref_slice %arg11[%mul3A_1, %dma_wait3A_89] : memref<5000x128xf32, #tpu.memory_space<hbm>> -> memref<200x128xf32, #tpu.memory_space<hbm>>
          %dma_wait3A_91 = arith.constant 0 : i32
          %dma_wait3A_92 = tpu.memref_slice %arg35[%mul3A_1, %dma_wait3A_91] : memref<5000x128xf32, #tpu.memory_space<vmem_shared>> -> memref<200x128xf32, #tpu.memory_space<vmem_shared>>
          tpu.wait_dma2 semaphore(%run_scoped3A : memref<!tpu.dma_semaphore, #tpu.memory_space<semaphore_mem>>) src(%dma_wait3A_92 : memref<200x128xf32, #tpu.memory_space<vmem_shared>>) dst(%dma_wait3A_90 : memref<200x128xf32, #tpu.memory_space<hbm>>)
          tpu.yield
        }) : () -> ()
      } else {
      }
      %lt3A_80 = arith.constant 10 : i32
      %lt3A_81 = arith.cmpi slt, %arg1, %lt3A_80 : i32
      %convert_element_type3A_82 = arith.extui %lt3A_81 : i1 to i32
      %cond3A_83 = arith.constant 0 : i32
      %cond3A_84 = arith.cmpi ne, %convert_element_type3A_82, %cond3A_83 : i32
      scf.if %cond3A_84 {
        "tpu.region"() ({
          %run_scoped3A = tpu.sem_alloc : memref<!tpu.dma_semaphore, #tpu.memory_space<semaphore_mem>>
          %dma_start3A_85 = arith.constant 0 : i32
          %dma_start3A_86 = tpu.memref_slice %arg13[%mul3A_3, %dma_start3A_85] : memref<320x128xf32, #tpu.memory_space<hbm>> -> memref<32x128xf32, #tpu.memory_space<hbm>>
          %dma_start3A_87 = arith.constant 0 : i32
          %dma_start3A_88 = tpu.memref_slice %arg36[%mul3A_3, %dma_start3A_87] : memref<320x128xf32, #tpu.memory_space<vmem_shared>> -> memref<32x128xf32, #tpu.memory_space<vmem_shared>>
          tpu.enqueue_dma source(%dma_start3A_88 : memref<32x128xf32, #tpu.memory_space<vmem_shared>>) target(%dma_start3A_86 : memref<32x128xf32, #tpu.memory_space<hbm>>) target_semaphore(%run_scoped3A : memref<!tpu.dma_semaphore, #tpu.memory_space<semaphore_mem>>)
          %dma_wait3A_89 = arith.constant 0 : i32
          %dma_wait3A_90 = tpu.memref_slice %arg13[%mul3A_3, %dma_wait3A_89] : memref<320x128xf32, #tpu.memory_space<hbm>> -> memref<32x128xf32, #tpu.memory_space<hbm>>
          %dma_wait3A_91 = arith.constant 0 : i32
          %dma_wait3A_92 = tpu.memref_slice %arg36[%mul3A_3, %dma_wait3A_91] : memref<320x128xf32, #tpu.memory_space<vmem_shared>> -> memref<32x128xf32, #tpu.memory_space<vmem_shared>>
          tpu.wait_dma2 semaphore(%run_scoped3A : memref<!tpu.dma_semaphore, #tpu.memory_space<semaphore_mem>>) src(%dma_wait3A_92 : memref<32x128xf32, #tpu.memory_space<vmem_shared>>) dst(%dma_wait3A_90 : memref<32x128xf32, #tpu.memory_space<hbm>>)
          tpu.yield
        }) : () -> ()
      } else {
      }
    } else {
    }
    return
  }
}

module attributes {stable_mosaic.version = 14 : i64} {
  func.func @_emb_body(%arg0: i32, %arg1: memref<1600x16xf32, #tpu.memory_space<vmem>>, %arg2: memref<16x128xf32, #tpu.memory_space<vmem>>, %arg3: memref<1600x64xf32, #tpu.memory_space<vmem>>, %arg4: memref<1600x64xf32, #tpu.memory_space<vmem>>) attributes {dimension_semantics = [#tpu.dimension_semantics<arbitrary>], iteration_bounds = array<i64: 200>, scalar_prefetch = 0 : i64, scratch_operands = 0 : i64, tpu.core_type = #tpu.core_type<tc>, window_params = [{transform_indices = @transform_0, window_bounds = array<i64: 1600, 16>}, {pipeline_mode = #tpu.pipeline_mode<synchronous>, transform_indices = @transform_1, window_bounds = array<i64: 16, 128>}, {transform_indices = @transform_2, window_bounds = array<i64: 1600, 64>}, {transform_indices = @transform_3, window_bounds = array<i64: 1600, 64>}]} {
    %get3A = arith.constant 0 : index
    %get3A_0 = arith.constant 0 : index
    %get3A_1 = vector.load %arg1[%get3A, %get3A_0] : memref<1600x16xf32, #tpu.memory_space<vmem>>, vector<1600x16xf32>
    %get3A_2 = arith.constant 0 : index
    %get3A_3 = arith.constant 0 : index
    %get3A_4 = vector.load %arg2[%get3A_2, %get3A_3] : memref<16x128xf32, #tpu.memory_space<vmem>>, vector<16x128xf32>
    %dot_general3A = arith.constant dense<0.000000e+00> : vector<1600x128xf32>
    %dot_general3A_5 = tpu.matmul %get3A_1, %get3A_4, %dot_general3A {dimension_numbers = #tpu.dot_dimension_numbers<[1], [0], [0], [1], [0, 0, 1, 1], [], []>, transpose_lhs_hint = false} : vector<1600x16xf32>, vector<16x128xf32>, vector<1600x128xf32> -> vector<1600x128xf32>
    %slice3A = vector.extract_strided_slice %dot_general3A_5 {offsets = [0, 0], sizes = [1600, 64], strides = [1, 1]} : vector<1600x128xf32> to vector<1600x64xf32>
    %swap3A = arith.constant 0 : index
    %swap3A_6 = arith.constant 0 : index
    %swap3A_7 = vector.load %arg3[%swap3A, %swap3A_6] : memref<1600x64xf32, #tpu.memory_space<vmem>>, vector<1600x64xf32>
    tpu.vector_store %arg3[%swap3A, %swap3A_6], %slice3A {strides = array<i32>} : memref<1600x64xf32, #tpu.memory_space<vmem>>, vector<1600x64xf32>,
    %slice3A_8 = vector.extract_strided_slice %dot_general3A_5 {offsets = [0, 64], sizes = [1600, 64], strides = [1, 1]} : vector<1600x128xf32> to vector<1600x64xf32>
    %swap3A_9 = arith.constant 0 : index
    %swap3A_10 = arith.constant 0 : index
    %swap3A_11 = vector.load %arg4[%swap3A_9, %swap3A_10] : memref<1600x64xf32, #tpu.memory_space<vmem>>, vector<1600x64xf32>
    tpu.vector_store %arg4[%swap3A_9, %swap3A_10], %slice3A_8 {strides = array<i32>} : memref<1600x64xf32, #tpu.memory_space<vmem>>, vector<1600x64xf32>,
    return
  }
  func.func @transform_0(%arg0: i32) -> (i32, i32) {
    %c0_i32 = arith.constant 0 : i32
    %c0_i32_0 = arith.constant 0 : i32
    return %arg0, %c0_i32 : i32, i32
  }
  func.func @transform_1(%arg0: i32) -> (i32, i32) {
    %c0_i32 = arith.constant 0 : i32
    %c0_i32_0 = arith.constant 0 : i32
    %c0_i32_1 = arith.constant 0 : i32
    return %c0_i32, %c0_i32_0 : i32, i32
  }
  func.func @transform_2(%arg0: i32) -> (i32, i32) {
    %c0_i32 = arith.constant 0 : i32
    %c0_i32_0 = arith.constant 0 : i32
    return %arg0, %c0_i32 : i32, i32
  }
  func.func @transform_3(%arg0: i32) -> (i32, i32) {
    %c0_i32 = arith.constant 0 : i32
    %c0_i32_0 = arith.constant 0 : i32
    return %arg0, %c0_i32 : i32, i32
  }
}

module attributes {stable_mosaic.version = 14 : i64} {
  func.func @_prework_body(%arg0: i32, %arg1: memref<400x128xf32, #tpu.memory_space<vmem>>, %arg2: memref<128x128xf32, #tpu.memory_space<vmem>>, %arg3: memref<128x128xf32, #tpu.memory_space<vmem>>, %arg4: memref<128x128xf32, #tpu.memory_space<vmem>>, %arg5: memref<128x128xf32, #tpu.memory_space<vmem>>, %arg6: memref<400x128xf32, #tpu.memory_space<vmem>>, %arg7: memref<400x128xf32, #tpu.memory_space<vmem>>, %arg8: memref<400x128xf32, #tpu.memory_space<vmem>>, %arg9: memref<400x128xf32, #tpu.memory_space<vmem>>) attributes {dimension_semantics = [#tpu.dimension_semantics<arbitrary>], iteration_bounds = array<i64: 25>, scalar_prefetch = 0 : i64, scratch_operands = 0 : i64, tpu.core_type = #tpu.core_type<tc>, window_params = [{transform_indices = @transform_0, window_bounds = array<i64: 400, 128>}, {pipeline_mode = #tpu.pipeline_mode<synchronous>, transform_indices = @transform_1, window_bounds = array<i64: 128, 128>}, {pipeline_mode = #tpu.pipeline_mode<synchronous>, transform_indices = @transform_2, window_bounds = array<i64: 128, 128>}, {pipeline_mode = #tpu.pipeline_mode<synchronous>, transform_indices = @transform_3, window_bounds = array<i64: 128, 128>}, {pipeline_mode = #tpu.pipeline_mode<synchronous>, transform_indices = @transform_4, window_bounds = array<i64: 128, 128>}, {transform_indices = @transform_5, window_bounds = array<i64: 400, 128>}, {transform_indices = @transform_6, window_bounds = array<i64: 400, 128>}, {transform_indices = @transform_7, window_bounds = array<i64: 400, 128>}, {transform_indices = @transform_8, window_bounds = array<i64: 400, 128>}]} {
    %get3A = arith.constant 0 : index
    %get3A_0 = arith.constant 0 : index
    %get3A_1 = vector.load %arg1[%get3A, %get3A_0] : memref<400x128xf32, #tpu.memory_space<vmem>>, vector<400x128xf32>
    %get3A_2 = arith.constant 0 : index
    %get3A_3 = arith.constant 0 : index
    %get3A_4 = vector.load %arg2[%get3A_2, %get3A_3] : memref<128x128xf32, #tpu.memory_space<vmem>>, vector<128x128xf32>
    %dot_general3A = arith.constant dense<0.000000e+00> : vector<400x128xf32>
    %dot_general3A_5 = tpu.matmul %get3A_1, %get3A_4, %dot_general3A {dimension_numbers = #tpu.dot_dimension_numbers<[1], [0], [0], [1], [0, 0, 1, 1], [], []>, transpose_lhs_hint = false} : vector<400x128xf32>, vector<128x128xf32>, vector<400x128xf32> -> vector<400x128xf32>
    %swap3A = arith.constant 0 : index
    %swap3A_6 = arith.constant 0 : index
    %swap3A_7 = vector.load %arg6[%swap3A, %swap3A_6] : memref<400x128xf32, #tpu.memory_space<vmem>>, vector<400x128xf32>
    tpu.vector_store %arg6[%swap3A, %swap3A_6], %dot_general3A_5 {strides = array<i32>} : memref<400x128xf32, #tpu.memory_space<vmem>>, vector<400x128xf32>,
    %get3A_8 = arith.constant 0 : index
    %get3A_9 = arith.constant 0 : index
    %get3A_10 = vector.load %arg3[%get3A_8, %get3A_9] : memref<128x128xf32, #tpu.memory_space<vmem>>, vector<128x128xf32>
    %dot_general3A_11 = arith.constant dense<0.000000e+00> : vector<400x128xf32>
    %dot_general3A_12 = tpu.matmul %dot_general3A_5, %get3A_10, %dot_general3A_11 {dimension_numbers = #tpu.dot_dimension_numbers<[1], [0], [0], [1], [0, 0, 1, 1], [], []>, transpose_lhs_hint = false} : vector<400x128xf32>, vector<128x128xf32>, vector<400x128xf32> -> vector<400x128xf32>
    %swap3A_13 = arith.constant 0 : index
    %swap3A_14 = arith.constant 0 : index
    %swap3A_15 = vector.load %arg7[%swap3A_13, %swap3A_14] : memref<400x128xf32, #tpu.memory_space<vmem>>, vector<400x128xf32>
    tpu.vector_store %arg7[%swap3A_13, %swap3A_14], %dot_general3A_12 {strides = array<i32>} : memref<400x128xf32, #tpu.memory_space<vmem>>, vector<400x128xf32>,
    %get3A_16 = arith.constant 0 : index
    %get3A_17 = arith.constant 0 : index
    %get3A_18 = vector.load %arg4[%get3A_16, %get3A_17] : memref<128x128xf32, #tpu.memory_space<vmem>>, vector<128x128xf32>
    %dot_general3A_19 = arith.constant dense<0.000000e+00> : vector<400x128xf32>
    %dot_general3A_20 = tpu.matmul %dot_general3A_5, %get3A_18, %dot_general3A_19 {dimension_numbers = #tpu.dot_dimension_numbers<[1], [0], [0], [1], [0, 0, 1, 1], [], []>, transpose_lhs_hint = false} : vector<400x128xf32>, vector<128x128xf32>, vector<400x128xf32> -> vector<400x128xf32>
    %get3A_21 = arith.constant 0 : index
    %get3A_22 = arith.constant 0 : index
    %get3A_23 = vector.load %arg5[%get3A_21, %get3A_22] : memref<128x128xf32, #tpu.memory_space<vmem>>, vector<128x128xf32>
    %dot_general3A_24 = arith.constant dense<0.000000e+00> : vector<400x128xf32>
    %dot_general3A_25 = tpu.matmul %dot_general3A_5, %get3A_23, %dot_general3A_24 {dimension_numbers = #tpu.dot_dimension_numbers<[1], [0], [0], [1], [0, 0, 1, 1], [], []>, transpose_lhs_hint = false} : vector<400x128xf32>, vector<128x128xf32>, vector<400x128xf32> -> vector<400x128xf32>
    %slice3A = vector.extract_strided_slice %dot_general3A_20 {offsets = [0, 0], sizes = [400, 64], strides = [1, 1]} : vector<400x128xf32> to vector<400x64xf32>
    %slice3A_26 = vector.extract_strided_slice %dot_general3A_25 {offsets = [0, 0], sizes = [400, 64], strides = [1, 1]} : vector<400x128xf32> to vector<400x64xf32>
    %concatenate3A = tpu.concatenate %slice3A, %slice3A_26 in 1 : vector<400x64xf32>, vector<400x64xf32> -> vector<400x128xf32>
    %swap3A_27 = arith.constant 0 : index
    %swap3A_28 = arith.constant 0 : index
    %swap3A_29 = vector.load %arg8[%swap3A_27, %swap3A_28] : memref<400x128xf32, #tpu.memory_space<vmem>>, vector<400x128xf32>
    tpu.vector_store %arg8[%swap3A_27, %swap3A_28], %concatenate3A {strides = array<i32>} : memref<400x128xf32, #tpu.memory_space<vmem>>, vector<400x128xf32>,
    %slice3A_30 = vector.extract_strided_slice %dot_general3A_20 {offsets = [0, 64], sizes = [400, 64], strides = [1, 1]} : vector<400x128xf32> to vector<400x64xf32>
    %slice3A_31 = vector.extract_strided_slice %dot_general3A_25 {offsets = [0, 64], sizes = [400, 64], strides = [1, 1]} : vector<400x128xf32> to vector<400x64xf32>
    %concatenate3A_32 = tpu.concatenate %slice3A_30, %slice3A_31 in 1 : vector<400x64xf32>, vector<400x64xf32> -> vector<400x128xf32>
    %swap3A_33 = arith.constant 0 : index
    %swap3A_34 = arith.constant 0 : index
    %swap3A_35 = vector.load %arg9[%swap3A_33, %swap3A_34] : memref<400x128xf32, #tpu.memory_space<vmem>>, vector<400x128xf32>
    tpu.vector_store %arg9[%swap3A_33, %swap3A_34], %concatenate3A_32 {strides = array<i32>} : memref<400x128xf32, #tpu.memory_space<vmem>>, vector<400x128xf32>,
    return
  }
  func.func @transform_0(%arg0: i32) -> (i32, i32) {
    %c0_i32 = arith.constant 0 : i32
    %c0_i32_0 = arith.constant 0 : i32
    return %arg0, %c0_i32 : i32, i32
  }
  func.func @transform_1(%arg0: i32) -> (i32, i32) {
    %c0_i32 = arith.constant 0 : i32
    %c0_i32_0 = arith.constant 0 : i32
    %c0_i32_1 = arith.constant 0 : i32
    return %c0_i32, %c0_i32_0 : i32, i32
  }
  func.func @transform_2(%arg0: i32) -> (i32, i32) {
    %c0_i32 = arith.constant 0 : i32
    %c0_i32_0 = arith.constant 0 : i32
    %c0_i32_1 = arith.constant 0 : i32
    return %c0_i32, %c0_i32_0 : i32, i32
  }
  func.func @transform_3(%arg0: i32) -> (i32, i32) {
    %c0_i32 = arith.constant 0 : i32
    %c0_i32_0 = arith.constant 0 : i32
    %c0_i32_1 = arith.constant 0 : i32
    return %c0_i32, %c0_i32_0 : i32, i32
  }
  func.func @transform_4(%arg0: i32) -> (i32, i32) {
    %c0_i32 = arith.constant 0 : i32
    %c0_i32_0 = arith.constant 0 : i32
    %c0_i32_1 = arith.constant 0 : i32
    return %c0_i32, %c0_i32_0 : i32, i32
  }
  func.func @transform_5(%arg0: i32) -> (i32, i32) {
    %c0_i32 = arith.constant 0 : i32
    %c0_i32_0 = arith.constant 0 : i32
    return %arg0, %c0_i32 : i32, i32
  }
  func.func @transform_6(%arg0: i32) -> (i32, i32) {
    %c0_i32 = arith.constant 0 : i32
    %c0_i32_0 = arith.constant 0 : i32
    return %arg0, %c0_i32 : i32, i32
  }
  func.func @transform_7(%arg0: i32) -> (i32, i32) {
    %c0_i32 = arith.constant 0 : i32
    %c0_i32_0 = arith.constant 0 : i32
    return %arg0, %c0_i32 : i32, i32
  }
  func.func @transform_8(%arg0: i32) -> (i32, i32) {
    %c0_i32 = arith.constant 0 : i32
    %c0_i32_0 = arith.constant 0 : i32
    return %arg0, %c0_i32 : i32, i32
  }
}

module attributes {stable_mosaic.version = 14 : i64} {
  func.func @_epi1_body(%arg0: i32, %arg1: memref<400x64xf32, #tpu.memory_space<vmem>>, %arg2: memref<400x64xf32, #tpu.memory_space<vmem>>, %arg3: memref<400x8xf32, #tpu.memory_space<vmem>>, %arg4: memref<400x128xf32, #tpu.memory_space<vmem>>, %arg5: memref<128x128xf32, #tpu.memory_space<vmem>>, %arg6: memref<8x128xf32, #tpu.memory_space<vmem>>, %arg7: memref<1x128xf32, #tpu.memory_space<vmem>>, %arg8: memref<400x128xf32, #tpu.memory_space<vmem>>, %arg9: memref<1x128xf32, #tpu.memory_space<vmem>>, %arg10: memref<1x128xf32, #tpu.memory_space<vmem>>) attributes {dimension_semantics = [#tpu.dimension_semantics<arbitrary>], iteration_bounds = array<i64: 25>, scalar_prefetch = 0 : i64, scratch_operands = 0 : i64, tpu.core_type = #tpu.core_type<tc>, window_params = [{transform_indices = @transform_0, window_bounds = array<i64: 400, 64>}, {transform_indices = @transform_1, window_bounds = array<i64: 400, 64>}, {transform_indices = @transform_2, window_bounds = array<i64: 400, 8>}, {transform_indices = @transform_3, window_bounds = array<i64: 400, 128>}, {pipeline_mode = #tpu.pipeline_mode<synchronous>, transform_indices = @transform_4, window_bounds = array<i64: 128, 128>}, {pipeline_mode = #tpu.pipeline_mode<synchronous>, transform_indices = @transform_5, window_bounds = array<i64: 8, 128>}, {pipeline_mode = #tpu.pipeline_mode<synchronous>, transform_indices = @transform_6, window_bounds = array<i64: 1, 128>}, {transform_indices = @transform_7, window_bounds = array<i64: 400, 128>}, {pipeline_mode = #tpu.pipeline_mode<synchronous>, transform_indices = @transform_8, window_bounds = array<i64: 1, 128>}, {pipeline_mode = #tpu.pipeline_mode<synchronous>, transform_indices = @transform_9, window_bounds = array<i64: 1, 128>}]} {
    %get3A = arith.constant 0 : index
    %get3A_0 = arith.constant 0 : index
    %get3A_1 = vector.load %arg1[%get3A, %get3A_0] : memref<400x64xf32, #tpu.memory_space<vmem>>, vector<400x64xf32>
    %get3A_2 = arith.constant 0 : index
    %get3A_3 = arith.constant 0 : index
    %get3A_4 = vector.load %arg2[%get3A_2, %get3A_3] : memref<400x64xf32, #tpu.memory_space<vmem>>, vector<400x64xf32>
    %concatenate3A = tpu.concatenate %get3A_1, %get3A_4 in 1 : vector<400x64xf32>, vector<400x64xf32> -> vector<400x128xf32>
    %get3A_5 = arith.constant 0 : index
    %get3A_6 = arith.constant 0 : index
    %get3A_7 = vector.load %arg3[%get3A_5, %get3A_6] : memref<400x8xf32, #tpu.memory_space<vmem>>, vector<400x8xf32>
    %get3A_8 = arith.constant 0 : index
    %get3A_9 = arith.constant 0 : index
    %get3A_10 = vector.load %arg6[%get3A_8, %get3A_9] : memref<8x128xf32, #tpu.memory_space<vmem>>, vector<8x128xf32>
    %dot_general3A = arith.constant dense<0.000000e+00> : vector<400x128xf32>
    %dot_general3A_11 = tpu.matmul %get3A_7, %get3A_10, %dot_general3A {dimension_numbers = #tpu.dot_dimension_numbers<[1], [0], [0], [1], [0, 0, 1, 1], [], []>, transpose_lhs_hint = false} : vector<400x8xf32>, vector<8x128xf32>, vector<400x128xf32> -> vector<400x128xf32>
    %add3A = arith.constant 9.99999997E-7 : f32
    %add3A_12 = vector.broadcast %add3A : f32 to vector<400x128xf32>
    %add3A_13 = arith.addf %dot_general3A_11, %add3A_12 : vector<400x128xf32>
    %div3A = arith.divf %concatenate3A, %add3A_13 : vector<400x128xf32>
    %get3A_14 = arith.constant 0 : index
    %get3A_15 = arith.constant 0 : index
    %get3A_16 = vector.load %arg5[%get3A_14, %get3A_15] : memref<128x128xf32, #tpu.memory_space<vmem>>, vector<128x128xf32>
    %dot_general3A_17 = arith.constant dense<0.000000e+00> : vector<400x128xf32>
    %dot_general3A_18 = tpu.matmul %div3A, %get3A_16, %dot_general3A_17 {dimension_numbers = #tpu.dot_dimension_numbers<[1], [0], [0], [1], [0, 0, 1, 1], [], []>, transpose_lhs_hint = false} : vector<400x128xf32>, vector<128x128xf32>, vector<400x128xf32> -> vector<400x128xf32>
    %get3A_19 = arith.constant 0 : index
    %get3A_20 = arith.constant 0 : index
    %get3A_21 = vector.load %arg7[%get3A_19, %get3A_20] : memref<1x128xf32, #tpu.memory_space<vmem>>, vector<1x128xf32>
    %add3A_22 = vector.broadcast %get3A_21 : vector<1x128xf32> to vector<400x128xf32>
    %add3A_23 = arith.addf %dot_general3A_18, %add3A_22 : vector<400x128xf32>
    %get3A_24 = arith.constant 0 : index
    %get3A_25 = arith.constant 0 : index
    %get3A_26 = vector.load %arg4[%get3A_24, %get3A_25] : memref<400x128xf32, #tpu.memory_space<vmem>>, vector<400x128xf32>
    %add3A_27 = arith.addf %add3A_23, %get3A_26 : vector<400x128xf32>
    %swap3A = arith.constant 0 : index
    %swap3A_28 = arith.constant 0 : index
    %swap3A_29 = vector.load %arg8[%swap3A, %swap3A_28] : memref<400x128xf32, #tpu.memory_space<vmem>>, vector<400x128xf32>
    tpu.vector_store %arg8[%swap3A, %swap3A_28], %add3A_27 {strides = array<i32>} : memref<400x128xf32, #tpu.memory_space<vmem>>, vector<400x128xf32>,
    %eq3A = arith.constant 0 : i32
    %eq3A_30 = arith.cmpi eq, %arg0, %eq3A : i32
    %convert_element_type3A = arith.extui %eq3A_30 : i1 to i32
    %cond3A = arith.constant 0 : i32
    %cond3A_31 = arith.cmpi ne, %convert_element_type3A, %cond3A : i32
    scf.if %cond3A_31 {
      %broadcast_in_dim3A_50 = arith.constant 0.000000e+00 : f32
      %broadcast_in_dim3A_51 = vector.broadcast %broadcast_in_dim3A_50 : f32 to vector<1x128xf32>
      %swap3A_52 = arith.constant 0 : index
      %swap3A_53 = arith.constant 0 : index
      %swap3A_54 = vector.load %arg9[%swap3A_52, %swap3A_53] : memref<1x128xf32, #tpu.memory_space<vmem>>, vector<1x128xf32>
      tpu.vector_store %arg9[%swap3A_52, %swap3A_53], %broadcast_in_dim3A_51 {strides = array<i32>} : memref<1x128xf32, #tpu.memory_space<vmem>>, vector<1x128xf32>,
      %broadcast_in_dim3A_55 = arith.constant 0.000000e+00 : f32
      %broadcast_in_dim3A_56 = vector.broadcast %broadcast_in_dim3A_55 : f32 to vector<1x128xf32>
      %swap3A_57 = arith.constant 0 : index
      %swap3A_58 = arith.constant 0 : index
      %swap3A_59 = vector.load %arg10[%swap3A_57, %swap3A_58] : memref<1x128xf32, #tpu.memory_space<vmem>>, vector<1x128xf32>
      tpu.vector_store %arg10[%swap3A_57, %swap3A_58], %broadcast_in_dim3A_56 {strides = array<i32>} : memref<1x128xf32, #tpu.memory_space<vmem>>, vector<1x128xf32>,
    } else {
    }
    %get3A_32 = arith.constant 0 : index
    %get3A_33 = arith.constant 0 : index
    %get3A_34 = vector.load %arg9[%get3A_32, %get3A_33] : memref<1x128xf32, #tpu.memory_space<vmem>>, vector<1x128xf32>
    %reduce_sum3A = arith.constant dense<0.000000e+00> : vector<128xf32>
    %reduce_sum3A_35 = vector.multi_reduction <add>, %add3A_27, %reduce_sum3A [0] : vector<400x128xf32> to vector<128xf32>
    %broadcast_in_dim3A = vector.shape_cast %reduce_sum3A_35 : vector<128xf32> to vector<1x128xf32>
    %add3A_36 = arith.addf %get3A_34, %broadcast_in_dim3A : vector<1x128xf32>
    %swap3A_37 = arith.constant 0 : index
    %swap3A_38 = arith.constant 0 : index
    %swap3A_39 = vector.load %arg9[%swap3A_37, %swap3A_38] : memref<1x128xf32, #tpu.memory_space<vmem>>, vector<1x128xf32>
    tpu.vector_store %arg9[%swap3A_37, %swap3A_38], %add3A_36 {strides = array<i32>} : memref<1x128xf32, #tpu.memory_space<vmem>>, vector<1x128xf32>,
    %get3A_40 = arith.constant 0 : index
    %get3A_41 = arith.constant 0 : index
    %get3A_42 = vector.load %arg10[%get3A_40, %get3A_41] : memref<1x128xf32, #tpu.memory_space<vmem>>, vector<1x128xf32>
    %mul3A = arith.mulf %add3A_27, %add3A_27 : vector<400x128xf32>
    %reduce_sum3A_43 = arith.constant dense<0.000000e+00> : vector<128xf32>
    %reduce_sum3A_44 = vector.multi_reduction <add>, %mul3A, %reduce_sum3A_43 [0] : vector<400x128xf32> to vector<128xf32>
    %broadcast_in_dim3A_45 = vector.shape_cast %reduce_sum3A_44 : vector<128xf32> to vector<1x128xf32>
    %add3A_46 = arith.addf %get3A_42, %broadcast_in_dim3A_45 : vector<1x128xf32>
    %swap3A_47 = arith.constant 0 : index
    %swap3A_48 = arith.constant 0 : index
    %swap3A_49 = vector.load %arg10[%swap3A_47, %swap3A_48] : memref<1x128xf32, #tpu.memory_space<vmem>>, vector<1x128xf32>
    tpu.vector_store %arg10[%swap3A_47, %swap3A_48], %add3A_46 {strides = array<i32>} : memref<1x128xf32, #tpu.memory_space<vmem>>, vector<1x128xf32>,
    return
  }
  func.func @transform_0(%arg0: i32) -> (i32, i32) {
    %c0_i32 = arith.constant 0 : i32
    %c0_i32_0 = arith.constant 0 : i32
    return %arg0, %c0_i32 : i32, i32
  }
  func.func @transform_1(%arg0: i32) -> (i32, i32) {
    %c0_i32 = arith.constant 0 : i32
    %c0_i32_0 = arith.constant 0 : i32
    return %arg0, %c0_i32 : i32, i32
  }
  func.func @transform_2(%arg0: i32) -> (i32, i32) {
    %c0_i32 = arith.constant 0 : i32
    %c0_i32_0 = arith.constant 0 : i32
    return %arg0, %c0_i32 : i32, i32
  }
  func.func @transform_3(%arg0: i32) -> (i32, i32) {
    %c0_i32 = arith.constant 0 : i32
    %c0_i32_0 = arith.constant 0 : i32
    return %arg0, %c0_i32 : i32, i32
  }
  func.func @transform_4(%arg0: i32) -> (i32, i32) {
    %c0_i32 = arith.constant 0 : i32
    %c0_i32_0 = arith.constant 0 : i32
    %c0_i32_1 = arith.constant 0 : i32
    return %c0_i32, %c0_i32_0 : i32, i32
  }
  func.func @transform_5(%arg0: i32) -> (i32, i32) {
    %c0_i32 = arith.constant 0 : i32
    %c0_i32_0 = arith.constant 0 : i32
    %c0_i32_1 = arith.constant 0 : i32
    return %c0_i32, %c0_i32_0 : i32, i32
  }
  func.func @transform_6(%arg0: i32) -> (i32, i32) {
    %c0_i32 = arith.constant 0 : i32
    %c0_i32_0 = arith.constant 0 : i32
    %c0_i32_1 = arith.constant 0 : i32
    return %c0_i32, %c0_i32_0 : i32, i32
  }
  func.func @transform_7(%arg0: i32) -> (i32, i32) {
    %c0_i32 = arith.constant 0 : i32
    %c0_i32_0 = arith.constant 0 : i32
    return %arg0, %c0_i32 : i32, i32
  }
  func.func @transform_8(%arg0: i32) -> (i32, i32) {
    %c0_i32 = arith.constant 0 : i32
    %c0_i32_0 = arith.constant 0 : i32
    %c0_i32_1 = arith.constant 0 : i32
    return %c0_i32, %c0_i32_0 : i32, i32
  }
  func.func @transform_9(%arg0: i32) -> (i32, i32) {
    %c0_i32 = arith.constant 0 : i32
    %c0_i32_0 = arith.constant 0 : i32
    %c0_i32_1 = arith.constant 0 : i32
    return %c0_i32, %c0_i32_0 : i32, i32
  }
}

module attributes {stable_mosaic.version = 14 : i64} {
  func.func @_epi2_body(%arg0: i32, %arg1: memref<400x128xf32, #tpu.memory_space<vmem>>, %arg2: memref<1x128xf32, #tpu.memory_space<vmem>>, %arg3: memref<1x128xf32, #tpu.memory_space<vmem>>, %arg4: memref<1x128xf32, #tpu.memory_space<vmem>>, %arg5: memref<1x128xf32, #tpu.memory_space<vmem>>, %arg6: memref<1x128xf32, #tpu.memory_space<vmem>>, %arg7: memref<128x128xf32, #tpu.memory_space<vmem>>, %arg8: memref<1x128xf32, #tpu.memory_space<vmem>>, %arg9: memref<400x128xf32, #tpu.memory_space<vmem>>) attributes {dimension_semantics = [#tpu.dimension_semantics<arbitrary>], iteration_bounds = array<i64: 25>, scalar_prefetch = 0 : i64, scratch_operands = 0 : i64, tpu.core_type = #tpu.core_type<tc>, window_params = [{transform_indices = @transform_0, window_bounds = array<i64: 400, 128>}, {pipeline_mode = #tpu.pipeline_mode<synchronous>, transform_indices = @transform_1, window_bounds = array<i64: 1, 128>}, {pipeline_mode = #tpu.pipeline_mode<synchronous>, transform_indices = @transform_2, window_bounds = array<i64: 1, 128>}, {pipeline_mode = #tpu.pipeline_mode<synchronous>, transform_indices = @transform_3, window_bounds = array<i64: 1, 128>}, {pipeline_mode = #tpu.pipeline_mode<synchronous>, transform_indices = @transform_4, window_bounds = array<i64: 1, 128>}, {pipeline_mode = #tpu.pipeline_mode<synchronous>, transform_indices = @transform_5, window_bounds = array<i64: 1, 128>}, {pipeline_mode = #tpu.pipeline_mode<synchronous>, transform_indices = @transform_6, window_bounds = array<i64: 128, 128>}, {pipeline_mode = #tpu.pipeline_mode<synchronous>, transform_indices = @transform_7, window_bounds = array<i64: 1, 128>}, {transform_indices = @transform_8, window_bounds = array<i64: 400, 128>}]} {
    %get3A = arith.constant 0 : index
    %get3A_0 = arith.constant 0 : index
    %get3A_1 = vector.load %arg2[%get3A, %get3A_0] : memref<1x128xf32, #tpu.memory_space<vmem>>, vector<1x128xf32>
    %mul3A = arith.constant 9.99999974E-5 : f32
    %mul3A_2 = vector.broadcast %mul3A : f32 to vector<1x128xf32>
    %mul3A_3 = arith.mulf %get3A_1, %mul3A_2 : vector<1x128xf32>
    %get3A_4 = arith.constant 0 : index
    %get3A_5 = arith.constant 0 : index
    %get3A_6 = vector.load %arg3[%get3A_4, %get3A_5] : memref<1x128xf32, #tpu.memory_space<vmem>>, vector<1x128xf32>
    %mul3A_7 = arith.constant 9.99999974E-5 : f32
    %mul3A_8 = vector.broadcast %mul3A_7 : f32 to vector<1x128xf32>
    %mul3A_9 = arith.mulf %get3A_6, %mul3A_8 : vector<1x128xf32>
    %get3A_10 = arith.constant 0 : index
    %get3A_11 = arith.constant 0 : index
    %get3A_12 = vector.load %arg6[%get3A_10, %get3A_11] : memref<1x128xf32, #tpu.memory_space<vmem>>, vector<1x128xf32>
    %mul3A_13 = arith.constant 2.000000e+00 : f32
    %mul3A_14 = vector.broadcast %mul3A_13 : f32 to vector<1x128xf32>
    %mul3A_15 = arith.mulf %mul3A_14, %get3A_12 : vector<1x128xf32>
    %mul3A_16 = arith.mulf %get3A_12, %get3A_12 : vector<1x128xf32>
    %sub3A = arith.subf %mul3A_15, %mul3A_16 : vector<1x128xf32>
    %mul3A_17 = arith.mulf %sub3A, %mul3A_3 : vector<1x128xf32>
    %mul3A_18 = arith.mulf %mul3A_17, %mul3A_3 : vector<1x128xf32>
    %sub3A_19 = arith.subf %mul3A_9, %mul3A_18 : vector<1x128xf32>
    %add3A = arith.constant 9.99999974E-6 : f32
    %add3A_20 = vector.broadcast %add3A : f32 to vector<1x128xf32>
    %add3A_21 = arith.addf %sub3A_19, %add3A_20 : vector<1x128xf32>
    %rsqrt3A = math.rsqrt %add3A_21 : vector<1x128xf32>
    %get3A_22 = arith.constant 0 : index
    %get3A_23 = arith.constant 0 : index
    %get3A_24 = vector.load %arg1[%get3A_22, %get3A_23] : memref<400x128xf32, #tpu.memory_space<vmem>>, vector<400x128xf32>
    %mul3A_25 = arith.mulf %get3A_12, %mul3A_3 : vector<1x128xf32>
    %sub3A_26 = vector.broadcast %mul3A_25 : vector<1x128xf32> to vector<400x128xf32>
    %sub3A_27 = arith.subf %get3A_24, %sub3A_26 : vector<400x128xf32>
    %get3A_28 = arith.constant 0 : index
    %get3A_29 = arith.constant 0 : index
    %get3A_30 = vector.load %arg4[%get3A_28, %get3A_29] : memref<1x128xf32, #tpu.memory_space<vmem>>, vector<1x128xf32>
    %mul3A_31 = vector.broadcast %get3A_30 : vector<1x128xf32> to vector<400x128xf32>
    %mul3A_32 = arith.mulf %mul3A_31, %sub3A_27 : vector<400x128xf32>
    %mul3A_33 = vector.broadcast %rsqrt3A : vector<1x128xf32> to vector<400x128xf32>
    %mul3A_34 = arith.mulf %mul3A_32, %mul3A_33 : vector<400x128xf32>
    %get3A_35 = arith.constant 0 : index
    %get3A_36 = arith.constant 0 : index
    %get3A_37 = vector.load %arg5[%get3A_35, %get3A_36] : memref<1x128xf32, #tpu.memory_space<vmem>>, vector<1x128xf32>
    %add3A_38 = vector.broadcast %get3A_37 : vector<1x128xf32> to vector<400x128xf32>
    %add3A_39 = arith.addf %mul3A_34, %add3A_38 : vector<400x128xf32>
    %max3A = arith.constant 0.000000e+00 : f32
    %max3A_40 = vector.broadcast %max3A : f32 to vector<400x128xf32>
    %max3A_41 = arith.maximumf %add3A_39, %max3A_40 : vector<400x128xf32>
    %get3A_42 = arith.constant 0 : index
    %get3A_43 = arith.constant 0 : index
    %get3A_44 = vector.load %arg7[%get3A_42, %get3A_43] : memref<128x128xf32, #tpu.memory_space<vmem>>, vector<128x128xf32>
    %dot_general3A = arith.constant dense<0.000000e+00> : vector<400x128xf32>
    %dot_general3A_45 = tpu.matmul %max3A_41, %get3A_44, %dot_general3A {dimension_numbers = #tpu.dot_dimension_numbers<[1], [0], [0], [1], [0, 0, 1, 1], [], []>, transpose_lhs_hint = false} : vector<400x128xf32>, vector<128x128xf32>, vector<400x128xf32> -> vector<400x128xf32>
    %get3A_46 = arith.constant 0 : index
    %get3A_47 = arith.constant 0 : index
    %get3A_48 = vector.load %arg8[%get3A_46, %get3A_47] : memref<1x128xf32, #tpu.memory_space<vmem>>, vector<1x128xf32>
    %add3A_49 = vector.broadcast %get3A_48 : vector<1x128xf32> to vector<400x128xf32>
    %add3A_50 = arith.addf %dot_general3A_45, %add3A_49 : vector<400x128xf32>
    %swap3A = arith.constant 0 : index
    %swap3A_51 = arith.constant 0 : index
    %swap3A_52 = vector.load %arg9[%swap3A, %swap3A_51] : memref<400x128xf32, #tpu.memory_space<vmem>>, vector<400x128xf32>
    tpu.vector_store %arg9[%swap3A, %swap3A_51], %add3A_50 {strides = array<i32>} : memref<400x128xf32, #tpu.memory_space<vmem>>, vector<400x128xf32>,
    return
  }
  func.func @transform_0(%arg0: i32) -> (i32, i32) {
    %c0_i32 = arith.constant 0 : i32
    %c0_i32_0 = arith.constant 0 : i32
    return %arg0, %c0_i32 : i32, i32
  }
  func.func @transform_1(%arg0: i32) -> (i32, i32) {
    %c0_i32 = arith.constant 0 : i32
    %c0_i32_0 = arith.constant 0 : i32
    %c0_i32_1 = arith.constant 0 : i32
    return %c0_i32, %c0_i32_0 : i32, i32
  }
  func.func @transform_2(%arg0: i32) -> (i32, i32) {
    %c0_i32 = arith.constant 0 : i32
    %c0_i32_0 = arith.constant 0 : i32
    %c0_i32_1 = arith.constant 0 : i32
    return %c0_i32, %c0_i32_0 : i32, i32
  }
  func.func @transform_3(%arg0: i32) -> (i32, i32) {
    %c0_i32 = arith.constant 0 : i32
    %c0_i32_0 = arith.constant 0 : i32
    %c0_i32_1 = arith.constant 0 : i32
    return %c0_i32, %c0_i32_0 : i32, i32
  }
  func.func @transform_4(%arg0: i32) -> (i32, i32) {
    %c0_i32 = arith.constant 0 : i32
    %c0_i32_0 = arith.constant 0 : i32
    %c0_i32_1 = arith.constant 0 : i32
    return %c0_i32, %c0_i32_0 : i32, i32
  }
  func.func @transform_5(%arg0: i32) -> (i32, i32) {
    %c0_i32 = arith.constant 0 : i32
    %c0_i32_0 = arith.constant 0 : i32
    %c0_i32_1 = arith.constant 0 : i32
    return %c0_i32, %c0_i32_0 : i32, i32
  }
  func.func @transform_6(%arg0: i32) -> (i32, i32) {
    %c0_i32 = arith.constant 0 : i32
    %c0_i32_0 = arith.constant 0 : i32
    %c0_i32_1 = arith.constant 0 : i32
    return %c0_i32, %c0_i32_0 : i32, i32
  }
  func.func @transform_7(%arg0: i32) -> (i32, i32) {
    %c0_i32 = arith.constant 0 : i32
    %c0_i32_0 = arith.constant 0 : i32
    %c0_i32_1 = arith.constant 0 : i32
    return %c0_i32, %c0_i32_0 : i32, i32
  }
  func.func @transform_8(%arg0: i32) -> (i32, i32) {
    %c0_i32 = arith.constant 0 : i32
    %c0_i32_0 = arith.constant 0 : i32
    return %arg0, %c0_i32 : i32, i32
  }
}

</mosaic_0001>

<sc_bundles>
// kernel: kernel.7.cloned.1.call-start
scs
__scs_entry_jumppad:
0x0: {  	(pc) =	sbr.rel $0x88, $3  }
0x1: {  	(tag) =	ssettag $0x0;
	lr =	simm.s32 $0x1  }
0x2: {  	[smem:$0x3F92] =	sst lr;
	_ =	strace $0xD0000000  }
0x3: {  	_ = 	snop  }
0x4: {  	_ = 	snop  }
0x5: {  	_ = 	snop  }
0x6: {  	_ = 	snop  }
0x7: {  	_ = 	snop  }
__scs_overlays_trampoline_lowered:
0x8: {  	[smem:$0x3FA1] =	sst s0  }
0x9: {  	[smem:$0x3FA2] =	sst s1  }
0xa: {  	[smem:$0x3FA3] =	sst s2  }
0xb: {  	[smem:$0x3FA4] =	sst s3  }
0xc: {  	[smem:$0x3FA5] =	sst s4  }
0xd: {  	[smem:$0x3FA6] =	sst s5  }
0xe: {  	[smem:$0x3FA7] =	sst s6  }
0xf: {  	[smem:$0x3FA8] =	sst s7  }
0x10: {  	[smem:$0x3FA9] =	sst s8  }
0x11: {  	[smem:$0x3FAA] =	sst s9;
	s0 =	simm.s32 @!p0 $0x0  }
0x12: {  	s1 =	sld [smem:$0x3F90];
	s0 =	simm.s32 @p0 $0x1  }
0x13: {  	[smem:$0x3FAB] =	sst s0;
	s0 =	simm.s32 @!p1 $0x0  }
0x14: {  	s2 =	sld [smem:$0x3F8F];
	s0 =	simm.s32 @p1 $0x1  }
0x15: {  	[smem:$0x3FAC] =	sst s0;
	s0 =	simm.s32 @!p2 $0x0  }
0x16: {  	s3 =	sld [smem:$0x3FDB];
	s0 =	simm.s32 @p2 $0x1  }
0x17: {  	s4 =	simm.s32 $0x1BF5;
	[smem:$0x3FAE] =	sst s0  }
0x18: {  	s0 =	sld [smem:$0x3F91];
	_ =	swait.ge [sflag:s4], $0x0  }
0x19: {  	s7 =	sld [smem:$0x3F92]  }
0x1a: {  	s8 =	sadd.s32 $0xFFFFE003, lr  }
0x1b: {  	s9 =	sadd.s32 $0xFFFFFEF7, lr;
	s5 =	simm.s32 $0xFFFFFFFF;
	p2 =	slt.u32 s8, $0xFFFFF086  }
0x1c: {  	p1 =	slt.u32 s9, $0xF7A;
	s5 =	simm.s32 @!p2 $0x0  }
0x1d: {  	s5 =	simm.s32 @p1 $0x1;
	p0 =	seq.s32 s7, s2  }
0x1e: {  	s7 =	smul.u32 @!p0 $0xF7A, s2;
	p2 =	seq.s32 @!p0 s5, $0x0  }
0x1f: {  	s9 =	smul.u32 $0xF7A, s1;
	s8 =	simm.s32 @!p0 $0x1BF5;
	p2 =	por !p2, p0  }
0x20: {  	[sflag:s8] =	ssyncset.s32 @!p0 $0xFFFFF086;
	s6 =	sadd.s32 @!p0 s3, s7;
	s7 =	simm.s32 @!p0 $0x108  }
0x21: {  	s3 =	sadd.s32 s3, s9;
	s6 =	sadd.s32 @!p0 $0x88, s6;
	s7 =	simm.s32 @p2 $0x1082  }
0x22: {  	[simem:s7], [sflag:s8] =	dma.local @!p0 [hbm:s6], $0xF7A  }
0x23: {  	s9 =	sor.u32 $0xD0000000, s2;
	s6 =	simm.s32 $0x108;
	_ =	swait.ge @!p0 [sflag:s8], $0x0  }
0x24: {  	s3 =	sadd.s32 $0x88, s3;
	s6 =	simm.s32 @!p1 $0x1082;
	[sflag:s4] =	ssyncset.s32 $0xFFFFF086  }
0x25: {  	[simem:s6], [sflag:s4] =	dma.local [hbm:s3], $0xF7A  }
0x26: {  	[smem:$0x3F92] =	sst s1;
	(tag) =	ssettag s2;
	_ =	strace s9  }
0x27: {  	s1 =	sld [smem:$0x3FA2]  }
0x28: {  	s2 =	sld [smem:$0x3FA3]  }
0x29: {  	s4 =	sld [smem:$0x3FA5]  }
0x2a: {  	p0 =	seq.s32 s5, $0x0;
	s5 =	sld [smem:$0x3FA6]  }
0x2b: {  	s6 =	sld [smem:$0x3FA7]  }
0x2c: {  	s7 =	sld [smem:$0x3FA8]  }
0x2d: {  	s3 =	simm.s32 $0x108;
	s8 =	sld [smem:$0x3FA9]  }
0x2e: {  	s3 =	simm.s32 @!p0 $0x1082;
	s9 =	sld [smem:$0x3FAA]  }
0x2f: {  	lr =	sadd.s32 s0, s3;
	s0 =	sld [smem:$0x3FA1]  }
0x30: {  	s3 =	sld [smem:$0x3FA4]  }
0x31: {  	[smem:$0x3FAD] =	sst s10  }
0x32: {  	s10 =	sld [smem:$0x3FAB];
	_ =	sdelay $0x3  }
0x33: {  	p0 =	seq.s32 s10, $0x1;
	s10 =	sld [smem:$0x3FAD];
	_ =	sdelay $0x3  }
0x34: {  	[smem:$0x3FAD] =	sst s10  }
0x35: {  	s10 =	sld [smem:$0x3FAC];
	_ =	sdelay $0x3  }
0x36: {  	p1 =	seq.s32 s10, $0x1;
	s10 =	sld [smem:$0x3FAD];
	_ =	sdelay $0x3  }
0x37: {  	[smem:$0x3FAD] =	sst s10  }
0x38: {  	s10 =	sld [smem:$0x3FAE]  }
0x39: {  	_ = 	snop;
	(pc) =	sbr.ind lr, $3  }
0x3a: {  	_ = 	snop  }
0x3b: {  	_ = 	snop  }
0x3c: {  	p2 =	seq.s32 s10, $0x1;
	s10 =	sld [smem:$0x3FAD]  }
0x3d: {  	_ =	shalt  }
0x3e: {  	_ =	shalt  }
0x3f: {  	_ =	shalt  }
0x40: {  	_ =	shalt  }
0x41: {  	_ =	shalt  }
0x42: {  	_ =	shalt  }
0x43: {  	_ =	shalt  }
0x44: {  	_ =	shalt  }
0x45: {  	_ =	shalt  }
0x46: {  	_ =	shalt  }
0x47: {  	_ =	shalt  }
0x48: {  	_ =	shalt  }
0x49: {  	_ =	shalt  }
0x4a: {  	_ =	shalt  }
0x4b: {  	_ =	shalt  }
0x4c: {  	_ =	shalt  }
0x4d: {  	_ =	shalt  }
0x4e: {  	_ =	shalt  }
0x4f: {  	_ =	shalt  }
0x50: {  	_ =	shalt  }
0x51: {  	_ =	shalt  }
0x52: {  	_ =	shalt  }
0x53: {  	_ =	shalt  }
0x54: {  	_ =	shalt  }
0x55: {  	_ =	shalt  }
0x56: {  	_ =	shalt  }
0x57: {  	_ =	shalt  }
0x58: {  	_ =	shalt  }
0x59: {  	_ =	shalt  }
0x5a: {  	_ =	shalt  }
0x5b: {  	_ =	shalt  }
0x5c: {  	_ =	shalt  }
0x5d: {  	_ =	shalt  }
0x5e: {  	_ =	shalt  }
0x5f: {  	_ =	shalt  }
0x60: {  	_ =	shalt  }
0x61: {  	_ =	shalt  }
0x62: {  	_ =	shalt  }
0x63: {  	_ =	shalt  }
0x64: {  	_ =	shalt  }
0x65: {  	_ =	shalt  }
0x66: {  	_ =	shalt  }
0x67: {  	_ =	shalt  }
0x68: {  	_ =	shalt  }
0x69: {  	_ =	shalt  }
0x6a: {  	_ =	shalt  }
0x6b: {  	_ =	shalt  }
0x6c: {  	_ =	shalt  }
0x6d: {  	_ =	shalt  }
0x6e: {  	_ =	shalt  }
0x6f: {  	_ =	shalt  }
0x70: {  	_ =	shalt  }
0x71: {  	_ =	shalt  }
0x72: {  	_ =	shalt  }
0x73: {  	_ =	shalt  }
0x74: {  	_ =	shalt  }
0x75: {  	_ =	shalt  }
0x76: {  	_ =	shalt  }
0x77: {  	_ =	shalt  }
0x78: {  	_ =	shalt  }
0x79: {  	_ =	shalt  }
0x7a: {  	_ =	shalt  }
0x7b: {  	_ =	shalt  }
0x7c: {  	_ =	shalt  }
0x7d: {  	_ =	shalt  }
0x7e: {  	_ =	shalt  }
0x7f: {  	_ =	shalt  }
0x80: {  	_ =	shalt  }
0x81: {  	_ =	shalt  }
0x82: {  	_ =	shalt  }
0x83: {  	_ =	shalt  }
0x84: {  	_ =	shalt  }
0x85: {  	_ =	shalt  }
0x86: {  	_ =	shalt  }
0x87: {  	_ =	shalt  }
.Lfunc_end0:
.L_simem_size_0:
called_computation_lowered:
.L_overlay_start_0:
0x88: {  	s2 =	sld [smem:$0x3FD9]  }
0x89: {  	s3 =	sld [smem:$0x3FFE];
	_ =	sdelay $0x1  }
0x8a: {  	s1 =	srdreg.scid  }
0x8b: {  	s0 =	sand.u32 $0x1, s1  }
0x8c: {  	s16 =	sshll.u32 s0, $0xA;
	s2 =	sadd.s32 s3, s2  }
0x8d: {  	s2 =	sadd.s32 s2, s16  }
0x8e: {  	[smem:$0x3FB9] =	sst s2  }
0x8f: {  	_ = 	snop  }
0x90: {  	(tm) =	ssettm $0x1  }
0x91: {  	s17 =	sld [smem:$0x3FFB];
	_ =	sdelay $0x3  }
0x92: {  	_ =	strace s17  }
0x93: {  	s2 =	sld [smem:$0x3FFC];
	_ =	sdelay $0x3  }
0x94: {  	_ =	strace s2  }
0x95: {  	s2 =	sld [smem:$0x3FFD];
	_ =	sdelay $0x3  }
0x96: {  	_ =	strace s2  }
0x97: {  	_ =	strace $0x8FFFFFFF  }
0x98: {  	s18 =	sld [smem:$0x3FDB];
	_ =	sdelay $0x1  }
0x99: {  	s19 =	simm.s32 $_scs_section_size  }
0x9a: {  	s4 =	simm.s32 $_size__tile_overlayer_lowered;
	s5 =	simm.s32 $_tile_overlayer_lowered  }
0x9b: {  	s22 =	simm.s32 $0x1BFF;
	s21 =	sshll.u32 s5, $0x1;
	s2 =	sadd.s32 s19, s18  }
0x9c: {  	s6 =	simm.s32 $0x0;
	s20 =	sshll.u32 s4, $0x1;
	s4 =	sadd.s32 s21, s2  }
0x9d: {  	[timem:s6], [sflag:s22] =	dma.local [hbm:s4], s20  }
0x9e: {  	_ =	swait.ge [sflag:s22], s20  }
0x9f: {  	s3 =	ssub.s32 $0x0, s20;
	[sflag:s22] =	ssyncset.done $0x0  }
0xa0: {  	[sflag:s22] =	ssyncadd.s32 s3;
	_ =	sdelay $0x1  }
0xa1: {  	s23 =	simm.s32 $0x1B8B  }
0xa2: {  	_ =	swait.ge [sflag:s23], $0x1  }
0xa3: {  	[sflag:s23] =	ssyncset.done $0x0  }
0xa4: {  	s25 =	simm.s32 $0x1B8E;
	s24 =	sld [smem:$0x3FFE];
	[sflag:s23] =	ssyncadd.s32 $0xFFFFFFFF  }
0xa5: {  	s26 =	simm.s32 $execute0_lowered;
	[smem:$0x3FD2] =	sst s25  }
0xa6: {  	s4 =	sshll.u32 s26, $0x1;
	_ =	strace $0x80000046;
	[dreg:$0x1] =	wrdreg $0xFFFFFFFF  }
0xa7: {  	s28 =	simm.s32 $_size_execute0_lowered;
	s2 =	sadd.s32 s2, s4;
	[dreg:$0x0] =	wrdreg $0x0  }
0xa8: {  	s4 =	sshll.u32 s28, $0x1;
	[dreg:$0x2] =	wrdreg s2  }
0xa9: {  	[dreg:$0x3] =	wrdreg s4  }
0xaa: {  	[dreg:$0x4] =	wrdreg $0xC0  }
0xab: {  	_ =	task [dreg:s6], $0x5FFFF  }
0xac: {  	[dreg:$0x1] =	wrdreg $0xFFFFFFFF  }
0xad: {  	[dreg:$0x0] =	wrdreg $0x60  }
0xae: {  	[dreg:$0x2] =	wrdreg s24  }
0xaf: {  	[dreg:$0x3] =	wrdreg $0x143000  }
0xb0: {  	[dreg:$0x4] =	wrdreg $0x1DF400  }
0xb1: {  	[dreg:$0x5] =	wrdreg $0x9  }
0xb2: {  	_ =	task.clear_ibuf [dreg:s6], $0x6FFFF;
	_ =	strace $0x90000046  }
0xb3: {  	s29 =	simm.s32 $0x9;
	_ =	strace $0x80000048  }
0xb4: {  	_ =	swait.ge [sflag:s29], $0x1  }
0xb5: {  	[sflag:s29] =	ssyncadd.s32 $0xFFFFFFFF  }
0xb6: {  	_ =	strace $0x90000048  }
0xb7: {  	_ =	sfence  }
0xb8: {  	s30 =	sld [smem:$0x0];
	_ =	sdelay $0x2  }
0xb9: {  	s31 =	sshll.u32 s1, $0xD;
	s1 =	sshrl.u32 s1, $0x2  }
0xba: {  	s3 =	sand.u32 $0x4000, s31;
	s1 =	sadd.s32 s1, s30  }
0xbb: {  	s0 =	sor.u32 s3, s0;
	s1 =	sshll.u32 s1, $0x11  }
0xbc: {  	s0 =	sor.u32 s1, s0  }
0xbd: {  	s0 =	sadd.s32 $0x8F2B, s0  }
0xbe: {  	[sflag:s0] =	ssyncadd.remote.s32 $0x1  }
0xbf: {  	_ =	sfence.sel $0xFFFF  }
0xc0: {  	[dreg:$0x0] =	wrdreg $0xFFFFFFFF;
	(pc) =	sbr.abs _section_cstart, $3  }
0xc1: {  	[dreg:$0x1] =	wrdreg $0xFFFFFFFF  }
0xc2: {  	_ =	task.clear_ibuf [dreg:s6], $0x2FFFF;
	_ =	strace $0x9FFFFFFF  }
0xc3: {  	(tm) =	ssettm $0x7FFFFFFF  }
tec
execute0_lowered:
.L_overlay_start_1:
0x0: {  	(tag) =	ssettag $0x1  }
0x1: {  	s0 =	rddreg [dreg:$0x0]  }
0x2: {  	s18 =	rddreg [dreg:$0x1]  }
0x3: {  	s11 =	rddreg [dreg:$0x2];
	s3 =	simm.s32 $0x0;
	s19 =	stileid.u32  }
0x4: {  	s2 =	srdreg.scid;
	s28 =	simm.s32 $0x7900;
	s30 =	simm.s32 $0x7980  }
0x5: {  	s29 =	simm.s32 $0x4;
	[smem:$0x7FF] =	sst s3;
	s6 =	sadd.s32 $0x4EEC00, s0  }
0x6: {  	s1 =	sadd.s32 $0x9F600, s0;
	s7 =	sadd.s32 $0x4E4E00, s0;
	s16 =	smul.u32 $0x1400, s19  }
0x7: {  	s8 =	sadd.s32 $0x2E00, s0;
	s12 =	sadd.s32 $0x4F8A00, s0;
	s4 =	smul.u32 $0x28000, s19  }
0x8: {  	s2 =	sand.u32 $0x1, s2;
	s13 =	sadd.s32 $0x9DAA00, s0;
	s10 =	smul.u32 $0x4E20, s19  }
0x9: {  	s17 =	sshll.u32 s19, $0xC;
	s21 =	smul.u32 $0x4E200, s19;
	p1 =	sne.s32 s19, $0xF  }
0xa: {  	p4 =	seq.s32 s19, $0xF;
	_ =	strace $0x80000047;
	[dreg:$0x4] =	wrdreg s1  }
0xb: {  	s5 =	ssub.s32 $0x2, s2;
	p0 =	seq.s32 s2, $0x1;
	[dreg:$0x5] =	wrdreg s12  }
0xc: {  	[dreg:$0x6] =	wrdreg s13;
	s1 =	sadd.s32 s16, s0;
	s9 =	sshrl.u32 s5, $0x1  }
0xd: {  	s4 =	sshrl.u32 s4, $0x2;
	s20 =	sshrl.u32 s10, $0x3;
	s24 =	sadd.s32 s12, s21  }
0xe: {  	s2 =	simm.s32 @!p0 $0x0;
	s31 =	sadd.s32 $0xA0, s10;
	[dreg:$0xb] =	wrdreg s24  }
0xf: {  	s23 =	sadd.s32 $0x50, s10;
	s15 =	sadd.s32 s13, s21;
	[dreg:$0xe] =	wrdreg s31  }
0x10: {  	s16 =	sadd.s32 $0xA0A00, s0;
	s21 =	sadd.s32 $0xB5E00, s0;
	[dreg:$0x11] =	wrdreg s15  }
0x11: {  	s5 =	ssub.s32 s5, s9;
	s4 =	sadd.s32 s4, s18;
	[dreg:$0x13] =	wrdreg s16  }
0x12: {  	s2 =	simm.s32 @p0 $0x1;
	s22 =	sadd.s32 s6, s20;
	[dreg:$0x16] =	wrdreg s21  }
0x13: {  	s25 =	sshrl.u32 s23, $0x3;
	s14 =	sadd.s32 $0xA3200, s1;
	[dreg:$0x7] =	wrdreg s4  }
0x14: {  	s1 =	sadd.s32 $0xB6C00, s1;
	s24 =	sadd.s32 $0x51200, s0;
	[smem:$0x7FD] =	sst s2  }
0x15: {  	p0 =	sgt.u32 @p1 s19, $0x9;
	s31 =	sshll.u32 s19, $0x9;
	[dreg:$0x9] =	wrdreg s22  }
0x16: {  	s9 =	simm.s32 $0x80;
	s16 =	simm.s32 $0xF200;
	[dreg:$0x10] =	wrdreg s14  }
0x17: {  	v0 =	vimm.s32 $0xEFCDAB89;
	v1 =	vimm.s32 $0x67452301;
	s15 =	simm.s32 $0xF280;
	s4 =	sadd.s32 s17, s11;
	[dreg:$0x12] =	wrdreg s1  }
0x18: {  	v2 =	vimm.s32 $0xDCFE98BA;
	v3 =	vimm.s32 $0x54761032;
	v4 =	vimm.s32 $0xBA98FEDC;
	s26 =	sadd.s32 s6, s25;
	s2 =	sshll.u32 s23, $0x4;
	[dreg:$0x1b] =	wrdreg s31  }
0x19: {  	v5 =	vimm.s32 $0x32107654;
	v6 =	vimm.s32 $0xFEDCBA98;
	s11 =	sadd.s32 $0xF0, s10;
	s23 =	sadd.s32 $0x2A000, s0;
	[dreg:$0x8] =	wrdreg s4  }
0x1a: {  	v7 =	vimm.s32 $0x76543210;
	vm0 =	vmmov $0x1;
	v0 =	vunpack.c.l.s4.s8 v0;
	s17 =	sadd.s32 $0xA1E00, s0;
	s0 =	sadd.s32 $0xC9800, s0;
	[dreg:$0xc] =	wrdreg s26  }
0x1b: {  	v1 =	vunpack.c.l.s4.s8 v1;
	v2 =	vunpack.c.l.s4.s8 v2;
	v3 =	vunpack.c.l.s4.s8 v3;
	p2 =	por p0, !p1;
	p3 =	por !p0, !p1;
	[dreg:$0xf] =	wrdreg s11  }
0x1c: {  	v4 =	vunpack.c.l.s4.s8 v4;
	v5 =	vunpack.c.l.s4.s8 v5;
	v6 =	vunpack.c.l.s4.s8 v6;
	s14 =	simm.s32 $0x3;
	s10 =	simm.s32 $0x0;
	[dreg:$0x14] =	wrdreg s17  }
0x1d: {  	v0 =	vunpack.c.0.s8.s32 v0;
	v1 =	vunpack.c.0.s8.s32 v1;
	v2 =	vunpack.c.0.s8.s32 v2;
	s4 =	sadd.s32 s7, s20;
	s20 =	sadd.s32 s12, s2;
	[dreg:$0x18] =	wrdreg s0  }
0x1e: {  	v3 =	vunpack.c.0.s8.s32 v3;
	v4 =	vunpack.c.0.s8.s32 v4;
	v5 =	vunpack.c.0.s8.s32 v5;
	s22 =	sadd.s32 s13, s2;
	s26 =	sadd.s32 $0x96000, s18;
	[dreg:$0xa] =	wrdreg s4  }
.Ltmp0:
0x1f: {  	vm1 =	vcmask $0x310;
	v0 =	vcombine.low v1, v0;
	v1 =	vunpack.c.l.s4.s8 v7;
	s13 =	simm.s32 $0x2;
	[dreg:$0x15] =	wrdreg s20;
	(pc) =	sbr.rel .LBB2_1-.Ltmp0, $4  }
0x20: {  	v2 =	vcombine.low v3, v2;
	v3 =	vcombine.low v5, v4;
	v4 =	vunpack.c.0.s8.s32 v6;
	s17 =	simm.s32 $0xF300;
	s0 =	simm.s32 $0x11B00;
	[dreg:$0x17] =	wrdreg s22  }
0x21: {  	vm2 =	vcmask $0x710;
	vm3 =	vcmask $0xB10;
	s12 =	simm.s32 $0x6;
	s4 =	sadd.s32 s7, s25;
	[dreg:$0x1a] =	wrdreg s26;
	v5 =	vunpack.c.0.s8.s32 v1  }
0x22: {  	s11 =	simm.s32 $0x7;
	s25 =	smax.u32 s5, $0x1;
	v1 =	vand.u32 $0xF, v2;
	v2 =	vand.u32 $0xF, v3;
	v3 =	vand.u32 $0xF, v4;
	[dreg:$0xd] =	wrdreg s4  }
0x23: {  	s22 =	simm.s32 $0x50;
	v0 =	vand.u32 $0xF, v0;
	v4 =	vlaneseq.u32;
	[dreg:$0x19] =	wrdreg s25;
	s4 =	simm.s32 $0x5;
	v3 =	vcombine.low v3, v5  }
.LBB2_26:
0x24: {  	s5 =	rddreg [dreg:$0x1b]  }
0x25: {  	s2 =	sshll.u32 s19, $0x6;
	s26 =	rddreg [dreg:$0x8];
	s31 =	simm.s32 $0x8  }
0x26: {  	s1 =	sadd.s32 s1, s5;
	s2 =	sor.u32 $0x1C08, s2;
	s5 =	sshrl.u32 s26, $0x3  }
0x27: {  	[hbm:s1], [sflag:s2] =	dma.local [spmem:s5], $0x200  }
0x28: {  	_ =	swait.ge [sflag:s31], $0x200  }
0x29: {  	[sflag:s31] =	ssyncset.done $0x0  }
0x2a: {  	[sflag:s31] =	ssyncadd.s32 $0xFFFFFE00  }
.LBB2_27:
0x2b: {  	s10 =	sadd.s32 $0x1, s10;
	s1 =	rddreg [dreg:$0x19]  }
0x2c: {  	p0 =	sne.s32 s10, s1  }
.Ltmp1:
0x2d: {  	_ = 	snop;
	(pc) =	sbr.rel @!p0 .LBB2_28-.Ltmp1, $1  }
0x2e: {  	_ =	sdelay $0x3  }
.LBB2_1:
0x2f: {  	[dreg:$0x1c] =	wrdreg s10  }
0x30: {  	s1 =	sshll.u32 @p1 s19, $0x6;
	s2 =	rddreg [dreg:$0x7]  }
0x31: {  	s5 =	rddreg [dreg:$0x4];
	s1 =	sor.u32 @p1 $0x1C08, s1;
	s2 =	sshrl.u32 @p1 s2, $0x3  }
0x32: {  	[spmem:s2], [sflag:s1] =	dma.local @p1 [hbm:s5], $0x1400  }
0x33: {  	s2 =	simm.s32 @p1 $0x8  }
0x34: {  	_ =	swait.ge @p1 [sflag:s2], $0x1400  }
0x35: {  	[sflag:s2] =	ssyncset.done @p1 $0x0  }
0x36: {  	[sflag:s2] =	ssyncadd.s32 @p1 $0xFFFFEC00;
	s2 =	rddreg [dreg:$0x8]  }
0x37: {  	s2 =	sshrl.u32 @!p2 s2, $0x3  }
0x38: {  	[spmem:s2], [sflag:s1] =	dma.local @!p2 [hbm:s5], $0x200  }
0x39: {  	s1 =	simm.s32 @!p2 $0x8  }
0x3a: {  	_ =	swait.ge @!p2 [sflag:s1], $0x200  }
0x3b: {  	[sflag:s1] =	ssyncset.done @!p2 $0x0  }
0x3c: {  	[sflag:s1] =	ssyncadd.s32 @!p2 $0xFFFFFE00;
	s1 =	rddreg [dreg:$0x1a]  }
0x3d: {  	s2 =	simm.s32 @!p1 $0x1FC8;
	s1 =	sshrl.u32 @!p1 s1, $0x3  }
0x3e: {  	[spmem:s1], [sflag:s2] =	dma.local @!p1 [hbm:s5], $0xC80  }
0x3f: {  	s1 =	simm.s32 @!p1 $0x8  }
0x40: {  	_ =	swait.ge @!p1 [sflag:s1], $0xC80  }
0x41: {  	[sflag:s1] =	ssyncset.done @!p1 $0x0  }
0x42: {  	[sflag:s1] =	ssyncadd.s32 @!p1 $0xFFFFF380  }
0x43: {  	[bflag:$0x0] =	sbarrier.arrive $0xFFFF  }
0x44: {  	s31 =	sld [smem:$0x7FD]  }
0x45: {  	p0 =	por @p1 $0x0, $0x0;
	p5 =	por @!p2 $0x1, $0x1  }
0x46: {  	p5 =	por @!p3 p0, p0;
	p0 =	por @!p1 $0x0, $0x0  }
0x47: {  	p5 =	por @!p1 p0, p0;
	p0 =	seq.s32 s31, $0x1  }
.Ltmp2:
0x48: {  	_ = 	snop;
	(pc) =	sbr.rel @!p0 .LBB2_2-.Ltmp2, $4  }
0x49: {  	s25 =	rddreg [dreg:$0x9]  }
0x4a: {  	[tilespmem:s3], [sflag:$0x1] =	stream.linear.gather [hbm4b:s25+s3], $0x50, $0x38;
	[tilespmem:$0x1E940] =	vst v63  }
0x4b: {  	s5 =	simm.s32 $0x0;
	s26 =	rddreg [dreg:$0xa]  }
0x4c: {  	[tilespmem:s9], [sflag:$0x1] =	stream.linear.gather [hbm4b:s26+s3], $0x50, $0x38;
	[tilespmem:$0x1E940] =	vst v63  }
0x4d: {  	s1 =	rddreg [dreg:$0x11];
	s2 =	simm.s32 $0x5100;
	s10 =	simm.s32 $0x1  }
0x4e: {  	[tilespmem:s2], [sflag:$0x3] =	stream.linear.gather [hbm4b:s1+s5], $0x2800, $0x38;
	[tilespmem:$0x1E940] =	vst v63  }
0x4f: {  	_ =	swait.ge [sflag:s10], $0x50  }
0x50: {  	[sflag:s10] =	ssyncset.done $0x0  }
0x51: {  	[sflag:s10] =	ssyncadd.s32 $0xFFFFFFB0  }
0x52: {  	_ =	swait.ge [sflag:s10], $0x50  }
0x53: {  	[sflag:s10] =	ssyncset.done $0x0  }
0x54: {  	s19 =	simm.s32 $0x100;
	[sflag:s10] =	ssyncadd.s32 $0xFFFFFFB0  }
0x55: {  	[tilespmem:s19], [sflag:$0x2] =	stream.indirect.gather [hbm4b:s8+s22], $0x80, s9, s22, $0xb8;
	[tilespmem:$0x1E940] =	vst v63  }
0x56: {  	s20 =	simm.s32 $0x2900  }
0x57: {  	[tilespmem:s20], [sflag:$0x2] =	stream.indirect.gather [hbm4b:s24+s22], $0x80, s5, s22, $0xb8;
	[tilespmem:$0x1E940] =	vst v63  }
0x58: {  	s21 =	rddreg [dreg:$0xc]  }
0x59: {  	[tilespmem:s28], [sflag:$0x4] =	stream.linear.gather [hbm4b:s21+s5], $0x50, $0x38;
	[tilespmem:$0x1E940] =	vst v63  }
0x5a: {  	s25 =	rddreg [dreg:$0xd]  }
0x5b: {  	[tilespmem:s30], [sflag:$0x4] =	stream.linear.gather [hbm4b:s25+s5], $0x50, $0x38;
	[tilespmem:$0x1E940] =	vst v63  }
0x5c: {  	s31 =	simm.s32 $0xCA00;
	s26 =	rddreg [dreg:$0x17]  }
0x5d: {  	[tilespmem:s31], [sflag:$0x6] =	stream.linear.gather [hbm4b:s26+s5], $0x2800, $0x38;
	[tilespmem:$0x1E940] =	vst v63  }
.LBB2_15:
0x5e: {  	_ =	swait.ge [sflag:s29], $0x50  }
0x5f: {  	[sflag:s29] =	ssyncset.done $0x0  }
0x60: {  	[sflag:s29] =	ssyncadd.s32 $0xFFFFFFB0  }
0x61: {  	_ =	swait.ge [sflag:s29], $0x50  }
0x62: {  	[sflag:s29] =	ssyncset.done $0x0  }
0x63: {  	s1 =	simm.s32 $0x7A00;
	[sflag:s29] =	ssyncadd.s32 $0xFFFFFFB0  }
0x64: {  	[tilespmem:s1], [sflag:$0x5] =	stream.indirect.gather [hbm4b:s8+s22], $0x80, s30, s22, $0xb8;
	[tilespmem:$0x1E940] =	vst v63  }
0x65: {  	s26 =	simm.s32 $0xA200  }
0x66: {  	[tilespmem:s26], [sflag:$0x5] =	stream.indirect.gather [hbm4b:s24+s22], $0x80, s28, s22, $0xb8;
	[tilespmem:$0x1E940] =	vst v63  }
0x67: {  	_ =	swait.ge [sflag:s13], $0x2800  }
0x68: {  	[sflag:s13] =	ssyncset.done $0x0  }
0x69: {  	[sflag:s13] =	ssyncadd.s32 $0xFFFFD800  }
0x6a: {  	_ =	swait.ge [sflag:s13], $0x2800  }
0x6b: {  	[sflag:s13] =	ssyncset.done $0x0  }
0x6c: {  	[sflag:s13] =	ssyncadd.s32 $0xFFFFD800  }
0x6d: {  	_ =	swait.ge [sflag:s14], $0x2800  }
0x6e: {  	p0 =	seq.s32 s5, $0x0;
	[sflag:s14] =	ssyncset.done $0x0  }
0x6f: {  	s1 =	simm.s32 @!p0 $0x7;
	[sflag:s14] =	ssyncadd.s32 $0xFFFFD800  }
0x70: {  	_ =	swait.ge @!p0 [sflag:s1], $0x2800  }
0x71: {  	[sflag:s1] =	ssyncset.done @!p0 $0x0  }
0x72: {  	[sflag:s1] =	ssyncadd.s32 @!p0 $0xFFFFD800  }
0x73: {  	_ =	swait.ge @!p0 [sflag:s1], $0x2800  }
0x74: {  	[sflag:s1] =	ssyncset.done @!p0 $0x0  }
0x75: {  	[sflag:s1] =	ssyncadd.s32 @!p0 $0xFFFFD800  }
0x76: {  	v5 =	vld [tilespmem:$0x80];
	_ =	sdelay $0x1  }
0x77: {  	v6 =	vld [tilespmem:$0x90];
	_ =	sdelay $0x1  }
0x78: {  	v7 =	vld [tilespmem:$0xA0]  }
0x79: {  	v8 =	vshrl.u32 v5, $0x1  }
0x7a: {  	v63 =	vld [tilespmem:$0xB0];
	v5 =	vshrl.u32 v5, $0x5;
	[tilespmem:$0xF200] =	vst v8  }
0x7b: {  	[tilespmem:$0xF280] =	vst v5;
	v5 =	vshrl.u32 v6, $0x1  }
0x7c: {  	[tilespmem:$0xF210] =	vst v5;
	v5 =	vshrl.u32 v6, $0x5;
	v6 =	vld [tilespmem:$0xC0]  }
0x7d: {  	[tilespmem:$0xF290] =	vst v5;
	v5 =	vshrl.u32 v7, $0x1  }
0x7e: {  	[tilespmem:$0xF220] =	vst v5;
	v5 =	vshrl.u32 v7, $0x5  }
0x7f: {  	[tilespmem:$0xF2A0] =	vst v5;
	v5 =	vshrl.u32 v63, $0x1  }
0x80: {  	[tilespmem:$0xF230] =	vst v5;
	v5 =	vshrl.u32 v63, $0x5  }
0x81: {  	[tilespmem:$0xF2B0] =	vst v5;
	v5 =	vshrl.u32 v6, $0x1  }
0x82: {  	s21 =	simm.s32 $0x11B70;
	s20 =	simm.s32 $0x5130;
	s31 =	simm.s32 $0xF370;
	[tilespmem:$0xF240] =	vst v5;
	v5 =	vshrl.u32 v6, $0x5  }
0x83: {  	s25 =	simm.s32 $0x2970;
	s19 =	simm.s32 $0x0;
	s26 =	simm.s32 $0x170;
	[tilespmem:$0xF2C0] =	vst v5  }
.LBB2_16:
0x84: {  	v5 =	vmov s25  }
0x85: {  	v6 =	vmov s20;
	_ =	sdelay $0x1  }
0x86: {  	v7 =	vmov s26  }
0x87: {  	s9 =	simm.s32 $0x0  }
0x88: {  	v8 =	vld.idx.msk [tilespmem:v5+s9+$0xFFFFFF90 ss:$0x1], $0xffff  }
0x89: {  	v9 =	vld.idx.msk [tilespmem:v6+s9+$0xFFFFFFD0 ss:$0x1], $0xffff;
	_ =	sdelay $0x1  }
0x8a: {  	v10 =	vld.idx.msk [tilespmem:v7+s9+$0xFFFFFFD0 ss:$0x1], $0xffff;
	_ =	sdelay $0x2  }
0x8b: {  	v8 =	vadd.f32 v9, v8;
	_ =	sdelay $0x1  }
0x8c: {  	v8 =	vmul.f32 v8, v10;
	_ =	sdelay $0x1  }
0x8d: {  	v10 =	vperm.xlane v8, v0;
	_ =	sdelay $0x1  }
0x8e: {  	v8 =	vadd.f32 v8, v10;
	_ =	sdelay $0x1  }
0x8f: {  	v10 =	vperm.xlane v8, v1;
	_ =	sdelay $0x1  }
0x90: {  	v10 =	vadd.f32 v8, v10;
	_ =	sdelay $0x1  }
0x91: {  	s1 =	sshll.u32 s19, $0x4;
	v11 =	vperm.xlane v10, v2  }
0x92: {  	v8 =	vld [tilespmem:s1+$0x80]  }
0x93: {  	v10 =	vadd.f32 v10, v11;
	_ =	sdelay $0x1  }
0x94: {  	s10 =	simm.s32 $0x0;
	v11 =	vld.idx.msk [tilespmem:v5+s9+$0xFFFFFFD0 ss:$0x1], $0xffff;
	v12 =	vperm.xlane v10, v3  }
0x95: {  	v13 =	vmov s10  }
0x96: {  	v13 =	vperm.xlane v8, v13;
	v10 =	vadd.f32 v10, v12;
	_ =	sdelay $0x1  }
0x97: {  	v12 =	vand.u32 $0x1, v13;
	v10 =	vmul.f32 $2.500000000e-01, v10  }
0x98: {  	v14 =	vcvt.s32.f32 v12;
	v11 =	vadd.f32 v9, v11  }
0x99: {  	v9 =	vmov s31;
	v15 =	vmax.f32 v10, $0.0e+00  }
0x9a: {  	v16 =	vsub.f32 $1.000000000e+00, v14;
	v10 =	vmul.f32 v15, v11;
	_ =	sdelay $0x1  }
0x9b: {  	v11 =	vmul.f32 v10, v16  }
0x9c: {  	v10 =	vmul.f32 v14, v10  }
0x9d: {  	[tilespmem:v9+s9+$0xFFFFFF90 ss:$0x1] =	vst.idx.msk $0xffff, v11  }
0x9e: {  	[tilespmem:v9+s9+$0xFFFFFFD0 ss:$0x1] =	vst.idx.msk $0xffff, v10  }
0x9f: {  	v10 =	vld.idx.msk [tilespmem:v6+s9+$0xFFFFFFE0 ss:$0x1], $0xffff  }
0xa0: {  	v11 =	vld.idx.msk [tilespmem:v5+s9+$0xFFFFFFA0 ss:$0x1], $0xffff;
	_ =	sdelay $0x1  }
0xa1: {  	v12 =	vld.idx.msk [tilespmem:v7+s9+$0xFFFFFFE0 ss:$0x1], $0xffff;
	_ =	sdelay $0x2  }
0xa2: {  	v11 =	vadd.f32 v10, v11;
	_ =	sdelay $0x1  }
0xa3: {  	v11 =	vmul.f32 v11, v12;
	_ =	sdelay $0x1  }
0xa4: {  	v12 =	vperm.xlane v11, v0;
	_ =	sdelay $0x1  }
0xa5: {  	v11 =	vadd.f32 v11, v12;
	_ =	sdelay $0x1  }
0xa6: {  	v12 =	vperm.xlane v11, v1;
	_ =	sdelay $0x1  }
0xa7: {  	v11 =	vadd.f32 v11, v12;
	_ =	sdelay $0x1  }
0xa8: {  	v12 =	vperm.xlane v11, v2;
	_ =	sdelay $0x1  }
0xa9: {  	v11 =	vadd.f32 v11, v12;
	_ =	sdelay $0x1  }
0xaa: {  	v12 =	vld.idx.msk [tilespmem:v5+s9+$0xFFFFFFE0 ss:$0x1], $0xffff;
	v17 =	vperm.xlane v11, v3;
	_ =	sdelay $0x1  }
0xab: {  	v11 =	vadd.f32 v11, v17;
	_ =	sdelay $0x1  }
0xac: {  	v11 =	vmul.f32 $2.500000000e-01, v11  }
0xad: {  	v10 =	vadd.f32 v10, v12  }
0xae: {  	v17 =	vmax.f32 v11, $0.0e+00  }
0xaf: {  	v10 =	vmul.f32 v17, v10;
	_ =	sdelay $0x1  }
0xb0: {  	v11 =	vmul.f32 v10, v16  }
0xb1: {  	v10 =	vmul.f32 v14, v10  }
0xb2: {  	[tilespmem:v9+s9+$0xFFFFFFA0 ss:$0x1] =	vst.idx.msk $0xffff, v11  }
0xb3: {  	[tilespmem:v9+s9+$0xFFFFFFE0 ss:$0x1] =	vst.idx.msk $0xffff, v10  }
0xb4: {  	v10 =	vld.idx.msk [tilespmem:v6+s9+$0xFFFFFFF0 ss:$0x1], $0xffff  }
0xb5: {  	v11 =	vld.idx.msk [tilespmem:v5+s9+$0xFFFFFFB0 ss:$0x1], $0xffff;
	_ =	sdelay $0x1  }
0xb6: {  	v12 =	vld.idx.msk [tilespmem:v7+s9+$0xFFFFFFF0 ss:$0x1], $0xffff;
	_ =	sdelay $0x2  }
0xb7: {  	v11 =	vadd.f32 v10, v11;
	_ =	sdelay $0x1  }
0xb8: {  	v11 =	vmul.f32 v11, v12;
	_ =	sdelay $0x1  }
0xb9: {  	v12 =	vperm.xlane v11, v0;
	_ =	sdelay $0x1  }
0xba: {  	v11 =	vadd.f32 v11, v12;
	_ =	sdelay $0x1  }
0xbb: {  	v12 =	vperm.xlane v11, v1;
	_ =	sdelay $0x1  }
0xbc: {  	v11 =	vadd.f32 v11, v12;
	_ =	sdelay $0x1  }
0xbd: {  	v12 =	vperm.xlane v11, v2;
	_ =	sdelay $0x1  }
0xbe: {  	v11 =	vadd.f32 v11, v12;
	_ =	sdelay $0x1  }
0xbf: {  	v12 =	vld.idx.msk [tilespmem:v5+s9+$0xFFFFFFF0 ss:$0x1], $0xffff;
	v18 =	vperm.xlane v11, v3;
	_ =	sdelay $0x1  }
0xc0: {  	v11 =	vadd.f32 v11, v18;
	_ =	sdelay $0x1  }
0xc1: {  	v11 =	vmul.f32 $2.500000000e-01, v11  }
0xc2: {  	v10 =	vadd.f32 v10, v12  }
0xc3: {  	v18 =	vmax.f32 v11, $0.0e+00  }
0xc4: {  	v10 =	vmul.f32 v18, v10;
	_ =	sdelay $0x1  }
0xc5: {  	v11 =	vmul.f32 v10, v16  }
0xc6: {  	v10 =	vmul.f32 v14, v10  }
0xc7: {  	[tilespmem:v9+s9+$0xFFFFFFB0 ss:$0x1] =	vst.idx.msk $0xffff, v11  }
0xc8: {  	[tilespmem:v9+s9+$0xFFFFFFF0 ss:$0x1] =	vst.idx.msk $0xffff, v10  }
0xc9: {  	v19 =	vld.idx.msk [tilespmem:v6+s9+$0x0 ss:$0x1], $0xffff  }
0xca: {  	v10 =	vld.idx.msk [tilespmem:v5+s9+$0xFFFFFFC0 ss:$0x1], $0xffff;
	_ =	sdelay $0x1  }
0xcb: {  	v11 =	vld.idx.msk [tilespmem:v7+s9+$0x0 ss:$0x1], $0xffff;
	_ =	sdelay $0x2  }
0xcc: {  	v10 =	vadd.f32 v19, v10;
	_ =	sdelay $0x1  }
0xcd: {  	v10 =	vmul.f32 v10, v11;
	_ =	sdelay $0x1  }
0xce: {  	v11 =	vperm.xlane v10, v0;
	_ =	sdelay $0x1  }
0xcf: {  	v10 =	vadd.f32 v10, v11;
	_ =	sdelay $0x1  }
0xd0: {  	v26 =	vld.idx.msk [tilespmem:v5+s9+$0x0 ss:$0x1], $0xffff;
	v12 =	vperm.xlane v10, v1  }
0xd1: {  	v11 =	vshrl.u32 v13, $0x2  }
0xd2: {  	v15 =	vnsel vm0, $0x0, v15;
	v11 =	vand.u32 $0x7, v11;
	v12 =	vadd.f32 v10, v12  }
0xd3: {  	v15 =	vsel vm1, v15, v17;
	v11 =	vcvt.s32.f32 v11  }
0xd4: {  	v28 =	vshll.u32 v13, $0x2;
	v15 =	vsel vm2, v15, v18;
	v24 =	vperm.xlane v12, v2  }
0xd5: {  	v17 =	vadd.f32 v19, v26;
	v19 =	vsub.s32 v4, v28;
	v21 =	vadd.f32 $-1.000000000e+00, v11  }
0xd6: {  	v20 =	vmul.f32 v11, v11;
	v22 =	vadd.f32 $-7.000000000e+00, v11;
	v12 =	vadd.f32 v12, v24  }
0xd7: {  	v23 =	vadd.f32 $-2.000000000e+00, v11;
	v10 =	vmov s21;
	v25 =	vadd.f32 $-3.000000000e+00, v11  }
0xd8: {  	v60 =	vadd.f32 $-4.000000000e+00, v11;
	v13 =	vadd.f32 $-5.000000000e+00, v11;
	v27 =	vperm.xlane v12, v3  }
0xd9: {  	v29 =	vadd.f32 $-6.000000000e+00, v11;
	v21 =	vmul.f32 v21, v21;
	v22 =	vmul.f32 v22, v22  }
0xda: {  	v23 =	vmul.f32 v23, v23;
	v59 =	vmul.f32 v25, v25;
	v27 =	vadd.f32 v12, v27  }
0xdb: {  	v20 =	vsub.f32 $1.000000000e+00, v20;
	v25 =	vmul.f32 v60, v60;
	v13 =	vmul.f32 v13, v13  }
0xdc: {  	v21 =	vsub.f32 $1.000000000e+00, v21;
	v22 =	vsub.f32 $1.000000000e+00, v22;
	v61 =	vmul.f32 $2.500000000e-01, v27  }
0xdd: {  	v62 =	vmul.f32 v29, v29;
	v23 =	vsub.f32 $1.000000000e+00, v23;
	v24 =	vsub.f32 $1.000000000e+00, v59  }
0xde: {  	v13 =	vsub.f32 $1.000000000e+00, v13;
	v20 =	vmax.f32 v20, $0.0e+00;
	v18 =	vmax.f32 v61, $0.0e+00  }
0xdf: {  	v11 =	vmax.f32 v24, $0.0e+00;
	v15 =	vsel vm3, v15, v18;
	v17 =	vmul.f32 v18, v17  }
0xe0: {  	v21 =	vmax.f32 v21, $0.0e+00;
	v12 =	vsub.f32 $1.000000000e+00, v25;
	v19 =	vperm.xlane v15, v19  }
0xe1: {  	v63 =	vmul.f32 v17, v16;
	v18 =	vmul.f32 v14, v17;
	v14 =	vmax.f32 v22, $0.0e+00  }
0xe2: {  	v17 =	vmax.f32 v23, $0.0e+00;
	v15 =	vmul.f32 v19, v20;
	v16 =	vmul.f32 v19, v14  }
0xe3: {  	s2 =	simm.s32 $0x200;
	s1 =	simm.s32 $0x1;
	v14 =	vsub.f32 $1.000000000e+00, v62;
	v20 =	vmul.f32 v19, v21;
	v17 =	vmul.f32 v19, v17;
	[tilespmem:v9+s9+$0xFFFFFFC0 ss:$0x1] =	vst.idx.msk $0xffff, v63  }
.LBB2_17:
0xe4: {  	v21 =	vmov s1;
	p0 =	sne.s32 s2, $0x1E00;
	[tilespmem:v9+s9+$0x0 ss:$0x1] =	vst.idx.msk $0xffff, v18;
	s10 =	smov.u32 s2;
	s2 =	sadd.s32 $0x200, s2  }
0xe5: {  	v11 =	vmul.f32 v19, v11;
	v12 =	vmax.f32 v12, $0.0e+00;
	v18 =	vperm.xlane v8, v21;
	[tilespmem:v10+s9+$0xFFFFFF90 ss:$0x1] =	vst.idx.msk $0xffff, v15  }
0xe6: {  	v13 =	vmax.f32 v13, $0.0e+00;
	v14 =	vmax.f32 v14, $0.0e+00;
	v12 =	vmul.f32 v19, v12;
	[tilespmem:v10+s9+$0xFFFFFFA0 ss:$0x1] =	vst.idx.msk $0xffff, v20  }
0xe7: {  	v20 =	vand.u32 $0x1, v18;
	v15 =	vshll.u32 v18, $0x2;
	v18 =	vshrl.u32 v18, $0x2;
	[tilespmem:v10+s9+$0xFFFFFFB0 ss:$0x1] =	vst.idx.msk $0xffff, v17  }
0xe8: {  	v17 =	vand.u32 $0x7, v18;
	[tilespmem:v10+s9+$0xFFFFFFC0 ss:$0x1] =	vst.idx.msk $0xffff, v11;
	v11 =	vmul.f32 v19, v13;
	v13 =	vmul.f32 v19, v14  }
0xe9: {  	v14 =	vcvt.s32.f32 v17;
	[tilespmem:v10+s9+$0xFFFFFFD0 ss:$0x1] =	vst.idx.msk $0xffff, v12  }
0xea: {  	[tilespmem:v10+s9+$0xFFFFFFE0 ss:$0x1] =	vst.idx.msk $0xffff, v11  }
0xeb: {  	v11 =	vmul.f32 v14, v14;
	v12 =	vadd.f32 $-1.000000000e+00, v14;
	v17 =	vadd.f32 $-7.000000000e+00, v14;
	[tilespmem:v10+s9+$0xFFFFFFF0 ss:$0x1] =	vst.idx.msk $0xffff, v13  }
0xec: {  	v13 =	vadd.f32 $-2.000000000e+00, v14;
	v18 =	vadd.f32 $-3.000000000e+00, v14;
	[tilespmem:v10+s9+$0x0 ss:$0x1] =	vst.idx.msk $0xffff, v16;
	s9 =	sshra.s32 s10, $0x2  }
0xed: {  	v21 =	vld.idx.msk [tilespmem:v5+s9+$0xFFFFFF90 ss:$0x1], $0xffff;
	v19 =	vsub.f32 $1.000000000e+00, v11;
	v11 =	vmul.f32 v12, v12;
	v12 =	vmul.f32 v17, v17  }
0xee: {  	v24 =	vadd.f32 $-4.000000000e+00, v14;
	v13 =	vmul.f32 v13, v13;
	v23 =	vmul.f32 v18, v18;
	v22 =	vld.idx.msk [tilespmem:v6+s9+$0xFFFFFFD0 ss:$0x1], $0xffff  }
0xef: {  	v18 =	vsub.f32 $1.000000000e+00, v11;
	v17 =	vsub.f32 $1.000000000e+00, v12  }
0xf0: {  	v16 =	vsub.f32 $1.000000000e+00, v13;
	v11 =	vsub.f32 $1.000000000e+00, v23;
	v12 =	vmul.f32 v24, v24;
	v25 =	vld.idx.msk [tilespmem:v7+s9+$0xFFFFFFD0 ss:$0x1], $0xffff  }
0xf1: {  	v13 =	vadd.f32 $-5.000000000e+00, v14;
	v14 =	vadd.f32 $-6.000000000e+00, v14  }
0xf2: {  	v11 =	vmax.f32 v11, $0.0e+00;
	v12 =	vsub.f32 $1.000000000e+00, v12  }
0xf3: {  	v13 =	vmul.f32 v13, v13;
	v14 =	vmul.f32 v14, v14  }
0xf4: {  	v21 =	vadd.f32 v22, v21  }
0xf5: {  	v13 =	vsub.f32 $1.000000000e+00, v13;
	v14 =	vsub.f32 $1.000000000e+00, v14  }
0xf6: {  	v21 =	vmul.f32 v21, v25;
	_ =	sdelay $0x1  }
0xf7: {  	v23 =	vperm.xlane v21, v0;
	_ =	sdelay $0x1  }
0xf8: {  	v21 =	vadd.f32 v21, v23;
	_ =	sdelay $0x1  }
0xf9: {  	v23 =	vperm.xlane v21, v1;
	_ =	sdelay $0x1  }
0xfa: {  	v21 =	vadd.f32 v21, v23;
	_ =	sdelay $0x1  }
0xfb: {  	v23 =	vperm.xlane v21, v2;
	_ =	sdelay $0x1  }
0xfc: {  	v21 =	vadd.f32 v21, v23;
	v24 =	vld.idx.msk [tilespmem:v5+s9+$0xFFFFFFD0 ss:$0x1], $0xffff;
	_ =	sdelay $0x1  }
0xfd: {  	v23 =	vperm.xlane v21, v3;
	_ =	sdelay $0x1  }
0xfe: {  	v21 =	vadd.f32 v21, v23;
	_ =	sdelay $0x1  }
0xff: {  	v20 =	vcvt.s32.f32 v20;
	v21 =	vmul.f32 $2.500000000e-01, v21;
	v23 =	vadd.f32 v22, v24;
	_ =	sdelay $0x1  }
0x100: {  	v22 =	vmax.f32 v21, $0.0e+00;
	v21 =	vsub.f32 $1.000000000e+00, v20  }
0x101: {  	v23 =	vmul.f32 v22, v23;
	_ =	sdelay $0x1  }
0x102: {  	v24 =	vmul.f32 v23, v21;
	v23 =	vmul.f32 v20, v23;
	_ =	sdelay $0x1  }
0x103: {  	[tilespmem:v9+s9+$0xFFFFFF90 ss:$0x1] =	vst.idx.msk $0xffff, v24  }
0x104: {  	[tilespmem:v9+s9+$0xFFFFFFD0 ss:$0x1] =	vst.idx.msk $0xffff, v23  }
0x105: {  	v23 =	vld.idx.msk [tilespmem:v6+s9+$0xFFFFFFE0 ss:$0x1], $0xffff  }
0x106: {  	v24 =	vld.idx.msk [tilespmem:v5+s9+$0xFFFFFFA0 ss:$0x1], $0xffff;
	_ =	sdelay $0x1  }
0x107: {  	v25 =	vld.idx.msk [tilespmem:v7+s9+$0xFFFFFFE0 ss:$0x1], $0xffff;
	_ =	sdelay $0x3  }
0x108: {  	v24 =	vadd.f32 v23, v24;
	_ =	sdelay $0x1  }
0x109: {  	v24 =	vmul.f32 v24, v25;
	_ =	sdelay $0x1  }
0x10a: {  	v25 =	vperm.xlane v24, v0;
	_ =	sdelay $0x1  }
0x10b: {  	v24 =	vadd.f32 v24, v25;
	_ =	sdelay $0x1  }
0x10c: {  	v25 =	vperm.xlane v24, v1;
	_ =	sdelay $0x1  }
0x10d: {  	v24 =	vadd.f32 v24, v25;
	_ =	sdelay $0x1  }
0x10e: {  	v26 =	vperm.xlane v24, v2;
	v25 =	vld.idx.msk [tilespmem:v5+s9+$0xFFFFFFE0 ss:$0x1], $0xffff;
	_ =	sdelay $0x1  }
0x10f: {  	v24 =	vadd.f32 v24, v26;
	_ =	sdelay $0x1  }
0x110: {  	v26 =	vperm.xlane v24, v3;
	_ =	sdelay $0x1  }
0x111: {  	v24 =	vadd.f32 v24, v26;
	v23 =	vadd.f32 v23, v25;
	_ =	sdelay $0x1  }
0x112: {  	v24 =	vmul.f32 $2.500000000e-01, v24;
	_ =	sdelay $0x1  }
0x113: {  	v24 =	vmax.f32 v24, $0.0e+00  }
0x114: {  	v23 =	vmul.f32 v24, v23;
	_ =	sdelay $0x1  }
0x115: {  	v25 =	vmul.f32 v23, v21;
	v23 =	vmul.f32 v20, v23;
	_ =	sdelay $0x1  }
0x116: {  	[tilespmem:v9+s9+$0xFFFFFFA0 ss:$0x1] =	vst.idx.msk $0xffff, v25  }
0x117: {  	[tilespmem:v9+s9+$0xFFFFFFE0 ss:$0x1] =	vst.idx.msk $0xffff, v23  }
0x118: {  	v23 =	vld.idx.msk [tilespmem:v6+s9+$0xFFFFFFF0 ss:$0x1], $0xffff  }
0x119: {  	v25 =	vld.idx.msk [tilespmem:v5+s9+$0xFFFFFFB0 ss:$0x1], $0xffff;
	_ =	sdelay $0x1  }
0x11a: {  	v26 =	vld.idx.msk [tilespmem:v7+s9+$0xFFFFFFF0 ss:$0x1], $0xffff;
	_ =	sdelay $0x3  }
0x11b: {  	v25 =	vadd.f32 v23, v25;
	_ =	sdelay $0x1  }
0x11c: {  	v25 =	vmul.f32 v25, v26;
	_ =	sdelay $0x1  }
0x11d: {  	v26 =	vperm.xlane v25, v0;
	_ =	sdelay $0x1  }
0x11e: {  	v25 =	vadd.f32 v25, v26;
	_ =	sdelay $0x1  }
0x11f: {  	v26 =	vperm.xlane v25, v1;
	_ =	sdelay $0x1  }
0x120: {  	v25 =	vadd.f32 v25, v26;
	v27 =	vld.idx.msk [tilespmem:v5+s9+$0xFFFFFFF0 ss:$0x1], $0xffff;
	_ =	sdelay $0x1  }
0x121: {  	v26 =	vperm.xlane v25, v2;
	_ =	sdelay $0x1  }
0x122: {  	v25 =	vadd.f32 v25, v26;
	_ =	sdelay $0x1  }
0x123: {  	v26 =	vperm.xlane v25, v3;
	v23 =	vadd.f32 v23, v27;
	_ =	sdelay $0x1  }
0x124: {  	v25 =	vadd.f32 v25, v26;
	_ =	sdelay $0x1  }
0x125: {  	v25 =	vmul.f32 $2.500000000e-01, v25;
	_ =	sdelay $0x1  }
0x126: {  	v25 =	vmax.f32 v25, $0.0e+00  }
0x127: {  	v23 =	vmul.f32 v25, v23;
	_ =	sdelay $0x1  }
0x128: {  	v26 =	vmul.f32 v23, v21;
	v23 =	vmul.f32 v20, v23;
	_ =	sdelay $0x1  }
0x129: {  	[tilespmem:v9+s9+$0xFFFFFFB0 ss:$0x1] =	vst.idx.msk $0xffff, v26  }
0x12a: {  	[tilespmem:v9+s9+$0xFFFFFFF0 ss:$0x1] =	vst.idx.msk $0xffff, v23  }
0x12b: {  	v23 =	vld.idx.msk [tilespmem:v6+s9+$0x0 ss:$0x1], $0xffff  }
0x12c: {  	v26 =	vld.idx.msk [tilespmem:v5+s9+$0xFFFFFFC0 ss:$0x1], $0xffff;
	_ =	sdelay $0x1  }
0x12d: {  	v27 =	vld.idx.msk [tilespmem:v7+s9+$0x0 ss:$0x1], $0xffff;
	_ =	sdelay $0x3  }
0x12e: {  	v26 =	vadd.f32 v23, v26;
	_ =	sdelay $0x1  }
0x12f: {  	v26 =	vmul.f32 v26, v27;
	_ =	sdelay $0x1  }
0x130: {  	v27 =	vperm.xlane v26, v0;
	_ =	sdelay $0x1  }
0x131: {  	v26 =	vadd.f32 v26, v27;
	_ =	sdelay $0x1  }
0x132: {  	v28 =	vperm.xlane v26, v1;
	v27 =	vld.idx.msk [tilespmem:v5+s9+$0x0 ss:$0x1], $0xffff;
	_ =	sdelay $0x1  }
0x133: {  	v26 =	vadd.f32 v26, v28;
	_ =	sdelay $0x1  }
0x134: {  	v28 =	vperm.xlane v26, v2  }
0x135: {  	v22 =	vnsel vm0, $0x0, v22  }
0x136: {  	v22 =	vsel vm1, v22, v24;
	v24 =	vadd.f32 v26, v28;
	v23 =	vadd.f32 v23, v27  }
0x137: {  	v22 =	vsel vm2, v22, v25  }
0x138: {  	v15 =	vsub.s32 v4, v15;
	v25 =	vperm.xlane v24, v3;
	_ =	sdelay $0x1  }
0x139: {  	v24 =	vadd.f32 v24, v25;
	v25 =	vmax.f32 v19, $0.0e+00;
	_ =	sdelay $0x1  }
0x13a: {  	v19 =	vmul.f32 $2.500000000e-01, v24;
	_ =	sdelay $0x1  }
0x13b: {  	v19 =	vmax.f32 v19, $0.0e+00  }
.Ltmp3:
0x13c: {  	v22 =	vsel vm3, v22, v19;
	v23 =	vmul.f32 v19, v23;
	(pc) =	sbr.rel @p0 .LBB2_17-.Ltmp3, $4  }
0x13d: {  	v19 =	vperm.xlane v22, v15;
	v22 =	vmax.f32 v18, $0.0e+00  }
0x13e: {  	v17 =	vmax.f32 v17, $0.0e+00;
	v21 =	vmul.f32 v23, v21;
	v18 =	vmul.f32 v20, v23  }
0x13f: {  	v23 =	vmax.f32 v16, $0.0e+00;
	v15 =	vmul.f32 v19, v25;
	v16 =	vmul.f32 v19, v17  }
0x140: {  	s1 =	sadd.s32 $0x1, s1;
	v20 =	vmul.f32 v19, v22;
	v17 =	vmul.f32 v19, v23;
	[tilespmem:v9+s9+$0xFFFFFFC0 ss:$0x1] =	vst.idx.msk $0xffff, v21  }
0x141: {  	_ =	sdelay $0x3  }
0x142: {  	[tilespmem:v9+s9+$0x0 ss:$0x1] =	vst.idx.msk $0xffff, v18  }
0x143: {  	[tilespmem:v10+s9+$0xFFFFFF90 ss:$0x1] =	vst.idx.msk $0xffff, v15  }
0x144: {  	v5 =	vmul.f32 v19, v11;
	v6 =	vmax.f32 v12, $0.0e+00;
	s19 =	sadd.s32 $0x1, s19;
	[tilespmem:v10+s9+$0xFFFFFFA0 ss:$0x1] =	vst.idx.msk $0xffff, v20  }
0x145: {  	v7 =	vmax.f32 v13, $0.0e+00;
	v6 =	vmul.f32 v19, v6;
	p0 =	sne.s32 s19, $0x5;
	[tilespmem:v10+s9+$0xFFFFFFB0 ss:$0x1] =	vst.idx.msk $0xffff, v17  }
.Ltmp4:
0x146: {  	v8 =	vmax.f32 v14, $0.0e+00;
	[tilespmem:v10+s9+$0xFFFFFFC0 ss:$0x1] =	vst.idx.msk $0xffff, v5;
	v5 =	vmul.f32 v19, v7;
	(pc) =	sbr.rel @p0 .LBB2_16-.Ltmp4, $4  }
0x147: {  	v7 =	vmul.f32 v19, v8;
	[tilespmem:v10+s9+$0xFFFFFFD0 ss:$0x1] =	vst.idx.msk $0xffff, v6  }
0x148: {  	[tilespmem:v10+s9+$0xFFFFFFE0 ss:$0x1] =	vst.idx.msk $0xffff, v5  }
0x149: {  	s21 =	sadd.s32 $0x800, s21;
	s20 =	sadd.s32 $0x800, s20;
	[tilespmem:v10+s9+$0xFFFFFFF0 ss:$0x1] =	vst.idx.msk $0xffff, v7  }
0x14a: {  	s31 =	sadd.s32 $0x800, s31;
	s25 =	sadd.s32 $0x800, s25;
	s26 =	sadd.s32 $0x800, s26;
	[tilespmem:v10+s9+$0x0 ss:$0x1] =	vst.idx.msk $0xffff, v16  }
0x14b: {  	[spmem:s18] =	stream.indirect.scatter.add.f32 [tilespmem:s17], [sflag:$0x7], $0x80, s16, s22, $0xb8;
	[tilespmem:$0x1E940] =	vst v63  }
0x14c: {  	p6 =	seq.s32 s5, $0x7C  }
0x14d: {  	s2 =	rddreg [dreg:$0x2];
	s1 =	smul.u32 @!p6 $0xA0, s5  }
0x14e: {  	[spmem:s2] =	stream.indirect.scatter.add.f32 [tilespmem:s0], [sflag:$0x7], $0x80, s15, s22, $0xb8;
	[tilespmem:$0x1E940] =	vst v63  }
0x14f: {  	s2 =	rddreg [dreg:$0xe]  }
0x150: {  	s1 =	sadd.s32 @!p6 s1, s2  }
0x151: {  	s2 =	sshrl.u32 @!p6 s1, $0x3  }
0x152: {  	s10 =	simm.s32 @!p6 $0x0;
	s9 =	sadd.s32 @!p6 s6, s2  }
0x153: {  	[tilespmem:s10], [sflag:$0x1] =	stream.linear.gather @!p6 [hbm4b:s9+s10], $0x50, $0x38;
	[tilespmem:$0x1E940] =	vst v63  }
0x154: {  	s2 =	sadd.s32 @!p6 s7, s2;
	s9 =	simm.s32 @!p6 $0x80  }
0x155: {  	[tilespmem:s9], [sflag:$0x1] =	stream.linear.gather @!p6 [hbm4b:s2+s10], $0x50, $0x38;
	[tilespmem:$0x1E940] =	vst v63  }
0x156: {  	s1 =	sshll.u32 @!p6 s1, $0x4;
	s2 =	rddreg [dreg:$0x6]  }
0x157: {  	s1 =	sadd.s32 @!p6 s2, s1;
	s2 =	simm.s32 @!p6 $0x5100  }
0x158: {  	[tilespmem:s2], [sflag:$0x3] =	stream.linear.gather @!p6 [hbm4b:s1+s10], $0x2800, $0x38;
	[tilespmem:$0x1E940] =	vst v63  }
0x159: {  	s1 =	simm.s32 @!p6 $0x1  }
0x15a: {  	_ =	swait.ge @!p6 [sflag:s1], $0x50  }
0x15b: {  	[sflag:s1] =	ssyncset.done @!p6 $0x0  }
0x15c: {  	[sflag:s1] =	ssyncadd.s32 @!p6 $0xFFFFFFB0  }
0x15d: {  	_ =	swait.ge @!p6 [sflag:s1], $0x50  }
0x15e: {  	[sflag:s1] =	ssyncset.done @!p6 $0x0  }
0x15f: {  	s2 =	simm.s32 @!p6 $0x100;
	[sflag:s1] =	ssyncadd.s32 @!p6 $0xFFFFFFB0;
	s1 =	simm.s32 @!p6 $0x50  }
0x160: {  	[tilespmem:s2], [sflag:$0x2] =	stream.indirect.gather @!p6 [hbm4b:s8+s1], $0x80, s9, s1, $0xb8;
	[tilespmem:$0x1E940] =	vst v63  }
0x161: {  	s2 =	simm.s32 @!p6 $0x2900  }
0x162: {  	[tilespmem:s2], [sflag:$0x2] =	stream.indirect.gather @!p6 [hbm4b:s24+s1], $0x80, s10, s1, $0xb8;
	[tilespmem:$0x1E940] =	vst v63  }
0x163: {  	_ =	swait.ge [sflag:s4], $0x2800  }
0x164: {  	[sflag:s4] =	ssyncset.done $0x0  }
0x165: {  	[sflag:s4] =	ssyncadd.s32 $0xFFFFD800  }
0x166: {  	_ =	swait.ge [sflag:s4], $0x2800  }
0x167: {  	[sflag:s4] =	ssyncset.done $0x0  }
0x168: {  	[sflag:s4] =	ssyncadd.s32 $0xFFFFD800  }
0x169: {  	_ =	swait.ge [sflag:s12], $0x2800  }
0x16a: {  	[sflag:s12] =	ssyncset.done $0x0  }
0x16b: {  	[sflag:s12] =	ssyncadd.s32 $0xFFFFD800  }
0x16c: {  	_ =	swait.ge [sflag:s11], $0x2800  }
0x16d: {  	[sflag:s11] =	ssyncset.done $0x0  }
0x16e: {  	[sflag:s11] =	ssyncadd.s32 $0xFFFFD800  }
0x16f: {  	_ =	swait.ge [sflag:s11], $0x2800  }
0x170: {  	[sflag:s11] =	ssyncset.done $0x0  }
0x171: {  	[sflag:s11] =	ssyncadd.s32 $0xFFFFD800  }
0x172: {  	v5 =	vld [tilespmem:$0x7980];
	_ =	sdelay $0x1  }
0x173: {  	v6 =	vld [tilespmem:$0x7990];
	_ =	sdelay $0x1  }
0x174: {  	v7 =	vld [tilespmem:$0x79A0]  }
0x175: {  	v8 =	vshrl.u32 v5, $0x1  }
0x176: {  	v63 =	vld [tilespmem:$0x79B0];
	v5 =	vshrl.u32 v5, $0x5;
	[tilespmem:$0xF200] =	vst v8  }
0x177: {  	[tilespmem:$0xF280] =	vst v5;
	v5 =	vshrl.u32 v6, $0x1  }
0x178: {  	[tilespmem:$0xF210] =	vst v5;
	v5 =	vshrl.u32 v6, $0x5;
	v6 =	vld [tilespmem:$0x79C0]  }
0x179: {  	[tilespmem:$0xF290] =	vst v5;
	v5 =	vshrl.u32 v7, $0x1  }
0x17a: {  	[tilespmem:$0xF220] =	vst v5;
	v5 =	vshrl.u32 v7, $0x5  }
0x17b: {  	[tilespmem:$0xF2A0] =	vst v5;
	v5 =	vshrl.u32 v63, $0x1  }
0x17c: {  	[tilespmem:$0xF230] =	vst v5;
	v5 =	vshrl.u32 v63, $0x5  }
0x17d: {  	s21 =	simm.s32 $0x0;
	[tilespmem:$0xF2B0] =	vst v5;
	v5 =	vshrl.u32 v6, $0x1  }
0x17e: {  	s20 =	simm.s32 $0x11B70;
	s31 =	simm.s32 $0xCA30;
	s25 =	simm.s32 $0xF370;
	[tilespmem:$0xF240] =	vst v5;
	v5 =	vshrl.u32 v6, $0x5  }
0x17f: {  	s26 =	simm.s32 $0xA270;
	s19 =	simm.s32 $0x7A70;
	s9 =	simm.s32 $0x0;
	[tilespmem:$0xF2C0] =	vst v5  }
.LBB2_20:
0x180: {  	v5 =	vmov s26  }
0x181: {  	v6 =	vmov s31;
	_ =	sdelay $0x1  }
0x182: {  	v7 =	vmov s19  }
0x183: {  	s10 =	simm.s32 $0x0  }
0x184: {  	v8 =	vld.idx.msk [tilespmem:v5+s10+$0xFFFFFF90 ss:$0x1], $0xffff  }
0x185: {  	v9 =	vld.idx.msk [tilespmem:v6+s10+$0xFFFFFFD0 ss:$0x1], $0xffff;
	_ =	sdelay $0x1  }
0x186: {  	v10 =	vld.idx.msk [tilespmem:v7+s10+$0xFFFFFFD0 ss:$0x1], $0xffff;
	_ =	sdelay $0x2  }
0x187: {  	v8 =	vadd.f32 v9, v8;
	_ =	sdelay $0x1  }
0x188: {  	v8 =	vmul.f32 v8, v10;
	_ =	sdelay $0x1  }
0x189: {  	v10 =	vperm.xlane v8, v0;
	_ =	sdelay $0x1  }
0x18a: {  	v8 =	vadd.f32 v8, v10;
	_ =	sdelay $0x1  }
0x18b: {  	v10 =	vperm.xlane v8, v1;
	_ =	sdelay $0x1  }
0x18c: {  	v10 =	vadd.f32 v8, v10;
	_ =	sdelay $0x1  }
0x18d: {  	s1 =	sshll.u32 s9, $0x4;
	v11 =	vperm.xlane v10, v2  }
0x18e: {  	v8 =	vld [tilespmem:s1+$0x7980]  }
0x18f: {  	v10 =	vadd.f32 v10, v11;
	_ =	sdelay $0x1  }
0x190: {  	v11 =	vld.idx.msk [tilespmem:v5+s10+$0xFFFFFFD0 ss:$0x1], $0xffff;
	v12 =	vperm.xlane v10, v3  }
0x191: {  	v13 =	vmov s21  }
0x192: {  	v13 =	vperm.xlane v8, v13;
	v10 =	vadd.f32 v10, v12;
	_ =	sdelay $0x1  }
0x193: {  	v12 =	vand.u32 $0x1, v13;
	v10 =	vmul.f32 $2.500000000e-01, v10  }
0x194: {  	v14 =	vcvt.s32.f32 v12;
	v11 =	vadd.f32 v9, v11  }
0x195: {  	v9 =	vmov s25;
	v15 =	vmax.f32 v10, $0.0e+00  }
0x196: {  	v16 =	vsub.f32 $1.000000000e+00, v14;
	v10 =	vmul.f32 v15, v11;
	_ =	sdelay $0x1  }
0x197: {  	v11 =	vmul.f32 v10, v16  }
0x198: {  	v10 =	vmul.f32 v14, v10  }
0x199: {  	[tilespmem:v9+s10+$0xFFFFFF90 ss:$0x1] =	vst.idx.msk $0xffff, v11  }
0x19a: {  	[tilespmem:v9+s10+$0xFFFFFFD0 ss:$0x1] =	vst.idx.msk $0xffff, v10  }
0x19b: {  	v10 =	vld.idx.msk [tilespmem:v6+s10+$0xFFFFFFE0 ss:$0x1], $0xffff  }
0x19c: {  	v11 =	vld.idx.msk [tilespmem:v5+s10+$0xFFFFFFA0 ss:$0x1], $0xffff;
	_ =	sdelay $0x1  }
0x19d: {  	v12 =	vld.idx.msk [tilespmem:v7+s10+$0xFFFFFFE0 ss:$0x1], $0xffff;
	_ =	sdelay $0x2  }
0x19e: {  	v11 =	vadd.f32 v10, v11;
	_ =	sdelay $0x1  }
0x19f: {  	v11 =	vmul.f32 v11, v12;
	_ =	sdelay $0x1  }
0x1a0: {  	v12 =	vperm.xlane v11, v0;
	_ =	sdelay $0x1  }
0x1a1: {  	v11 =	vadd.f32 v11, v12;
	_ =	sdelay $0x1  }
0x1a2: {  	v12 =	vperm.xlane v11, v1;
	_ =	sdelay $0x1  }
0x1a3: {  	v11 =	vadd.f32 v11, v12;
	_ =	sdelay $0x1  }
0x1a4: {  	v12 =	vperm.xlane v11, v2;
	_ =	sdelay $0x1  }
0x1a5: {  	v11 =	vadd.f32 v11, v12;
	_ =	sdelay $0x1  }
0x1a6: {  	v12 =	vld.idx.msk [tilespmem:v5+s10+$0xFFFFFFE0 ss:$0x1], $0xffff;
	v17 =	vperm.xlane v11, v3;
	_ =	sdelay $0x1  }
0x1a7: {  	v11 =	vadd.f32 v11, v17;
	_ =	sdelay $0x1  }
0x1a8: {  	v11 =	vmul.f32 $2.500000000e-01, v11  }
0x1a9: {  	v10 =	vadd.f32 v10, v12  }
0x1aa: {  	v17 =	vmax.f32 v11, $0.0e+00  }
0x1ab: {  	v10 =	vmul.f32 v17, v10;
	_ =	sdelay $0x1  }
0x1ac: {  	v11 =	vmul.f32 v10, v16  }
0x1ad: {  	v10 =	vmul.f32 v14, v10  }
0x1ae: {  	[tilespmem:v9+s10+$0xFFFFFFA0 ss:$0x1] =	vst.idx.msk $0xffff, v11  }
0x1af: {  	[tilespmem:v9+s10+$0xFFFFFFE0 ss:$0x1] =	vst.idx.msk $0xffff, v10  }
0x1b0: {  	v10 =	vld.idx.msk [tilespmem:v6+s10+$0xFFFFFFF0 ss:$0x1], $0xffff  }
0x1b1: {  	v11 =	vld.idx.msk [tilespmem:v5+s10+$0xFFFFFFB0 ss:$0x1], $0xffff;
	_ =	sdelay $0x1  }
0x1b2: {  	v12 =	vld.idx.msk [tilespmem:v7+s10+$0xFFFFFFF0 ss:$0x1], $0xffff;
	_ =	sdelay $0x2  }
0x1b3: {  	v11 =	vadd.f32 v10, v11;
	_ =	sdelay $0x1  }
0x1b4: {  	v11 =	vmul.f32 v11, v12;
	_ =	sdelay $0x1  }
0x1b5: {  	v12 =	vperm.xlane v11, v0;
	_ =	sdelay $0x1  }
0x1b6: {  	v11 =	vadd.f32 v11, v12;
	_ =	sdelay $0x1  }
0x1b7: {  	v12 =	vperm.xlane v11, v1;
	_ =	sdelay $0x1  }
0x1b8: {  	v11 =	vadd.f32 v11, v12;
	_ =	sdelay $0x1  }
0x1b9: {  	v12 =	vperm.xlane v11, v2;
	_ =	sdelay $0x1  }
0x1ba: {  	v11 =	vadd.f32 v11, v12;
	_ =	sdelay $0x1  }
0x1bb: {  	v12 =	vld.idx.msk [tilespmem:v5+s10+$0xFFFFFFF0 ss:$0x1], $0xffff;
	v18 =	vperm.xlane v11, v3;
	_ =	sdelay $0x1  }
0x1bc: {  	v11 =	vadd.f32 v11, v18;
	_ =	sdelay $0x1  }
0x1bd: {  	v11 =	vmul.f32 $2.500000000e-01, v11  }
0x1be: {  	v10 =	vadd.f32 v10, v12  }
0x1bf: {  	v18 =	vmax.f32 v11, $0.0e+00  }
0x1c0: {  	v10 =	vmul.f32 v18, v10;
	_ =	sdelay $0x1  }
0x1c1: {  	v11 =	vmul.f32 v10, v16  }
0x1c2: {  	v10 =	vmul.f32 v14, v10  }
0x1c3: {  	[tilespmem:v9+s10+$0xFFFFFFB0 ss:$0x1] =	vst.idx.msk $0xffff, v11  }
0x1c4: {  	[tilespmem:v9+s10+$0xFFFFFFF0 ss:$0x1] =	vst.idx.msk $0xffff, v10  }
0x1c5: {  	v19 =	vld.idx.msk [tilespmem:v6+s10+$0x0 ss:$0x1], $0xffff  }
0x1c6: {  	v10 =	vld.idx.msk [tilespmem:v5+s10+$0xFFFFFFC0 ss:$0x1], $0xffff;
	_ =	sdelay $0x1  }
0x1c7: {  	v11 =	vld.idx.msk [tilespmem:v7+s10+$0x0 ss:$0x1], $0xffff;
	_ =	sdelay $0x2  }
0x1c8: {  	v10 =	vadd.f32 v19, v10;
	_ =	sdelay $0x1  }
0x1c9: {  	v10 =	vmul.f32 v10, v11;
	_ =	sdelay $0x1  }
0x1ca: {  	v11 =	vperm.xlane v10, v0;
	_ =	sdelay $0x1  }
0x1cb: {  	v10 =	vadd.f32 v10, v11;
	_ =	sdelay $0x1  }
0x1cc: {  	v26 =	vld.idx.msk [tilespmem:v5+s10+$0x0 ss:$0x1], $0xffff;
	v12 =	vperm.xlane v10, v1  }
0x1cd: {  	v11 =	vshrl.u32 v13, $0x2  }
0x1ce: {  	v15 =	vnsel vm0, $0x0, v15;
	v11 =	vand.u32 $0x7, v11;
	v12 =	vadd.f32 v10, v12  }
0x1cf: {  	v15 =	vsel vm1, v15, v17;
	v11 =	vcvt.s32.f32 v11  }
0x1d0: {  	v28 =	vshll.u32 v13, $0x2;
	v15 =	vsel vm2, v15, v18;
	v24 =	vperm.xlane v12, v2  }
0x1d1: {  	v17 =	vadd.f32 v19, v26;
	v19 =	vsub.s32 v4, v28;
	v21 =	vadd.f32 $-1.000000000e+00, v11  }
0x1d2: {  	v20 =	vmul.f32 v11, v11;
	v22 =	vadd.f32 $-7.000000000e+00, v11;
	v12 =	vadd.f32 v12, v24  }
0x1d3: {  	v23 =	vadd.f32 $-2.000000000e+00, v11;
	v10 =	vmov s20;
	v25 =	vadd.f32 $-3.000000000e+00, v11  }
0x1d4: {  	v60 =	vadd.f32 $-4.000000000e+00, v11;
	v13 =	vadd.f32 $-5.000000000e+00, v11;
	v27 =	vperm.xlane v12, v3  }
0x1d5: {  	v29 =	vadd.f32 $-6.000000000e+00, v11;
	v21 =	vmul.f32 v21, v21;
	v22 =	vmul.f32 v22, v22  }
0x1d6: {  	v23 =	vmul.f32 v23, v23;
	v59 =	vmul.f32 v25, v25;
	v27 =	vadd.f32 v12, v27  }
0x1d7: {  	v20 =	vsub.f32 $1.000000000e+00, v20;
	v25 =	vmul.f32 v60, v60;
	v13 =	vmul.f32 v13, v13  }
0x1d8: {  	v21 =	vsub.f32 $1.000000000e+00, v21;
	v22 =	vsub.f32 $1.000000000e+00, v22;
	v61 =	vmul.f32 $2.500000000e-01, v27  }
0x1d9: {  	v62 =	vmul.f32 v29, v29;
	v23 =	vsub.f32 $1.000000000e+00, v23;
	v24 =	vsub.f32 $1.000000000e+00, v59  }
0x1da: {  	v13 =	vsub.f32 $1.000000000e+00, v13;
	v20 =	vmax.f32 v20, $0.0e+00;
	v18 =	vmax.f32 v61, $0.0e+00  }
0x1db: {  	v11 =	vmax.f32 v24, $0.0e+00;
	v15 =	vsel vm3, v15, v18;
	v17 =	vmul.f32 v18, v17  }
0x1dc: {  	v21 =	vmax.f32 v21, $0.0e+00;
	v12 =	vsub.f32 $1.000000000e+00, v25;
	v19 =	vperm.xlane v15, v19  }
0x1dd: {  	v63 =	vmul.f32 v17, v16;
	v18 =	vmul.f32 v14, v17;
	v14 =	vmax.f32 v22, $0.0e+00  }
0x1de: {  	v17 =	vmax.f32 v23, $0.0e+00;
	v15 =	vmul.f32 v19, v20;
	v16 =	vmul.f32 v19, v14  }
0x1df: {  	s2 =	simm.s32 $0x200;
	s1 =	simm.s32 $0x1;
	v14 =	vsub.f32 $1.000000000e+00, v62;
	v20 =	vmul.f32 v19, v21;
	v17 =	vmul.f32 v19, v17;
	[tilespmem:v9+s10+$0xFFFFFFC0 ss:$0x1] =	vst.idx.msk $0xffff, v63  }
.LBB2_21:
0x1e0: {  	v21 =	vmov s1;
	p0 =	sne.s32 s2, $0x1E00;
	[tilespmem:v9+s10+$0x0 ss:$0x1] =	vst.idx.msk $0xffff, v18;
	s18 =	smov.u32 s2;
	s2 =	sadd.s32 $0x200, s2  }
0x1e1: {  	v11 =	vmul.f32 v19, v11;
	v12 =	vmax.f32 v12, $0.0e+00;
	v18 =	vperm.xlane v8, v21;
	[tilespmem:v10+s10+$0xFFFFFF90 ss:$0x1] =	vst.idx.msk $0xffff, v15  }
0x1e2: {  	v13 =	vmax.f32 v13, $0.0e+00;
	v14 =	vmax.f32 v14, $0.0e+00;
	v12 =	vmul.f32 v19, v12;
	[tilespmem:v10+s10+$0xFFFFFFA0 ss:$0x1] =	vst.idx.msk $0xffff, v20  }
0x1e3: {  	v20 =	vand.u32 $0x1, v18;
	v15 =	vshll.u32 v18, $0x2;
	v18 =	vshrl.u32 v18, $0x2;
	[tilespmem:v10+s10+$0xFFFFFFB0 ss:$0x1] =	vst.idx.msk $0xffff, v17  }
0x1e4: {  	v17 =	vand.u32 $0x7, v18;
	[tilespmem:v10+s10+$0xFFFFFFC0 ss:$0x1] =	vst.idx.msk $0xffff, v11;
	v11 =	vmul.f32 v19, v13;
	v13 =	vmul.f32 v19, v14  }
0x1e5: {  	v14 =	vcvt.s32.f32 v17;
	[tilespmem:v10+s10+$0xFFFFFFD0 ss:$0x1] =	vst.idx.msk $0xffff, v12  }
0x1e6: {  	[tilespmem:v10+s10+$0xFFFFFFE0 ss:$0x1] =	vst.idx.msk $0xffff, v11  }
0x1e7: {  	v11 =	vmul.f32 v14, v14;
	v12 =	vadd.f32 $-1.000000000e+00, v14;
	v17 =	vadd.f32 $-7.000000000e+00, v14;
	[tilespmem:v10+s10+$0xFFFFFFF0 ss:$0x1] =	vst.idx.msk $0xffff, v13  }
0x1e8: {  	v13 =	vadd.f32 $-2.000000000e+00, v14;
	v18 =	vadd.f32 $-3.000000000e+00, v14;
	[tilespmem:v10+s10+$0x0 ss:$0x1] =	vst.idx.msk $0xffff, v16;
	s10 =	sshra.s32 s18, $0x2  }
0x1e9: {  	v21 =	vld.idx.msk [tilespmem:v5+s10+$0xFFFFFF90 ss:$0x1], $0xffff;
	v19 =	vsub.f32 $1.000000000e+00, v11;
	v11 =	vmul.f32 v12, v12;
	v12 =	vmul.f32 v17, v17  }
0x1ea: {  	v24 =	vadd.f32 $-4.000000000e+00, v14;
	v13 =	vmul.f32 v13, v13;
	v23 =	vmul.f32 v18, v18;
	v22 =	vld.idx.msk [tilespmem:v6+s10+$0xFFFFFFD0 ss:$0x1], $0xffff  }
0x1eb: {  	v18 =	vsub.f32 $1.000000000e+00, v11;
	v17 =	vsub.f32 $1.000000000e+00, v12  }
0x1ec: {  	v16 =	vsub.f32 $1.000000000e+00, v13;
	v11 =	vsub.f32 $1.000000000e+00, v23;
	v12 =	vmul.f32 v24, v24;
	v25 =	vld.idx.msk [tilespmem:v7+s10+$0xFFFFFFD0 ss:$0x1], $0xffff  }
0x1ed: {  	v13 =	vadd.f32 $-5.000000000e+00, v14;
	v14 =	vadd.f32 $-6.000000000e+00, v14  }
0x1ee: {  	v11 =	vmax.f32 v11, $0.0e+00;
	v12 =	vsub.f32 $1.000000000e+00, v12  }
0x1ef: {  	v13 =	vmul.f32 v13, v13;
	v14 =	vmul.f32 v14, v14  }
0x1f0: {  	v21 =	vadd.f32 v22, v21  }
0x1f1: {  	v13 =	vsub.f32 $1.000000000e+00, v13;
	v14 =	vsub.f32 $1.000000000e+00, v14  }
0x1f2: {  	v21 =	vmul.f32 v21, v25;
	_ =	sdelay $0x1  }
0x1f3: {  	v23 =	vperm.xlane v21, v0;
	_ =	sdelay $0x1  }
0x1f4: {  	v21 =	vadd.f32 v21, v23;
	_ =	sdelay $0x1  }
0x1f5: {  	v23 =	vperm.xlane v21, v1;
	_ =	sdelay $0x1  }
0x1f6: {  	v21 =	vadd.f32 v21, v23;
	_ =	sdelay $0x1  }
0x1f7: {  	v23 =	vperm.xlane v21, v2;
	_ =	sdelay $0x1  }
0x1f8: {  	v21 =	vadd.f32 v21, v23;
	v24 =	vld.idx.msk [tilespmem:v5+s10+$0xFFFFFFD0 ss:$0x1], $0xffff;
	_ =	sdelay $0x1  }
0x1f9: {  	v23 =	vperm.xlane v21, v3;
	_ =	sdelay $0x1  }
0x1fa: {  	v21 =	vadd.f32 v21, v23;
	_ =	sdelay $0x1  }
0x1fb: {  	v20 =	vcvt.s32.f32 v20;
	v21 =	vmul.f32 $2.500000000e-01, v21;
	v23 =	vadd.f32 v22, v24;
	_ =	sdelay $0x1  }
0x1fc: {  	v22 =	vmax.f32 v21, $0.0e+00;
	v21 =	vsub.f32 $1.000000000e+00, v20  }
0x1fd: {  	v23 =	vmul.f32 v22, v23;
	_ =	sdelay $0x1  }
0x1fe: {  	v24 =	vmul.f32 v23, v21;
	v23 =	vmul.f32 v20, v23;
	_ =	sdelay $0x1  }
0x1ff: {  	[tilespmem:v9+s10+$0xFFFFFF90 ss:$0x1] =	vst.idx.msk $0xffff, v24  }
0x200: {  	[tilespmem:v9+s10+$0xFFFFFFD0 ss:$0x1] =	vst.idx.msk $0xffff, v23  }
0x201: {  	v23 =	vld.idx.msk [tilespmem:v6+s10+$0xFFFFFFE0 ss:$0x1], $0xffff  }
0x202: {  	v24 =	vld.idx.msk [tilespmem:v5+s10+$0xFFFFFFA0 ss:$0x1], $0xffff;
	_ =	sdelay $0x1  }
0x203: {  	v25 =	vld.idx.msk [tilespmem:v7+s10+$0xFFFFFFE0 ss:$0x1], $0xffff;
	_ =	sdelay $0x3  }
0x204: {  	v24 =	vadd.f32 v23, v24;
	_ =	sdelay $0x1  }
0x205: {  	v24 =	vmul.f32 v24, v25;
	_ =	sdelay $0x1  }
0x206: {  	v25 =	vperm.xlane v24, v0;
	_ =	sdelay $0x1  }
0x207: {  	v24 =	vadd.f32 v24, v25;
	_ =	sdelay $0x1  }
0x208: {  	v25 =	vperm.xlane v24, v1;
	_ =	sdelay $0x1  }
0x209: {  	v24 =	vadd.f32 v24, v25;
	_ =	sdelay $0x1  }
0x20a: {  	v26 =	vperm.xlane v24, v2;
	v25 =	vld.idx.msk [tilespmem:v5+s10+$0xFFFFFFE0 ss:$0x1], $0xffff;
	_ =	sdelay $0x1  }
0x20b: {  	v24 =	vadd.f32 v24, v26;
	_ =	sdelay $0x1  }
0x20c: {  	v26 =	vperm.xlane v24, v3;
	_ =	sdelay $0x1  }
0x20d: {  	v24 =	vadd.f32 v24, v26;
	v23 =	vadd.f32 v23, v25;
	_ =	sdelay $0x1  }
0x20e: {  	v24 =	vmul.f32 $2.500000000e-01, v24;
	_ =	sdelay $0x1  }
0x20f: {  	v24 =	vmax.f32 v24, $0.0e+00  }
0x210: {  	v23 =	vmul.f32 v24, v23;
	_ =	sdelay $0x1  }
0x211: {  	v25 =	vmul.f32 v23, v21;
	v23 =	vmul.f32 v20, v23;
	_ =	sdelay $0x1  }
0x212: {  	[tilespmem:v9+s10+$0xFFFFFFA0 ss:$0x1] =	vst.idx.msk $0xffff, v25  }
0x213: {  	[tilespmem:v9+s10+$0xFFFFFFE0 ss:$0x1] =	vst.idx.msk $0xffff, v23  }
0x214: {  	v23 =	vld.idx.msk [tilespmem:v6+s10+$0xFFFFFFF0 ss:$0x1], $0xffff  }
0x215: {  	v25 =	vld.idx.msk [tilespmem:v5+s10+$0xFFFFFFB0 ss:$0x1], $0xffff;
	_ =	sdelay $0x1  }
0x216: {  	v26 =	vld.idx.msk [tilespmem:v7+s10+$0xFFFFFFF0 ss:$0x1], $0xffff;
	_ =	sdelay $0x3  }
0x217: {  	v25 =	vadd.f32 v23, v25;
	_ =	sdelay $0x1  }
0x218: {  	v25 =	vmul.f32 v25, v26;
	_ =	sdelay $0x1  }
0x219: {  	v26 =	vperm.xlane v25, v0;
	_ =	sdelay $0x1  }
0x21a: {  	v25 =	vadd.f32 v25, v26;
	_ =	sdelay $0x1  }
0x21b: {  	v26 =	vperm.xlane v25, v1;
	_ =	sdelay $0x1  }
0x21c: {  	v25 =	vadd.f32 v25, v26;
	v27 =	vld.idx.msk [tilespmem:v5+s10+$0xFFFFFFF0 ss:$0x1], $0xffff;
	_ =	sdelay $0x1  }
0x21d: {  	v26 =	vperm.xlane v25, v2;
	_ =	sdelay $0x1  }
0x21e: {  	v25 =	vadd.f32 v25, v26;
	_ =	sdelay $0x1  }
0x21f: {  	v26 =	vperm.xlane v25, v3;
	v23 =	vadd.f32 v23, v27;
	_ =	sdelay $0x1  }
0x220: {  	v25 =	vadd.f32 v25, v26;
	_ =	sdelay $0x1  }
0x221: {  	v25 =	vmul.f32 $2.500000000e-01, v25;
	_ =	sdelay $0x1  }
0x222: {  	v25 =	vmax.f32 v25, $0.0e+00  }
0x223: {  	v23 =	vmul.f32 v25, v23;
	_ =	sdelay $0x1  }
0x224: {  	v26 =	vmul.f32 v23, v21;
	v23 =	vmul.f32 v20, v23;
	_ =	sdelay $0x1  }
0x225: {  	[tilespmem:v9+s10+$0xFFFFFFB0 ss:$0x1] =	vst.idx.msk $0xffff, v26  }
0x226: {  	[tilespmem:v9+s10+$0xFFFFFFF0 ss:$0x1] =	vst.idx.msk $0xffff, v23  }
0x227: {  	v23 =	vld.idx.msk [tilespmem:v6+s10+$0x0 ss:$0x1], $0xffff  }
0x228: {  	v26 =	vld.idx.msk [tilespmem:v5+s10+$0xFFFFFFC0 ss:$0x1], $0xffff;
	_ =	sdelay $0x1  }
0x229: {  	v27 =	vld.idx.msk [tilespmem:v7+s10+$0x0 ss:$0x1], $0xffff;
	_ =	sdelay $0x3  }
0x22a: {  	v26 =	vadd.f32 v23, v26;
	_ =	sdelay $0x1  }
0x22b: {  	v26 =	vmul.f32 v26, v27;
	_ =	sdelay $0x1  }
0x22c: {  	v27 =	vperm.xlane v26, v0;
	_ =	sdelay $0x1  }
0x22d: {  	v26 =	vadd.f32 v26, v27;
	_ =	sdelay $0x1  }
0x22e: {  	v28 =	vperm.xlane v26, v1;
	v27 =	vld.idx.msk [tilespmem:v5+s10+$0x0 ss:$0x1], $0xffff;
	_ =	sdelay $0x1  }
0x22f: {  	v26 =	vadd.f32 v26, v28;
	_ =	sdelay $0x1  }
0x230: {  	v28 =	vperm.xlane v26, v2  }
0x231: {  	v22 =	vnsel vm0, $0x0, v22  }
0x232: {  	v22 =	vsel vm1, v22, v24;
	v24 =	vadd.f32 v26, v28;
	v23 =	vadd.f32 v23, v27  }
0x233: {  	v22 =	vsel vm2, v22, v25  }
0x234: {  	v15 =	vsub.s32 v4, v15;
	v25 =	vperm.xlane v24, v3;
	_ =	sdelay $0x1  }
0x235: {  	v24 =	vadd.f32 v24, v25;
	v25 =	vmax.f32 v19, $0.0e+00;
	_ =	sdelay $0x1  }
0x236: {  	v19 =	vmul.f32 $2.500000000e-01, v24;
	_ =	sdelay $0x1  }
0x237: {  	v19 =	vmax.f32 v19, $0.0e+00  }
.Ltmp5:
0x238: {  	v22 =	vsel vm3, v22, v19;
	v23 =	vmul.f32 v19, v23;
	(pc) =	sbr.rel @p0 .LBB2_21-.Ltmp5, $4  }
0x239: {  	v19 =	vperm.xlane v22, v15;
	v22 =	vmax.f32 v18, $0.0e+00  }
0x23a: {  	v17 =	vmax.f32 v17, $0.0e+00;
	v21 =	vmul.f32 v23, v21;
	v18 =	vmul.f32 v20, v23  }
0x23b: {  	v23 =	vmax.f32 v16, $0.0e+00;
	v15 =	vmul.f32 v19, v25;
	v16 =	vmul.f32 v19, v17  }
0x23c: {  	s1 =	sadd.s32 $0x1, s1;
	v20 =	vmul.f32 v19, v22;
	v17 =	vmul.f32 v19, v23;
	[tilespmem:v9+s10+$0xFFFFFFC0 ss:$0x1] =	vst.idx.msk $0xffff, v21  }
0x23d: {  	_ =	sdelay $0x3  }
0x23e: {  	[tilespmem:v9+s10+$0x0 ss:$0x1] =	vst.idx.msk $0xffff, v18  }
0x23f: {  	[tilespmem:v10+s10+$0xFFFFFF90 ss:$0x1] =	vst.idx.msk $0xffff, v15  }
0x240: {  	v5 =	vmul.f32 v19, v11;
	v6 =	vmax.f32 v12, $0.0e+00;
	s9 =	sadd.s32 $0x1, s9;
	[tilespmem:v10+s10+$0xFFFFFFA0 ss:$0x1] =	vst.idx.msk $0xffff, v20  }
0x241: {  	v7 =	vmax.f32 v13, $0.0e+00;
	v6 =	vmul.f32 v19, v6;
	p0 =	sne.s32 s9, $0x5;
	[tilespmem:v10+s10+$0xFFFFFFB0 ss:$0x1] =	vst.idx.msk $0xffff, v17  }
.Ltmp6:
0x242: {  	v8 =	vmax.f32 v14, $0.0e+00;
	[tilespmem:v10+s10+$0xFFFFFFC0 ss:$0x1] =	vst.idx.msk $0xffff, v5;
	v5 =	vmul.f32 v19, v7;
	(pc) =	sbr.rel @p0 .LBB2_20-.Ltmp6, $4  }
0x243: {  	v7 =	vmul.f32 v19, v8;
	[tilespmem:v10+s10+$0xFFFFFFD0 ss:$0x1] =	vst.idx.msk $0xffff, v6  }
0x244: {  	[tilespmem:v10+s10+$0xFFFFFFE0 ss:$0x1] =	vst.idx.msk $0xffff, v5  }
0x245: {  	s20 =	sadd.s32 $0x800, s20;
	s31 =	sadd.s32 $0x800, s31;
	[tilespmem:v10+s10+$0xFFFFFFF0 ss:$0x1] =	vst.idx.msk $0xffff, v7  }
0x246: {  	s25 =	sadd.s32 $0x800, s25;
	s26 =	sadd.s32 $0x800, s26;
	s19 =	sadd.s32 $0x800, s19;
	[tilespmem:v10+s10+$0x0 ss:$0x1] =	vst.idx.msk $0xffff, v16  }
.Ltmp7:
0x247: {  	(pc) =	sbr.rel @p6 .LBB2_25-.Ltmp7, $4  }
0x248: {  	s18 =	rddreg [dreg:$0x1]  }
0x249: {  	[spmem:s18] =	stream.indirect.scatter.add.f32 [tilespmem:s17], [sflag:$0x7], $0x80, s16, s22, $0xb8;
	[tilespmem:$0x1E940] =	vst v63  }
0x24a: {  	s1 =	rddreg [dreg:$0x2]  }
0x24b: {  	[spmem:s1] =	stream.indirect.scatter.add.f32 [tilespmem:s0], [sflag:$0x7], $0x80, s15, s22, $0xb8;
	[tilespmem:$0x1E940] =	vst v63  }
0x24c: {  	s1 =	smul.u32 $0xA0, s5  }
0x24d: {  	s2 =	rddreg [dreg:$0xf]  }
0x24e: {  	s1 =	sadd.s32 s1, s2  }
0x24f: {  	s2 =	sshrl.u32 s1, $0x3  }
0x250: {  	s9 =	sadd.s32 s6, s2  }
0x251: {  	[tilespmem:s28], [sflag:$0x4] =	stream.linear.gather [hbm4b:s9+s3], $0x50, $0x38;
	[tilespmem:$0x1E940] =	vst v63  }
.Ltmp8:
0x252: {  	_ = 	snop;
	(pc) =	sbr.rel .LBB2_15-.Ltmp8, $4  }
0x253: {  	s26 =	rddreg [dreg:$0x6];
	s1 =	sshll.u32 s1, $0x4;
	s2 =	sadd.s32 s7, s2  }
0x254: {  	[tilespmem:s30], [sflag:$0x4] =	stream.linear.gather [hbm4b:s2+s3], $0x50, $0x38;
	[tilespmem:$0x1E940] =	vst v63  }
0x255: {  	s31 =	simm.s32 $0xCA00;
	s5 =	sadd.s32 $0x1, s5;
	s1 =	sadd.s32 s26, s1  }
0x256: {  	[tilespmem:s31], [sflag:$0x6] =	stream.linear.gather [hbm4b:s1+s3], $0x2800, $0x38;
	[tilespmem:$0x1E940] =	vst v63  }
.LBB2_2:
0x257: {  	s1 =	rddreg [dreg:$0xb];
	s2 =	simm.s32 $0x5100;
	s10 =	simm.s32 $0x1  }
0x258: {  	[tilespmem:s2], [sflag:$0x3] =	stream.linear.gather [hbm4b:s1+s5], $0x2800, $0x38;
	[tilespmem:$0x1E940] =	vst v63  }
0x259: {  	_ =	swait.ge [sflag:s10], $0x50  }
0x25a: {  	[sflag:s10] =	ssyncset.done $0x0  }
0x25b: {  	[sflag:s10] =	ssyncadd.s32 $0xFFFFFFB0  }
0x25c: {  	_ =	swait.ge [sflag:s10], $0x50  }
0x25d: {  	[sflag:s10] =	ssyncset.done $0x0  }
0x25e: {  	s19 =	simm.s32 $0x100;
	[sflag:s10] =	ssyncadd.s32 $0xFFFFFFB0  }
0x25f: {  	[tilespmem:s19], [sflag:$0x2] =	stream.indirect.gather [hbm4b:s8+s22], $0x80, s9, s22, $0xb8;
	[tilespmem:$0x1E940] =	vst v63  }
0x260: {  	s20 =	simm.s32 $0x2900  }
0x261: {  	[tilespmem:s20], [sflag:$0x2] =	stream.indirect.gather [hbm4b:s23+s22], $0x80, s5, s22, $0xb8;
	[tilespmem:$0x1E940] =	vst v63  }
0x262: {  	s21 =	rddreg [dreg:$0xc]  }
0x263: {  	[tilespmem:s28], [sflag:$0x4] =	stream.linear.gather [hbm4b:s21+s5], $0x50, $0x38;
	[tilespmem:$0x1E940] =	vst v63  }
0x264: {  	s25 =	rddreg [dreg:$0xd]  }
0x265: {  	[tilespmem:s30], [sflag:$0x4] =	stream.linear.gather [hbm4b:s25+s5], $0x50, $0x38;
	[tilespmem:$0x1E940] =	vst v63  }
0x266: {  	s31 =	simm.s32 $0xCA00;
	s26 =	rddreg [dreg:$0x15]  }
0x267: {  	[tilespmem:s31], [sflag:$0x6] =	stream.linear.gather [hbm4b:s26+s5], $0x2800, $0x38;
	[tilespmem:$0x1E940] =	vst v63  }
.LBB2_3:
0x268: {  	_ =	swait.ge [sflag:s29], $0x50  }
0x269: {  	[sflag:s29] =	ssyncset.done $0x0  }
0x26a: {  	[sflag:s29] =	ssyncadd.s32 $0xFFFFFFB0  }
0x26b: {  	_ =	swait.ge [sflag:s29], $0x50  }
0x26c: {  	[sflag:s29] =	ssyncset.done $0x0  }
0x26d: {  	s1 =	simm.s32 $0x7A00;
	[sflag:s29] =	ssyncadd.s32 $0xFFFFFFB0  }
0x26e: {  	[tilespmem:s1], [sflag:$0x5] =	stream.indirect.gather [hbm4b:s8+s22], $0x80, s30, s22, $0xb8;
	[tilespmem:$0x1E940] =	vst v63  }
0x26f: {  	s26 =	simm.s32 $0xA200  }
0x270: {  	[tilespmem:s26], [sflag:$0x5] =	stream.indirect.gather [hbm4b:s23+s22], $0x80, s28, s22, $0xb8;
	[tilespmem:$0x1E940] =	vst v63  }
0x271: {  	_ =	swait.ge [sflag:s13], $0x2800  }
0x272: {  	[sflag:s13] =	ssyncset.done $0x0  }
0x273: {  	[sflag:s13] =	ssyncadd.s32 $0xFFFFD800  }
0x274: {  	_ =	swait.ge [sflag:s13], $0x2800  }
0x275: {  	[sflag:s13] =	ssyncset.done $0x0  }
0x276: {  	[sflag:s13] =	ssyncadd.s32 $0xFFFFD800  }
0x277: {  	_ =	swait.ge [sflag:s14], $0x2800  }
0x278: {  	p0 =	seq.s32 s5, $0x0;
	[sflag:s14] =	ssyncset.done $0x0  }
0x279: {  	s1 =	simm.s32 @!p0 $0x7;
	[sflag:s14] =	ssyncadd.s32 $0xFFFFD800  }
0x27a: {  	_ =	swait.ge @!p0 [sflag:s1], $0x2800  }
0x27b: {  	[sflag:s1] =	ssyncset.done @!p0 $0x0  }
0x27c: {  	[sflag:s1] =	ssyncadd.s32 @!p0 $0xFFFFD800  }
0x27d: {  	_ =	swait.ge @!p0 [sflag:s1], $0x2800  }
0x27e: {  	[sflag:s1] =	ssyncset.done @!p0 $0x0  }
0x27f: {  	[sflag:s1] =	ssyncadd.s32 @!p0 $0xFFFFD800  }
0x280: {  	v5 =	vld [tilespmem:$0x80];
	_ =	sdelay $0x1  }
0x281: {  	v6 =	vld [tilespmem:$0x90];
	_ =	sdelay $0x1  }
0x282: {  	v7 =	vld [tilespmem:$0xA0]  }
0x283: {  	v8 =	vshrl.u32 v5, $0x1  }
0x284: {  	v63 =	vld [tilespmem:$0xB0];
	v5 =	vshrl.u32 v5, $0x5;
	[tilespmem:$0xF200] =	vst v8  }
0x285: {  	[tilespmem:$0xF280] =	vst v5;
	v5 =	vshrl.u32 v6, $0x1  }
0x286: {  	[tilespmem:$0xF210] =	vst v5;
	v5 =	vshrl.u32 v6, $0x5;
	v6 =	vld [tilespmem:$0xC0]  }
0x287: {  	[tilespmem:$0xF290] =	vst v5;
	v5 =	vshrl.u32 v7, $0x1  }
0x288: {  	[tilespmem:$0xF220] =	vst v5;
	v5 =	vshrl.u32 v7, $0x5  }
0x289: {  	[tilespmem:$0xF2A0] =	vst v5;
	v5 =	vshrl.u32 v63, $0x1  }
0x28a: {  	[tilespmem:$0xF230] =	vst v5;
	v5 =	vshrl.u32 v63, $0x5  }
0x28b: {  	[tilespmem:$0xF2B0] =	vst v5;
	v5 =	vshrl.u32 v6, $0x1  }
0x28c: {  	s21 =	simm.s32 $0x2940;
	s20 =	simm.s32 $0xF370;
	s31 =	simm.s32 $0x11B70;
	[tilespmem:$0xF240] =	vst v5;
	v5 =	vshrl.u32 v6, $0x5  }
0x28d: {  	s25 =	simm.s32 $0x120;
	s19 =	simm.s32 $0x0;
	s26 =	simm.s32 $0x5130;
	[tilespmem:$0xF2C0] =	vst v5  }
.LBB2_4:
0x28e: {  	v5 =	vmov s21  }
0x28f: {  	v6 =	vmov s26;
	_ =	sdelay $0x1  }
0x290: {  	v7 =	vmov s25  }
0x291: {  	s9 =	simm.s32 $0x0  }
0x292: {  	v8 =	vld.idx.msk [tilespmem:v5+s9+$0xFFFFFFC0 ss:$0x1], $0xffff  }
0x293: {  	v9 =	vld.idx.msk [tilespmem:v6+s9+$0xFFFFFFD0 ss:$0x1], $0xffff;
	_ =	sdelay $0x1  }
0x294: {  	v10 =	vld.idx.msk [tilespmem:v7+s9+$0xFFFFFFE0 ss:$0x1], $0xffff;
	_ =	sdelay $0x2  }
0x295: {  	v8 =	vadd.f32 v9, v8;
	_ =	sdelay $0x1  }
0x296: {  	v8 =	vmul.f32 v8, v10;
	_ =	sdelay $0x1  }
0x297: {  	v10 =	vperm.xlane v8, v0;
	_ =	sdelay $0x1  }
0x298: {  	v8 =	vadd.f32 v8, v10;
	_ =	sdelay $0x1  }
0x299: {  	v10 =	vperm.xlane v8, v1;
	_ =	sdelay $0x1  }
0x29a: {  	v10 =	vadd.f32 v8, v10;
	_ =	sdelay $0x1  }
0x29b: {  	s1 =	sshll.u32 s19, $0x4;
	v11 =	vperm.xlane v10, v2  }
0x29c: {  	v8 =	vld [tilespmem:s1+$0x80]  }
0x29d: {  	v10 =	vadd.f32 v10, v11;
	_ =	sdelay $0x1  }
0x29e: {  	s10 =	simm.s32 $0x0;
	v11 =	vld.idx.msk [tilespmem:v5+s9+$0x0 ss:$0x1], $0xffff;
	v12 =	vperm.xlane v10, v3  }
0x29f: {  	v13 =	vmov s10  }
0x2a0: {  	v13 =	vperm.xlane v8, v13;
	v10 =	vadd.f32 v10, v12;
	_ =	sdelay $0x1  }
0x2a1: {  	v12 =	vand.u32 $0x1, v13;
	v10 =	vmul.f32 $2.500000000e-01, v10  }
0x2a2: {  	v14 =	vcvt.s32.f32 v12;
	v11 =	vadd.f32 v9, v11  }
0x2a3: {  	v9 =	vmov s20;
	v15 =	vmax.f32 v10, $0.0e+00  }
0x2a4: {  	v16 =	vsub.f32 $1.000000000e+00, v14;
	v10 =	vmul.f32 v15, v11;
	_ =	sdelay $0x1  }
0x2a5: {  	v11 =	vmul.f32 v10, v16  }
0x2a6: {  	v10 =	vmul.f32 v14, v10  }
0x2a7: {  	[tilespmem:v9+s9+$0xFFFFFF90 ss:$0x1] =	vst.idx.msk $0xffff, v11  }
0x2a8: {  	[tilespmem:v9+s9+$0xFFFFFFD0 ss:$0x1] =	vst.idx.msk $0xffff, v10  }
0x2a9: {  	v10 =	vld.idx.msk [tilespmem:v6+s9+$0xFFFFFFE0 ss:$0x1], $0xffff  }
0x2aa: {  	v11 =	vld.idx.msk [tilespmem:v5+s9+$0xFFFFFFD0 ss:$0x1], $0xffff;
	_ =	sdelay $0x1  }
0x2ab: {  	v12 =	vld.idx.msk [tilespmem:v7+s9+$0xFFFFFFF0 ss:$0x1], $0xffff;
	_ =	sdelay $0x2  }
0x2ac: {  	v11 =	vadd.f32 v10, v11;
	_ =	sdelay $0x1  }
0x2ad: {  	v11 =	vmul.f32 v11, v12;
	_ =	sdelay $0x1  }
0x2ae: {  	v12 =	vperm.xlane v11, v0;
	_ =	sdelay $0x1  }
0x2af: {  	v11 =	vadd.f32 v11, v12;
	_ =	sdelay $0x1  }
0x2b0: {  	v12 =	vperm.xlane v11, v1;
	_ =	sdelay $0x1  }
0x2b1: {  	v11 =	vadd.f32 v11, v12;
	_ =	sdelay $0x1  }
0x2b2: {  	v12 =	vperm.xlane v11, v2;
	_ =	sdelay $0x1  }
0x2b3: {  	v11 =	vadd.f32 v11, v12;
	_ =	sdelay $0x1  }
0x2b4: {  	v12 =	vld.idx.msk [tilespmem:v5+s9+$0x10 ss:$0x1], $0xffff;
	v17 =	vperm.xlane v11, v3;
	_ =	sdelay $0x1  }
0x2b5: {  	v11 =	vadd.f32 v11, v17;
	_ =	sdelay $0x1  }
0x2b6: {  	v11 =	vmul.f32 $2.500000000e-01, v11  }
0x2b7: {  	v10 =	vadd.f32 v10, v12  }
0x2b8: {  	v17 =	vmax.f32 v11, $0.0e+00  }
0x2b9: {  	v10 =	vmul.f32 v17, v10;
	_ =	sdelay $0x1  }
0x2ba: {  	v11 =	vmul.f32 v10, v16  }
0x2bb: {  	v10 =	vmul.f32 v14, v10  }
0x2bc: {  	[tilespmem:v9+s9+$0xFFFFFFA0 ss:$0x1] =	vst.idx.msk $0xffff, v11  }
0x2bd: {  	[tilespmem:v9+s9+$0xFFFFFFE0 ss:$0x1] =	vst.idx.msk $0xffff, v10  }
0x2be: {  	v10 =	vld.idx.msk [tilespmem:v6+s9+$0xFFFFFFF0 ss:$0x1], $0xffff  }
0x2bf: {  	v11 =	vld.idx.msk [tilespmem:v5+s9+$0xFFFFFFE0 ss:$0x1], $0xffff;
	_ =	sdelay $0x1  }
0x2c0: {  	v12 =	vld.idx.msk [tilespmem:v7+s9+$0x0 ss:$0x1], $0xffff;
	_ =	sdelay $0x2  }
0x2c1: {  	v11 =	vadd.f32 v10, v11;
	_ =	sdelay $0x1  }
0x2c2: {  	v11 =	vmul.f32 v11, v12;
	_ =	sdelay $0x1  }
0x2c3: {  	v12 =	vperm.xlane v11, v0;
	_ =	sdelay $0x1  }
0x2c4: {  	v11 =	vadd.f32 v11, v12;
	_ =	sdelay $0x1  }
0x2c5: {  	v12 =	vperm.xlane v11, v1;
	_ =	sdelay $0x1  }
0x2c6: {  	v11 =	vadd.f32 v11, v12;
	_ =	sdelay $0x1  }
0x2c7: {  	v12 =	vperm.xlane v11, v2;
	_ =	sdelay $0x1  }
0x2c8: {  	v11 =	vadd.f32 v11, v12;
	_ =	sdelay $0x1  }
0x2c9: {  	v12 =	vld.idx.msk [tilespmem:v5+s9+$0x20 ss:$0x1], $0xffff;
	v18 =	vperm.xlane v11, v3;
	_ =	sdelay $0x1  }
0x2ca: {  	v11 =	vadd.f32 v11, v18;
	_ =	sdelay $0x1  }
0x2cb: {  	v11 =	vmul.f32 $2.500000000e-01, v11  }
0x2cc: {  	v10 =	vadd.f32 v10, v12  }
0x2cd: {  	v18 =	vmax.f32 v11, $0.0e+00  }
0x2ce: {  	v10 =	vmul.f32 v18, v10;
	_ =	sdelay $0x1  }
0x2cf: {  	v11 =	vmul.f32 v10, v16  }
0x2d0: {  	v10 =	vmul.f32 v14, v10  }
0x2d1: {  	[tilespmem:v9+s9+$0xFFFFFFB0 ss:$0x1] =	vst.idx.msk $0xffff, v11  }
0x2d2: {  	[tilespmem:v9+s9+$0xFFFFFFF0 ss:$0x1] =	vst.idx.msk $0xffff, v10  }
0x2d3: {  	v19 =	vld.idx.msk [tilespmem:v6+s9+$0x0 ss:$0x1], $0xffff  }
0x2d4: {  	v10 =	vld.idx.msk [tilespmem:v5+s9+$0xFFFFFFF0 ss:$0x1], $0xffff;
	_ =	sdelay $0x1  }
0x2d5: {  	v11 =	vld.idx.msk [tilespmem:v7+s9+$0x10 ss:$0x1], $0xffff;
	_ =	sdelay $0x2  }
0x2d6: {  	v10 =	vadd.f32 v19, v10;
	_ =	sdelay $0x1  }
0x2d7: {  	v10 =	vmul.f32 v10, v11;
	_ =	sdelay $0x1  }
0x2d8: {  	v11 =	vperm.xlane v10, v0;
	_ =	sdelay $0x1  }
0x2d9: {  	v10 =	vadd.f32 v10, v11;
	_ =	sdelay $0x1  }
0x2da: {  	v26 =	vld.idx.msk [tilespmem:v5+s9+$0x30 ss:$0x1], $0xffff;
	v12 =	vperm.xlane v10, v1  }
0x2db: {  	v11 =	vshrl.u32 v13, $0x2  }
0x2dc: {  	v15 =	vnsel vm0, $0x0, v15;
	v11 =	vand.u32 $0x7, v11;
	v12 =	vadd.f32 v10, v12  }
0x2dd: {  	v15 =	vsel vm1, v15, v17;
	v11 =	vcvt.s32.f32 v11  }
0x2de: {  	v28 =	vshll.u32 v13, $0x2;
	v15 =	vsel vm2, v15, v18;
	v24 =	vperm.xlane v12, v2  }
0x2df: {  	v17 =	vadd.f32 v19, v26;
	v19 =	vsub.s32 v4, v28;
	v21 =	vadd.f32 $-1.000000000e+00, v11  }
0x2e0: {  	v20 =	vmul.f32 v11, v11;
	v22 =	vadd.f32 $-7.000000000e+00, v11;
	v12 =	vadd.f32 v12, v24  }
0x2e1: {  	v23 =	vadd.f32 $-2.000000000e+00, v11;
	v10 =	vmov s31;
	v25 =	vadd.f32 $-3.000000000e+00, v11  }
0x2e2: {  	v60 =	vadd.f32 $-4.000000000e+00, v11;
	v13 =	vadd.f32 $-5.000000000e+00, v11;
	v27 =	vperm.xlane v12, v3  }
0x2e3: {  	v29 =	vadd.f32 $-6.000000000e+00, v11;
	v21 =	vmul.f32 v21, v21;
	v22 =	vmul.f32 v22, v22  }
0x2e4: {  	v23 =	vmul.f32 v23, v23;
	v59 =	vmul.f32 v25, v25;
	v27 =	vadd.f32 v12, v27  }
0x2e5: {  	v20 =	vsub.f32 $1.000000000e+00, v20;
	v25 =	vmul.f32 v60, v60;
	v13 =	vmul.f32 v13, v13  }
0x2e6: {  	v21 =	vsub.f32 $1.000000000e+00, v21;
	v22 =	vsub.f32 $1.000000000e+00, v22;
	v61 =	vmul.f32 $2.500000000e-01, v27  }
0x2e7: {  	v62 =	vmul.f32 v29, v29;
	v23 =	vsub.f32 $1.000000000e+00, v23;
	v24 =	vsub.f32 $1.000000000e+00, v59  }
0x2e8: {  	v13 =	vsub.f32 $1.000000000e+00, v13;
	v20 =	vmax.f32 v20, $0.0e+00;
	v18 =	vmax.f32 v61, $0.0e+00  }
0x2e9: {  	v11 =	vmax.f32 v24, $0.0e+00;
	v15 =	vsel vm3, v15, v18;
	v17 =	vmul.f32 v18, v17  }
0x2ea: {  	v21 =	vmax.f32 v21, $0.0e+00;
	v12 =	vsub.f32 $1.000000000e+00, v25;
	v19 =	vperm.xlane v15, v19  }
0x2eb: {  	v63 =	vmul.f32 v17, v16;
	v18 =	vmul.f32 v14, v17;
	v14 =	vmax.f32 v22, $0.0e+00  }
0x2ec: {  	v17 =	vmax.f32 v23, $0.0e+00;
	v15 =	vmul.f32 v19, v20;
	v16 =	vmul.f32 v19, v14  }
0x2ed: {  	s2 =	simm.s32 $0x1;
	s10 =	simm.s32 $0x200;
	v14 =	vsub.f32 $1.000000000e+00, v62;
	v20 =	vmul.f32 v19, v21;
	v17 =	vmul.f32 v19, v17;
	[tilespmem:v9+s9+$0xFFFFFFC0 ss:$0x1] =	vst.idx.msk $0xffff, v63  }
.LBB2_5:
0x2ee: {  	v21 =	vmov s2;
	p6 =	sne.s32 s10, $0x1E00;
	[tilespmem:v9+s9+$0x0 ss:$0x1] =	vst.idx.msk $0xffff, v18;
	s1 =	smov.u32 s10;
	s10 =	sadd.s32 $0x200, s10  }
0x2ef: {  	v11 =	vmul.f32 v19, v11;
	v12 =	vmax.f32 v12, $0.0e+00;
	v18 =	vperm.xlane v8, v21;
	[tilespmem:v10+s9+$0xFFFFFF90 ss:$0x1] =	vst.idx.msk $0xffff, v15  }
0x2f0: {  	v13 =	vmax.f32 v13, $0.0e+00;
	v14 =	vmax.f32 v14, $0.0e+00;
	v12 =	vmul.f32 v19, v12;
	[tilespmem:v10+s9+$0xFFFFFFA0 ss:$0x1] =	vst.idx.msk $0xffff, v20  }
0x2f1: {  	v20 =	vand.u32 $0x1, v18;
	v15 =	vshll.u32 v18, $0x2;
	v18 =	vshrl.u32 v18, $0x2;
	[tilespmem:v10+s9+$0xFFFFFFB0 ss:$0x1] =	vst.idx.msk $0xffff, v17  }
0x2f2: {  	v17 =	vand.u32 $0x7, v18;
	[tilespmem:v10+s9+$0xFFFFFFC0 ss:$0x1] =	vst.idx.msk $0xffff, v11;
	v11 =	vmul.f32 v19, v13;
	v13 =	vmul.f32 v19, v14  }
0x2f3: {  	v14 =	vcvt.s32.f32 v17;
	[tilespmem:v10+s9+$0xFFFFFFD0 ss:$0x1] =	vst.idx.msk $0xffff, v12  }
0x2f4: {  	[tilespmem:v10+s9+$0xFFFFFFE0 ss:$0x1] =	vst.idx.msk $0xffff, v11  }
0x2f5: {  	v11 =	vmul.f32 v14, v14;
	v12 =	vadd.f32 $-1.000000000e+00, v14;
	v17 =	vadd.f32 $-7.000000000e+00, v14;
	[tilespmem:v10+s9+$0xFFFFFFF0 ss:$0x1] =	vst.idx.msk $0xffff, v13  }
0x2f6: {  	v13 =	vadd.f32 $-2.000000000e+00, v14;
	v18 =	vadd.f32 $-3.000000000e+00, v14;
	[tilespmem:v10+s9+$0x0 ss:$0x1] =	vst.idx.msk $0xffff, v16;
	s9 =	sshra.s32 s1, $0x2  }
0x2f7: {  	v21 =	vld.idx.msk [tilespmem:v5+s9+$0xFFFFFFC0 ss:$0x1], $0xffff;
	v19 =	vsub.f32 $1.000000000e+00, v11;
	v11 =	vmul.f32 v12, v12;
	v12 =	vmul.f32 v17, v17  }
0x2f8: {  	v24 =	vadd.f32 $-4.000000000e+00, v14;
	v13 =	vmul.f32 v13, v13;
	v23 =	vmul.f32 v18, v18;
	v22 =	vld.idx.msk [tilespmem:v6+s9+$0xFFFFFFD0 ss:$0x1], $0xffff  }
0x2f9: {  	v18 =	vsub.f32 $1.000000000e+00, v11;
	v17 =	vsub.f32 $1.000000000e+00, v12  }
0x2fa: {  	v16 =	vsub.f32 $1.000000000e+00, v13;
	v11 =	vsub.f32 $1.000000000e+00, v23;
	v12 =	vmul.f32 v24, v24;
	v25 =	vld.idx.msk [tilespmem:v7+s9+$0xFFFFFFE0 ss:$0x1], $0xffff  }
0x2fb: {  	v13 =	vadd.f32 $-5.000000000e+00, v14;
	v14 =	vadd.f32 $-6.000000000e+00, v14  }
0x2fc: {  	v11 =	vmax.f32 v11, $0.0e+00;
	v12 =	vsub.f32 $1.000000000e+00, v12  }
0x2fd: {  	v13 =	vmul.f32 v13, v13;
	v14 =	vmul.f32 v14, v14  }
0x2fe: {  	v21 =	vadd.f32 v22, v21  }
0x2ff: {  	v13 =	vsub.f32 $1.000000000e+00, v13;
	v14 =	vsub.f32 $1.000000000e+00, v14  }
0x300: {  	v21 =	vmul.f32 v21, v25;
	_ =	sdelay $0x1  }
0x301: {  	v23 =	vperm.xlane v21, v0;
	_ =	sdelay $0x1  }
0x302: {  	v21 =	vadd.f32 v21, v23;
	_ =	sdelay $0x1  }
0x303: {  	v23 =	vperm.xlane v21, v1;
	_ =	sdelay $0x1  }
0x304: {  	v21 =	vadd.f32 v21, v23;
	_ =	sdelay $0x1  }
0x305: {  	v23 =	vperm.xlane v21, v2;
	_ =	sdelay $0x1  }
0x306: {  	v21 =	vadd.f32 v21, v23;
	v24 =	vld.idx.msk [tilespmem:v5+s9+$0x0 ss:$0x1], $0xffff;
	_ =	sdelay $0x1  }
0x307: {  	v23 =	vperm.xlane v21, v3;
	_ =	sdelay $0x1  }
0x308: {  	v21 =	vadd.f32 v21, v23;
	_ =	sdelay $0x1  }
0x309: {  	v20 =	vcvt.s32.f32 v20;
	v21 =	vmul.f32 $2.500000000e-01, v21;
	v23 =	vadd.f32 v22, v24;
	_ =	sdelay $0x1  }
0x30a: {  	v22 =	vmax.f32 v21, $0.0e+00;
	v21 =	vsub.f32 $1.000000000e+00, v20  }
0x30b: {  	v23 =	vmul.f32 v22, v23;
	_ =	sdelay $0x1  }
0x30c: {  	v24 =	vmul.f32 v23, v21;
	v23 =	vmul.f32 v20, v23;
	_ =	sdelay $0x1  }
0x30d: {  	[tilespmem:v9+s9+$0xFFFFFF90 ss:$0x1] =	vst.idx.msk $0xffff, v24  }
0x30e: {  	[tilespmem:v9+s9+$0xFFFFFFD0 ss:$0x1] =	vst.idx.msk $0xffff, v23  }
0x30f: {  	v23 =	vld.idx.msk [tilespmem:v6+s9+$0xFFFFFFE0 ss:$0x1], $0xffff  }
0x310: {  	v24 =	vld.idx.msk [tilespmem:v5+s9+$0xFFFFFFD0 ss:$0x1], $0xffff;
	_ =	sdelay $0x1  }
0x311: {  	v25 =	vld.idx.msk [tilespmem:v7+s9+$0xFFFFFFF0 ss:$0x1], $0xffff;
	_ =	sdelay $0x3  }
0x312: {  	v24 =	vadd.f32 v23, v24;
	_ =	sdelay $0x1  }
0x313: {  	v24 =	vmul.f32 v24, v25;
	_ =	sdelay $0x1  }
0x314: {  	v25 =	vperm.xlane v24, v0;
	_ =	sdelay $0x1  }
0x315: {  	v24 =	vadd.f32 v24, v25;
	_ =	sdelay $0x1  }
0x316: {  	v25 =	vperm.xlane v24, v1;
	_ =	sdelay $0x1  }
0x317: {  	v24 =	vadd.f32 v24, v25;
	_ =	sdelay $0x1  }
0x318: {  	v26 =	vperm.xlane v24, v2;
	v25 =	vld.idx.msk [tilespmem:v5+s9+$0x10 ss:$0x1], $0xffff;
	_ =	sdelay $0x1  }
0x319: {  	v24 =	vadd.f32 v24, v26;
	_ =	sdelay $0x1  }
0x31a: {  	v26 =	vperm.xlane v24, v3;
	_ =	sdelay $0x1  }
0x31b: {  	v24 =	vadd.f32 v24, v26;
	v23 =	vadd.f32 v23, v25;
	_ =	sdelay $0x1  }
0x31c: {  	v24 =	vmul.f32 $2.500000000e-01, v24;
	_ =	sdelay $0x1  }
0x31d: {  	v24 =	vmax.f32 v24, $0.0e+00  }
0x31e: {  	v23 =	vmul.f32 v24, v23;
	_ =	sdelay $0x1  }
0x31f: {  	v25 =	vmul.f32 v23, v21;
	v23 =	vmul.f32 v20, v23;
	_ =	sdelay $0x1  }
0x320: {  	[tilespmem:v9+s9+$0xFFFFFFA0 ss:$0x1] =	vst.idx.msk $0xffff, v25  }
0x321: {  	[tilespmem:v9+s9+$0xFFFFFFE0 ss:$0x1] =	vst.idx.msk $0xffff, v23  }
0x322: {  	v23 =	vld.idx.msk [tilespmem:v6+s9+$0xFFFFFFF0 ss:$0x1], $0xffff  }
0x323: {  	v25 =	vld.idx.msk [tilespmem:v5+s9+$0xFFFFFFE0 ss:$0x1], $0xffff;
	_ =	sdelay $0x1  }
0x324: {  	v26 =	vld.idx.msk [tilespmem:v7+s9+$0x0 ss:$0x1], $0xffff;
	_ =	sdelay $0x3  }
0x325: {  	v25 =	vadd.f32 v23, v25;
	_ =	sdelay $0x1  }
0x326: {  	v25 =	vmul.f32 v25, v26;
	_ =	sdelay $0x1  }
0x327: {  	v26 =	vperm.xlane v25, v0;
	_ =	sdelay $0x1  }
0x328: {  	v25 =	vadd.f32 v25, v26;
	_ =	sdelay $0x1  }
0x329: {  	v26 =	vperm.xlane v25, v1;
	_ =	sdelay $0x1  }
0x32a: {  	v25 =	vadd.f32 v25, v26;
	v27 =	vld.idx.msk [tilespmem:v5+s9+$0x20 ss:$0x1], $0xffff;
	_ =	sdelay $0x1  }
0x32b: {  	v26 =	vperm.xlane v25, v2;
	_ =	sdelay $0x1  }
0x32c: {  	v25 =	vadd.f32 v25, v26;
	_ =	sdelay $0x1  }
0x32d: {  	v26 =	vperm.xlane v25, v3;
	v23 =	vadd.f32 v23, v27;
	_ =	sdelay $0x1  }
0x32e: {  	v25 =	vadd.f32 v25, v26;
	_ =	sdelay $0x1  }
0x32f: {  	v25 =	vmul.f32 $2.500000000e-01, v25;
	_ =	sdelay $0x1  }
0x330: {  	v25 =	vmax.f32 v25, $0.0e+00  }
0x331: {  	v23 =	vmul.f32 v25, v23;
	_ =	sdelay $0x1  }
0x332: {  	v26 =	vmul.f32 v23, v21;
	v23 =	vmul.f32 v20, v23;
	_ =	sdelay $0x1  }
0x333: {  	[tilespmem:v9+s9+$0xFFFFFFB0 ss:$0x1] =	vst.idx.msk $0xffff, v26  }
0x334: {  	[tilespmem:v9+s9+$0xFFFFFFF0 ss:$0x1] =	vst.idx.msk $0xffff, v23  }
0x335: {  	v23 =	vld.idx.msk [tilespmem:v6+s9+$0x0 ss:$0x1], $0xffff  }
0x336: {  	v26 =	vld.idx.msk [tilespmem:v5+s9+$0xFFFFFFF0 ss:$0x1], $0xffff;
	_ =	sdelay $0x1  }
0x337: {  	v27 =	vld.idx.msk [tilespmem:v7+s9+$0x10 ss:$0x1], $0xffff;
	_ =	sdelay $0x3  }
0x338: {  	v26 =	vadd.f32 v23, v26;
	_ =	sdelay $0x1  }
0x339: {  	v26 =	vmul.f32 v26, v27;
	_ =	sdelay $0x1  }
0x33a: {  	v27 =	vperm.xlane v26, v0;
	_ =	sdelay $0x1  }
0x33b: {  	v26 =	vadd.f32 v26, v27;
	_ =	sdelay $0x1  }
0x33c: {  	v28 =	vperm.xlane v26, v1;
	v27 =	vld.idx.msk [tilespmem:v5+s9+$0x30 ss:$0x1], $0xffff;
	_ =	sdelay $0x1  }
0x33d: {  	v26 =	vadd.f32 v26, v28;
	_ =	sdelay $0x1  }
0x33e: {  	v28 =	vperm.xlane v26, v2  }
0x33f: {  	v22 =	vnsel vm0, $0x0, v22  }
0x340: {  	v22 =	vsel vm1, v22, v24;
	v24 =	vadd.f32 v26, v28;
	v23 =	vadd.f32 v23, v27  }
0x341: {  	v22 =	vsel vm2, v22, v25  }
0x342: {  	v15 =	vsub.s32 v4, v15;
	v25 =	vperm.xlane v24, v3;
	_ =	sdelay $0x1  }
0x343: {  	v24 =	vadd.f32 v24, v25;
	v25 =	vmax.f32 v19, $0.0e+00;
	_ =	sdelay $0x1  }
0x344: {  	v19 =	vmul.f32 $2.500000000e-01, v24;
	_ =	sdelay $0x1  }
0x345: {  	v19 =	vmax.f32 v19, $0.0e+00  }
.Ltmp9:
0x346: {  	v22 =	vsel vm3, v22, v19;
	v23 =	vmul.f32 v19, v23;
	(pc) =	sbr.rel @p6 .LBB2_5-.Ltmp9, $4  }
0x347: {  	v19 =	vperm.xlane v22, v15;
	v22 =	vmax.f32 v18, $0.0e+00  }
0x348: {  	v17 =	vmax.f32 v17, $0.0e+00;
	v21 =	vmul.f32 v23, v21;
	v18 =	vmul.f32 v20, v23  }
0x349: {  	v23 =	vmax.f32 v16, $0.0e+00;
	v15 =	vmul.f32 v19, v25;
	v16 =	vmul.f32 v19, v17  }
0x34a: {  	s2 =	sadd.s32 $0x1, s2;
	v20 =	vmul.f32 v19, v22;
	v17 =	vmul.f32 v19, v23;
	[tilespmem:v9+s9+$0xFFFFFFC0 ss:$0x1] =	vst.idx.msk $0xffff, v21  }
0x34b: {  	_ =	sdelay $0x3  }
0x34c: {  	[tilespmem:v9+s9+$0x0 ss:$0x1] =	vst.idx.msk $0xffff, v18  }
0x34d: {  	[tilespmem:v10+s9+$0xFFFFFF90 ss:$0x1] =	vst.idx.msk $0xffff, v15  }
0x34e: {  	v5 =	vmul.f32 v19, v11;
	v6 =	vmax.f32 v12, $0.0e+00;
	s19 =	sadd.s32 $0x1, s19;
	[tilespmem:v10+s9+$0xFFFFFFA0 ss:$0x1] =	vst.idx.msk $0xffff, v20  }
0x34f: {  	v7 =	vmax.f32 v13, $0.0e+00;
	v6 =	vmul.f32 v19, v6;
	p0 =	sne.s32 s19, $0x5;
	[tilespmem:v10+s9+$0xFFFFFFB0 ss:$0x1] =	vst.idx.msk $0xffff, v17  }
.Ltmp10:
0x350: {  	v8 =	vmax.f32 v14, $0.0e+00;
	[tilespmem:v10+s9+$0xFFFFFFC0 ss:$0x1] =	vst.idx.msk $0xffff, v5;
	v5 =	vmul.f32 v19, v7;
	(pc) =	sbr.rel @p0 .LBB2_4-.Ltmp10, $4  }
0x351: {  	v7 =	vmul.f32 v19, v8;
	[tilespmem:v10+s9+$0xFFFFFFD0 ss:$0x1] =	vst.idx.msk $0xffff, v6  }
0x352: {  	[tilespmem:v10+s9+$0xFFFFFFE0 ss:$0x1] =	vst.idx.msk $0xffff, v5  }
0x353: {  	s21 =	sadd.s32 $0x800, s21;
	s20 =	sadd.s32 $0x800, s20;
	[tilespmem:v10+s9+$0xFFFFFFF0 ss:$0x1] =	vst.idx.msk $0xffff, v7  }
0x354: {  	s31 =	sadd.s32 $0x800, s31;
	s25 =	sadd.s32 $0x800, s25;
	s26 =	sadd.s32 $0x800, s26;
	[tilespmem:v10+s9+$0x0 ss:$0x1] =	vst.idx.msk $0xffff, v16  }
0x355: {  	[spmem:s18] =	stream.indirect.scatter.add.f32 [tilespmem:s17], [sflag:$0x7], $0x80, s16, s22, $0xb8;
	[tilespmem:$0x1E940] =	vst v63  }
0x356: {  	p6 =	seq.s32 s5, $0x7C  }
0x357: {  	s2 =	rddreg [dreg:$0x2];
	s1 =	smul.u32 @!p6 $0xA0, s5  }
0x358: {  	[spmem:s2] =	stream.indirect.scatter.add.f32 [tilespmem:s0], [sflag:$0x7], $0x80, s15, s22, $0xb8;
	[tilespmem:$0x1E940] =	vst v63  }
0x359: {  	s2 =	rddreg [dreg:$0xe]  }
0x35a: {  	s1 =	sadd.s32 @!p6 s1, s2  }
0x35b: {  	s2 =	sshrl.u32 @!p6 s1, $0x3  }
0x35c: {  	s10 =	simm.s32 @!p6 $0x0;
	s9 =	sadd.s32 @!p6 s6, s2  }
0x35d: {  	[tilespmem:s10], [sflag:$0x1] =	stream.linear.gather @!p6 [hbm4b:s9+s10], $0x50, $0x38;
	[tilespmem:$0x1E940] =	vst v63  }
0x35e: {  	s2 =	sadd.s32 @!p6 s7, s2;
	s9 =	simm.s32 @!p6 $0x80  }
0x35f: {  	[tilespmem:s9], [sflag:$0x1] =	stream.linear.gather @!p6 [hbm4b:s2+s10], $0x50, $0x38;
	[tilespmem:$0x1E940] =	vst v63  }
0x360: {  	s1 =	sshll.u32 @!p6 s1, $0x4;
	s2 =	rddreg [dreg:$0x5]  }
0x361: {  	s1 =	sadd.s32 @!p6 s2, s1;
	s2 =	simm.s32 @!p6 $0x5100  }
0x362: {  	[tilespmem:s2], [sflag:$0x3] =	stream.linear.gather @!p6 [hbm4b:s1+s10], $0x2800, $0x38;
	[tilespmem:$0x1E940] =	vst v63  }
0x363: {  	s1 =	simm.s32 @!p6 $0x1  }
0x364: {  	_ =	swait.ge @!p6 [sflag:s1], $0x50  }
0x365: {  	[sflag:s1] =	ssyncset.done @!p6 $0x0  }
0x366: {  	[sflag:s1] =	ssyncadd.s32 @!p6 $0xFFFFFFB0  }
0x367: {  	_ =	swait.ge @!p6 [sflag:s1], $0x50  }
0x368: {  	[sflag:s1] =	ssyncset.done @!p6 $0x0  }
0x369: {  	s2 =	simm.s32 @!p6 $0x100;
	[sflag:s1] =	ssyncadd.s32 @!p6 $0xFFFFFFB0;
	s1 =	simm.s32 @!p6 $0x50  }
0x36a: {  	[tilespmem:s2], [sflag:$0x2] =	stream.indirect.gather @!p6 [hbm4b:s8+s1], $0x80, s9, s1, $0xb8;
	[tilespmem:$0x1E940] =	vst v63  }
0x36b: {  	s2 =	simm.s32 @!p6 $0x2900  }
0x36c: {  	[tilespmem:s2], [sflag:$0x2] =	stream.indirect.gather @!p6 [hbm4b:s23+s1], $0x80, s10, s1, $0xb8;
	[tilespmem:$0x1E940] =	vst v63  }
0x36d: {  	_ =	swait.ge [sflag:s4], $0x2800  }
0x36e: {  	[sflag:s4] =	ssyncset.done $0x0  }
0x36f: {  	[sflag:s4] =	ssyncadd.s32 $0xFFFFD800  }
0x370: {  	_ =	swait.ge [sflag:s4], $0x2800  }
0x371: {  	[sflag:s4] =	ssyncset.done $0x0  }
0x372: {  	[sflag:s4] =	ssyncadd.s32 $0xFFFFD800  }
0x373: {  	_ =	swait.ge [sflag:s12], $0x2800  }
0x374: {  	[sflag:s12] =	ssyncset.done $0x0  }
0x375: {  	[sflag:s12] =	ssyncadd.s32 $0xFFFFD800  }
0x376: {  	_ =	swait.ge [sflag:s11], $0x2800  }
0x377: {  	[sflag:s11] =	ssyncset.done $0x0  }
0x378: {  	[sflag:s11] =	ssyncadd.s32 $0xFFFFD800  }
0x379: {  	_ =	swait.ge [sflag:s11], $0x2800  }
0x37a: {  	[sflag:s11] =	ssyncset.done $0x0  }
0x37b: {  	[sflag:s11] =	ssyncadd.s32 $0xFFFFD800  }
0x37c: {  	v5 =	vld [tilespmem:$0x7980];
	_ =	sdelay $0x1  }
0x37d: {  	v6 =	vld [tilespmem:$0x7990];
	_ =	sdelay $0x1  }
0x37e: {  	v7 =	vld [tilespmem:$0x79A0]  }
0x37f: {  	v8 =	vshrl.u32 v5, $0x1  }
0x380: {  	v63 =	vld [tilespmem:$0x79B0];
	v5 =	vshrl.u32 v5, $0x5;
	[tilespmem:$0xF200] =	vst v8  }
0x381: {  	[tilespmem:$0xF280] =	vst v5;
	v5 =	vshrl.u32 v6, $0x1  }
0x382: {  	[tilespmem:$0xF210] =	vst v5;
	v5 =	vshrl.u32 v6, $0x5;
	v6 =	vld [tilespmem:$0x79C0]  }
0x383: {  	[tilespmem:$0xF290] =	vst v5;
	v5 =	vshrl.u32 v7, $0x1  }
0x384: {  	[tilespmem:$0xF220] =	vst v5;
	v5 =	vshrl.u32 v7, $0x5  }
0x385: {  	[tilespmem:$0xF2A0] =	vst v5;
	v5 =	vshrl.u32 v63, $0x1  }
0x386: {  	[tilespmem:$0xF230] =	vst v5;
	v5 =	vshrl.u32 v63, $0x5  }
0x387: {  	s21 =	simm.s32 $0x0;
	[tilespmem:$0xF2B0] =	vst v5;
	v5 =	vshrl.u32 v6, $0x1  }
0x388: {  	s20 =	simm.s32 $0xA240;
	s31 =	simm.s32 $0xF370;
	s25 =	simm.s32 $0x11B70;
	[tilespmem:$0xF240] =	vst v5;
	v5 =	vshrl.u32 v6, $0x5  }
0x389: {  	s26 =	simm.s32 $0x7A20;
	s19 =	simm.s32 $0xCA30;
	s9 =	simm.s32 $0x0;
	[tilespmem:$0xF2C0] =	vst v5  }
.LBB2_8:
0x38a: {  	v5 =	vmov s20  }
0x38b: {  	v6 =	vmov s19;
	_ =	sdelay $0x1  }
0x38c: {  	v7 =	vmov s26  }
0x38d: {  	s10 =	simm.s32 $0x0  }
0x38e: {  	v8 =	vld.idx.msk [tilespmem:v5+s10+$0xFFFFFFC0 ss:$0x1], $0xffff  }
0x38f: {  	v9 =	vld.idx.msk [tilespmem:v6+s10+$0xFFFFFFD0 ss:$0x1], $0xffff;
	_ =	sdelay $0x1  }
0x390: {  	v10 =	vld.idx.msk [tilespmem:v7+s10+$0xFFFFFFE0 ss:$0x1], $0xffff;
	_ =	sdelay $0x2  }
0x391: {  	v8 =	vadd.f32 v9, v8;
	_ =	sdelay $0x1  }
0x392: {  	v8 =	vmul.f32 v8, v10;
	_ =	sdelay $0x1  }
0x393: {  	v10 =	vperm.xlane v8, v0;
	_ =	sdelay $0x1  }
0x394: {  	v8 =	vadd.f32 v8, v10;
	_ =	sdelay $0x1  }
0x395: {  	v10 =	vperm.xlane v8, v1;
	_ =	sdelay $0x1  }
0x396: {  	v10 =	vadd.f32 v8, v10;
	_ =	sdelay $0x1  }
0x397: {  	s1 =	sshll.u32 s9, $0x4;
	v11 =	vperm.xlane v10, v2  }
0x398: {  	v8 =	vld [tilespmem:s1+$0x7980]  }
0x399: {  	v10 =	vadd.f32 v10, v11;
	_ =	sdelay $0x1  }
0x39a: {  	v11 =	vld.idx.msk [tilespmem:v5+s10+$0x0 ss:$0x1], $0xffff;
	v12 =	vperm.xlane v10, v3  }
0x39b: {  	v13 =	vmov s21  }
0x39c: {  	v13 =	vperm.xlane v8, v13;
	v10 =	vadd.f32 v10, v12;
	_ =	sdelay $0x1  }
0x39d: {  	v12 =	vand.u32 $0x1, v13;
	v10 =	vmul.f32 $2.500000000e-01, v10  }
0x39e: {  	v14 =	vcvt.s32.f32 v12;
	v11 =	vadd.f32 v9, v11  }
0x39f: {  	v9 =	vmov s31;
	v15 =	vmax.f32 v10, $0.0e+00  }
0x3a0: {  	v16 =	vsub.f32 $1.000000000e+00, v14;
	v10 =	vmul.f32 v15, v11;
	_ =	sdelay $0x1  }
0x3a1: {  	v11 =	vmul.f32 v10, v16  }
0x3a2: {  	v10 =	vmul.f32 v14, v10  }
0x3a3: {  	[tilespmem:v9+s10+$0xFFFFFF90 ss:$0x1] =	vst.idx.msk $0xffff, v11  }
0x3a4: {  	[tilespmem:v9+s10+$0xFFFFFFD0 ss:$0x1] =	vst.idx.msk $0xffff, v10  }
0x3a5: {  	v10 =	vld.idx.msk [tilespmem:v6+s10+$0xFFFFFFE0 ss:$0x1], $0xffff  }
0x3a6: {  	v11 =	vld.idx.msk [tilespmem:v5+s10+$0xFFFFFFD0 ss:$0x1], $0xffff;
	_ =	sdelay $0x1  }
0x3a7: {  	v12 =	vld.idx.msk [tilespmem:v7+s10+$0xFFFFFFF0 ss:$0x1], $0xffff;
	_ =	sdelay $0x2  }
0x3a8: {  	v11 =	vadd.f32 v10, v11;
	_ =	sdelay $0x1  }
0x3a9: {  	v11 =	vmul.f32 v11, v12;
	_ =	sdelay $0x1  }
0x3aa: {  	v12 =	vperm.xlane v11, v0;
	_ =	sdelay $0x1  }
0x3ab: {  	v11 =	vadd.f32 v11, v12;
	_ =	sdelay $0x1  }
0x3ac: {  	v12 =	vperm.xlane v11, v1;
	_ =	sdelay $0x1  }
0x3ad: {  	v11 =	vadd.f32 v11, v12;
	_ =	sdelay $0x1  }
0x3ae: {  	v12 =	vperm.xlane v11, v2;
	_ =	sdelay $0x1  }
0x3af: {  	v11 =	vadd.f32 v11, v12;
	_ =	sdelay $0x1  }
0x3b0: {  	v12 =	vld.idx.msk [tilespmem:v5+s10+$0x10 ss:$0x1], $0xffff;
	v17 =	vperm.xlane v11, v3;
	_ =	sdelay $0x1  }
0x3b1: {  	v11 =	vadd.f32 v11, v17;
	_ =	sdelay $0x1  }
0x3b2: {  	v11 =	vmul.f32 $2.500000000e-01, v11  }
0x3b3: {  	v10 =	vadd.f32 v10, v12  }
0x3b4: {  	v17 =	vmax.f32 v11, $0.0e+00  }
0x3b5: {  	v10 =	vmul.f32 v17, v10;
	_ =	sdelay $0x1  }
0x3b6: {  	v11 =	vmul.f32 v10, v16  }
0x3b7: {  	v10 =	vmul.f32 v14, v10  }
0x3b8: {  	[tilespmem:v9+s10+$0xFFFFFFA0 ss:$0x1] =	vst.idx.msk $0xffff, v11  }
0x3b9: {  	[tilespmem:v9+s10+$0xFFFFFFE0 ss:$0x1] =	vst.idx.msk $0xffff, v10  }
0x3ba: {  	v10 =	vld.idx.msk [tilespmem:v6+s10+$0xFFFFFFF0 ss:$0x1], $0xffff  }
0x3bb: {  	v11 =	vld.idx.msk [tilespmem:v5+s10+$0xFFFFFFE0 ss:$0x1], $0xffff;
	_ =	sdelay $0x1  }
0x3bc: {  	v12 =	vld.idx.msk [tilespmem:v7+s10+$0x0 ss:$0x1], $0xffff;
	_ =	sdelay $0x2  }
0x3bd: {  	v11 =	vadd.f32 v10, v11;
	_ =	sdelay $0x1  }
0x3be: {  	v11 =	vmul.f32 v11, v12;
	_ =	sdelay $0x1  }
0x3bf: {  	v12 =	vperm.xlane v11, v0;
	_ =	sdelay $0x1  }
0x3c0: {  	v11 =	vadd.f32 v11, v12;
	_ =	sdelay $0x1  }
0x3c1: {  	v12 =	vperm.xlane v11, v1;
	_ =	sdelay $0x1  }
0x3c2: {  	v11 =	vadd.f32 v11, v12;
	_ =	sdelay $0x1  }
0x3c3: {  	v12 =	vperm.xlane v11, v2;
	_ =	sdelay $0x1  }
0x3c4: {  	v11 =	vadd.f32 v11, v12;
	_ =	sdelay $0x1  }
0x3c5: {  	v12 =	vld.idx.msk [tilespmem:v5+s10+$0x20 ss:$0x1], $0xffff;
	v18 =	vperm.xlane v11, v3;
	_ =	sdelay $0x1  }
0x3c6: {  	v11 =	vadd.f32 v11, v18;
	_ =	sdelay $0x1  }
0x3c7: {  	v11 =	vmul.f32 $2.500000000e-01, v11  }
0x3c8: {  	v10 =	vadd.f32 v10, v12  }
0x3c9: {  	v18 =	vmax.f32 v11, $0.0e+00  }
0x3ca: {  	v10 =	vmul.f32 v18, v10;
	_ =	sdelay $0x1  }
0x3cb: {  	v11 =	vmul.f32 v10, v16  }
0x3cc: {  	v10 =	vmul.f32 v14, v10  }
0x3cd: {  	[tilespmem:v9+s10+$0xFFFFFFB0 ss:$0x1] =	vst.idx.msk $0xffff, v11  }
0x3ce: {  	[tilespmem:v9+s10+$0xFFFFFFF0 ss:$0x1] =	vst.idx.msk $0xffff, v10  }
0x3cf: {  	v19 =	vld.idx.msk [tilespmem:v6+s10+$0x0 ss:$0x1], $0xffff  }
0x3d0: {  	v10 =	vld.idx.msk [tilespmem:v5+s10+$0xFFFFFFF0 ss:$0x1], $0xffff;
	_ =	sdelay $0x1  }
0x3d1: {  	v11 =	vld.idx.msk [tilespmem:v7+s10+$0x10 ss:$0x1], $0xffff;
	_ =	sdelay $0x2  }
0x3d2: {  	v10 =	vadd.f32 v19, v10;
	_ =	sdelay $0x1  }
0x3d3: {  	v10 =	vmul.f32 v10, v11;
	_ =	sdelay $0x1  }
0x3d4: {  	v11 =	vperm.xlane v10, v0;
	_ =	sdelay $0x1  }
0x3d5: {  	v10 =	vadd.f32 v10, v11;
	_ =	sdelay $0x1  }
0x3d6: {  	v26 =	vld.idx.msk [tilespmem:v5+s10+$0x30 ss:$0x1], $0xffff;
	v12 =	vperm.xlane v10, v1  }
0x3d7: {  	v11 =	vshrl.u32 v13, $0x2  }
0x3d8: {  	v15 =	vnsel vm0, $0x0, v15;
	v11 =	vand.u32 $0x7, v11;
	v12 =	vadd.f32 v10, v12  }
0x3d9: {  	v15 =	vsel vm1, v15, v17;
	v11 =	vcvt.s32.f32 v11  }
0x3da: {  	v28 =	vshll.u32 v13, $0x2;
	v15 =	vsel vm2, v15, v18;
	v24 =	vperm.xlane v12, v2  }
0x3db: {  	v17 =	vadd.f32 v19, v26;
	v19 =	vsub.s32 v4, v28;
	v21 =	vadd.f32 $-1.000000000e+00, v11  }
0x3dc: {  	v20 =	vmul.f32 v11, v11;
	v22 =	vadd.f32 $-7.000000000e+00, v11;
	v12 =	vadd.f32 v12, v24  }
0x3dd: {  	v23 =	vadd.f32 $-2.000000000e+00, v11;
	v10 =	vmov s25;
	v25 =	vadd.f32 $-3.000000000e+00, v11  }
0x3de: {  	v60 =	vadd.f32 $-4.000000000e+00, v11;
	v13 =	vadd.f32 $-5.000000000e+00, v11;
	v27 =	vperm.xlane v12, v3  }
0x3df: {  	v29 =	vadd.f32 $-6.000000000e+00, v11;
	v21 =	vmul.f32 v21, v21;
	v22 =	vmul.f32 v22, v22  }
0x3e0: {  	v23 =	vmul.f32 v23, v23;
	v59 =	vmul.f32 v25, v25;
	v27 =	vadd.f32 v12, v27  }
0x3e1: {  	v20 =	vsub.f32 $1.000000000e+00, v20;
	v25 =	vmul.f32 v60, v60;
	v13 =	vmul.f32 v13, v13  }
0x3e2: {  	v21 =	vsub.f32 $1.000000000e+00, v21;
	v22 =	vsub.f32 $1.000000000e+00, v22;
	v61 =	vmul.f32 $2.500000000e-01, v27  }
0x3e3: {  	v62 =	vmul.f32 v29, v29;
	v23 =	vsub.f32 $1.000000000e+00, v23;
	v24 =	vsub.f32 $1.000000000e+00, v59  }
0x3e4: {  	v13 =	vsub.f32 $1.000000000e+00, v13;
	v20 =	vmax.f32 v20, $0.0e+00;
	v18 =	vmax.f32 v61, $0.0e+00  }
0x3e5: {  	v11 =	vmax.f32 v24, $0.0e+00;
	v15 =	vsel vm3, v15, v18;
	v17 =	vmul.f32 v18, v17  }
0x3e6: {  	v21 =	vmax.f32 v21, $0.0e+00;
	v12 =	vsub.f32 $1.000000000e+00, v25;
	v19 =	vperm.xlane v15, v19  }
0x3e7: {  	v63 =	vmul.f32 v17, v16;
	v18 =	vmul.f32 v14, v17;
	v14 =	vmax.f32 v22, $0.0e+00  }
0x3e8: {  	v17 =	vmax.f32 v23, $0.0e+00;
	v15 =	vmul.f32 v19, v20;
	v16 =	vmul.f32 v19, v14  }
0x3e9: {  	s2 =	simm.s32 $0x200;
	s1 =	simm.s32 $0x1;
	v14 =	vsub.f32 $1.000000000e+00, v62;
	v20 =	vmul.f32 v19, v21;
	v17 =	vmul.f32 v19, v17;
	[tilespmem:v9+s10+$0xFFFFFFC0 ss:$0x1] =	vst.idx.msk $0xffff, v63  }
.LBB2_9:
0x3ea: {  	v21 =	vmov s1;
	p0 =	sne.s32 s2, $0x1E00;
	[tilespmem:v9+s10+$0x0 ss:$0x1] =	vst.idx.msk $0xffff, v18;
	s18 =	smov.u32 s2;
	s2 =	sadd.s32 $0x200, s2  }
0x3eb: {  	v11 =	vmul.f32 v19, v11;
	v12 =	vmax.f32 v12, $0.0e+00;
	v18 =	vperm.xlane v8, v21;
	[tilespmem:v10+s10+$0xFFFFFF90 ss:$0x1] =	vst.idx.msk $0xffff, v15  }
0x3ec: {  	v13 =	vmax.f32 v13, $0.0e+00;
	v14 =	vmax.f32 v14, $0.0e+00;
	v12 =	vmul.f32 v19, v12;
	[tilespmem:v10+s10+$0xFFFFFFA0 ss:$0x1] =	vst.idx.msk $0xffff, v20  }
0x3ed: {  	v20 =	vand.u32 $0x1, v18;
	v15 =	vshll.u32 v18, $0x2;
	v18 =	vshrl.u32 v18, $0x2;
	[tilespmem:v10+s10+$0xFFFFFFB0 ss:$0x1] =	vst.idx.msk $0xffff, v17  }
0x3ee: {  	v17 =	vand.u32 $0x7, v18;
	[tilespmem:v10+s10+$0xFFFFFFC0 ss:$0x1] =	vst.idx.msk $0xffff, v11;
	v11 =	vmul.f32 v19, v13;
	v13 =	vmul.f32 v19, v14  }
0x3ef: {  	v14 =	vcvt.s32.f32 v17;
	[tilespmem:v10+s10+$0xFFFFFFD0 ss:$0x1] =	vst.idx.msk $0xffff, v12  }
0x3f0: {  	[tilespmem:v10+s10+$0xFFFFFFE0 ss:$0x1] =	vst.idx.msk $0xffff, v11  }
0x3f1: {  	v11 =	vmul.f32 v14, v14;
	v12 =	vadd.f32 $-1.000000000e+00, v14;
	v17 =	vadd.f32 $-7.000000000e+00, v14;
	[tilespmem:v10+s10+$0xFFFFFFF0 ss:$0x1] =	vst.idx.msk $0xffff, v13  }
0x3f2: {  	v13 =	vadd.f32 $-2.000000000e+00, v14;
	v18 =	vadd.f32 $-3.000000000e+00, v14;
	[tilespmem:v10+s10+$0x0 ss:$0x1] =	vst.idx.msk $0xffff, v16;
	s10 =	sshra.s32 s18, $0x2  }
0x3f3: {  	v21 =	vld.idx.msk [tilespmem:v5+s10+$0xFFFFFFC0 ss:$0x1], $0xffff;
	v19 =	vsub.f32 $1.000000000e+00, v11;
	v11 =	vmul.f32 v12, v12;
	v12 =	vmul.f32 v17, v17  }
0x3f4: {  	v24 =	vadd.f32 $-4.000000000e+00, v14;
	v13 =	vmul.f32 v13, v13;
	v23 =	vmul.f32 v18, v18;
	v22 =	vld.idx.msk [tilespmem:v6+s10+$0xFFFFFFD0 ss:$0x1], $0xffff  }
0x3f5: {  	v18 =	vsub.f32 $1.000000000e+00, v11;
	v17 =	vsub.f32 $1.000000000e+00, v12  }
0x3f6: {  	v16 =	vsub.f32 $1.000000000e+00, v13;
	v11 =	vsub.f32 $1.000000000e+00, v23;
	v12 =	vmul.f32 v24, v24;
	v25 =	vld.idx.msk [tilespmem:v7+s10+$0xFFFFFFE0 ss:$0x1], $0xffff  }
0x3f7: {  	v13 =	vadd.f32 $-5.000000000e+00, v14;
	v14 =	vadd.f32 $-6.000000000e+00, v14  }
0x3f8: {  	v11 =	vmax.f32 v11, $0.0e+00;
	v12 =	vsub.f32 $1.000000000e+00, v12  }
0x3f9: {  	v13 =	vmul.f32 v13, v13;
	v14 =	vmul.f32 v14, v14  }
0x3fa: {  	v21 =	vadd.f32 v22, v21  }
0x3fb: {  	v13 =	vsub.f32 $1.000000000e+00, v13;
	v14 =	vsub.f32 $1.000000000e+00, v14  }
0x3fc: {  	v21 =	vmul.f32 v21, v25;
	_ =	sdelay $0x1  }
0x3fd: {  	v23 =	vperm.xlane v21, v0;
	_ =	sdelay $0x1  }
0x3fe: {  	v21 =	vadd.f32 v21, v23;
	_ =	sdelay $0x1  }
0x3ff: {  	v23 =	vperm.xlane v21, v1;
	_ =	sdelay $0x1  }
0x400: {  	v21 =	vadd.f32 v21, v23;
	_ =	sdelay $0x1  }
0x401: {  	v23 =	vperm.xlane v21, v2;
	_ =	sdelay $0x1  }
0x402: {  	v21 =	vadd.f32 v21, v23;
	v24 =	vld.idx.msk [tilespmem:v5+s10+$0x0 ss:$0x1], $0xffff;
	_ =	sdelay $0x1  }
0x403: {  	v23 =	vperm.xlane v21, v3;
	_ =	sdelay $0x1  }
0x404: {  	v21 =	vadd.f32 v21, v23;
	_ =	sdelay $0x1  }
0x405: {  	v20 =	vcvt.s32.f32 v20;
	v21 =	vmul.f32 $2.500000000e-01, v21;
	v23 =	vadd.f32 v22, v24;
	_ =	sdelay $0x1  }
0x406: {  	v22 =	vmax.f32 v21, $0.0e+00;
	v21 =	vsub.f32 $1.000000000e+00, v20  }
0x407: {  	v23 =	vmul.f32 v22, v23;
	_ =	sdelay $0x1  }
0x408: {  	v24 =	vmul.f32 v23, v21;
	v23 =	vmul.f32 v20, v23;
	_ =	sdelay $0x1  }
0x409: {  	[tilespmem:v9+s10+$0xFFFFFF90 ss:$0x1] =	vst.idx.msk $0xffff, v24  }
0x40a: {  	[tilespmem:v9+s10+$0xFFFFFFD0 ss:$0x1] =	vst.idx.msk $0xffff, v23  }
0x40b: {  	v23 =	vld.idx.msk [tilespmem:v6+s10+$0xFFFFFFE0 ss:$0x1], $0xffff  }
0x40c: {  	v24 =	vld.idx.msk [tilespmem:v5+s10+$0xFFFFFFD0 ss:$0x1], $0xffff;
	_ =	sdelay $0x1  }
0x40d: {  	v25 =	vld.idx.msk [tilespmem:v7+s10+$0xFFFFFFF0 ss:$0x1], $0xffff;
	_ =	sdelay $0x3  }
0x40e: {  	v24 =	vadd.f32 v23, v24;
	_ =	sdelay $0x1  }
0x40f: {  	v24 =	vmul.f32 v24, v25;
	_ =	sdelay $0x1  }
0x410: {  	v25 =	vperm.xlane v24, v0;
	_ =	sdelay $0x1  }
0x411: {  	v24 =	vadd.f32 v24, v25;
	_ =	sdelay $0x1  }
0x412: {  	v25 =	vperm.xlane v24, v1;
	_ =	sdelay $0x1  }
0x413: {  	v24 =	vadd.f32 v24, v25;
	_ =	sdelay $0x1  }
0x414: {  	v26 =	vperm.xlane v24, v2;
	v25 =	vld.idx.msk [tilespmem:v5+s10+$0x10 ss:$0x1], $0xffff;
	_ =	sdelay $0x1  }
0x415: {  	v24 =	vadd.f32 v24, v26;
	_ =	sdelay $0x1  }
0x416: {  	v26 =	vperm.xlane v24, v3;
	_ =	sdelay $0x1  }
0x417: {  	v24 =	vadd.f32 v24, v26;
	v23 =	vadd.f32 v23, v25;
	_ =	sdelay $0x1  }
0x418: {  	v24 =	vmul.f32 $2.500000000e-01, v24;
	_ =	sdelay $0x1  }
0x419: {  	v24 =	vmax.f32 v24, $0.0e+00  }
0x41a: {  	v23 =	vmul.f32 v24, v23;
	_ =	sdelay $0x1  }
0x41b: {  	v25 =	vmul.f32 v23, v21;
	v23 =	vmul.f32 v20, v23;
	_ =	sdelay $0x1  }
0x41c: {  	[tilespmem:v9+s10+$0xFFFFFFA0 ss:$0x1] =	vst.idx.msk $0xffff, v25  }
0x41d: {  	[tilespmem:v9+s10+$0xFFFFFFE0 ss:$0x1] =	vst.idx.msk $0xffff, v23  }
0x41e: {  	v23 =	vld.idx.msk [tilespmem:v6+s10+$0xFFFFFFF0 ss:$0x1], $0xffff  }
0x41f: {  	v25 =	vld.idx.msk [tilespmem:v5+s10+$0xFFFFFFE0 ss:$0x1], $0xffff;
	_ =	sdelay $0x1  }
0x420: {  	v26 =	vld.idx.msk [tilespmem:v7+s10+$0x0 ss:$0x1], $0xffff;
	_ =	sdelay $0x3  }
0x421: {  	v25 =	vadd.f32 v23, v25;
	_ =	sdelay $0x1  }
0x422: {  	v25 =	vmul.f32 v25, v26;
	_ =	sdelay $0x1  }
0x423: {  	v26 =	vperm.xlane v25, v0;
	_ =	sdelay $0x1  }
0x424: {  	v25 =	vadd.f32 v25, v26;
	_ =	sdelay $0x1  }
0x425: {  	v26 =	vperm.xlane v25, v1;
	_ =	sdelay $0x1  }
0x426: {  	v25 =	vadd.f32 v25, v26;
	v27 =	vld.idx.msk [tilespmem:v5+s10+$0x20 ss:$0x1], $0xffff;
	_ =	sdelay $0x1  }
0x427: {  	v26 =	vperm.xlane v25, v2;
	_ =	sdelay $0x1  }
0x428: {  	v25 =	vadd.f32 v25, v26;
	_ =	sdelay $0x1  }
0x429: {  	v26 =	vperm.xlane v25, v3;
	v23 =	vadd.f32 v23, v27;
	_ =	sdelay $0x1  }
0x42a: {  	v25 =	vadd.f32 v25, v26;
	_ =	sdelay $0x1  }
0x42b: {  	v25 =	vmul.f32 $2.500000000e-01, v25;
	_ =	sdelay $0x1  }
0x42c: {  	v25 =	vmax.f32 v25, $0.0e+00  }
0x42d: {  	v23 =	vmul.f32 v25, v23;
	_ =	sdelay $0x1  }
0x42e: {  	v26 =	vmul.f32 v23, v21;
	v23 =	vmul.f32 v20, v23;
	_ =	sdelay $0x1  }
0x42f: {  	[tilespmem:v9+s10+$0xFFFFFFB0 ss:$0x1] =	vst.idx.msk $0xffff, v26  }
0x430: {  	[tilespmem:v9+s10+$0xFFFFFFF0 ss:$0x1] =	vst.idx.msk $0xffff, v23  }
0x431: {  	v23 =	vld.idx.msk [tilespmem:v6+s10+$0x0 ss:$0x1], $0xffff  }
0x432: {  	v26 =	vld.idx.msk [tilespmem:v5+s10+$0xFFFFFFF0 ss:$0x1], $0xffff;
	_ =	sdelay $0x1  }
0x433: {  	v27 =	vld.idx.msk [tilespmem:v7+s10+$0x10 ss:$0x1], $0xffff;
	_ =	sdelay $0x3  }
0x434: {  	v26 =	vadd.f32 v23, v26;
	_ =	sdelay $0x1  }
0x435: {  	v26 =	vmul.f32 v26, v27;
	_ =	sdelay $0x1  }
0x436: {  	v27 =	vperm.xlane v26, v0;
	_ =	sdelay $0x1  }
0x437: {  	v26 =	vadd.f32 v26, v27;
	_ =	sdelay $0x1  }
0x438: {  	v28 =	vperm.xlane v26, v1;
	v27 =	vld.idx.msk [tilespmem:v5+s10+$0x30 ss:$0x1], $0xffff;
	_ =	sdelay $0x1  }
0x439: {  	v26 =	vadd.f32 v26, v28;
	_ =	sdelay $0x1  }
0x43a: {  	v28 =	vperm.xlane v26, v2  }
0x43b: {  	v22 =	vnsel vm0, $0x0, v22  }
0x43c: {  	v22 =	vsel vm1, v22, v24;
	v24 =	vadd.f32 v26, v28;
	v23 =	vadd.f32 v23, v27  }
0x43d: {  	v22 =	vsel vm2, v22, v25  }
0x43e: {  	v15 =	vsub.s32 v4, v15;
	v25 =	vperm.xlane v24, v3;
	_ =	sdelay $0x1  }
0x43f: {  	v24 =	vadd.f32 v24, v25;
	v25 =	vmax.f32 v19, $0.0e+00;
	_ =	sdelay $0x1  }
0x440: {  	v19 =	vmul.f32 $2.500000000e-01, v24;
	_ =	sdelay $0x1  }
0x441: {  	v19 =	vmax.f32 v19, $0.0e+00  }
.Ltmp11:
0x442: {  	v22 =	vsel vm3, v22, v19;
	v23 =	vmul.f32 v19, v23;
	(pc) =	sbr.rel @p0 .LBB2_9-.Ltmp11, $4  }
0x443: {  	v19 =	vperm.xlane v22, v15;
	v22 =	vmax.f32 v18, $0.0e+00  }
0x444: {  	v17 =	vmax.f32 v17, $0.0e+00;
	v21 =	vmul.f32 v23, v21;
	v18 =	vmul.f32 v20, v23  }
0x445: {  	v23 =	vmax.f32 v16, $0.0e+00;
	v15 =	vmul.f32 v19, v25;
	v16 =	vmul.f32 v19, v17  }
0x446: {  	s1 =	sadd.s32 $0x1, s1;
	v20 =	vmul.f32 v19, v22;
	v17 =	vmul.f32 v19, v23;
	[tilespmem:v9+s10+$0xFFFFFFC0 ss:$0x1] =	vst.idx.msk $0xffff, v21  }
0x447: {  	_ =	sdelay $0x3  }
0x448: {  	[tilespmem:v9+s10+$0x0 ss:$0x1] =	vst.idx.msk $0xffff, v18  }
0x449: {  	[tilespmem:v10+s10+$0xFFFFFF90 ss:$0x1] =	vst.idx.msk $0xffff, v15  }
0x44a: {  	v5 =	vmul.f32 v19, v11;
	v6 =	vmax.f32 v12, $0.0e+00;
	s9 =	sadd.s32 $0x1, s9;
	[tilespmem:v10+s10+$0xFFFFFFA0 ss:$0x1] =	vst.idx.msk $0xffff, v20  }
0x44b: {  	v7 =	vmax.f32 v13, $0.0e+00;
	v6 =	vmul.f32 v19, v6;
	p0 =	sne.s32 s9, $0x5;
	[tilespmem:v10+s10+$0xFFFFFFB0 ss:$0x1] =	vst.idx.msk $0xffff, v17  }
.Ltmp12:
0x44c: {  	v8 =	vmax.f32 v14, $0.0e+00;
	[tilespmem:v10+s10+$0xFFFFFFC0 ss:$0x1] =	vst.idx.msk $0xffff, v5;
	v5 =	vmul.f32 v19, v7;
	(pc) =	sbr.rel @p0 .LBB2_8-.Ltmp12, $4  }
0x44d: {  	v7 =	vmul.f32 v19, v8;
	[tilespmem:v10+s10+$0xFFFFFFD0 ss:$0x1] =	vst.idx.msk $0xffff, v6  }
0x44e: {  	[tilespmem:v10+s10+$0xFFFFFFE0 ss:$0x1] =	vst.idx.msk $0xffff, v5  }
0x44f: {  	s20 =	sadd.s32 $0x800, s20;
	s31 =	sadd.s32 $0x800, s31;
	[tilespmem:v10+s10+$0xFFFFFFF0 ss:$0x1] =	vst.idx.msk $0xffff, v7  }
0x450: {  	s25 =	sadd.s32 $0x800, s25;
	s26 =	sadd.s32 $0x800, s26;
	s19 =	sadd.s32 $0x800, s19;
	[tilespmem:v10+s10+$0x0 ss:$0x1] =	vst.idx.msk $0xffff, v16  }
.Ltmp13:
0x451: {  	(pc) =	sbr.rel @p6 .LBB2_13-.Ltmp13, $4  }
0x452: {  	s18 =	rddreg [dreg:$0x1]  }
0x453: {  	[spmem:s18] =	stream.indirect.scatter.add.f32 [tilespmem:s17], [sflag:$0x7], $0x80, s16, s22, $0xb8;
	[tilespmem:$0x1E940] =	vst v63  }
0x454: {  	s1 =	rddreg [dreg:$0x2]  }
0x455: {  	[spmem:s1] =	stream.indirect.scatter.add.f32 [tilespmem:s0], [sflag:$0x7], $0x80, s15, s22, $0xb8;
	[tilespmem:$0x1E940] =	vst v63  }
0x456: {  	s1 =	smul.u32 $0xA0, s5  }
0x457: {  	s2 =	rddreg [dreg:$0xf]  }
0x458: {  	s1 =	sadd.s32 s1, s2  }
0x459: {  	s2 =	sshrl.u32 s1, $0x3  }
0x45a: {  	s9 =	sadd.s32 s6, s2  }
0x45b: {  	[tilespmem:s28], [sflag:$0x4] =	stream.linear.gather [hbm4b:s9+s3], $0x50, $0x38;
	[tilespmem:$0x1E940] =	vst v63  }
.Ltmp14:
0x45c: {  	_ = 	snop;
	(pc) =	sbr.rel .LBB2_3-.Ltmp14, $4  }
0x45d: {  	s26 =	rddreg [dreg:$0x5];
	s1 =	sshll.u32 s1, $0x4;
	s2 =	sadd.s32 s7, s2  }
0x45e: {  	[tilespmem:s30], [sflag:$0x4] =	stream.linear.gather [hbm4b:s2+s3], $0x50, $0x38;
	[tilespmem:$0x1E940] =	vst v63  }
0x45f: {  	s31 =	simm.s32 $0xCA00;
	s5 =	sadd.s32 $0x1, s5;
	s1 =	sadd.s32 s26, s1  }
0x460: {  	[tilespmem:s31], [sflag:$0x6] =	stream.linear.gather [hbm4b:s1+s3], $0x2800, $0x38;
	[tilespmem:$0x1E940] =	vst v63  }
.LBB2_25:
0x461: {  	_ =	swait.ge [sflag:s11], $0x2800  }
0x462: {  	[sflag:s11] =	ssyncset.done $0x0  }
0x463: {  	[sflag:s11] =	ssyncadd.s32 $0xFFFFD800  }
0x464: {  	_ =	swait.ge [sflag:s11], $0x2800  }
0x465: {  	[sflag:s11] =	ssyncset.done $0x0  }
0x466: {  	[sflag:s11] =	ssyncadd.s32 $0xFFFFD800  }
0x467: {  	[bflag:$0x0] =	sbarrier.arrive $0xFFFF  }
0x468: {  	s1 =	rddreg [dreg:$0x1a]  }
0x469: {  	s2 =	simm.s32 @p4 $0x1FC8;
	s5 =	rddreg [dreg:$0x18];
	s1 =	sshrl.u32 @p4 s1, $0x3  }
0x46a: {  	[hbm:s5], [sflag:s2] =	dma.local @p4 [spmem:s1], $0xC80  }
0x46b: {  	s1 =	simm.s32 @p4 $0x8  }
0x46c: {  	s19 =	stileid.u32;
	_ =	swait.ge @p4 [sflag:s1], $0xC80  }
0x46d: {  	s2 =	sshll.u32 @!p4 s19, $0x6;
	[sflag:s1] =	ssyncset.done @p4 $0x0  }
0x46e: {  	[sflag:s1] =	ssyncadd.s32 @p4 $0xFFFFF380;
	s1 =	sor.u32 @!p4 $0x1C08, s2;
	s2 =	rddreg [dreg:$0x7]  }
0x46f: {  	s5 =	rddreg [dreg:$0x12];
	s2 =	sshrl.u32 @!p4 s2, $0x3  }
0x470: {  	[hbm:s5], [sflag:s1] =	dma.local @!p4 [spmem:s2], $0x1400  }
.Ltmp15:
0x471: {  	_ = 	snop;
	(pc) =	sbr.rel @!p5 .LBB2_27-.Ltmp15, $4  }
.Ltmp16:
0x472: {  	s1 =	simm.s32 @!p4 $0x8;
	(pc) =	sbr.rel @p5 .LBB2_26-.Ltmp16, $4  }
0x473: {  	_ =	swait.ge @!p4 [sflag:s1], $0x1400  }
0x474: {  	[sflag:s1] =	ssyncset.done @!p4 $0x0;
	s10 =	rddreg [dreg:$0x1c]  }
0x475: {  	s9 =	simm.s32 $0x80;
	[sflag:s1] =	ssyncadd.s32 @!p4 $0xFFFFEC00;
	s1 =	rddreg [dreg:$0x14]  }
0x476: {  	_ = 	snop  }
.LBB2_13:
0x477: {  	_ =	swait.ge [sflag:s11], $0x2800  }
0x478: {  	[sflag:s11] =	ssyncset.done $0x0  }
0x479: {  	[sflag:s11] =	ssyncadd.s32 $0xFFFFD800  }
0x47a: {  	_ =	swait.ge [sflag:s11], $0x2800  }
0x47b: {  	[sflag:s11] =	ssyncset.done $0x0  }
0x47c: {  	[sflag:s11] =	ssyncadd.s32 $0xFFFFD800  }
0x47d: {  	[bflag:$0x0] =	sbarrier.arrive $0xFFFF  }
0x47e: {  	s1 =	rddreg @p4 [dreg:$0x1a]  }
0x47f: {  	s5 =	simm.s32 @p4 $0x1FC8;
	s2 =	rddreg @p4 [dreg:$0x16];
	s1 =	sshrl.u32 @p4 s1, $0x3  }
0x480: {  	[hbm:s2], [sflag:s5] =	dma.local @p4 [spmem:s1], $0xC80  }
0x481: {  	s1 =	simm.s32 @p4 $0x8  }
0x482: {  	_ =	swait.ge @p4 [sflag:s1], $0xC80  }
0x483: {  	s19 =	stileid.u32 @p4;
	[sflag:s1] =	ssyncset.done @p4 $0x0  }
0x484: {  	s19 =	stileid.u32 @!p4;
	[sflag:s1] =	ssyncadd.s32 @p4 $0xFFFFF380;
	s1 =	rddreg @p4 [dreg:$0x13]  }
0x485: {  	s2 =	rddreg @!p4 [dreg:$0x7];
	s1 =	sshll.u32 @!p4 s19, $0x6  }
0x486: {  	s5 =	rddreg @!p4 [dreg:$0x10];
	s2 =	sshrl.u32 @!p4 s2, $0x3;
	s1 =	sor.u32 @!p4 $0x1C08, s1  }
0x487: {  	[hbm:s5], [sflag:s1] =	dma.local @!p4 [spmem:s2], $0x1400  }
.Ltmp17:
0x488: {  	_ = 	snop;
	(pc) =	sbr.rel @p5 .LBB2_26-.Ltmp17, $4  }
.Ltmp18:
0x489: {  	s1 =	simm.s32 @!p4 $0x8;
	(pc) =	sbr.rel @!p5 .LBB2_27-.Ltmp18, $4  }
0x48a: {  	_ =	swait.ge @!p4 [sflag:s1], $0x1400  }
0x48b: {  	[sflag:s1] =	ssyncset.done @!p4 $0x0;
	s10 =	rddreg [dreg:$0x1c]  }
0x48c: {  	s9 =	simm.s32 $0x80;
	[sflag:s1] =	ssyncadd.s32 @!p4 $0xFFFFEC00;
	s1 =	rddreg @!p4 [dreg:$0x13]  }
0x48d: {  	_ = 	snop  }
.LBB2_28:
0x48e: {  	_ =	sfence.sel $0x180000  }
0x48f: {  	[bflag:$0x0] =	sbarrier.arrive $0xFFFF  }
0x490: {  	_ =	strace $0x90000047  }
0x491: {  	[bflag:$0x2] =	sbarrier.arrive $0xFFFF  }
0x492: {  	p0 =	sne.s32 s19, $0x0;
	s0 =	rddreg [dreg:$0x3]  }
0x493: {  	s0 =	sadd.s32 @!p0 $0x100000, s0  }
0x494: {  	[sflag:s0] =	ssyncadd.tile.s32 @!p0 $0x1;
	_ =	shalt  }
.Lfunc_end2:
_tile_overlayer_lowered:
.L_overlay_start_2:
0x495: {  	(tag) =	ssettag $0x2  }
0x496: {  	s0 =	rddreg [dreg:$0x0];
	s2 =	stileid.u32  }
0x497: {  	s1 =	rddreg [dreg:$0x1];
	p0 =	sne.s32 s2, $0x0  }
0x498: {  	s3 =	rddreg [dreg:$0x2];
	[bflag:$0x3] =	sbarrier.arrive $0xFFFF;
	s2 =	simm.s32 @!p0 $0x1C08  }
0x499: {  	[timem:s3], [sflag:s2] =	dma.local @!p0 [hbm:s0], s1  }
0x49a: {  	s0 =	simm.s32 @!p0 $0x8  }
0x49b: {  	_ =	swait.ge @!p0 [sflag:s0], s1  }
0x49c: {  	s1 =	ssub.s32 @!p0 $0x0, s1;
	[sflag:s0] =	ssyncset.done @!p0 $0x0  }
0x49d: {  	[sflag:s0] =	ssyncadd.s32 @!p0 s1  }
0x49e: {  	[bflag:$0x3] =	sbarrier.arrive $0xFFFF  }
0x49f: {  	_ =	shalt  }

</sc_bundles>
